<compile_context>
chip_gen: v7x
topology: tpu7x:2x2x1
jax: 0.10.2.dev20260603
libtpu: 0.0.44.dev20260713+nightly
codegen_flags: <defaults>
</compile_context>

<pallas_src>
import functools

import jax
import jax.numpy as jnp
from jax import lax
from jax.experimental import pallas as pl
from jax.experimental.pallas import tpu as pltpu
from jax.experimental.pallas import tpu_sc as plsc

C = 64
NX = 512
NY = 512
NCELLS = NX * NY
N = 30000
NPAD = 30720
NSC = 2
NTILES = 16
NP_T = NPAD // NTILES
CHUNK = 128
NCHUNK = NP_T // CHUNK
WIN = 384
NWIN = NP_T // WIN
SEG = 16384
NSEG = NCELLS // (NSC * SEG)
TRASH = 128
ZROWS = SEG // NTILES
ZBUF = 128


NPART = 4
SEG_P = NSEG // NPART
PCELLS = NSC * SEG_P * SEG


def _sc_scatter(pillar_features, lin_pad, zeros_blk, part):
    nseg_h = SEG_P
    hcells = PCELLS
    hbase = part * PCELLS
    mesh = plsc.VectorSubcoreMesh(core_axis_name="c", subcore_axis_name="s")

    @functools.partial(
        pl.kernel,
        mesh=mesh,
        out_type=jax.ShapeDtypeStruct((hcells, 2 * C), jnp.float32),
        compiler_params=pltpu.CompilerParams(use_tc_tiling_on_sc=False),
        scratch_types=[
            pltpu.VMEM((WIN, C), jnp.float32),
            pltpu.VMEM((WIN, C), jnp.float32),
            pltpu.VMEM((ZBUF, C), jnp.float32),
            pltpu.VMEM((NP_T,), jnp.int32),
            pltpu.VMEM((NCHUNK, CHUNK), jnp.int32),
            pltpu.VMEM_SHARED((SEG + TRASH, C), jnp.float32),
            pltpu.SemaphoreType.DMA,
            pltpu.SemaphoreType.DMA,
            pltpu.SemaphoreType.DMA,
            pltpu.SemaphoreType.DMA,
            pltpu.SemaphoreType.DMA,
        ],
    )
    def body(feat_hbm, lin_hbm, zeros_hbm, out_hbm, fbuf0, fbuf1, zbuf,
             lin_v, offs_v, acc_sh, sem_z, sem_s0, sem_s1, sem_c0, sem_c1):
        cid = lax.axis_index("c")
        sid = lax.axis_index("s")
        tbase = sid * NP_T
        fstart = pl.multiple_of(
            jnp.where(sid == NTILES - 1, N - NP_T, tbase), 16)
        fbuf = (fbuf0, fbuf1)
        sem_s = (sem_s0, sem_s1)
        sem_c = (sem_c0, sem_c1)

        pltpu.sync_copy(lin_hbm.at[pl.ds(tbase, NP_T)], lin_v)
        pltpu.sync_copy(zeros_hbm, zbuf)

        def seg_body(p, _):
            lbase = cid * (nseg_h * SEG) + p * SEG
            base = hbase + lbase

            zh = [pltpu.async_copy(
                zbuf, acc_sh.at[pl.ds(sid * ZROWS + q * ZBUF, ZBUF)], sem_z)
                for q in range(ZROWS // ZBUF)]

            def off_body(jr, _):
                for k in range(CHUNK // 16):
                    lin = lin_v[pl.ds(jr * CHUNK + k * 16, 16)]
                    off = lin - base
                    inr = (off >= 0) & (off < SEG)
                    off = jnp.where(inr, off, SEG + (lin & (TRASH - 1)))
                    offs_v[jr, pl.ds(k * 16, 16)] = off
                return 0

            lax.fori_loop(0, NCHUNK, off_body, 0)
            for h in zh:
                h.wait()
            plsc.subcore_barrier()

            sh = [None] * NWIN
            ch = [None] * NWIN
            sh[0] = pltpu.async_copy(
                feat_hbm.at[pl.ds(fstart, WIN)], fbuf[0], sem_s[0])
            for w in range(NWIN):
                b = w & 1
                sh[w].wait()
                if w + 1 < NWIN:
                    if w >= 1:
                        for h in ch[w - 1]:
                            h.wait()
                    sh[w + 1] = pltpu.async_copy(
                        feat_hbm.at[pl.ds(fstart + (w + 1) * WIN, WIN)],
                        fbuf[1 - b], sem_s[1 - b])
                ch[w] = [pltpu.async_copy(
                    fbuf[b].at[pl.ds(h * CHUNK, CHUNK)],
                    acc_sh.at[offs_v.at[w * (WIN // CHUNK) + h]],
                    sem_c[b], add=True)
                    for h in range(WIN // CHUNK)]
            for h in ch[NWIN - 2] + ch[NWIN - 1]:
                h.wait()
            plsc.subcore_barrier()

            pltpu.sync_copy(acc_sh.at[pl.ds(sid * ZROWS, ZROWS)],
                            out_hbm.at[pl.ds(lbase + sid * ZROWS, ZROWS),
                                       pl.ds(0, C)])
            return 0

        lax.fori_loop(0, nseg_h, seg_body, 0)

    return body(pillar_features, lin_pad, zeros_blk)


TROWS = 8


def _tc_transpose_half(flat_half, eye, part, prev):
    def tkernel(x_ref, e_ref, *rest):
        o_ref = rest[-1]
        for r in range(TROWS):
            o_ref[:, r, :] = lax.dot_general(
                x_ref[pl.ds(r * NX, NX), :C], e_ref[...],
                (((0,), (0,)), ((), ())),
                preferred_element_type=jnp.float32)

    ny_h = flat_half.shape[0] // NX
    hb = part * ((PCELLS // NX) // TROWS)
    in_specs = [pl.BlockSpec((TROWS * NX, 2 * C), lambda i: (i, 0)),
                pl.BlockSpec((NX, NX), lambda i: (0, 0))]
    args = [flat_half, eye]
    aliases = {}
    if prev is not None:
        in_specs.append(pl.BlockSpec(memory_space=pl.ANY))
        args.append(prev)
        aliases = {2: 0}
    return pl.pallas_call(
        tkernel,
        grid=(ny_h // TROWS,),
        in_specs=in_specs,
        out_specs=pl.BlockSpec((C, TROWS, NX), lambda i: (0, hb + i, 0)),
        out_shape=jax.ShapeDtypeStruct((C, NY, NX), jnp.float32),
        input_output_aliases=aliases,
    )(*args)


def kernel(pillar_features, pillar_coords):
    coords = pillar_coords.astype(jnp.int32)
    lin = coords[:, 1] * NX + coords[:, 0]
    t15 = jnp.where(jnp.arange(NP_T) < NPAD - N, -1, lin[N - NP_T:])
    lin_all = jnp.concatenate([lin[:NP_T * (NTILES - 1)], t15])
    zeros_blk = jnp.zeros((ZBUF, C), jnp.float32)
    eye = jnp.eye(NX, dtype=jnp.float32)
    flats = [_sc_scatter(pillar_features, lin_all, zeros_blk, k)
             for k in range(NPART)]
    bev = None
    for k in range(NPART):
        bev = _tc_transpose_half(flats[k], eye, k, bev)
    return bev.reshape(1, C, NY, NX)

# --- scband reference (transcript-rebuilt; emitter-appended) ---
"""Pipeline reference for scband-point-pillars-scatter-60670708023394 (READ-ONLY COPY).

The authoritative reference and input builder live on the scoring server;
editing this copy changes nothing except your own understanding.
"""

import jax, jax.numpy as jnp
import numpy as np

C = 64
NX = 512
NY = 512
N_PILLARS = 30000

def setup_inputs(seed: int = 0) -> dict:
    key = jax.random.key(seed)
    k1, k2 = jax.random.split(key)
    pillar_features = jax.random.normal(k1, (N_PILLARS, C), dtype=jnp.float32)
    pillar_coords = jax.random.randint(k2, (N_PILLARS, 2), 0, NX, dtype=jnp.int64 if jax.config.jax_enable_x64 else jnp.int32)
    return {"pillar_features": pillar_features, "pillar_coords": pillar_coords}

def reference(pillar_features, pillar_coords):
    ix = pillar_coords[:, 0].astype(jnp.int32)
    iy = pillar_coords[:, 1].astype(jnp.int32)
    linear_idx = iy * NX + ix  # (N,)
    # scatter-add pillar features into flattened BEV grid: (ny*nx, C)
    bev_flat = jnp.zeros((NY * NX, C), dtype=pillar_features.dtype)
    bev_flat = bev_flat.at[linear_idx].add(pillar_features)
    bev = bev_flat.T.reshape(C, NY, NX)
    return bev[None, :, :, :]

if __name__ == "__main__":
    import jax
    _d = setup_inputs()
    print(jax.jit(kernel)(*tuple(_d.values())))

</pallas_src>

<mosaic_0001>
#map = affine_map<(d0, d1) -> (0, 0)>
#map1 = affine_map<(d0, d1) -> (0)>
module attributes {stable_mosaic.version = 14 : i64} {
  func.func @body(%arg0: i32, %arg1: i32, %arg2: memref<30000x64xf32, #tpu.memory_space<hbm>>, %arg3: memref<30720xi32, #tpu.memory_space<hbm>>, %arg4: memref<128x64xf32, #tpu.memory_space<hbm>>, %arg5: memref<65536x128xf32, #tpu.memory_space<hbm>>, %arg6: memref<384x64xf32, #tpu.memory_space<vmem>>, %arg7: memref<384x64xf32, #tpu.memory_space<vmem>>, %arg8: memref<128x64xf32, #tpu.memory_space<vmem>>, %arg9: memref<1920xi32, #tpu.memory_space<vmem>>, %arg10: memref<15x128xi32, #tpu.memory_space<vmem>>, %arg11: memref<16512x64xf32, #tpu.memory_space<vmem_shared>>, %arg12: memref<!tpu.dma_semaphore, #tpu.memory_space<semaphore_mem>>, %arg13: memref<!tpu.dma_semaphore, #tpu.memory_space<semaphore_mem>>, %arg14: memref<!tpu.dma_semaphore, #tpu.memory_space<semaphore_mem>>, %arg15: memref<!tpu.dma_semaphore, #tpu.memory_space<semaphore_mem>>, %arg16: memref<!tpu.dma_semaphore, #tpu.memory_space<semaphore_mem>>) attributes {dimension_semantics = [#tpu.dimension_semantics<core_parallel>, #tpu.dimension_semantics<subcore_parallel>], iteration_bounds = array<i64: 2, 16>, scalar_prefetch = 0 : i64, scratch_operands = 11 : i64, tpu.core_type = #tpu.core_type<sc_vector_subcore>, window_params = [{transform_indices = #map}, {transform_indices = #map1}, {transform_indices = #map}, {transform_indices = #map}]} {
    %mul3A = arith.constant 1920 : i32
    %mul3A_0 = arith.muli %arg1, %mul3A : i32
    %eq3A = arith.constant 15 : i32
    %eq3A_1 = arith.cmpi eq, %arg1, %eq3A : i32
    %jit3A = arith.constant 28080 : i32
    %select_n3A = arith.select %eq3A_1, %jit3A, %mul3A_0 : i32
    %multiple_of3A = tpu.assume_multiple %select_n3A, 16 : i32
    "tpu.region"() ({
      %run_scoped3A = tpu.sem_alloc : memref<!tpu.dma_semaphore, #tpu.memory_space<semaphore_mem>>
      %dma_start3A = tpu.memref_slice %arg3[%mul3A_0] : memref<30720xi32, #tpu.memory_space<hbm>> -> memref<1920xi32, #tpu.memory_space<hbm>>
      %dma_start3A_8 = tpu.memref_slice %arg3[%mul3A_0] : memref<30720xi32, #tpu.memory_space<hbm>> -> memref<1920xi32, #tpu.memory_space<hbm>>
      tpu.enqueue_dma source(%dma_start3A_8 : memref<1920xi32, #tpu.memory_space<hbm>>) target(%arg9 : memref<1920xi32, #tpu.memory_space<vmem>>) target_semaphore(%run_scoped3A : memref<!tpu.dma_semaphore, #tpu.memory_space<semaphore_mem>>)
      %dma_wait3A = tpu.memref_slice %arg3[%mul3A_0] : memref<30720xi32, #tpu.memory_space<hbm>> -> memref<1920xi32, #tpu.memory_space<hbm>>
      %dma_wait3A_9 = tpu.memref_slice %arg3[%mul3A_0] : memref<30720xi32, #tpu.memory_space<hbm>> -> memref<1920xi32, #tpu.memory_space<hbm>>
      tpu.wait_dma2 semaphore(%run_scoped3A : memref<!tpu.dma_semaphore, #tpu.memory_space<semaphore_mem>>) src(%dma_wait3A_9 : memref<1920xi32, #tpu.memory_space<hbm>>) dst(%arg9 : memref<1920xi32, #tpu.memory_space<vmem>>)
      tpu.yield
    }) : () -> ()
    "tpu.region"() ({
      %run_scoped3A = tpu.sem_alloc : memref<!tpu.dma_semaphore, #tpu.memory_space<semaphore_mem>>
      tpu.enqueue_dma source(%arg4 : memref<128x64xf32, #tpu.memory_space<hbm>>) target(%arg8 : memref<128x64xf32, #tpu.memory_space<vmem>>) target_semaphore(%run_scoped3A : memref<!tpu.dma_semaphore, #tpu.memory_space<semaphore_mem>>)
      tpu.wait_dma2 semaphore(%run_scoped3A : memref<!tpu.dma_semaphore, #tpu.memory_space<semaphore_mem>>) src(%arg4 : memref<128x64xf32, #tpu.memory_space<hbm>>) dst(%arg8 : memref<128x64xf32, #tpu.memory_space<vmem>>)
      tpu.yield
    }) : () -> ()
    %scan3A = arith.constant 0 : i32
    %scan3A_2 = arith.constant 0 : i32
    %scan3A_3 = arith.constant 2 : i32
    %scan3A_4 = arith.addi %scan3A_2, %scan3A_3 : i32
    %scan3A_5 = arith.constant 1 : i32
    %scan3A_6 = scf.for %scan3A_8 = %scan3A_2 to %scan3A_4 step %scan3A_5 iter_args(%scan3A_9 = %scan3A) -> (i32)  : i32 {
      %mul3A_10 = arith.constant 32768 : i32
      %mul3A_11 = arith.muli %arg0, %mul3A_10 : i32
      %mul3A_12 = arith.constant 16384 : i32
      %mul3A_13 = arith.muli %scan3A_8, %mul3A_12 : i32
      %add3A = arith.addi %mul3A_11, %mul3A_13 : i32
      %add3A_14 = arith.constant 131072 : i32
      %add3A_15 = arith.addi %add3A_14, %add3A : i32
      %mul3A_16 = arith.constant 1024 : i32
      %mul3A_17 = arith.muli %arg1, %mul3A_16 : i32
      %add3A_18 = arith.constant 0 : i32
      %add3A_19 = arith.addi %mul3A_17, %add3A_18 : i32
      %dma_start3A = arith.constant 0 : i32
      %dma_start3A_20 = tpu.memref_slice %arg11[%add3A_19, %dma_start3A] : memref<16512x64xf32, #tpu.memory_space<vmem_shared>> -> memref<128x64xf32, #tpu.memory_space<vmem_shared>>
      %dma_start3A_21 = arith.constant 0 : i32
      %dma_start3A_22 = tpu.memref_slice %arg11[%add3A_19, %dma_start3A_21] : memref<16512x64xf32, #tpu.memory_space<vmem_shared>> -> memref<128x64xf32, #tpu.memory_space<vmem_shared>>
      tpu.enqueue_dma source(%arg8 : memref<128x64xf32, #tpu.memory_space<vmem>>) target(%dma_start3A_22 : memref<128x64xf32, #tpu.memory_space<vmem_shared>>) target_semaphore(%arg12 : memref<!tpu.dma_semaphore, #tpu.memory_space<semaphore_mem>>)
      %mul3A_23 = arith.constant 1024 : i32
      %mul3A_24 = arith.muli %arg1, %mul3A_23 : i32
      %add3A_25 = arith.constant 128 : i32
      %add3A_26 = arith.addi %mul3A_24, %add3A_25 : i32
      %dma_start3A_27 = arith.constant 0 : i32
      %dma_start3A_28 = tpu.memref_slice %arg11[%add3A_26, %dma_start3A_27] : memref<16512x64xf32, #tpu.memory_space<vmem_shared>> -> memref<128x64xf32, #tpu.memory_space<vmem_shared>>
      %dma_start3A_29 = arith.constant 0 : i32
      %dma_start3A_30 = tpu.memref_slice %arg11[%add3A_26, %dma_start3A_29] : memref<16512x64xf32, #tpu.memory_space<vmem_shared>> -> memref<128x64xf32, #tpu.memory_space<vmem_shared>>
      tpu.enqueue_dma source(%arg8 : memref<128x64xf32, #tpu.memory_space<vmem>>) target(%dma_start3A_30 : memref<128x64xf32, #tpu.memory_space<vmem_shared>>) target_semaphore(%arg12 : memref<!tpu.dma_semaphore, #tpu.memory_space<semaphore_mem>>)
      %mul3A_31 = arith.constant 1024 : i32
      %mul3A_32 = arith.muli %arg1, %mul3A_31 : i32
      %add3A_33 = arith.constant 256 : i32
      %add3A_34 = arith.addi %mul3A_32, %add3A_33 : i32
      %dma_start3A_35 = arith.constant 0 : i32
      %dma_start3A_36 = tpu.memref_slice %arg11[%add3A_34, %dma_start3A_35] : memref<16512x64xf32, #tpu.memory_space<vmem_shared>> -> memref<128x64xf32, #tpu.memory_space<vmem_shared>>
      %dma_start3A_37 = arith.constant 0 : i32
      %dma_start3A_38 = tpu.memref_slice %arg11[%add3A_34, %dma_start3A_37] : memref<16512x64xf32, #tpu.memory_space<vmem_shared>> -> memref<128x64xf32, #tpu.memory_space<vmem_shared>>
      tpu.enqueue_dma source(%arg8 : memref<128x64xf32, #tpu.memory_space<vmem>>) target(%dma_start3A_38 : memref<128x64xf32, #tpu.memory_space<vmem_shared>>) target_semaphore(%arg12 : memref<!tpu.dma_semaphore, #tpu.memory_space<semaphore_mem>>)
      %mul3A_39 = arith.constant 1024 : i32
      %mul3A_40 = arith.muli %arg1, %mul3A_39 : i32
      %add3A_41 = arith.constant 384 : i32
      %add3A_42 = arith.addi %mul3A_40, %add3A_41 : i32
      %dma_start3A_43 = arith.constant 0 : i32
      %dma_start3A_44 = tpu.memref_slice %arg11[%add3A_42, %dma_start3A_43] : memref<16512x64xf32, #tpu.memory_space<vmem_shared>> -> memref<128x64xf32, #tpu.memory_space<vmem_shared>>
      %dma_start3A_45 = arith.constant 0 : i32
      %dma_start3A_46 = tpu.memref_slice %arg11[%add3A_42, %dma_start3A_45] : memref<16512x64xf32, #tpu.memory_space<vmem_shared>> -> memref<128x64xf32, #tpu.memory_space<vmem_shared>>
      tpu.enqueue_dma source(%arg8 : memref<128x64xf32, #tpu.memory_space<vmem>>) target(%dma_start3A_46 : memref<128x64xf32, #tpu.memory_space<vmem_shared>>) target_semaphore(%arg12 : memref<!tpu.dma_semaphore, #tpu.memory_space<semaphore_mem>>)
      %mul3A_47 = arith.constant 1024 : i32
      %mul3A_48 = arith.muli %arg1, %mul3A_47 : i32
      %add3A_49 = arith.constant 512 : i32
      %add3A_50 = arith.addi %mul3A_48, %add3A_49 : i32
      %dma_start3A_51 = arith.constant 0 : i32
      %dma_start3A_52 = tpu.memref_slice %arg11[%add3A_50, %dma_start3A_51] : memref<16512x64xf32, #tpu.memory_space<vmem_shared>> -> memref<128x64xf32, #tpu.memory_space<vmem_shared>>
      %dma_start3A_53 = arith.constant 0 : i32
      %dma_start3A_54 = tpu.memref_slice %arg11[%add3A_50, %dma_start3A_53] : memref<16512x64xf32, #tpu.memory_space<vmem_shared>> -> memref<128x64xf32, #tpu.memory_space<vmem_shared>>
      tpu.enqueue_dma source(%arg8 : memref<128x64xf32, #tpu.memory_space<vmem>>) target(%dma_start3A_54 : memref<128x64xf32, #tpu.memory_space<vmem_shared>>) target_semaphore(%arg12 : memref<!tpu.dma_semaphore, #tpu.memory_space<semaphore_mem>>)
      %mul3A_55 = arith.constant 1024 : i32
      %mul3A_56 = arith.muli %arg1, %mul3A_55 : i32
      %add3A_57 = arith.constant 640 : i32
      %add3A_58 = arith.addi %mul3A_56, %add3A_57 : i32
      %dma_start3A_59 = arith.constant 0 : i32
      %dma_start3A_60 = tpu.memref_slice %arg11[%add3A_58, %dma_start3A_59] : memref<16512x64xf32, #tpu.memory_space<vmem_shared>> -> memref<128x64xf32, #tpu.memory_space<vmem_shared>>
      %dma_start3A_61 = arith.constant 0 : i32
      %dma_start3A_62 = tpu.memref_slice %arg11[%add3A_58, %dma_start3A_61] : memref<16512x64xf32, #tpu.memory_space<vmem_shared>> -> memref<128x64xf32, #tpu.memory_space<vmem_shared>>
      tpu.enqueue_dma source(%arg8 : memref<128x64xf32, #tpu.memory_space<vmem>>) target(%dma_start3A_62 : memref<128x64xf32, #tpu.memory_space<vmem_shared>>) target_semaphore(%arg12 : memref<!tpu.dma_semaphore, #tpu.memory_space<semaphore_mem>>)
      %mul3A_63 = arith.constant 1024 : i32
      %mul3A_64 = arith.muli %arg1, %mul3A_63 : i32
      %add3A_65 = arith.constant 768 : i32
      %add3A_66 = arith.addi %mul3A_64, %add3A_65 : i32
      %dma_start3A_67 = arith.constant 0 : i32
      %dma_start3A_68 = tpu.memref_slice %arg11[%add3A_66, %dma_start3A_67] : memref<16512x64xf32, #tpu.memory_space<vmem_shared>> -> memref<128x64xf32, #tpu.memory_space<vmem_shared>>
      %dma_start3A_69 = arith.constant 0 : i32
      %dma_start3A_70 = tpu.memref_slice %arg11[%add3A_66, %dma_start3A_69] : memref<16512x64xf32, #tpu.memory_space<vmem_shared>> -> memref<128x64xf32, #tpu.memory_space<vmem_shared>>
      tpu.enqueue_dma source(%arg8 : memref<128x64xf32, #tpu.memory_space<vmem>>) target(%dma_start3A_70 : memref<128x64xf32, #tpu.memory_space<vmem_shared>>) target_semaphore(%arg12 : memref<!tpu.dma_semaphore, #tpu.memory_space<semaphore_mem>>)
      %mul3A_71 = arith.constant 1024 : i32
      %mul3A_72 = arith.muli %arg1, %mul3A_71 : i32
      %add3A_73 = arith.constant 896 : i32
      %add3A_74 = arith.addi %mul3A_72, %add3A_73 : i32
      %dma_start3A_75 = arith.constant 0 : i32
      %dma_start3A_76 = tpu.memref_slice %arg11[%add3A_74, %dma_start3A_75] : memref<16512x64xf32, #tpu.memory_space<vmem_shared>> -> memref<128x64xf32, #tpu.memory_space<vmem_shared>>
      %dma_start3A_77 = arith.constant 0 : i32
      %dma_start3A_78 = tpu.memref_slice %arg11[%add3A_74, %dma_start3A_77] : memref<16512x64xf32, #tpu.memory_space<vmem_shared>> -> memref<128x64xf32, #tpu.memory_space<vmem_shared>>
      tpu.enqueue_dma source(%arg8 : memref<128x64xf32, #tpu.memory_space<vmem>>) target(%dma_start3A_78 : memref<128x64xf32, #tpu.memory_space<vmem_shared>>) target_semaphore(%arg12 : memref<!tpu.dma_semaphore, #tpu.memory_space<semaphore_mem>>)
      %scan3A_79 = arith.constant 0 : i32
      %scan3A_80 = arith.constant 0 : i32
      %scan3A_81 = arith.constant 15 : i32
      %scan3A_82 = arith.addi %scan3A_80, %scan3A_81 : i32
      %scan3A_83 = arith.constant 1 : i32
      %scan3A_84 = scf.for %scan3A_472 = %scan3A_80 to %scan3A_82 step %scan3A_83 iter_args(%scan3A_473 = %scan3A_79) -> (i32)  : i32 {
        %mul3A_474 = arith.constant 128 : i32
        %mul3A_475 = arith.muli %scan3A_472, %mul3A_474 : i32
        %add3A_476 = arith.constant 0 : i32
        %add3A_477 = arith.addi %mul3A_475, %add3A_476 : i32
        %get3A = arith.index_cast %add3A_477 : i32 to index
        %get3A_478 = tpu.vector_load %arg9[%get3A] {strides = array<i32>} : memref<1920xi32, #tpu.memory_space<vmem>>, vector<16xi32>,
        %get3A_479 = vector.shape_cast %get3A_478 : vector<16xi32> to vector<16xi32>
        %sub3A = vector.broadcast %add3A_15 : i32 to vector<16xi32>
        %sub3A_480 = arith.subi %get3A_479, %sub3A : vector<16xi32>
        %ge3A = arith.constant 0 : i32
        %ge3A_481 = vector.broadcast %ge3A : i32 to vector<16xi32>
        %ge3A_482 = arith.cmpi sge, %sub3A_480, %ge3A_481 : vector<16xi32>
        %lt3A = arith.constant 16384 : i32
        %lt3A_483 = vector.broadcast %lt3A : i32 to vector<16xi32>
        %lt3A_484 = arith.cmpi slt, %sub3A_480, %lt3A_483 : vector<16xi32>
        %and3A = arith.andi %ge3A_482, %lt3A_484 : vector<16xi1>
        %and3A_485 = arith.constant 127 : i32
        %and3A_486 = vector.broadcast %and3A_485 : i32 to vector<16xi32>
        %and3A_487 = arith.andi %get3A_479, %and3A_486 : vector<16xi32>
        %add3A_488 = arith.constant 16384 : i32
        %add3A_489 = vector.broadcast %add3A_488 : i32 to vector<16xi32>
        %add3A_490 = arith.addi %add3A_489, %and3A_487 : vector<16xi32>
        %select_n3A_491 = arith.select %and3A, %sub3A_480, %add3A_490 : vector<16xi1>, vector<16xi32>
        %swap3A = arith.index_cast %scan3A_472 : i32 to index
        %swap3A_492 = arith.constant 0 : index
        %swap3A_493 = tpu.vector_load %arg10[%swap3A, %swap3A_492] {strides = array<i32>} : memref<15x128xi32, #tpu.memory_space<vmem>>, vector<1x16xi32>,
        %swap3A_494 = vector.shape_cast %swap3A_493 : vector<1x16xi32> to vector<16xi32>
        %swap3A_495 = vector.shape_cast %select_n3A_491 : vector<16xi32> to vector<1x16xi32>
        tpu.vector_store %arg10[%swap3A, %swap3A_492], %swap3A_495 {strides = array<i32>} : memref<15x128xi32, #tpu.memory_space<vmem>>, vector<1x16xi32>,
        %mul3A_496 = arith.constant 128 : i32
        %mul3A_497 = arith.muli %scan3A_472, %mul3A_496 : i32
        %add3A_498 = arith.constant 16 : i32
        %add3A_499 = arith.addi %mul3A_497, %add3A_498 : i32
        %get3A_500 = arith.index_cast %add3A_499 : i32 to index
        %get3A_501 = tpu.vector_load %arg9[%get3A_500] {strides = array<i32>} : memref<1920xi32, #tpu.memory_space<vmem>>, vector<16xi32>,
        %get3A_502 = vector.shape_cast %get3A_501 : vector<16xi32> to vector<16xi32>
        %sub3A_503 = vector.broadcast %add3A_15 : i32 to vector<16xi32>
        %sub3A_504 = arith.subi %get3A_502, %sub3A_503 : vector<16xi32>
        %ge3A_505 = arith.constant 0 : i32
        %ge3A_506 = vector.broadcast %ge3A_505 : i32 to vector<16xi32>
        %ge3A_507 = arith.cmpi sge, %sub3A_504, %ge3A_506 : vector<16xi32>
        %lt3A_508 = arith.constant 16384 : i32
        %lt3A_509 = vector.broadcast %lt3A_508 : i32 to vector<16xi32>
        %lt3A_510 = arith.cmpi slt, %sub3A_504, %lt3A_509 : vector<16xi32>
        %and3A_511 = arith.andi %ge3A_507, %lt3A_510 : vector<16xi1>
        %and3A_512 = arith.constant 127 : i32
        %and3A_513 = vector.broadcast %and3A_512 : i32 to vector<16xi32>
        %and3A_514 = arith.andi %get3A_502, %and3A_513 : vector<16xi32>
        %add3A_515 = arith.constant 16384 : i32
        %add3A_516 = vector.broadcast %add3A_515 : i32 to vector<16xi32>
        %add3A_517 = arith.addi %add3A_516, %and3A_514 : vector<16xi32>
        %select_n3A_518 = arith.select %and3A_511, %sub3A_504, %add3A_517 : vector<16xi1>, vector<16xi32>
        %swap3A_519 = arith.index_cast %scan3A_472 : i32 to index
        %swap3A_520 = arith.constant 16 : index
        %swap3A_521 = tpu.vector_load %arg10[%swap3A_519, %swap3A_520] {strides = array<i32>} : memref<15x128xi32, #tpu.memory_space<vmem>>, vector<1x16xi32>,
        %swap3A_522 = vector.shape_cast %swap3A_521 : vector<1x16xi32> to vector<16xi32>
        %swap3A_523 = vector.shape_cast %select_n3A_518 : vector<16xi32> to vector<1x16xi32>
        tpu.vector_store %arg10[%swap3A_519, %swap3A_520], %swap3A_523 {strides = array<i32>} : memref<15x128xi32, #tpu.memory_space<vmem>>, vector<1x16xi32>,
        %mul3A_524 = arith.constant 128 : i32
        %mul3A_525 = arith.muli %scan3A_472, %mul3A_524 : i32
        %add3A_526 = arith.constant 32 : i32
        %add3A_527 = arith.addi %mul3A_525, %add3A_526 : i32
        %get3A_528 = arith.index_cast %add3A_527 : i32 to index
        %get3A_529 = tpu.vector_load %arg9[%get3A_528] {strides = array<i32>} : memref<1920xi32, #tpu.memory_space<vmem>>, vector<16xi32>,
        %get3A_530 = vector.shape_cast %get3A_529 : vector<16xi32> to vector<16xi32>
        %sub3A_531 = vector.broadcast %add3A_15 : i32 to vector<16xi32>
        %sub3A_532 = arith.subi %get3A_530, %sub3A_531 : vector<16xi32>
        %ge3A_533 = arith.constant 0 : i32
        %ge3A_534 = vector.broadcast %ge3A_533 : i32 to vector<16xi32>
        %ge3A_535 = arith.cmpi sge, %sub3A_532, %ge3A_534 : vector<16xi32>
        %lt3A_536 = arith.constant 16384 : i32
        %lt3A_537 = vector.broadcast %lt3A_536 : i32 to vector<16xi32>
        %lt3A_538 = arith.cmpi slt, %sub3A_532, %lt3A_537 : vector<16xi32>
        %and3A_539 = arith.andi %ge3A_535, %lt3A_538 : vector<16xi1>
        %and3A_540 = arith.constant 127 : i32
        %and3A_541 = vector.broadcast %and3A_540 : i32 to vector<16xi32>
        %and3A_542 = arith.andi %get3A_530, %and3A_541 : vector<16xi32>
        %add3A_543 = arith.constant 16384 : i32
        %add3A_544 = vector.broadcast %add3A_543 : i32 to vector<16xi32>
        %add3A_545 = arith.addi %add3A_544, %and3A_542 : vector<16xi32>
        %select_n3A_546 = arith.select %and3A_539, %sub3A_532, %add3A_545 : vector<16xi1>, vector<16xi32>
        %swap3A_547 = arith.index_cast %scan3A_472 : i32 to index
        %swap3A_548 = arith.constant 32 : index
        %swap3A_549 = tpu.vector_load %arg10[%swap3A_547, %swap3A_548] {strides = array<i32>} : memref<15x128xi32, #tpu.memory_space<vmem>>, vector<1x16xi32>,
        %swap3A_550 = vector.shape_cast %swap3A_549 : vector<1x16xi32> to vector<16xi32>
        %swap3A_551 = vector.shape_cast %select_n3A_546 : vector<16xi32> to vector<1x16xi32>
        tpu.vector_store %arg10[%swap3A_547, %swap3A_548], %swap3A_551 {strides = array<i32>} : memref<15x128xi32, #tpu.memory_space<vmem>>, vector<1x16xi32>,
        %mul3A_552 = arith.constant 128 : i32
        %mul3A_553 = arith.muli %scan3A_472, %mul3A_552 : i32
        %add3A_554 = arith.constant 48 : i32
        %add3A_555 = arith.addi %mul3A_553, %add3A_554 : i32
        %get3A_556 = arith.index_cast %add3A_555 : i32 to index
        %get3A_557 = tpu.vector_load %arg9[%get3A_556] {strides = array<i32>} : memref<1920xi32, #tpu.memory_space<vmem>>, vector<16xi32>,
        %get3A_558 = vector.shape_cast %get3A_557 : vector<16xi32> to vector<16xi32>
        %sub3A_559 = vector.broadcast %add3A_15 : i32 to vector<16xi32>
        %sub3A_560 = arith.subi %get3A_558, %sub3A_559 : vector<16xi32>
        %ge3A_561 = arith.constant 0 : i32
        %ge3A_562 = vector.broadcast %ge3A_561 : i32 to vector<16xi32>
        %ge3A_563 = arith.cmpi sge, %sub3A_560, %ge3A_562 : vector<16xi32>
        %lt3A_564 = arith.constant 16384 : i32
        %lt3A_565 = vector.broadcast %lt3A_564 : i32 to vector<16xi32>
        %lt3A_566 = arith.cmpi slt, %sub3A_560, %lt3A_565 : vector<16xi32>
        %and3A_567 = arith.andi %ge3A_563, %lt3A_566 : vector<16xi1>
        %and3A_568 = arith.constant 127 : i32
        %and3A_569 = vector.broadcast %and3A_568 : i32 to vector<16xi32>
        %and3A_570 = arith.andi %get3A_558, %and3A_569 : vector<16xi32>
        %add3A_571 = arith.constant 16384 : i32
        %add3A_572 = vector.broadcast %add3A_571 : i32 to vector<16xi32>
        %add3A_573 = arith.addi %add3A_572, %and3A_570 : vector<16xi32>
        %select_n3A_574 = arith.select %and3A_567, %sub3A_560, %add3A_573 : vector<16xi1>, vector<16xi32>
        %swap3A_575 = arith.index_cast %scan3A_472 : i32 to index
        %swap3A_576 = arith.constant 48 : index
        %swap3A_577 = tpu.vector_load %arg10[%swap3A_575, %swap3A_576] {strides = array<i32>} : memref<15x128xi32, #tpu.memory_space<vmem>>, vector<1x16xi32>,
        %swap3A_578 = vector.shape_cast %swap3A_577 : vector<1x16xi32> to vector<16xi32>
        %swap3A_579 = vector.shape_cast %select_n3A_574 : vector<16xi32> to vector<1x16xi32>
        tpu.vector_store %arg10[%swap3A_575, %swap3A_576], %swap3A_579 {strides = array<i32>} : memref<15x128xi32, #tpu.memory_space<vmem>>, vector<1x16xi32>,
        %mul3A_580 = arith.constant 128 : i32
        %mul3A_581 = arith.muli %scan3A_472, %mul3A_580 : i32
        %add3A_582 = arith.constant 64 : i32
        %add3A_583 = arith.addi %mul3A_581, %add3A_582 : i32
        %get3A_584 = arith.index_cast %add3A_583 : i32 to index
        %get3A_585 = tpu.vector_load %arg9[%get3A_584] {strides = array<i32>} : memref<1920xi32, #tpu.memory_space<vmem>>, vector<16xi32>,
        %get3A_586 = vector.shape_cast %get3A_585 : vector<16xi32> to vector<16xi32>
        %sub3A_587 = vector.broadcast %add3A_15 : i32 to vector<16xi32>
        %sub3A_588 = arith.subi %get3A_586, %sub3A_587 : vector<16xi32>
        %ge3A_589 = arith.constant 0 : i32
        %ge3A_590 = vector.broadcast %ge3A_589 : i32 to vector<16xi32>
        %ge3A_591 = arith.cmpi sge, %sub3A_588, %ge3A_590 : vector<16xi32>
        %lt3A_592 = arith.constant 16384 : i32
        %lt3A_593 = vector.broadcast %lt3A_592 : i32 to vector<16xi32>
        %lt3A_594 = arith.cmpi slt, %sub3A_588, %lt3A_593 : vector<16xi32>
        %and3A_595 = arith.andi %ge3A_591, %lt3A_594 : vector<16xi1>
        %and3A_596 = arith.constant 127 : i32
        %and3A_597 = vector.broadcast %and3A_596 : i32 to vector<16xi32>
        %and3A_598 = arith.andi %get3A_586, %and3A_597 : vector<16xi32>
        %add3A_599 = arith.constant 16384 : i32
        %add3A_600 = vector.broadcast %add3A_599 : i32 to vector<16xi32>
        %add3A_601 = arith.addi %add3A_600, %and3A_598 : vector<16xi32>
        %select_n3A_602 = arith.select %and3A_595, %sub3A_588, %add3A_601 : vector<16xi1>, vector<16xi32>
        %swap3A_603 = arith.index_cast %scan3A_472 : i32 to index
        %swap3A_604 = arith.constant 64 : index
        %swap3A_605 = tpu.vector_load %arg10[%swap3A_603, %swap3A_604] {strides = array<i32>} : memref<15x128xi32, #tpu.memory_space<vmem>>, vector<1x16xi32>,
        %swap3A_606 = vector.shape_cast %swap3A_605 : vector<1x16xi32> to vector<16xi32>
        %swap3A_607 = vector.shape_cast %select_n3A_602 : vector<16xi32> to vector<1x16xi32>
        tpu.vector_store %arg10[%swap3A_603, %swap3A_604], %swap3A_607 {strides = array<i32>} : memref<15x128xi32, #tpu.memory_space<vmem>>, vector<1x16xi32>,
        %mul3A_608 = arith.constant 128 : i32
        %mul3A_609 = arith.muli %scan3A_472, %mul3A_608 : i32
        %add3A_610 = arith.constant 80 : i32
        %add3A_611 = arith.addi %mul3A_609, %add3A_610 : i32
        %get3A_612 = arith.index_cast %add3A_611 : i32 to index
        %get3A_613 = tpu.vector_load %arg9[%get3A_612] {strides = array<i32>} : memref<1920xi32, #tpu.memory_space<vmem>>, vector<16xi32>,
        %get3A_614 = vector.shape_cast %get3A_613 : vector<16xi32> to vector<16xi32>
        %sub3A_615 = vector.broadcast %add3A_15 : i32 to vector<16xi32>
        %sub3A_616 = arith.subi %get3A_614, %sub3A_615 : vector<16xi32>
        %ge3A_617 = arith.constant 0 : i32
        %ge3A_618 = vector.broadcast %ge3A_617 : i32 to vector<16xi32>
        %ge3A_619 = arith.cmpi sge, %sub3A_616, %ge3A_618 : vector<16xi32>
        %lt3A_620 = arith.constant 16384 : i32
        %lt3A_621 = vector.broadcast %lt3A_620 : i32 to vector<16xi32>
        %lt3A_622 = arith.cmpi slt, %sub3A_616, %lt3A_621 : vector<16xi32>
        %and3A_623 = arith.andi %ge3A_619, %lt3A_622 : vector<16xi1>
        %and3A_624 = arith.constant 127 : i32
        %and3A_625 = vector.broadcast %and3A_624 : i32 to vector<16xi32>
        %and3A_626 = arith.andi %get3A_614, %and3A_625 : vector<16xi32>
        %add3A_627 = arith.constant 16384 : i32
        %add3A_628 = vector.broadcast %add3A_627 : i32 to vector<16xi32>
        %add3A_629 = arith.addi %add3A_628, %and3A_626 : vector<16xi32>
        %select_n3A_630 = arith.select %and3A_623, %sub3A_616, %add3A_629 : vector<16xi1>, vector<16xi32>
        %swap3A_631 = arith.index_cast %scan3A_472 : i32 to index
        %swap3A_632 = arith.constant 80 : index
        %swap3A_633 = tpu.vector_load %arg10[%swap3A_631, %swap3A_632] {strides = array<i32>} : memref<15x128xi32, #tpu.memory_space<vmem>>, vector<1x16xi32>,
        %swap3A_634 = vector.shape_cast %swap3A_633 : vector<1x16xi32> to vector<16xi32>
        %swap3A_635 = vector.shape_cast %select_n3A_630 : vector<16xi32> to vector<1x16xi32>
        tpu.vector_store %arg10[%swap3A_631, %swap3A_632], %swap3A_635 {strides = array<i32>} : memref<15x128xi32, #tpu.memory_space<vmem>>, vector<1x16xi32>,
        %mul3A_636 = arith.constant 128 : i32
        %mul3A_637 = arith.muli %scan3A_472, %mul3A_636 : i32
        %add3A_638 = arith.constant 96 : i32
        %add3A_639 = arith.addi %mul3A_637, %add3A_638 : i32
        %get3A_640 = arith.index_cast %add3A_639 : i32 to index
        %get3A_641 = tpu.vector_load %arg9[%get3A_640] {strides = array<i32>} : memref<1920xi32, #tpu.memory_space<vmem>>, vector<16xi32>,
        %get3A_642 = vector.shape_cast %get3A_641 : vector<16xi32> to vector<16xi32>
        %sub3A_643 = vector.broadcast %add3A_15 : i32 to vector<16xi32>
        %sub3A_644 = arith.subi %get3A_642, %sub3A_643 : vector<16xi32>
        %ge3A_645 = arith.constant 0 : i32
        %ge3A_646 = vector.broadcast %ge3A_645 : i32 to vector<16xi32>
        %ge3A_647 = arith.cmpi sge, %sub3A_644, %ge3A_646 : vector<16xi32>
        %lt3A_648 = arith.constant 16384 : i32
        %lt3A_649 = vector.broadcast %lt3A_648 : i32 to vector<16xi32>
        %lt3A_650 = arith.cmpi slt, %sub3A_644, %lt3A_649 : vector<16xi32>
        %and3A_651 = arith.andi %ge3A_647, %lt3A_650 : vector<16xi1>
        %and3A_652 = arith.constant 127 : i32
        %and3A_653 = vector.broadcast %and3A_652 : i32 to vector<16xi32>
        %and3A_654 = arith.andi %get3A_642, %and3A_653 : vector<16xi32>
        %add3A_655 = arith.constant 16384 : i32
        %add3A_656 = vector.broadcast %add3A_655 : i32 to vector<16xi32>
        %add3A_657 = arith.addi %add3A_656, %and3A_654 : vector<16xi32>
        %select_n3A_658 = arith.select %and3A_651, %sub3A_644, %add3A_657 : vector<16xi1>, vector<16xi32>
        %swap3A_659 = arith.index_cast %scan3A_472 : i32 to index
        %swap3A_660 = arith.constant 96 : index
        %swap3A_661 = tpu.vector_load %arg10[%swap3A_659, %swap3A_660] {strides = array<i32>} : memref<15x128xi32, #tpu.memory_space<vmem>>, vector<1x16xi32>,
        %swap3A_662 = vector.shape_cast %swap3A_661 : vector<1x16xi32> to vector<16xi32>
        %swap3A_663 = vector.shape_cast %select_n3A_658 : vector<16xi32> to vector<1x16xi32>
        tpu.vector_store %arg10[%swap3A_659, %swap3A_660], %swap3A_663 {strides = array<i32>} : memref<15x128xi32, #tpu.memory_space<vmem>>, vector<1x16xi32>,
        %mul3A_664 = arith.constant 128 : i32
        %mul3A_665 = arith.muli %scan3A_472, %mul3A_664 : i32
        %add3A_666 = arith.constant 112 : i32
        %add3A_667 = arith.addi %mul3A_665, %add3A_666 : i32
        %get3A_668 = arith.index_cast %add3A_667 : i32 to index
        %get3A_669 = tpu.vector_load %arg9[%get3A_668] {strides = array<i32>} : memref<1920xi32, #tpu.memory_space<vmem>>, vector<16xi32>,
        %get3A_670 = vector.shape_cast %get3A_669 : vector<16xi32> to vector<16xi32>
        %sub3A_671 = vector.broadcast %add3A_15 : i32 to vector<16xi32>
        %sub3A_672 = arith.subi %get3A_670, %sub3A_671 : vector<16xi32>
        %ge3A_673 = arith.constant 0 : i32
        %ge3A_674 = vector.broadcast %ge3A_673 : i32 to vector<16xi32>
        %ge3A_675 = arith.cmpi sge, %sub3A_672, %ge3A_674 : vector<16xi32>
        %lt3A_676 = arith.constant 16384 : i32
        %lt3A_677 = vector.broadcast %lt3A_676 : i32 to vector<16xi32>
        %lt3A_678 = arith.cmpi slt, %sub3A_672, %lt3A_677 : vector<16xi32>
        %and3A_679 = arith.andi %ge3A_675, %lt3A_678 : vector<16xi1>
        %and3A_680 = arith.constant 127 : i32
        %and3A_681 = vector.broadcast %and3A_680 : i32 to vector<16xi32>
        %and3A_682 = arith.andi %get3A_670, %and3A_681 : vector<16xi32>
        %add3A_683 = arith.constant 16384 : i32
        %add3A_684 = vector.broadcast %add3A_683 : i32 to vector<16xi32>
        %add3A_685 = arith.addi %add3A_684, %and3A_682 : vector<16xi32>
        %select_n3A_686 = arith.select %and3A_679, %sub3A_672, %add3A_685 : vector<16xi1>, vector<16xi32>
        %swap3A_687 = arith.index_cast %scan3A_472 : i32 to index
        %swap3A_688 = arith.constant 112 : index
        %swap3A_689 = tpu.vector_load %arg10[%swap3A_687, %swap3A_688] {strides = array<i32>} : memref<15x128xi32, #tpu.memory_space<vmem>>, vector<1x16xi32>,
        %swap3A_690 = vector.shape_cast %swap3A_689 : vector<1x16xi32> to vector<16xi32>
        %swap3A_691 = vector.shape_cast %select_n3A_686 : vector<16xi32> to vector<1x16xi32>
        tpu.vector_store %arg10[%swap3A_687, %swap3A_688], %swap3A_691 {strides = array<i32>} : memref<15x128xi32, #tpu.memory_space<vmem>>, vector<1x16xi32>,
        %scan3A_692 = arith.constant 0 : i32
        scf.yield %scan3A_692 : i32
      }
      %scan3A_85 = arith.constant 15 : i32
      %dma_wait3A = arith.constant 0 : i32
      %dma_wait3A_86 = tpu.memref_slice %arg11[%add3A_19, %dma_wait3A] : memref<16512x64xf32, #tpu.memory_space<vmem_shared>> -> memref<128x64xf32, #tpu.memory_space<vmem_shared>>
      %dma_wait3A_87 = arith.constant 0 : i32
      %dma_wait3A_88 = tpu.memref_slice %arg11[%add3A_19, %dma_wait3A_87] : memref<16512x64xf32, #tpu.memory_space<vmem_shared>> -> memref<128x64xf32, #tpu.memory_space<vmem_shared>>
      tpu.wait_dma2 semaphore(%arg12 : memref<!tpu.dma_semaphore, #tpu.memory_space<semaphore_mem>>) src(%arg8 : memref<128x64xf32, #tpu.memory_space<vmem>>) dst(%dma_wait3A_88 : memref<128x64xf32, #tpu.memory_space<vmem_shared>>)
      %dma_wait3A_89 = arith.constant 0 : i32
      %dma_wait3A_90 = tpu.memref_slice %arg11[%add3A_26, %dma_wait3A_89] : memref<16512x64xf32, #tpu.memory_space<vmem_shared>> -> memref<128x64xf32, #tpu.memory_space<vmem_shared>>
      %dma_wait3A_91 = arith.constant 0 : i32
      %dma_wait3A_92 = tpu.memref_slice %arg11[%add3A_26, %dma_wait3A_91] : memref<16512x64xf32, #tpu.memory_space<vmem_shared>> -> memref<128x64xf32, #tpu.memory_space<vmem_shared>>
      tpu.wait_dma2 semaphore(%arg12 : memref<!tpu.dma_semaphore, #tpu.memory_space<semaphore_mem>>) src(%arg8 : memref<128x64xf32, #tpu.memory_space<vmem>>) dst(%dma_wait3A_92 : memref<128x64xf32, #tpu.memory_space<vmem_shared>>)
      %dma_wait3A_93 = arith.constant 0 : i32
      %dma_wait3A_94 = tpu.memref_slice %arg11[%add3A_34, %dma_wait3A_93] : memref<16512x64xf32, #tpu.memory_space<vmem_shared>> -> memref<128x64xf32, #tpu.memory_space<vmem_shared>>
      %dma_wait3A_95 = arith.constant 0 : i32
      %dma_wait3A_96 = tpu.memref_slice %arg11[%add3A_34, %dma_wait3A_95] : memref<16512x64xf32, #tpu.memory_space<vmem_shared>> -> memref<128x64xf32, #tpu.memory_space<vmem_shared>>
      tpu.wait_dma2 semaphore(%arg12 : memref<!tpu.dma_semaphore, #tpu.memory_space<semaphore_mem>>) src(%arg8 : memref<128x64xf32, #tpu.memory_space<vmem>>) dst(%dma_wait3A_96 : memref<128x64xf32, #tpu.memory_space<vmem_shared>>)
      %dma_wait3A_97 = arith.constant 0 : i32
      %dma_wait3A_98 = tpu.memref_slice %arg11[%add3A_42, %dma_wait3A_97] : memref<16512x64xf32, #tpu.memory_space<vmem_shared>> -> memref<128x64xf32, #tpu.memory_space<vmem_shared>>
      %dma_wait3A_99 = arith.constant 0 : i32
      %dma_wait3A_100 = tpu.memref_slice %arg11[%add3A_42, %dma_wait3A_99] : memref<16512x64xf32, #tpu.memory_space<vmem_shared>> -> memref<128x64xf32, #tpu.memory_space<vmem_shared>>
      tpu.wait_dma2 semaphore(%arg12 : memref<!tpu.dma_semaphore, #tpu.memory_space<semaphore_mem>>) src(%arg8 : memref<128x64xf32, #tpu.memory_space<vmem>>) dst(%dma_wait3A_100 : memref<128x64xf32, #tpu.memory_space<vmem_shared>>)
      %dma_wait3A_101 = arith.constant 0 : i32
      %dma_wait3A_102 = tpu.memref_slice %arg11[%add3A_50, %dma_wait3A_101] : memref<16512x64xf32, #tpu.memory_space<vmem_shared>> -> memref<128x64xf32, #tpu.memory_space<vmem_shared>>
      %dma_wait3A_103 = arith.constant 0 : i32
      %dma_wait3A_104 = tpu.memref_slice %arg11[%add3A_50, %dma_wait3A_103] : memref<16512x64xf32, #tpu.memory_space<vmem_shared>> -> memref<128x64xf32, #tpu.memory_space<vmem_shared>>
      tpu.wait_dma2 semaphore(%arg12 : memref<!tpu.dma_semaphore, #tpu.memory_space<semaphore_mem>>) src(%arg8 : memref<128x64xf32, #tpu.memory_space<vmem>>) dst(%dma_wait3A_104 : memref<128x64xf32, #tpu.memory_space<vmem_shared>>)
      %dma_wait3A_105 = arith.constant 0 : i32
      %dma_wait3A_106 = tpu.memref_slice %arg11[%add3A_58, %dma_wait3A_105] : memref<16512x64xf32, #tpu.memory_space<vmem_shared>> -> memref<128x64xf32, #tpu.memory_space<vmem_shared>>
      %dma_wait3A_107 = arith.constant 0 : i32
      %dma_wait3A_108 = tpu.memref_slice %arg11[%add3A_58, %dma_wait3A_107] : memref<16512x64xf32, #tpu.memory_space<vmem_shared>> -> memref<128x64xf32, #tpu.memory_space<vmem_shared>>
      tpu.wait_dma2 semaphore(%arg12 : memref<!tpu.dma_semaphore, #tpu.memory_space<semaphore_mem>>) src(%arg8 : memref<128x64xf32, #tpu.memory_space<vmem>>) dst(%dma_wait3A_108 : memref<128x64xf32, #tpu.memory_space<vmem_shared>>)
      %dma_wait3A_109 = arith.constant 0 : i32
      %dma_wait3A_110 = tpu.memref_slice %arg11[%add3A_66, %dma_wait3A_109] : memref<16512x64xf32, #tpu.memory_space<vmem_shared>> -> memref<128x64xf32, #tpu.memory_space<vmem_shared>>
      %dma_wait3A_111 = arith.constant 0 : i32
      %dma_wait3A_112 = tpu.memref_slice %arg11[%add3A_66, %dma_wait3A_111] : memref<16512x64xf32, #tpu.memory_space<vmem_shared>> -> memref<128x64xf32, #tpu.memory_space<vmem_shared>>
      tpu.wait_dma2 semaphore(%arg12 : memref<!tpu.dma_semaphore, #tpu.memory_space<semaphore_mem>>) src(%arg8 : memref<128x64xf32, #tpu.memory_space<vmem>>) dst(%dma_wait3A_112 : memref<128x64xf32, #tpu.memory_space<vmem_shared>>)
      %dma_wait3A_113 = arith.constant 0 : i32
      %dma_wait3A_114 = tpu.memref_slice %arg11[%add3A_74, %dma_wait3A_113] : memref<16512x64xf32, #tpu.memory_space<vmem_shared>> -> memref<128x64xf32, #tpu.memory_space<vmem_shared>>
      %dma_wait3A_115 = arith.constant 0 : i32
      %dma_wait3A_116 = tpu.memref_slice %arg11[%add3A_74, %dma_wait3A_115] : memref<16512x64xf32, #tpu.memory_space<vmem_shared>> -> memref<128x64xf32, #tpu.memory_space<vmem_shared>>
      tpu.wait_dma2 semaphore(%arg12 : memref<!tpu.dma_semaphore, #tpu.memory_space<semaphore_mem>>) src(%arg8 : memref<128x64xf32, #tpu.memory_space<vmem>>) dst(%dma_wait3A_116 : memref<128x64xf32, #tpu.memory_space<vmem_shared>>)
      %barrier3A = arith.constant 0 : index
      tpu.barrier barrier_id(%barrier3A)
      %dma_start3A_117 = arith.constant 0 : i32
      %dma_start3A_118 = tpu.memref_slice %arg2[%multiple_of3A, %dma_start3A_117] : memref<30000x64xf32, #tpu.memory_space<hbm>> -> memref<384x64xf32, #tpu.memory_space<hbm>>
      %dma_start3A_119 = arith.constant 0 : i32
      %dma_start3A_120 = tpu.memref_slice %arg2[%multiple_of3A, %dma_start3A_119] : memref<30000x64xf32, #tpu.memory_space<hbm>> -> memref<384x64xf32, #tpu.memory_space<hbm>>
      tpu.enqueue_dma source(%dma_start3A_120 : memref<384x64xf32, #tpu.memory_space<hbm>>) target(%arg6 : memref<384x64xf32, #tpu.memory_space<vmem>>) target_semaphore(%arg13 : memref<!tpu.dma_semaphore, #tpu.memory_space<semaphore_mem>>)
      %dma_wait3A_121 = arith.constant 0 : i32
      %dma_wait3A_122 = tpu.memref_slice %arg2[%multiple_of3A, %dma_wait3A_121] : memref<30000x64xf32, #tpu.memory_space<hbm>> -> memref<384x64xf32, #tpu.memory_space<hbm>>
      %dma_wait3A_123 = arith.constant 0 : i32
      %dma_wait3A_124 = tpu.memref_slice %arg2[%multiple_of3A, %dma_wait3A_123] : memref<30000x64xf32, #tpu.memory_space<hbm>> -> memref<384x64xf32, #tpu.memory_space<hbm>>
      tpu.wait_dma2 semaphore(%arg13 : memref<!tpu.dma_semaphore, #tpu.memory_space<semaphore_mem>>) src(%dma_wait3A_124 : memref<384x64xf32, #tpu.memory_space<hbm>>) dst(%arg6 : memref<384x64xf32, #tpu.memory_space<vmem>>)
      %add3A_125 = arith.constant 384 : i32
      %add3A_126 = arith.addi %multiple_of3A, %add3A_125 : i32
      %dma_start3A_127 = arith.constant 0 : i32
      %dma_start3A_128 = tpu.memref_slice %arg2[%add3A_126, %dma_start3A_127] : memref<30000x64xf32, #tpu.memory_space<hbm>> -> memref<384x64xf32, #tpu.memory_space<hbm>>
      %dma_start3A_129 = arith.constant 0 : i32
      %dma_start3A_130 = tpu.memref_slice %arg2[%add3A_126, %dma_start3A_129] : memref<30000x64xf32, #tpu.memory_space<hbm>> -> memref<384x64xf32, #tpu.memory_space<hbm>>
      tpu.enqueue_dma source(%dma_start3A_130 : memref<384x64xf32, #tpu.memory_space<hbm>>) target(%arg7 : memref<384x64xf32, #tpu.memory_space<vmem>>) target_semaphore(%arg14 : memref<!tpu.dma_semaphore, #tpu.memory_space<semaphore_mem>>)
      %dma_start3A_131 = arith.constant 0 : i32
      %dma_start3A_132 = arith.constant 0 : i32
      %dma_start3A_133 = arith.constant 0 : i32
      %dma_start3A_134 = tpu.memref_slice %arg6[%dma_start3A_132, %dma_start3A_133] : memref<384x64xf32, #tpu.memory_space<vmem>> -> memref<128x64xf32, #tpu.memory_space<vmem>>
      %dma_start3A_135 = arith.constant 0 : i32
      %dma_start3A_136 = tpu.memref_slice %arg10[%dma_start3A_131, %dma_start3A_135] : memref<15x128xi32, #tpu.memory_space<vmem>> -> memref<1x128xi32, #tpu.memory_space<vmem>>
      %dma_start3A_137 = tpu.memref_squeeze %dma_start3A_136 : memref<1x128xi32, #tpu.memory_space<vmem>> -> memref<128xi32, #tpu.memory_space<vmem>>
      %dma_start3A_138 = arith.constant 0 : i32
      %dma_start3A_139 = arith.constant 0 : i32
      %dma_start3A_140 = tpu.memref_slice %arg11[%dma_start3A_138, %dma_start3A_139] : memref<16512x64xf32, #tpu.memory_space<vmem_shared>> -> memref<16512x64xf32, #tpu.memory_space<vmem_shared>>
      tpu.enqueue_indirect_dma source(%dma_start3A_134 : memref<128x64xf32, #tpu.memory_space<vmem>>) target(%dma_start3A_140 : memref<16512x64xf32, #tpu.memory_space<vmem_shared>>) offsets(%dma_start3A_137 : memref<128xi32, #tpu.memory_space<vmem>>) semaphore(%arg15 : memref<!tpu.dma_semaphore, #tpu.memory_space<semaphore_mem>>) {add = true}
      %dma_start3A_141 = arith.constant 1 : i32
      %dma_start3A_142 = arith.constant 128 : i32
      %dma_start3A_143 = arith.constant 0 : i32
      %dma_start3A_144 = tpu.memref_slice %arg6[%dma_start3A_142, %dma_start3A_143] : memref<384x64xf32, #tpu.memory_space<vmem>> -> memref<128x64xf32, #tpu.memory_space<vmem>>
      %dma_start3A_145 = arith.constant 0 : i32
      %dma_start3A_146 = tpu.memref_slice %arg10[%dma_start3A_141, %dma_start3A_145] : memref<15x128xi32, #tpu.memory_space<vmem>> -> memref<1x128xi32, #tpu.memory_space<vmem>>
      %dma_start3A_147 = tpu.memref_squeeze %dma_start3A_146 : memref<1x128xi32, #tpu.memory_space<vmem>> -> memref<128xi32, #tpu.memory_space<vmem>>
      %dma_start3A_148 = arith.constant 0 : i32
      %dma_start3A_149 = arith.constant 0 : i32
      %dma_start3A_150 = tpu.memref_slice %arg11[%dma_start3A_148, %dma_start3A_149] : memref<16512x64xf32, #tpu.memory_space<vmem_shared>> -> memref<16512x64xf32, #tpu.memory_space<vmem_shared>>
      tpu.enqueue_indirect_dma source(%dma_start3A_144 : memref<128x64xf32, #tpu.memory_space<vmem>>) target(%dma_start3A_150 : memref<16512x64xf32, #tpu.memory_space<vmem_shared>>) offsets(%dma_start3A_147 : memref<128xi32, #tpu.memory_space<vmem>>) semaphore(%arg15 : memref<!tpu.dma_semaphore, #tpu.memory_space<semaphore_mem>>) {add = true}
      %dma_start3A_151 = arith.constant 2 : i32
      %dma_start3A_152 = arith.constant 256 : i32
      %dma_start3A_153 = arith.constant 0 : i32
      %dma_start3A_154 = tpu.memref_slice %arg6[%dma_start3A_152, %dma_start3A_153] : memref<384x64xf32, #tpu.memory_space<vmem>> -> memref<128x64xf32, #tpu.memory_space<vmem>>
      %dma_start3A_155 = arith.constant 0 : i32
      %dma_start3A_156 = tpu.memref_slice %arg10[%dma_start3A_151, %dma_start3A_155] : memref<15x128xi32, #tpu.memory_space<vmem>> -> memref<1x128xi32, #tpu.memory_space<vmem>>
      %dma_start3A_157 = tpu.memref_squeeze %dma_start3A_156 : memref<1x128xi32, #tpu.memory_space<vmem>> -> memref<128xi32, #tpu.memory_space<vmem>>
      %dma_start3A_158 = arith.constant 0 : i32
      %dma_start3A_159 = arith.constant 0 : i32
      %dma_start3A_160 = tpu.memref_slice %arg11[%dma_start3A_158, %dma_start3A_159] : memref<16512x64xf32, #tpu.memory_space<vmem_shared>> -> memref<16512x64xf32, #tpu.memory_space<vmem_shared>>
      tpu.enqueue_indirect_dma source(%dma_start3A_154 : memref<128x64xf32, #tpu.memory_space<vmem>>) target(%dma_start3A_160 : memref<16512x64xf32, #tpu.memory_space<vmem_shared>>) offsets(%dma_start3A_157 : memref<128xi32, #tpu.memory_space<vmem>>) semaphore(%arg15 : memref<!tpu.dma_semaphore, #tpu.memory_space<semaphore_mem>>) {add = true}
      %dma_wait3A_161 = arith.constant 0 : i32
      %dma_wait3A_162 = tpu.memref_slice %arg2[%add3A_126, %dma_wait3A_161] : memref<30000x64xf32, #tpu.memory_space<hbm>> -> memref<384x64xf32, #tpu.memory_space<hbm>>
      %dma_wait3A_163 = arith.constant 0 : i32
      %dma_wait3A_164 = tpu.memref_slice %arg2[%add3A_126, %dma_wait3A_163] : memref<30000x64xf32, #tpu.memory_space<hbm>> -> memref<384x64xf32, #tpu.memory_space<hbm>>
      tpu.wait_dma2 semaphore(%arg14 : memref<!tpu.dma_semaphore, #tpu.memory_space<semaphore_mem>>) src(%dma_wait3A_164 : memref<384x64xf32, #tpu.memory_space<hbm>>) dst(%arg7 : memref<384x64xf32, #tpu.memory_space<vmem>>)
      %dma_wait3A_165 = arith.constant 0 : i32
      %dma_wait3A_166 = arith.constant 0 : i32
      %dma_wait3A_167 = arith.constant 0 : i32
      %dma_wait3A_168 = tpu.memref_slice %arg6[%dma_wait3A_166, %dma_wait3A_167] : memref<384x64xf32, #tpu.memory_space<vmem>> -> memref<128x64xf32, #tpu.memory_space<vmem>>
      %dma_wait3A_169 = arith.constant 0 : i32
      %dma_wait3A_170 = tpu.memref_slice %arg10[%dma_wait3A_165, %dma_wait3A_169] : memref<15x128xi32, #tpu.memory_space<vmem>> -> memref<1x128xi32, #tpu.memory_space<vmem>>
      %dma_wait3A_171 = tpu.memref_squeeze %dma_wait3A_170 : memref<1x128xi32, #tpu.memory_space<vmem>> -> memref<128xi32, #tpu.memory_space<vmem>>
      %dma_wait3A_172 = arith.constant 0 : i32
      %dma_wait3A_173 = arith.constant 0 : i32
      %dma_wait3A_174 = tpu.memref_slice %arg11[%dma_wait3A_172, %dma_wait3A_173] : memref<16512x64xf32, #tpu.memory_space<vmem_shared>> -> memref<16512x64xf32, #tpu.memory_space<vmem_shared>>
      tpu.wait_indirect_dma semaphore(%arg15 : memref<!tpu.dma_semaphore, #tpu.memory_space<semaphore_mem>>) src(%dma_wait3A_168 : memref<128x64xf32, #tpu.memory_space<vmem>>) dst(%dma_wait3A_174 : memref<16512x64xf32, #tpu.memory_space<vmem_shared>>)
      %dma_wait3A_175 = arith.constant 1 : i32
      %dma_wait3A_176 = arith.constant 128 : i32
      %dma_wait3A_177 = arith.constant 0 : i32
      %dma_wait3A_178 = tpu.memref_slice %arg6[%dma_wait3A_176, %dma_wait3A_177] : memref<384x64xf32, #tpu.memory_space<vmem>> -> memref<128x64xf32, #tpu.memory_space<vmem>>
      %dma_wait3A_179 = arith.constant 0 : i32
      %dma_wait3A_180 = tpu.memref_slice %arg10[%dma_wait3A_175, %dma_wait3A_179] : memref<15x128xi32, #tpu.memory_space<vmem>> -> memref<1x128xi32, #tpu.memory_space<vmem>>
      %dma_wait3A_181 = tpu.memref_squeeze %dma_wait3A_180 : memref<1x128xi32, #tpu.memory_space<vmem>> -> memref<128xi32, #tpu.memory_space<vmem>>
      %dma_wait3A_182 = arith.constant 0 : i32
      %dma_wait3A_183 = arith.constant 0 : i32
      %dma_wait3A_184 = tpu.memref_slice %arg11[%dma_wait3A_182, %dma_wait3A_183] : memref<16512x64xf32, #tpu.memory_space<vmem_shared>> -> memref<16512x64xf32, #tpu.memory_space<vmem_shared>>
      tpu.wait_indirect_dma semaphore(%arg15 : memref<!tpu.dma_semaphore, #tpu.memory_space<semaphore_mem>>) src(%dma_wait3A_178 : memref<128x64xf32, #tpu.memory_space<vmem>>) dst(%dma_wait3A_184 : memref<16512x64xf32, #tpu.memory_space<vmem_shared>>)
      %dma_wait3A_185 = arith.constant 2 : i32
      %dma_wait3A_186 = arith.constant 256 : i32
      %dma_wait3A_187 = arith.constant 0 : i32
      %dma_wait3A_188 = tpu.memref_slice %arg6[%dma_wait3A_186, %dma_wait3A_187] : memref<384x64xf32, #tpu.memory_space<vmem>> -> memref<128x64xf32, #tpu.memory_space<vmem>>
      %dma_wait3A_189 = arith.constant 0 : i32
      %dma_wait3A_190 = tpu.memref_slice %arg10[%dma_wait3A_185, %dma_wait3A_189] : memref<15x128xi32, #tpu.memory_space<vmem>> -> memref<1x128xi32, #tpu.memory_space<vmem>>
      %dma_wait3A_191 = tpu.memref_squeeze %dma_wait3A_190 : memref<1x128xi32, #tpu.memory_space<vmem>> -> memref<128xi32, #tpu.memory_space<vmem>>
      %dma_wait3A_192 = arith.constant 0 : i32
      %dma_wait3A_193 = arith.constant 0 : i32
      %dma_wait3A_194 = tpu.memref_slice %arg11[%dma_wait3A_192, %dma_wait3A_193] : memref<16512x64xf32, #tpu.memory_space<vmem_shared>> -> memref<16512x64xf32, #tpu.memory_space<vmem_shared>>
      tpu.wait_indirect_dma semaphore(%arg15 : memref<!tpu.dma_semaphore, #tpu.memory_space<semaphore_mem>>) src(%dma_wait3A_188 : memref<128x64xf32, #tpu.memory_space<vmem>>) dst(%dma_wait3A_194 : memref<16512x64xf32, #tpu.memory_space<vmem_shared>>)
      %add3A_195 = arith.constant 768 : i32
      %add3A_196 = arith.addi %multiple_of3A, %add3A_195 : i32
      %dma_start3A_197 = arith.constant 0 : i32
      %dma_start3A_198 = tpu.memref_slice %arg2[%add3A_196, %dma_start3A_197] : memref<30000x64xf32, #tpu.memory_space<hbm>> -> memref<384x64xf32, #tpu.memory_space<hbm>>
      %dma_start3A_199 = arith.constant 0 : i32
      %dma_start3A_200 = tpu.memref_slice %arg2[%add3A_196, %dma_start3A_199] : memref<30000x64xf32, #tpu.memory_space<hbm>> -> memref<384x64xf32, #tpu.memory_space<hbm>>
      tpu.enqueue_dma source(%dma_start3A_200 : memref<384x64xf32, #tpu.memory_space<hbm>>) target(%arg6 : memref<384x64xf32, #tpu.memory_space<vmem>>) target_semaphore(%arg13 : memref<!tpu.dma_semaphore, #tpu.memory_space<semaphore_mem>>)
      %dma_start3A_201 = arith.constant 3 : i32
      %dma_start3A_202 = arith.constant 0 : i32
      %dma_start3A_203 = arith.constant 0 : i32
      %dma_start3A_204 = tpu.memref_slice %arg7[%dma_start3A_202, %dma_start3A_203] : memref<384x64xf32, #tpu.memory_space<vmem>> -> memref<128x64xf32, #tpu.memory_space<vmem>>
      %dma_start3A_205 = arith.constant 0 : i32
      %dma_start3A_206 = tpu.memref_slice %arg10[%dma_start3A_201, %dma_start3A_205] : memref<15x128xi32, #tpu.memory_space<vmem>> -> memref<1x128xi32, #tpu.memory_space<vmem>>
      %dma_start3A_207 = tpu.memref_squeeze %dma_start3A_206 : memref<1x128xi32, #tpu.memory_space<vmem>> -> memref<128xi32, #tpu.memory_space<vmem>>
      %dma_start3A_208 = arith.constant 0 : i32
      %dma_start3A_209 = arith.constant 0 : i32
      %dma_start3A_210 = tpu.memref_slice %arg11[%dma_start3A_208, %dma_start3A_209] : memref<16512x64xf32, #tpu.memory_space<vmem_shared>> -> memref<16512x64xf32, #tpu.memory_space<vmem_shared>>
      tpu.enqueue_indirect_dma source(%dma_start3A_204 : memref<128x64xf32, #tpu.memory_space<vmem>>) target(%dma_start3A_210 : memref<16512x64xf32, #tpu.memory_space<vmem_shared>>) offsets(%dma_start3A_207 : memref<128xi32, #tpu.memory_space<vmem>>) semaphore(%arg16 : memref<!tpu.dma_semaphore, #tpu.memory_space<semaphore_mem>>) {add = true}
      %dma_start3A_211 = arith.constant 4 : i32
      %dma_start3A_212 = arith.constant 128 : i32
      %dma_start3A_213 = arith.constant 0 : i32
      %dma_start3A_214 = tpu.memref_slice %arg7[%dma_start3A_212, %dma_start3A_213] : memref<384x64xf32, #tpu.memory_space<vmem>> -> memref<128x64xf32, #tpu.memory_space<vmem>>
      %dma_start3A_215 = arith.constant 0 : i32
      %dma_start3A_216 = tpu.memref_slice %arg10[%dma_start3A_211, %dma_start3A_215] : memref<15x128xi32, #tpu.memory_space<vmem>> -> memref<1x128xi32, #tpu.memory_space<vmem>>
      %dma_start3A_217 = tpu.memref_squeeze %dma_start3A_216 : memref<1x128xi32, #tpu.memory_space<vmem>> -> memref<128xi32, #tpu.memory_space<vmem>>
      %dma_start3A_218 = arith.constant 0 : i32
      %dma_start3A_219 = arith.constant 0 : i32
      %dma_start3A_220 = tpu.memref_slice %arg11[%dma_start3A_218, %dma_start3A_219] : memref<16512x64xf32, #tpu.memory_space<vmem_shared>> -> memref<16512x64xf32, #tpu.memory_space<vmem_shared>>
      tpu.enqueue_indirect_dma source(%dma_start3A_214 : memref<128x64xf32, #tpu.memory_space<vmem>>) target(%dma_start3A_220 : memref<16512x64xf32, #tpu.memory_space<vmem_shared>>) offsets(%dma_start3A_217 : memref<128xi32, #tpu.memory_space<vmem>>) semaphore(%arg16 : memref<!tpu.dma_semaphore, #tpu.memory_space<semaphore_mem>>) {add = true}
      %dma_start3A_221 = arith.constant 5 : i32
      %dma_start3A_222 = arith.constant 256 : i32
      %dma_start3A_223 = arith.constant 0 : i32
      %dma_start3A_224 = tpu.memref_slice %arg7[%dma_start3A_222, %dma_start3A_223] : memref<384x64xf32, #tpu.memory_space<vmem>> -> memref<128x64xf32, #tpu.memory_space<vmem>>
      %dma_start3A_225 = arith.constant 0 : i32
      %dma_start3A_226 = tpu.memref_slice %arg10[%dma_start3A_221, %dma_start3A_225] : memref<15x128xi32, #tpu.memory_space<vmem>> -> memref<1x128xi32, #tpu.memory_space<vmem>>
      %dma_start3A_227 = tpu.memref_squeeze %dma_start3A_226 : memref<1x128xi32, #tpu.memory_space<vmem>> -> memref<128xi32, #tpu.memory_space<vmem>>
      %dma_start3A_228 = arith.constant 0 : i32
      %dma_start3A_229 = arith.constant 0 : i32
      %dma_start3A_230 = tpu.memref_slice %arg11[%dma_start3A_228, %dma_start3A_229] : memref<16512x64xf32, #tpu.memory_space<vmem_shared>> -> memref<16512x64xf32, #tpu.memory_space<vmem_shared>>
      tpu.enqueue_indirect_dma source(%dma_start3A_224 : memref<128x64xf32, #tpu.memory_space<vmem>>) target(%dma_start3A_230 : memref<16512x64xf32, #tpu.memory_space<vmem_shared>>) offsets(%dma_start3A_227 : memref<128xi32, #tpu.memory_space<vmem>>) semaphore(%arg16 : memref<!tpu.dma_semaphore, #tpu.memory_space<semaphore_mem>>) {add = true}
      %dma_wait3A_231 = arith.constant 0 : i32
      %dma_wait3A_232 = tpu.memref_slice %arg2[%add3A_196, %dma_wait3A_231] : memref<30000x64xf32, #tpu.memory_space<hbm>> -> memref<384x64xf32, #tpu.memory_space<hbm>>
      %dma_wait3A_233 = arith.constant 0 : i32
      %dma_wait3A_234 = tpu.memref_slice %arg2[%add3A_196, %dma_wait3A_233] : memref<30000x64xf32, #tpu.memory_space<hbm>> -> memref<384x64xf32, #tpu.memory_space<hbm>>
      tpu.wait_dma2 semaphore(%arg13 : memref<!tpu.dma_semaphore, #tpu.memory_space<semaphore_mem>>) src(%dma_wait3A_234 : memref<384x64xf32, #tpu.memory_space<hbm>>) dst(%arg6 : memref<384x64xf32, #tpu.memory_space<vmem>>)
      %dma_wait3A_235 = arith.constant 3 : i32
      %dma_wait3A_236 = arith.constant 0 : i32
      %dma_wait3A_237 = arith.constant 0 : i32
      %dma_wait3A_238 = tpu.memref_slice %arg7[%dma_wait3A_236, %dma_wait3A_237] : memref<384x64xf32, #tpu.memory_space<vmem>> -> memref<128x64xf32, #tpu.memory_space<vmem>>
      %dma_wait3A_239 = arith.constant 0 : i32
      %dma_wait3A_240 = tpu.memref_slice %arg10[%dma_wait3A_235, %dma_wait3A_239] : memref<15x128xi32, #tpu.memory_space<vmem>> -> memref<1x128xi32, #tpu.memory_space<vmem>>
      %dma_wait3A_241 = tpu.memref_squeeze %dma_wait3A_240 : memref<1x128xi32, #tpu.memory_space<vmem>> -> memref<128xi32, #tpu.memory_space<vmem>>
      %dma_wait3A_242 = arith.constant 0 : i32
      %dma_wait3A_243 = arith.constant 0 : i32
      %dma_wait3A_244 = tpu.memref_slice %arg11[%dma_wait3A_242, %dma_wait3A_243] : memref<16512x64xf32, #tpu.memory_space<vmem_shared>> -> memref<16512x64xf32, #tpu.memory_space<vmem_shared>>
      tpu.wait_indirect_dma semaphore(%arg16 : memref<!tpu.dma_semaphore, #tpu.memory_space<semaphore_mem>>) src(%dma_wait3A_238 : memref<128x64xf32, #tpu.memory_space<vmem>>) dst(%dma_wait3A_244 : memref<16512x64xf32, #tpu.memory_space<vmem_shared>>)
      %dma_wait3A_245 = arith.constant 4 : i32
      %dma_wait3A_246 = arith.constant 128 : i32
      %dma_wait3A_247 = arith.constant 0 : i32
      %dma_wait3A_248 = tpu.memref_slice %arg7[%dma_wait3A_246, %dma_wait3A_247] : memref<384x64xf32, #tpu.memory_space<vmem>> -> memref<128x64xf32, #tpu.memory_space<vmem>>
      %dma_wait3A_249 = arith.constant 0 : i32
      %dma_wait3A_250 = tpu.memref_slice %arg10[%dma_wait3A_245, %dma_wait3A_249] : memref<15x128xi32, #tpu.memory_space<vmem>> -> memref<1x128xi32, #tpu.memory_space<vmem>>
      %dma_wait3A_251 = tpu.memref_squeeze %dma_wait3A_250 : memref<1x128xi32, #tpu.memory_space<vmem>> -> memref<128xi32, #tpu.memory_space<vmem>>
      %dma_wait3A_252 = arith.constant 0 : i32
      %dma_wait3A_253 = arith.constant 0 : i32
      %dma_wait3A_254 = tpu.memref_slice %arg11[%dma_wait3A_252, %dma_wait3A_253] : memref<16512x64xf32, #tpu.memory_space<vmem_shared>> -> memref<16512x64xf32, #tpu.memory_space<vmem_shared>>
      tpu.wait_indirect_dma semaphore(%arg16 : memref<!tpu.dma_semaphore, #tpu.memory_space<semaphore_mem>>) src(%dma_wait3A_248 : memref<128x64xf32, #tpu.memory_space<vmem>>) dst(%dma_wait3A_254 : memref<16512x64xf32, #tpu.memory_space<vmem_shared>>)
      %dma_wait3A_255 = arith.constant 5 : i32
      %dma_wait3A_256 = arith.constant 256 : i32
      %dma_wait3A_257 = arith.constant 0 : i32
      %dma_wait3A_258 = tpu.memref_slice %arg7[%dma_wait3A_256, %dma_wait3A_257] : memref<384x64xf32, #tpu.memory_space<vmem>> -> memref<128x64xf32, #tpu.memory_space<vmem>>
      %dma_wait3A_259 = arith.constant 0 : i32
      %dma_wait3A_260 = tpu.memref_slice %arg10[%dma_wait3A_255, %dma_wait3A_259] : memref<15x128xi32, #tpu.memory_space<vmem>> -> memref<1x128xi32, #tpu.memory_space<vmem>>
      %dma_wait3A_261 = tpu.memref_squeeze %dma_wait3A_260 : memref<1x128xi32, #tpu.memory_space<vmem>> -> memref<128xi32, #tpu.memory_space<vmem>>
      %dma_wait3A_262 = arith.constant 0 : i32
      %dma_wait3A_263 = arith.constant 0 : i32
      %dma_wait3A_264 = tpu.memref_slice %arg11[%dma_wait3A_262, %dma_wait3A_263] : memref<16512x64xf32, #tpu.memory_space<vmem_shared>> -> memref<16512x64xf32, #tpu.memory_space<vmem_shared>>
      tpu.wait_indirect_dma semaphore(%arg16 : memref<!tpu.dma_semaphore, #tpu.memory_space<semaphore_mem>>) src(%dma_wait3A_258 : memref<128x64xf32, #tpu.memory_space<vmem>>) dst(%dma_wait3A_264 : memref<16512x64xf32, #tpu.memory_space<vmem_shared>>)
      %add3A_265 = arith.constant 1152 : i32
      %add3A_266 = arith.addi %multiple_of3A, %add3A_265 : i32
      %dma_start3A_267 = arith.constant 0 : i32
      %dma_start3A_268 = tpu.memref_slice %arg2[%add3A_266, %dma_start3A_267] : memref<30000x64xf32, #tpu.memory_space<hbm>> -> memref<384x64xf32, #tpu.memory_space<hbm>>
      %dma_start3A_269 = arith.constant 0 : i32
      %dma_start3A_270 = tpu.memref_slice %arg2[%add3A_266, %dma_start3A_269] : memref<30000x64xf32, #tpu.memory_space<hbm>> -> memref<384x64xf32, #tpu.memory_space<hbm>>
      tpu.enqueue_dma source(%dma_start3A_270 : memref<384x64xf32, #tpu.memory_space<hbm>>) target(%arg7 : memref<384x64xf32, #tpu.memory_space<vmem>>) target_semaphore(%arg14 : memref<!tpu.dma_semaphore, #tpu.memory_space<semaphore_mem>>)
      %dma_start3A_271 = arith.constant 6 : i32
      %dma_start3A_272 = arith.constant 0 : i32
      %dma_start3A_273 = arith.constant 0 : i32
      %dma_start3A_274 = tpu.memref_slice %arg6[%dma_start3A_272, %dma_start3A_273] : memref<384x64xf32, #tpu.memory_space<vmem>> -> memref<128x64xf32, #tpu.memory_space<vmem>>
      %dma_start3A_275 = arith.constant 0 : i32
      %dma_start3A_276 = tpu.memref_slice %arg10[%dma_start3A_271, %dma_start3A_275] : memref<15x128xi32, #tpu.memory_space<vmem>> -> memref<1x128xi32, #tpu.memory_space<vmem>>
      %dma_start3A_277 = tpu.memref_squeeze %dma_start3A_276 : memref<1x128xi32, #tpu.memory_space<vmem>> -> memref<128xi32, #tpu.memory_space<vmem>>
      %dma_start3A_278 = arith.constant 0 : i32
      %dma_start3A_279 = arith.constant 0 : i32
      %dma_start3A_280 = tpu.memref_slice %arg11[%dma_start3A_278, %dma_start3A_279] : memref<16512x64xf32, #tpu.memory_space<vmem_shared>> -> memref<16512x64xf32, #tpu.memory_space<vmem_shared>>
      tpu.enqueue_indirect_dma source(%dma_start3A_274 : memref<128x64xf32, #tpu.memory_space<vmem>>) target(%dma_start3A_280 : memref<16512x64xf32, #tpu.memory_space<vmem_shared>>) offsets(%dma_start3A_277 : memref<128xi32, #tpu.memory_space<vmem>>) semaphore(%arg15 : memref<!tpu.dma_semaphore, #tpu.memory_space<semaphore_mem>>) {add = true}
      %dma_start3A_281 = arith.constant 7 : i32
      %dma_start3A_282 = arith.constant 128 : i32
      %dma_start3A_283 = arith.constant 0 : i32
      %dma_start3A_284 = tpu.memref_slice %arg6[%dma_start3A_282, %dma_start3A_283] : memref<384x64xf32, #tpu.memory_space<vmem>> -> memref<128x64xf32, #tpu.memory_space<vmem>>
      %dma_start3A_285 = arith.constant 0 : i32
      %dma_start3A_286 = tpu.memref_slice %arg10[%dma_start3A_281, %dma_start3A_285] : memref<15x128xi32, #tpu.memory_space<vmem>> -> memref<1x128xi32, #tpu.memory_space<vmem>>
      %dma_start3A_287 = tpu.memref_squeeze %dma_start3A_286 : memref<1x128xi32, #tpu.memory_space<vmem>> -> memref<128xi32, #tpu.memory_space<vmem>>
      %dma_start3A_288 = arith.constant 0 : i32
      %dma_start3A_289 = arith.constant 0 : i32
      %dma_start3A_290 = tpu.memref_slice %arg11[%dma_start3A_288, %dma_start3A_289] : memref<16512x64xf32, #tpu.memory_space<vmem_shared>> -> memref<16512x64xf32, #tpu.memory_space<vmem_shared>>
      tpu.enqueue_indirect_dma source(%dma_start3A_284 : memref<128x64xf32, #tpu.memory_space<vmem>>) target(%dma_start3A_290 : memref<16512x64xf32, #tpu.memory_space<vmem_shared>>) offsets(%dma_start3A_287 : memref<128xi32, #tpu.memory_space<vmem>>) semaphore(%arg15 : memref<!tpu.dma_semaphore, #tpu.memory_space<semaphore_mem>>) {add = true}
      %dma_start3A_291 = arith.constant 8 : i32
      %dma_start3A_292 = arith.constant 256 : i32
      %dma_start3A_293 = arith.constant 0 : i32
      %dma_start3A_294 = tpu.memref_slice %arg6[%dma_start3A_292, %dma_start3A_293] : memref<384x64xf32, #tpu.memory_space<vmem>> -> memref<128x64xf32, #tpu.memory_space<vmem>>
      %dma_start3A_295 = arith.constant 0 : i32
      %dma_start3A_296 = tpu.memref_slice %arg10[%dma_start3A_291, %dma_start3A_295] : memref<15x128xi32, #tpu.memory_space<vmem>> -> memref<1x128xi32, #tpu.memory_space<vmem>>
      %dma_start3A_297 = tpu.memref_squeeze %dma_start3A_296 : memref<1x128xi32, #tpu.memory_space<vmem>> -> memref<128xi32, #tpu.memory_space<vmem>>
      %dma_start3A_298 = arith.constant 0 : i32
      %dma_start3A_299 = arith.constant 0 : i32
      %dma_start3A_300 = tpu.memref_slice %arg11[%dma_start3A_298, %dma_start3A_299] : memref<16512x64xf32, #tpu.memory_space<vmem_shared>> -> memref<16512x64xf32, #tpu.memory_space<vmem_shared>>
      tpu.enqueue_indirect_dma source(%dma_start3A_294 : memref<128x64xf32, #tpu.memory_space<vmem>>) target(%dma_start3A_300 : memref<16512x64xf32, #tpu.memory_space<vmem_shared>>) offsets(%dma_start3A_297 : memref<128xi32, #tpu.memory_space<vmem>>) semaphore(%arg15 : memref<!tpu.dma_semaphore, #tpu.memory_space<semaphore_mem>>) {add = true}
      %dma_wait3A_301 = arith.constant 0 : i32
      %dma_wait3A_302 = tpu.memref_slice %arg2[%add3A_266, %dma_wait3A_301] : memref<30000x64xf32, #tpu.memory_space<hbm>> -> memref<384x64xf32, #tpu.memory_space<hbm>>
      %dma_wait3A_303 = arith.constant 0 : i32
      %dma_wait3A_304 = tpu.memref_slice %arg2[%add3A_266, %dma_wait3A_303] : memref<30000x64xf32, #tpu.memory_space<hbm>> -> memref<384x64xf32, #tpu.memory_space<hbm>>
      tpu.wait_dma2 semaphore(%arg14 : memref<!tpu.dma_semaphore, #tpu.memory_space<semaphore_mem>>) src(%dma_wait3A_304 : memref<384x64xf32, #tpu.memory_space<hbm>>) dst(%arg7 : memref<384x64xf32, #tpu.memory_space<vmem>>)
      %dma_wait3A_305 = arith.constant 6 : i32
      %dma_wait3A_306 = arith.constant 0 : i32
      %dma_wait3A_307 = arith.constant 0 : i32
      %dma_wait3A_308 = tpu.memref_slice %arg6[%dma_wait3A_306, %dma_wait3A_307] : memref<384x64xf32, #tpu.memory_space<vmem>> -> memref<128x64xf32, #tpu.memory_space<vmem>>
      %dma_wait3A_309 = arith.constant 0 : i32
      %dma_wait3A_310 = tpu.memref_slice %arg10[%dma_wait3A_305, %dma_wait3A_309] : memref<15x128xi32, #tpu.memory_space<vmem>> -> memref<1x128xi32, #tpu.memory_space<vmem>>
      %dma_wait3A_311 = tpu.memref_squeeze %dma_wait3A_310 : memref<1x128xi32, #tpu.memory_space<vmem>> -> memref<128xi32, #tpu.memory_space<vmem>>
      %dma_wait3A_312 = arith.constant 0 : i32
      %dma_wait3A_313 = arith.constant 0 : i32
      %dma_wait3A_314 = tpu.memref_slice %arg11[%dma_wait3A_312, %dma_wait3A_313] : memref<16512x64xf32, #tpu.memory_space<vmem_shared>> -> memref<16512x64xf32, #tpu.memory_space<vmem_shared>>
      tpu.wait_indirect_dma semaphore(%arg15 : memref<!tpu.dma_semaphore, #tpu.memory_space<semaphore_mem>>) src(%dma_wait3A_308 : memref<128x64xf32, #tpu.memory_space<vmem>>) dst(%dma_wait3A_314 : memref<16512x64xf32, #tpu.memory_space<vmem_shared>>)
      %dma_wait3A_315 = arith.constant 7 : i32
      %dma_wait3A_316 = arith.constant 128 : i32
      %dma_wait3A_317 = arith.constant 0 : i32
      %dma_wait3A_318 = tpu.memref_slice %arg6[%dma_wait3A_316, %dma_wait3A_317] : memref<384x64xf32, #tpu.memory_space<vmem>> -> memref<128x64xf32, #tpu.memory_space<vmem>>
      %dma_wait3A_319 = arith.constant 0 : i32
      %dma_wait3A_320 = tpu.memref_slice %arg10[%dma_wait3A_315, %dma_wait3A_319] : memref<15x128xi32, #tpu.memory_space<vmem>> -> memref<1x128xi32, #tpu.memory_space<vmem>>
      %dma_wait3A_321 = tpu.memref_squeeze %dma_wait3A_320 : memref<1x128xi32, #tpu.memory_space<vmem>> -> memref<128xi32, #tpu.memory_space<vmem>>
      %dma_wait3A_322 = arith.constant 0 : i32
      %dma_wait3A_323 = arith.constant 0 : i32
      %dma_wait3A_324 = tpu.memref_slice %arg11[%dma_wait3A_322, %dma_wait3A_323] : memref<16512x64xf32, #tpu.memory_space<vmem_shared>> -> memref<16512x64xf32, #tpu.memory_space<vmem_shared>>
      tpu.wait_indirect_dma semaphore(%arg15 : memref<!tpu.dma_semaphore, #tpu.memory_space<semaphore_mem>>) src(%dma_wait3A_318 : memref<128x64xf32, #tpu.memory_space<vmem>>) dst(%dma_wait3A_324 : memref<16512x64xf32, #tpu.memory_space<vmem_shared>>)
      %dma_wait3A_325 = arith.constant 8 : i32
      %dma_wait3A_326 = arith.constant 256 : i32
      %dma_wait3A_327 = arith.constant 0 : i32
      %dma_wait3A_328 = tpu.memref_slice %arg6[%dma_wait3A_326, %dma_wait3A_327] : memref<384x64xf32, #tpu.memory_space<vmem>> -> memref<128x64xf32, #tpu.memory_space<vmem>>
      %dma_wait3A_329 = arith.constant 0 : i32
      %dma_wait3A_330 = tpu.memref_slice %arg10[%dma_wait3A_325, %dma_wait3A_329] : memref<15x128xi32, #tpu.memory_space<vmem>> -> memref<1x128xi32, #tpu.memory_space<vmem>>
      %dma_wait3A_331 = tpu.memref_squeeze %dma_wait3A_330 : memref<1x128xi32, #tpu.memory_space<vmem>> -> memref<128xi32, #tpu.memory_space<vmem>>
      %dma_wait3A_332 = arith.constant 0 : i32
      %dma_wait3A_333 = arith.constant 0 : i32
      %dma_wait3A_334 = tpu.memref_slice %arg11[%dma_wait3A_332, %dma_wait3A_333] : memref<16512x64xf32, #tpu.memory_space<vmem_shared>> -> memref<16512x64xf32, #tpu.memory_space<vmem_shared>>
      tpu.wait_indirect_dma semaphore(%arg15 : memref<!tpu.dma_semaphore, #tpu.memory_space<semaphore_mem>>) src(%dma_wait3A_328 : memref<128x64xf32, #tpu.memory_space<vmem>>) dst(%dma_wait3A_334 : memref<16512x64xf32, #tpu.memory_space<vmem_shared>>)
      %add3A_335 = arith.constant 1536 : i32
      %add3A_336 = arith.addi %multiple_of3A, %add3A_335 : i32
      %dma_start3A_337 = arith.constant 0 : i32
      %dma_start3A_338 = tpu.memref_slice %arg2[%add3A_336, %dma_start3A_337] : memref<30000x64xf32, #tpu.memory_space<hbm>> -> memref<384x64xf32, #tpu.memory_space<hbm>>
      %dma_start3A_339 = arith.constant 0 : i32
      %dma_start3A_340 = tpu.memref_slice %arg2[%add3A_336, %dma_start3A_339] : memref<30000x64xf32, #tpu.memory_space<hbm>> -> memref<384x64xf32, #tpu.memory_space<hbm>>
      tpu.enqueue_dma source(%dma_start3A_340 : memref<384x64xf32, #tpu.memory_space<hbm>>) target(%arg6 : memref<384x64xf32, #tpu.memory_space<vmem>>) target_semaphore(%arg13 : memref<!tpu.dma_semaphore, #tpu.memory_space<semaphore_mem>>)
      %dma_start3A_341 = arith.constant 9 : i32
      %dma_start3A_342 = arith.constant 0 : i32
      %dma_start3A_343 = arith.constant 0 : i32
      %dma_start3A_344 = tpu.memref_slice %arg7[%dma_start3A_342, %dma_start3A_343] : memref<384x64xf32, #tpu.memory_space<vmem>> -> memref<128x64xf32, #tpu.memory_space<vmem>>
      %dma_start3A_345 = arith.constant 0 : i32
      %dma_start3A_346 = tpu.memref_slice %arg10[%dma_start3A_341, %dma_start3A_345] : memref<15x128xi32, #tpu.memory_space<vmem>> -> memref<1x128xi32, #tpu.memory_space<vmem>>
      %dma_start3A_347 = tpu.memref_squeeze %dma_start3A_346 : memref<1x128xi32, #tpu.memory_space<vmem>> -> memref<128xi32, #tpu.memory_space<vmem>>
      %dma_start3A_348 = arith.constant 0 : i32
      %dma_start3A_349 = arith.constant 0 : i32
      %dma_start3A_350 = tpu.memref_slice %arg11[%dma_start3A_348, %dma_start3A_349] : memref<16512x64xf32, #tpu.memory_space<vmem_shared>> -> memref<16512x64xf32, #tpu.memory_space<vmem_shared>>
      tpu.enqueue_indirect_dma source(%dma_start3A_344 : memref<128x64xf32, #tpu.memory_space<vmem>>) target(%dma_start3A_350 : memref<16512x64xf32, #tpu.memory_space<vmem_shared>>) offsets(%dma_start3A_347 : memref<128xi32, #tpu.memory_space<vmem>>) semaphore(%arg16 : memref<!tpu.dma_semaphore, #tpu.memory_space<semaphore_mem>>) {add = true}
      %dma_start3A_351 = arith.constant 10 : i32
      %dma_start3A_352 = arith.constant 128 : i32
      %dma_start3A_353 = arith.constant 0 : i32
      %dma_start3A_354 = tpu.memref_slice %arg7[%dma_start3A_352, %dma_start3A_353] : memref<384x64xf32, #tpu.memory_space<vmem>> -> memref<128x64xf32, #tpu.memory_space<vmem>>
      %dma_start3A_355 = arith.constant 0 : i32
      %dma_start3A_356 = tpu.memref_slice %arg10[%dma_start3A_351, %dma_start3A_355] : memref<15x128xi32, #tpu.memory_space<vmem>> -> memref<1x128xi32, #tpu.memory_space<vmem>>
      %dma_start3A_357 = tpu.memref_squeeze %dma_start3A_356 : memref<1x128xi32, #tpu.memory_space<vmem>> -> memref<128xi32, #tpu.memory_space<vmem>>
      %dma_start3A_358 = arith.constant 0 : i32
      %dma_start3A_359 = arith.constant 0 : i32
      %dma_start3A_360 = tpu.memref_slice %arg11[%dma_start3A_358, %dma_start3A_359] : memref<16512x64xf32, #tpu.memory_space<vmem_shared>> -> memref<16512x64xf32, #tpu.memory_space<vmem_shared>>
      tpu.enqueue_indirect_dma source(%dma_start3A_354 : memref<128x64xf32, #tpu.memory_space<vmem>>) target(%dma_start3A_360 : memref<16512x64xf32, #tpu.memory_space<vmem_shared>>) offsets(%dma_start3A_357 : memref<128xi32, #tpu.memory_space<vmem>>) semaphore(%arg16 : memref<!tpu.dma_semaphore, #tpu.memory_space<semaphore_mem>>) {add = true}
      %dma_start3A_361 = arith.constant 11 : i32
      %dma_start3A_362 = arith.constant 256 : i32
      %dma_start3A_363 = arith.constant 0 : i32
      %dma_start3A_364 = tpu.memref_slice %arg7[%dma_start3A_362, %dma_start3A_363] : memref<384x64xf32, #tpu.memory_space<vmem>> -> memref<128x64xf32, #tpu.memory_space<vmem>>
      %dma_start3A_365 = arith.constant 0 : i32
      %dma_start3A_366 = tpu.memref_slice %arg10[%dma_start3A_361, %dma_start3A_365] : memref<15x128xi32, #tpu.memory_space<vmem>> -> memref<1x128xi32, #tpu.memory_space<vmem>>
      %dma_start3A_367 = tpu.memref_squeeze %dma_start3A_366 : memref<1x128xi32, #tpu.memory_space<vmem>> -> memref<128xi32, #tpu.memory_space<vmem>>
      %dma_start3A_368 = arith.constant 0 : i32
      %dma_start3A_369 = arith.constant 0 : i32
      %dma_start3A_370 = tpu.memref_slice %arg11[%dma_start3A_368, %dma_start3A_369] : memref<16512x64xf32, #tpu.memory_space<vmem_shared>> -> memref<16512x64xf32, #tpu.memory_space<vmem_shared>>
      tpu.enqueue_indirect_dma source(%dma_start3A_364 : memref<128x64xf32, #tpu.memory_space<vmem>>) target(%dma_start3A_370 : memref<16512x64xf32, #tpu.memory_space<vmem_shared>>) offsets(%dma_start3A_367 : memref<128xi32, #tpu.memory_space<vmem>>) semaphore(%arg16 : memref<!tpu.dma_semaphore, #tpu.memory_space<semaphore_mem>>) {add = true}
      %dma_wait3A_371 = arith.constant 0 : i32
      %dma_wait3A_372 = tpu.memref_slice %arg2[%add3A_336, %dma_wait3A_371] : memref<30000x64xf32, #tpu.memory_space<hbm>> -> memref<384x64xf32, #tpu.memory_space<hbm>>
      %dma_wait3A_373 = arith.constant 0 : i32
      %dma_wait3A_374 = tpu.memref_slice %arg2[%add3A_336, %dma_wait3A_373] : memref<30000x64xf32, #tpu.memory_space<hbm>> -> memref<384x64xf32, #tpu.memory_space<hbm>>
      tpu.wait_dma2 semaphore(%arg13 : memref<!tpu.dma_semaphore, #tpu.memory_space<semaphore_mem>>) src(%dma_wait3A_374 : memref<384x64xf32, #tpu.memory_space<hbm>>) dst(%arg6 : memref<384x64xf32, #tpu.memory_space<vmem>>)
      %dma_start3A_375 = arith.constant 12 : i32
      %dma_start3A_376 = arith.constant 0 : i32
      %dma_start3A_377 = arith.constant 0 : i32
      %dma_start3A_378 = tpu.memref_slice %arg6[%dma_start3A_376, %dma_start3A_377] : memref<384x64xf32, #tpu.memory_space<vmem>> -> memref<128x64xf32, #tpu.memory_space<vmem>>
      %dma_start3A_379 = arith.constant 0 : i32
      %dma_start3A_380 = tpu.memref_slice %arg10[%dma_start3A_375, %dma_start3A_379] : memref<15x128xi32, #tpu.memory_space<vmem>> -> memref<1x128xi32, #tpu.memory_space<vmem>>
      %dma_start3A_381 = tpu.memref_squeeze %dma_start3A_380 : memref<1x128xi32, #tpu.memory_space<vmem>> -> memref<128xi32, #tpu.memory_space<vmem>>
      %dma_start3A_382 = arith.constant 0 : i32
      %dma_start3A_383 = arith.constant 0 : i32
      %dma_start3A_384 = tpu.memref_slice %arg11[%dma_start3A_382, %dma_start3A_383] : memref<16512x64xf32, #tpu.memory_space<vmem_shared>> -> memref<16512x64xf32, #tpu.memory_space<vmem_shared>>
      tpu.enqueue_indirect_dma source(%dma_start3A_378 : memref<128x64xf32, #tpu.memory_space<vmem>>) target(%dma_start3A_384 : memref<16512x64xf32, #tpu.memory_space<vmem_shared>>) offsets(%dma_start3A_381 : memref<128xi32, #tpu.memory_space<vmem>>) semaphore(%arg15 : memref<!tpu.dma_semaphore, #tpu.memory_space<semaphore_mem>>) {add = true}
      %dma_start3A_385 = arith.constant 13 : i32
      %dma_start3A_386 = arith.constant 128 : i32
      %dma_start3A_387 = arith.constant 0 : i32
      %dma_start3A_388 = tpu.memref_slice %arg6[%dma_start3A_386, %dma_start3A_387] : memref<384x64xf32, #tpu.memory_space<vmem>> -> memref<128x64xf32, #tpu.memory_space<vmem>>
      %dma_start3A_389 = arith.constant 0 : i32
      %dma_start3A_390 = tpu.memref_slice %arg10[%dma_start3A_385, %dma_start3A_389] : memref<15x128xi32, #tpu.memory_space<vmem>> -> memref<1x128xi32, #tpu.memory_space<vmem>>
      %dma_start3A_391 = tpu.memref_squeeze %dma_start3A_390 : memref<1x128xi32, #tpu.memory_space<vmem>> -> memref<128xi32, #tpu.memory_space<vmem>>
      %dma_start3A_392 = arith.constant 0 : i32
      %dma_start3A_393 = arith.constant 0 : i32
      %dma_start3A_394 = tpu.memref_slice %arg11[%dma_start3A_392, %dma_start3A_393] : memref<16512x64xf32, #tpu.memory_space<vmem_shared>> -> memref<16512x64xf32, #tpu.memory_space<vmem_shared>>
      tpu.enqueue_indirect_dma source(%dma_start3A_388 : memref<128x64xf32, #tpu.memory_space<vmem>>) target(%dma_start3A_394 : memref<16512x64xf32, #tpu.memory_space<vmem_shared>>) offsets(%dma_start3A_391 : memref<128xi32, #tpu.memory_space<vmem>>) semaphore(%arg15 : memref<!tpu.dma_semaphore, #tpu.memory_space<semaphore_mem>>) {add = true}
      %dma_start3A_395 = arith.constant 14 : i32
      %dma_start3A_396 = arith.constant 256 : i32
      %dma_start3A_397 = arith.constant 0 : i32
      %dma_start3A_398 = tpu.memref_slice %arg6[%dma_start3A_396, %dma_start3A_397] : memref<384x64xf32, #tpu.memory_space<vmem>> -> memref<128x64xf32, #tpu.memory_space<vmem>>
      %dma_start3A_399 = arith.constant 0 : i32
      %dma_start3A_400 = tpu.memref_slice %arg10[%dma_start3A_395, %dma_start3A_399] : memref<15x128xi32, #tpu.memory_space<vmem>> -> memref<1x128xi32, #tpu.memory_space<vmem>>
      %dma_start3A_401 = tpu.memref_squeeze %dma_start3A_400 : memref<1x128xi32, #tpu.memory_space<vmem>> -> memref<128xi32, #tpu.memory_space<vmem>>
      %dma_start3A_402 = arith.constant 0 : i32
      %dma_start3A_403 = arith.constant 0 : i32
      %dma_start3A_404 = tpu.memref_slice %arg11[%dma_start3A_402, %dma_start3A_403] : memref<16512x64xf32, #tpu.memory_space<vmem_shared>> -> memref<16512x64xf32, #tpu.memory_space<vmem_shared>>
      tpu.enqueue_indirect_dma source(%dma_start3A_398 : memref<128x64xf32, #tpu.memory_space<vmem>>) target(%dma_start3A_404 : memref<16512x64xf32, #tpu.memory_space<vmem_shared>>) offsets(%dma_start3A_401 : memref<128xi32, #tpu.memory_space<vmem>>) semaphore(%arg15 : memref<!tpu.dma_semaphore, #tpu.memory_space<semaphore_mem>>) {add = true}
      %dma_wait3A_405 = arith.constant 9 : i32
      %dma_wait3A_406 = arith.constant 0 : i32
      %dma_wait3A_407 = arith.constant 0 : i32
      %dma_wait3A_408 = tpu.memref_slice %arg7[%dma_wait3A_406, %dma_wait3A_407] : memref<384x64xf32, #tpu.memory_space<vmem>> -> memref<128x64xf32, #tpu.memory_space<vmem>>
      %dma_wait3A_409 = arith.constant 0 : i32
      %dma_wait3A_410 = tpu.memref_slice %arg10[%dma_wait3A_405, %dma_wait3A_409] : memref<15x128xi32, #tpu.memory_space<vmem>> -> memref<1x128xi32, #tpu.memory_space<vmem>>
      %dma_wait3A_411 = tpu.memref_squeeze %dma_wait3A_410 : memref<1x128xi32, #tpu.memory_space<vmem>> -> memref<128xi32, #tpu.memory_space<vmem>>
      %dma_wait3A_412 = arith.constant 0 : i32
      %dma_wait3A_413 = arith.constant 0 : i32
      %dma_wait3A_414 = tpu.memref_slice %arg11[%dma_wait3A_412, %dma_wait3A_413] : memref<16512x64xf32, #tpu.memory_space<vmem_shared>> -> memref<16512x64xf32, #tpu.memory_space<vmem_shared>>
      tpu.wait_indirect_dma semaphore(%arg16 : memref<!tpu.dma_semaphore, #tpu.memory_space<semaphore_mem>>) src(%dma_wait3A_408 : memref<128x64xf32, #tpu.memory_space<vmem>>) dst(%dma_wait3A_414 : memref<16512x64xf32, #tpu.memory_space<vmem_shared>>)
      %dma_wait3A_415 = arith.constant 10 : i32
      %dma_wait3A_416 = arith.constant 128 : i32
      %dma_wait3A_417 = arith.constant 0 : i32
      %dma_wait3A_418 = tpu.memref_slice %arg7[%dma_wait3A_416, %dma_wait3A_417] : memref<384x64xf32, #tpu.memory_space<vmem>> -> memref<128x64xf32, #tpu.memory_space<vmem>>
      %dma_wait3A_419 = arith.constant 0 : i32
      %dma_wait3A_420 = tpu.memref_slice %arg10[%dma_wait3A_415, %dma_wait3A_419] : memref<15x128xi32, #tpu.memory_space<vmem>> -> memref<1x128xi32, #tpu.memory_space<vmem>>
      %dma_wait3A_421 = tpu.memref_squeeze %dma_wait3A_420 : memref<1x128xi32, #tpu.memory_space<vmem>> -> memref<128xi32, #tpu.memory_space<vmem>>
      %dma_wait3A_422 = arith.constant 0 : i32
      %dma_wait3A_423 = arith.constant 0 : i32
      %dma_wait3A_424 = tpu.memref_slice %arg11[%dma_wait3A_422, %dma_wait3A_423] : memref<16512x64xf32, #tpu.memory_space<vmem_shared>> -> memref<16512x64xf32, #tpu.memory_space<vmem_shared>>
      tpu.wait_indirect_dma semaphore(%arg16 : memref<!tpu.dma_semaphore, #tpu.memory_space<semaphore_mem>>) src(%dma_wait3A_418 : memref<128x64xf32, #tpu.memory_space<vmem>>) dst(%dma_wait3A_424 : memref<16512x64xf32, #tpu.memory_space<vmem_shared>>)
      %dma_wait3A_425 = arith.constant 11 : i32
      %dma_wait3A_426 = arith.constant 256 : i32
      %dma_wait3A_427 = arith.constant 0 : i32
      %dma_wait3A_428 = tpu.memref_slice %arg7[%dma_wait3A_426, %dma_wait3A_427] : memref<384x64xf32, #tpu.memory_space<vmem>> -> memref<128x64xf32, #tpu.memory_space<vmem>>
      %dma_wait3A_429 = arith.constant 0 : i32
      %dma_wait3A_430 = tpu.memref_slice %arg10[%dma_wait3A_425, %dma_wait3A_429] : memref<15x128xi32, #tpu.memory_space<vmem>> -> memref<1x128xi32, #tpu.memory_space<vmem>>
      %dma_wait3A_431 = tpu.memref_squeeze %dma_wait3A_430 : memref<1x128xi32, #tpu.memory_space<vmem>> -> memref<128xi32, #tpu.memory_space<vmem>>
      %dma_wait3A_432 = arith.constant 0 : i32
      %dma_wait3A_433 = arith.constant 0 : i32
      %dma_wait3A_434 = tpu.memref_slice %arg11[%dma_wait3A_432, %dma_wait3A_433] : memref<16512x64xf32, #tpu.memory_space<vmem_shared>> -> memref<16512x64xf32, #tpu.memory_space<vmem_shared>>
      tpu.wait_indirect_dma semaphore(%arg16 : memref<!tpu.dma_semaphore, #tpu.memory_space<semaphore_mem>>) src(%dma_wait3A_428 : memref<128x64xf32, #tpu.memory_space<vmem>>) dst(%dma_wait3A_434 : memref<16512x64xf32, #tpu.memory_space<vmem_shared>>)
      %dma_wait3A_435 = arith.constant 12 : i32
      %dma_wait3A_436 = arith.constant 0 : i32
      %dma_wait3A_437 = arith.constant 0 : i32
      %dma_wait3A_438 = tpu.memref_slice %arg6[%dma_wait3A_436, %dma_wait3A_437] : memref<384x64xf32, #tpu.memory_space<vmem>> -> memref<128x64xf32, #tpu.memory_space<vmem>>
      %dma_wait3A_439 = arith.constant 0 : i32
      %dma_wait3A_440 = tpu.memref_slice %arg10[%dma_wait3A_435, %dma_wait3A_439] : memref<15x128xi32, #tpu.memory_space<vmem>> -> memref<1x128xi32, #tpu.memory_space<vmem>>
      %dma_wait3A_441 = tpu.memref_squeeze %dma_wait3A_440 : memref<1x128xi32, #tpu.memory_space<vmem>> -> memref<128xi32, #tpu.memory_space<vmem>>
      %dma_wait3A_442 = arith.constant 0 : i32
      %dma_wait3A_443 = arith.constant 0 : i32
      %dma_wait3A_444 = tpu.memref_slice %arg11[%dma_wait3A_442, %dma_wait3A_443] : memref<16512x64xf32, #tpu.memory_space<vmem_shared>> -> memref<16512x64xf32, #tpu.memory_space<vmem_shared>>
      tpu.wait_indirect_dma semaphore(%arg15 : memref<!tpu.dma_semaphore, #tpu.memory_space<semaphore_mem>>) src(%dma_wait3A_438 : memref<128x64xf32, #tpu.memory_space<vmem>>) dst(%dma_wait3A_444 : memref<16512x64xf32, #tpu.memory_space<vmem_shared>>)
      %dma_wait3A_445 = arith.constant 13 : i32
      %dma_wait3A_446 = arith.constant 128 : i32
      %dma_wait3A_447 = arith.constant 0 : i32
      %dma_wait3A_448 = tpu.memref_slice %arg6[%dma_wait3A_446, %dma_wait3A_447] : memref<384x64xf32, #tpu.memory_space<vmem>> -> memref<128x64xf32, #tpu.memory_space<vmem>>
      %dma_wait3A_449 = arith.constant 0 : i32
      %dma_wait3A_450 = tpu.memref_slice %arg10[%dma_wait3A_445, %dma_wait3A_449] : memref<15x128xi32, #tpu.memory_space<vmem>> -> memref<1x128xi32, #tpu.memory_space<vmem>>
      %dma_wait3A_451 = tpu.memref_squeeze %dma_wait3A_450 : memref<1x128xi32, #tpu.memory_space<vmem>> -> memref<128xi32, #tpu.memory_space<vmem>>
      %dma_wait3A_452 = arith.constant 0 : i32
      %dma_wait3A_453 = arith.constant 0 : i32
      %dma_wait3A_454 = tpu.memref_slice %arg11[%dma_wait3A_452, %dma_wait3A_453] : memref<16512x64xf32, #tpu.memory_space<vmem_shared>> -> memref<16512x64xf32, #tpu.memory_space<vmem_shared>>
      tpu.wait_indirect_dma semaphore(%arg15 : memref<!tpu.dma_semaphore, #tpu.memory_space<semaphore_mem>>) src(%dma_wait3A_448 : memref<128x64xf32, #tpu.memory_space<vmem>>) dst(%dma_wait3A_454 : memref<16512x64xf32, #tpu.memory_space<vmem_shared>>)
      %dma_wait3A_455 = arith.constant 14 : i32
      %dma_wait3A_456 = arith.constant 256 : i32
      %dma_wait3A_457 = arith.constant 0 : i32
      %dma_wait3A_458 = tpu.memref_slice %arg6[%dma_wait3A_456, %dma_wait3A_457] : memref<384x64xf32, #tpu.memory_space<vmem>> -> memref<128x64xf32, #tpu.memory_space<vmem>>
      %dma_wait3A_459 = arith.constant 0 : i32
      %dma_wait3A_460 = tpu.memref_slice %arg10[%dma_wait3A_455, %dma_wait3A_459] : memref<15x128xi32, #tpu.memory_space<vmem>> -> memref<1x128xi32, #tpu.memory_space<vmem>>
      %dma_wait3A_461 = tpu.memref_squeeze %dma_wait3A_460 : memref<1x128xi32, #tpu.memory_space<vmem>> -> memref<128xi32, #tpu.memory_space<vmem>>
      %dma_wait3A_462 = arith.constant 0 : i32
      %dma_wait3A_463 = arith.constant 0 : i32
      %dma_wait3A_464 = tpu.memref_slice %arg11[%dma_wait3A_462, %dma_wait3A_463] : memref<16512x64xf32, #tpu.memory_space<vmem_shared>> -> memref<16512x64xf32, #tpu.memory_space<vmem_shared>>
      tpu.wait_indirect_dma semaphore(%arg15 : memref<!tpu.dma_semaphore, #tpu.memory_space<semaphore_mem>>) src(%dma_wait3A_458 : memref<128x64xf32, #tpu.memory_space<vmem>>) dst(%dma_wait3A_464 : memref<16512x64xf32, #tpu.memory_space<vmem_shared>>)
      %barrier3A_465 = arith.constant 0 : index
      tpu.barrier barrier_id(%barrier3A_465)
      %mul3A_466 = arith.constant 1024 : i32
      %mul3A_467 = arith.muli %arg1, %mul3A_466 : i32
      %mul3A_468 = arith.constant 1024 : i32
      %mul3A_469 = arith.muli %arg1, %mul3A_468 : i32
      %add3A_470 = arith.addi %add3A, %mul3A_469 : i32
      "tpu.region"() ({
        %run_scoped3A = tpu.sem_alloc : memref<!tpu.dma_semaphore, #tpu.memory_space<semaphore_mem>>
        %dma_start3A_472 = arith.constant 0 : i32
        %dma_start3A_473 = tpu.memref_slice %arg5[%add3A_470, %dma_start3A_472] : memref<65536x128xf32, #tpu.memory_space<hbm>> -> memref<1024x64xf32, #tpu.memory_space<hbm>>
        %dma_start3A_474 = arith.constant 0 : i32
        %dma_start3A_475 = tpu.memref_slice %arg11[%mul3A_467, %dma_start3A_474] : memref<16512x64xf32, #tpu.memory_space<vmem_shared>> -> memref<1024x64xf32, #tpu.memory_space<vmem_shared>>
        tpu.enqueue_dma source(%dma_start3A_475 : memref<1024x64xf32, #tpu.memory_space<vmem_shared>>) target(%dma_start3A_473 : memref<1024x64xf32, #tpu.memory_space<hbm>>) target_semaphore(%run_scoped3A : memref<!tpu.dma_semaphore, #tpu.memory_space<semaphore_mem>>)
        %dma_wait3A_476 = arith.constant 0 : i32
        %dma_wait3A_477 = tpu.memref_slice %arg5[%add3A_470, %dma_wait3A_476] : memref<65536x128xf32, #tpu.memory_space<hbm>> -> memref<1024x64xf32, #tpu.memory_space<hbm>>
        %dma_wait3A_478 = arith.constant 0 : i32
        %dma_wait3A_479 = tpu.memref_slice %arg11[%mul3A_467, %dma_wait3A_478] : memref<16512x64xf32, #tpu.memory_space<vmem_shared>> -> memref<1024x64xf32, #tpu.memory_space<vmem_shared>>
        tpu.wait_dma2 semaphore(%run_scoped3A : memref<!tpu.dma_semaphore, #tpu.memory_space<semaphore_mem>>) src(%dma_wait3A_479 : memref<1024x64xf32, #tpu.memory_space<vmem_shared>>) dst(%dma_wait3A_477 : memref<1024x64xf32, #tpu.memory_space<hbm>>)
        tpu.yield
      }) : () -> ()
      %scan3A_471 = arith.constant 0 : i32
      scf.yield %scan3A_471 : i32
    }
    %scan3A_7 = arith.constant 2 : i32
    return
  }
}

#map = affine_map<(d0, d1) -> (0, 0)>
#map1 = affine_map<(d0, d1) -> (0)>
module attributes {stable_mosaic.version = 14 : i64} {
  func.func @body(%arg0: i32, %arg1: i32, %arg2: memref<30000x64xf32, #tpu.memory_space<hbm>>, %arg3: memref<30720xi32, #tpu.memory_space<hbm>>, %arg4: memref<128x64xf32, #tpu.memory_space<hbm>>, %arg5: memref<65536x128xf32, #tpu.memory_space<hbm>>, %arg6: memref<384x64xf32, #tpu.memory_space<vmem>>, %arg7: memref<384x64xf32, #tpu.memory_space<vmem>>, %arg8: memref<128x64xf32, #tpu.memory_space<vmem>>, %arg9: memref<1920xi32, #tpu.memory_space<vmem>>, %arg10: memref<15x128xi32, #tpu.memory_space<vmem>>, %arg11: memref<16512x64xf32, #tpu.memory_space<vmem_shared>>, %arg12: memref<!tpu.dma_semaphore, #tpu.memory_space<semaphore_mem>>, %arg13: memref<!tpu.dma_semaphore, #tpu.memory_space<semaphore_mem>>, %arg14: memref<!tpu.dma_semaphore, #tpu.memory_space<semaphore_mem>>, %arg15: memref<!tpu.dma_semaphore, #tpu.memory_space<semaphore_mem>>, %arg16: memref<!tpu.dma_semaphore, #tpu.memory_space<semaphore_mem>>) attributes {dimension_semantics = [#tpu.dimension_semantics<core_parallel>, #tpu.dimension_semantics<subcore_parallel>], iteration_bounds = array<i64: 2, 16>, scalar_prefetch = 0 : i64, scratch_operands = 11 : i64, tpu.core_type = #tpu.core_type<sc_vector_subcore>, window_params = [{transform_indices = #map}, {transform_indices = #map1}, {transform_indices = #map}, {transform_indices = #map}]} {
    %mul3A = arith.constant 1920 : i32
    %mul3A_0 = arith.muli %arg1, %mul3A : i32
    %eq3A = arith.constant 15 : i32
    %eq3A_1 = arith.cmpi eq, %arg1, %eq3A : i32
    %jit3A = arith.constant 28080 : i32
    %select_n3A = arith.select %eq3A_1, %jit3A, %mul3A_0 : i32
    %multiple_of3A = tpu.assume_multiple %select_n3A, 16 : i32
    "tpu.region"() ({
      %run_scoped3A = tpu.sem_alloc : memref<!tpu.dma_semaphore, #tpu.memory_space<semaphore_mem>>
      %dma_start3A = tpu.memref_slice %arg3[%mul3A_0] : memref<30720xi32, #tpu.memory_space<hbm>> -> memref<1920xi32, #tpu.memory_space<hbm>>
      %dma_start3A_8 = tpu.memref_slice %arg3[%mul3A_0] : memref<30720xi32, #tpu.memory_space<hbm>> -> memref<1920xi32, #tpu.memory_space<hbm>>
      tpu.enqueue_dma source(%dma_start3A_8 : memref<1920xi32, #tpu.memory_space<hbm>>) target(%arg9 : memref<1920xi32, #tpu.memory_space<vmem>>) target_semaphore(%run_scoped3A : memref<!tpu.dma_semaphore, #tpu.memory_space<semaphore_mem>>)
      %dma_wait3A = tpu.memref_slice %arg3[%mul3A_0] : memref<30720xi32, #tpu.memory_space<hbm>> -> memref<1920xi32, #tpu.memory_space<hbm>>
      %dma_wait3A_9 = tpu.memref_slice %arg3[%mul3A_0] : memref<30720xi32, #tpu.memory_space<hbm>> -> memref<1920xi32, #tpu.memory_space<hbm>>
      tpu.wait_dma2 semaphore(%run_scoped3A : memref<!tpu.dma_semaphore, #tpu.memory_space<semaphore_mem>>) src(%dma_wait3A_9 : memref<1920xi32, #tpu.memory_space<hbm>>) dst(%arg9 : memref<1920xi32, #tpu.memory_space<vmem>>)
      tpu.yield
    }) : () -> ()
    "tpu.region"() ({
      %run_scoped3A = tpu.sem_alloc : memref<!tpu.dma_semaphore, #tpu.memory_space<semaphore_mem>>
      tpu.enqueue_dma source(%arg4 : memref<128x64xf32, #tpu.memory_space<hbm>>) target(%arg8 : memref<128x64xf32, #tpu.memory_space<vmem>>) target_semaphore(%run_scoped3A : memref<!tpu.dma_semaphore, #tpu.memory_space<semaphore_mem>>)
      tpu.wait_dma2 semaphore(%run_scoped3A : memref<!tpu.dma_semaphore, #tpu.memory_space<semaphore_mem>>) src(%arg4 : memref<128x64xf32, #tpu.memory_space<hbm>>) dst(%arg8 : memref<128x64xf32, #tpu.memory_space<vmem>>)
      tpu.yield
    }) : () -> ()
    %scan3A = arith.constant 0 : i32
    %scan3A_2 = arith.constant 0 : i32
    %scan3A_3 = arith.constant 2 : i32
    %scan3A_4 = arith.addi %scan3A_2, %scan3A_3 : i32
    %scan3A_5 = arith.constant 1 : i32
    %scan3A_6 = scf.for %scan3A_8 = %scan3A_2 to %scan3A_4 step %scan3A_5 iter_args(%scan3A_9 = %scan3A) -> (i32)  : i32 {
      %mul3A_10 = arith.constant 32768 : i32
      %mul3A_11 = arith.muli %arg0, %mul3A_10 : i32
      %mul3A_12 = arith.constant 16384 : i32
      %mul3A_13 = arith.muli %scan3A_8, %mul3A_12 : i32
      %add3A = arith.addi %mul3A_11, %mul3A_13 : i32
      %add3A_14 = arith.constant 0 : i32
      %add3A_15 = arith.addi %add3A_14, %add3A : i32
      %mul3A_16 = arith.constant 1024 : i32
      %mul3A_17 = arith.muli %arg1, %mul3A_16 : i32
      %add3A_18 = arith.constant 0 : i32
      %add3A_19 = arith.addi %mul3A_17, %add3A_18 : i32
      %dma_start3A = arith.constant 0 : i32
      %dma_start3A_20 = tpu.memref_slice %arg11[%add3A_19, %dma_start3A] : memref<16512x64xf32, #tpu.memory_space<vmem_shared>> -> memref<128x64xf32, #tpu.memory_space<vmem_shared>>
      %dma_start3A_21 = arith.constant 0 : i32
      %dma_start3A_22 = tpu.memref_slice %arg11[%add3A_19, %dma_start3A_21] : memref<16512x64xf32, #tpu.memory_space<vmem_shared>> -> memref<128x64xf32, #tpu.memory_space<vmem_shared>>
      tpu.enqueue_dma source(%arg8 : memref<128x64xf32, #tpu.memory_space<vmem>>) target(%dma_start3A_22 : memref<128x64xf32, #tpu.memory_space<vmem_shared>>) target_semaphore(%arg12 : memref<!tpu.dma_semaphore, #tpu.memory_space<semaphore_mem>>)
      %mul3A_23 = arith.constant 1024 : i32
      %mul3A_24 = arith.muli %arg1, %mul3A_23 : i32
      %add3A_25 = arith.constant 128 : i32
      %add3A_26 = arith.addi %mul3A_24, %add3A_25 : i32
      %dma_start3A_27 = arith.constant 0 : i32
      %dma_start3A_28 = tpu.memref_slice %arg11[%add3A_26, %dma_start3A_27] : memref<16512x64xf32, #tpu.memory_space<vmem_shared>> -> memref<128x64xf32, #tpu.memory_space<vmem_shared>>
      %dma_start3A_29 = arith.constant 0 : i32
      %dma_start3A_30 = tpu.memref_slice %arg11[%add3A_26, %dma_start3A_29] : memref<16512x64xf32, #tpu.memory_space<vmem_shared>> -> memref<128x64xf32, #tpu.memory_space<vmem_shared>>
      tpu.enqueue_dma source(%arg8 : memref<128x64xf32, #tpu.memory_space<vmem>>) target(%dma_start3A_30 : memref<128x64xf32, #tpu.memory_space<vmem_shared>>) target_semaphore(%arg12 : memref<!tpu.dma_semaphore, #tpu.memory_space<semaphore_mem>>)
      %mul3A_31 = arith.constant 1024 : i32
      %mul3A_32 = arith.muli %arg1, %mul3A_31 : i32
      %add3A_33 = arith.constant 256 : i32
      %add3A_34 = arith.addi %mul3A_32, %add3A_33 : i32
      %dma_start3A_35 = arith.constant 0 : i32
      %dma_start3A_36 = tpu.memref_slice %arg11[%add3A_34, %dma_start3A_35] : memref<16512x64xf32, #tpu.memory_space<vmem_shared>> -> memref<128x64xf32, #tpu.memory_space<vmem_shared>>
      %dma_start3A_37 = arith.constant 0 : i32
      %dma_start3A_38 = tpu.memref_slice %arg11[%add3A_34, %dma_start3A_37] : memref<16512x64xf32, #tpu.memory_space<vmem_shared>> -> memref<128x64xf32, #tpu.memory_space<vmem_shared>>
      tpu.enqueue_dma source(%arg8 : memref<128x64xf32, #tpu.memory_space<vmem>>) target(%dma_start3A_38 : memref<128x64xf32, #tpu.memory_space<vmem_shared>>) target_semaphore(%arg12 : memref<!tpu.dma_semaphore, #tpu.memory_space<semaphore_mem>>)
      %mul3A_39 = arith.constant 1024 : i32
      %mul3A_40 = arith.muli %arg1, %mul3A_39 : i32
      %add3A_41 = arith.constant 384 : i32
      %add3A_42 = arith.addi %mul3A_40, %add3A_41 : i32
      %dma_start3A_43 = arith.constant 0 : i32
      %dma_start3A_44 = tpu.memref_slice %arg11[%add3A_42, %dma_start3A_43] : memref<16512x64xf32, #tpu.memory_space<vmem_shared>> -> memref<128x64xf32, #tpu.memory_space<vmem_shared>>
      %dma_start3A_45 = arith.constant 0 : i32
      %dma_start3A_46 = tpu.memref_slice %arg11[%add3A_42, %dma_start3A_45] : memref<16512x64xf32, #tpu.memory_space<vmem_shared>> -> memref<128x64xf32, #tpu.memory_space<vmem_shared>>
      tpu.enqueue_dma source(%arg8 : memref<128x64xf32, #tpu.memory_space<vmem>>) target(%dma_start3A_46 : memref<128x64xf32, #tpu.memory_space<vmem_shared>>) target_semaphore(%arg12 : memref<!tpu.dma_semaphore, #tpu.memory_space<semaphore_mem>>)
      %mul3A_47 = arith.constant 1024 : i32
      %mul3A_48 = arith.muli %arg1, %mul3A_47 : i32
      %add3A_49 = arith.constant 512 : i32
      %add3A_50 = arith.addi %mul3A_48, %add3A_49 : i32
      %dma_start3A_51 = arith.constant 0 : i32
      %dma_start3A_52 = tpu.memref_slice %arg11[%add3A_50, %dma_start3A_51] : memref<16512x64xf32, #tpu.memory_space<vmem_shared>> -> memref<128x64xf32, #tpu.memory_space<vmem_shared>>
      %dma_start3A_53 = arith.constant 0 : i32
      %dma_start3A_54 = tpu.memref_slice %arg11[%add3A_50, %dma_start3A_53] : memref<16512x64xf32, #tpu.memory_space<vmem_shared>> -> memref<128x64xf32, #tpu.memory_space<vmem_shared>>
      tpu.enqueue_dma source(%arg8 : memref<128x64xf32, #tpu.memory_space<vmem>>) target(%dma_start3A_54 : memref<128x64xf32, #tpu.memory_space<vmem_shared>>) target_semaphore(%arg12 : memref<!tpu.dma_semaphore, #tpu.memory_space<semaphore_mem>>)
      %mul3A_55 = arith.constant 1024 : i32
      %mul3A_56 = arith.muli %arg1, %mul3A_55 : i32
      %add3A_57 = arith.constant 640 : i32
      %add3A_58 = arith.addi %mul3A_56, %add3A_57 : i32
      %dma_start3A_59 = arith.constant 0 : i32
      %dma_start3A_60 = tpu.memref_slice %arg11[%add3A_58, %dma_start3A_59] : memref<16512x64xf32, #tpu.memory_space<vmem_shared>> -> memref<128x64xf32, #tpu.memory_space<vmem_shared>>
      %dma_start3A_61 = arith.constant 0 : i32
      %dma_start3A_62 = tpu.memref_slice %arg11[%add3A_58, %dma_start3A_61] : memref<16512x64xf32, #tpu.memory_space<vmem_shared>> -> memref<128x64xf32, #tpu.memory_space<vmem_shared>>
      tpu.enqueue_dma source(%arg8 : memref<128x64xf32, #tpu.memory_space<vmem>>) target(%dma_start3A_62 : memref<128x64xf32, #tpu.memory_space<vmem_shared>>) target_semaphore(%arg12 : memref<!tpu.dma_semaphore, #tpu.memory_space<semaphore_mem>>)
      %mul3A_63 = arith.constant 1024 : i32
      %mul3A_64 = arith.muli %arg1, %mul3A_63 : i32
      %add3A_65 = arith.constant 768 : i32
      %add3A_66 = arith.addi %mul3A_64, %add3A_65 : i32
      %dma_start3A_67 = arith.constant 0 : i32
      %dma_start3A_68 = tpu.memref_slice %arg11[%add3A_66, %dma_start3A_67] : memref<16512x64xf32, #tpu.memory_space<vmem_shared>> -> memref<128x64xf32, #tpu.memory_space<vmem_shared>>
      %dma_start3A_69 = arith.constant 0 : i32
      %dma_start3A_70 = tpu.memref_slice %arg11[%add3A_66, %dma_start3A_69] : memref<16512x64xf32, #tpu.memory_space<vmem_shared>> -> memref<128x64xf32, #tpu.memory_space<vmem_shared>>
      tpu.enqueue_dma source(%arg8 : memref<128x64xf32, #tpu.memory_space<vmem>>) target(%dma_start3A_70 : memref<128x64xf32, #tpu.memory_space<vmem_shared>>) target_semaphore(%arg12 : memref<!tpu.dma_semaphore, #tpu.memory_space<semaphore_mem>>)
      %mul3A_71 = arith.constant 1024 : i32
      %mul3A_72 = arith.muli %arg1, %mul3A_71 : i32
      %add3A_73 = arith.constant 896 : i32
      %add3A_74 = arith.addi %mul3A_72, %add3A_73 : i32
      %dma_start3A_75 = arith.constant 0 : i32
      %dma_start3A_76 = tpu.memref_slice %arg11[%add3A_74, %dma_start3A_75] : memref<16512x64xf32, #tpu.memory_space<vmem_shared>> -> memref<128x64xf32, #tpu.memory_space<vmem_shared>>
      %dma_start3A_77 = arith.constant 0 : i32
      %dma_start3A_78 = tpu.memref_slice %arg11[%add3A_74, %dma_start3A_77] : memref<16512x64xf32, #tpu.memory_space<vmem_shared>> -> memref<128x64xf32, #tpu.memory_space<vmem_shared>>
      tpu.enqueue_dma source(%arg8 : memref<128x64xf32, #tpu.memory_space<vmem>>) target(%dma_start3A_78 : memref<128x64xf32, #tpu.memory_space<vmem_shared>>) target_semaphore(%arg12 : memref<!tpu.dma_semaphore, #tpu.memory_space<semaphore_mem>>)
      %scan3A_79 = arith.constant 0 : i32
      %scan3A_80 = arith.constant 0 : i32
      %scan3A_81 = arith.constant 15 : i32
      %scan3A_82 = arith.addi %scan3A_80, %scan3A_81 : i32
      %scan3A_83 = arith.constant 1 : i32
      %scan3A_84 = scf.for %scan3A_472 = %scan3A_80 to %scan3A_82 step %scan3A_83 iter_args(%scan3A_473 = %scan3A_79) -> (i32)  : i32 {
        %mul3A_474 = arith.constant 128 : i32
        %mul3A_475 = arith.muli %scan3A_472, %mul3A_474 : i32
        %add3A_476 = arith.constant 0 : i32
        %add3A_477 = arith.addi %mul3A_475, %add3A_476 : i32
        %get3A = arith.index_cast %add3A_477 : i32 to index
        %get3A_478 = tpu.vector_load %arg9[%get3A] {strides = array<i32>} : memref<1920xi32, #tpu.memory_space<vmem>>, vector<16xi32>,
        %get3A_479 = vector.shape_cast %get3A_478 : vector<16xi32> to vector<16xi32>
        %sub3A = vector.broadcast %add3A_15 : i32 to vector<16xi32>
        %sub3A_480 = arith.subi %get3A_479, %sub3A : vector<16xi32>
        %ge3A = arith.constant 0 : i32
        %ge3A_481 = vector.broadcast %ge3A : i32 to vector<16xi32>
        %ge3A_482 = arith.cmpi sge, %sub3A_480, %ge3A_481 : vector<16xi32>
        %lt3A = arith.constant 16384 : i32
        %lt3A_483 = vector.broadcast %lt3A : i32 to vector<16xi32>
        %lt3A_484 = arith.cmpi slt, %sub3A_480, %lt3A_483 : vector<16xi32>
        %and3A = arith.andi %ge3A_482, %lt3A_484 : vector<16xi1>
        %and3A_485 = arith.constant 127 : i32
        %and3A_486 = vector.broadcast %and3A_485 : i32 to vector<16xi32>
        %and3A_487 = arith.andi %get3A_479, %and3A_486 : vector<16xi32>
        %add3A_488 = arith.constant 16384 : i32
        %add3A_489 = vector.broadcast %add3A_488 : i32 to vector<16xi32>
        %add3A_490 = arith.addi %add3A_489, %and3A_487 : vector<16xi32>
        %select_n3A_491 = arith.select %and3A, %sub3A_480, %add3A_490 : vector<16xi1>, vector<16xi32>
        %swap3A = arith.index_cast %scan3A_472 : i32 to index
        %swap3A_492 = arith.constant 0 : index
        %swap3A_493 = tpu.vector_load %arg10[%swap3A, %swap3A_492] {strides = array<i32>} : memref<15x128xi32, #tpu.memory_space<vmem>>, vector<1x16xi32>,
        %swap3A_494 = vector.shape_cast %swap3A_493 : vector<1x16xi32> to vector<16xi32>
        %swap3A_495 = vector.shape_cast %select_n3A_491 : vector<16xi32> to vector<1x16xi32>
        tpu.vector_store %arg10[%swap3A, %swap3A_492], %swap3A_495 {strides = array<i32>} : memref<15x128xi32, #tpu.memory_space<vmem>>, vector<1x16xi32>,
        %mul3A_496 = arith.constant 128 : i32
        %mul3A_497 = arith.muli %scan3A_472, %mul3A_496 : i32
        %add3A_498 = arith.constant 16 : i32
        %add3A_499 = arith.addi %mul3A_497, %add3A_498 : i32
        %get3A_500 = arith.index_cast %add3A_499 : i32 to index
        %get3A_501 = tpu.vector_load %arg9[%get3A_500] {strides = array<i32>} : memref<1920xi32, #tpu.memory_space<vmem>>, vector<16xi32>,
        %get3A_502 = vector.shape_cast %get3A_501 : vector<16xi32> to vector<16xi32>
        %sub3A_503 = vector.broadcast %add3A_15 : i32 to vector<16xi32>
        %sub3A_504 = arith.subi %get3A_502, %sub3A_503 : vector<16xi32>
        %ge3A_505 = arith.constant 0 : i32
        %ge3A_506 = vector.broadcast %ge3A_505 : i32 to vector<16xi32>
        %ge3A_507 = arith.cmpi sge, %sub3A_504, %ge3A_506 : vector<16xi32>
        %lt3A_508 = arith.constant 16384 : i32
        %lt3A_509 = vector.broadcast %lt3A_508 : i32 to vector<16xi32>
        %lt3A_510 = arith.cmpi slt, %sub3A_504, %lt3A_509 : vector<16xi32>
        %and3A_511 = arith.andi %ge3A_507, %lt3A_510 : vector<16xi1>
        %and3A_512 = arith.constant 127 : i32
        %and3A_513 = vector.broadcast %and3A_512 : i32 to vector<16xi32>
        %and3A_514 = arith.andi %get3A_502, %and3A_513 : vector<16xi32>
        %add3A_515 = arith.constant 16384 : i32
        %add3A_516 = vector.broadcast %add3A_515 : i32 to vector<16xi32>
        %add3A_517 = arith.addi %add3A_516, %and3A_514 : vector<16xi32>
        %select_n3A_518 = arith.select %and3A_511, %sub3A_504, %add3A_517 : vector<16xi1>, vector<16xi32>
        %swap3A_519 = arith.index_cast %scan3A_472 : i32 to index
        %swap3A_520 = arith.constant 16 : index
        %swap3A_521 = tpu.vector_load %arg10[%swap3A_519, %swap3A_520] {strides = array<i32>} : memref<15x128xi32, #tpu.memory_space<vmem>>, vector<1x16xi32>,
        %swap3A_522 = vector.shape_cast %swap3A_521 : vector<1x16xi32> to vector<16xi32>
        %swap3A_523 = vector.shape_cast %select_n3A_518 : vector<16xi32> to vector<1x16xi32>
        tpu.vector_store %arg10[%swap3A_519, %swap3A_520], %swap3A_523 {strides = array<i32>} : memref<15x128xi32, #tpu.memory_space<vmem>>, vector<1x16xi32>,
        %mul3A_524 = arith.constant 128 : i32
        %mul3A_525 = arith.muli %scan3A_472, %mul3A_524 : i32
        %add3A_526 = arith.constant 32 : i32
        %add3A_527 = arith.addi %mul3A_525, %add3A_526 : i32
        %get3A_528 = arith.index_cast %add3A_527 : i32 to index
        %get3A_529 = tpu.vector_load %arg9[%get3A_528] {strides = array<i32>} : memref<1920xi32, #tpu.memory_space<vmem>>, vector<16xi32>,
        %get3A_530 = vector.shape_cast %get3A_529 : vector<16xi32> to vector<16xi32>
        %sub3A_531 = vector.broadcast %add3A_15 : i32 to vector<16xi32>
        %sub3A_532 = arith.subi %get3A_530, %sub3A_531 : vector<16xi32>
        %ge3A_533 = arith.constant 0 : i32
        %ge3A_534 = vector.broadcast %ge3A_533 : i32 to vector<16xi32>
        %ge3A_535 = arith.cmpi sge, %sub3A_532, %ge3A_534 : vector<16xi32>
        %lt3A_536 = arith.constant 16384 : i32
        %lt3A_537 = vector.broadcast %lt3A_536 : i32 to vector<16xi32>
        %lt3A_538 = arith.cmpi slt, %sub3A_532, %lt3A_537 : vector<16xi32>
        %and3A_539 = arith.andi %ge3A_535, %lt3A_538 : vector<16xi1>
        %and3A_540 = arith.constant 127 : i32
        %and3A_541 = vector.broadcast %and3A_540 : i32 to vector<16xi32>
        %and3A_542 = arith.andi %get3A_530, %and3A_541 : vector<16xi32>
        %add3A_543 = arith.constant 16384 : i32
        %add3A_544 = vector.broadcast %add3A_543 : i32 to vector<16xi32>
        %add3A_545 = arith.addi %add3A_544, %and3A_542 : vector<16xi32>
        %select_n3A_546 = arith.select %and3A_539, %sub3A_532, %add3A_545 : vector<16xi1>, vector<16xi32>
        %swap3A_547 = arith.index_cast %scan3A_472 : i32 to index
        %swap3A_548 = arith.constant 32 : index
        %swap3A_549 = tpu.vector_load %arg10[%swap3A_547, %swap3A_548] {strides = array<i32>} : memref<15x128xi32, #tpu.memory_space<vmem>>, vector<1x16xi32>,
        %swap3A_550 = vector.shape_cast %swap3A_549 : vector<1x16xi32> to vector<16xi32>
        %swap3A_551 = vector.shape_cast %select_n3A_546 : vector<16xi32> to vector<1x16xi32>
        tpu.vector_store %arg10[%swap3A_547, %swap3A_548], %swap3A_551 {strides = array<i32>} : memref<15x128xi32, #tpu.memory_space<vmem>>, vector<1x16xi32>,
        %mul3A_552 = arith.constant 128 : i32
        %mul3A_553 = arith.muli %scan3A_472, %mul3A_552 : i32
        %add3A_554 = arith.constant 48 : i32
        %add3A_555 = arith.addi %mul3A_553, %add3A_554 : i32
        %get3A_556 = arith.index_cast %add3A_555 : i32 to index
        %get3A_557 = tpu.vector_load %arg9[%get3A_556] {strides = array<i32>} : memref<1920xi32, #tpu.memory_space<vmem>>, vector<16xi32>,
        %get3A_558 = vector.shape_cast %get3A_557 : vector<16xi32> to vector<16xi32>
        %sub3A_559 = vector.broadcast %add3A_15 : i32 to vector<16xi32>
        %sub3A_560 = arith.subi %get3A_558, %sub3A_559 : vector<16xi32>
        %ge3A_561 = arith.constant 0 : i32
        %ge3A_562 = vector.broadcast %ge3A_561 : i32 to vector<16xi32>
        %ge3A_563 = arith.cmpi sge, %sub3A_560, %ge3A_562 : vector<16xi32>
        %lt3A_564 = arith.constant 16384 : i32
        %lt3A_565 = vector.broadcast %lt3A_564 : i32 to vector<16xi32>
        %lt3A_566 = arith.cmpi slt, %sub3A_560, %lt3A_565 : vector<16xi32>
        %and3A_567 = arith.andi %ge3A_563, %lt3A_566 : vector<16xi1>
        %and3A_568 = arith.constant 127 : i32
        %and3A_569 = vector.broadcast %and3A_568 : i32 to vector<16xi32>
        %and3A_570 = arith.andi %get3A_558, %and3A_569 : vector<16xi32>
        %add3A_571 = arith.constant 16384 : i32
        %add3A_572 = vector.broadcast %add3A_571 : i32 to vector<16xi32>
        %add3A_573 = arith.addi %add3A_572, %and3A_570 : vector<16xi32>
        %select_n3A_574 = arith.select %and3A_567, %sub3A_560, %add3A_573 : vector<16xi1>, vector<16xi32>
        %swap3A_575 = arith.index_cast %scan3A_472 : i32 to index
        %swap3A_576 = arith.constant 48 : index
        %swap3A_577 = tpu.vector_load %arg10[%swap3A_575, %swap3A_576] {strides = array<i32>} : memref<15x128xi32, #tpu.memory_space<vmem>>, vector<1x16xi32>,
        %swap3A_578 = vector.shape_cast %swap3A_577 : vector<1x16xi32> to vector<16xi32>
        %swap3A_579 = vector.shape_cast %select_n3A_574 : vector<16xi32> to vector<1x16xi32>
        tpu.vector_store %arg10[%swap3A_575, %swap3A_576], %swap3A_579 {strides = array<i32>} : memref<15x128xi32, #tpu.memory_space<vmem>>, vector<1x16xi32>,
        %mul3A_580 = arith.constant 128 : i32
        %mul3A_581 = arith.muli %scan3A_472, %mul3A_580 : i32
        %add3A_582 = arith.constant 64 : i32
        %add3A_583 = arith.addi %mul3A_581, %add3A_582 : i32
        %get3A_584 = arith.index_cast %add3A_583 : i32 to index
        %get3A_585 = tpu.vector_load %arg9[%get3A_584] {strides = array<i32>} : memref<1920xi32, #tpu.memory_space<vmem>>, vector<16xi32>,
        %get3A_586 = vector.shape_cast %get3A_585 : vector<16xi32> to vector<16xi32>
        %sub3A_587 = vector.broadcast %add3A_15 : i32 to vector<16xi32>
        %sub3A_588 = arith.subi %get3A_586, %sub3A_587 : vector<16xi32>
        %ge3A_589 = arith.constant 0 : i32
        %ge3A_590 = vector.broadcast %ge3A_589 : i32 to vector<16xi32>
        %ge3A_591 = arith.cmpi sge, %sub3A_588, %ge3A_590 : vector<16xi32>
        %lt3A_592 = arith.constant 16384 : i32
        %lt3A_593 = vector.broadcast %lt3A_592 : i32 to vector<16xi32>
        %lt3A_594 = arith.cmpi slt, %sub3A_588, %lt3A_593 : vector<16xi32>
        %and3A_595 = arith.andi %ge3A_591, %lt3A_594 : vector<16xi1>
        %and3A_596 = arith.constant 127 : i32
        %and3A_597 = vector.broadcast %and3A_596 : i32 to vector<16xi32>
        %and3A_598 = arith.andi %get3A_586, %and3A_597 : vector<16xi32>
        %add3A_599 = arith.constant 16384 : i32
        %add3A_600 = vector.broadcast %add3A_599 : i32 to vector<16xi32>
        %add3A_601 = arith.addi %add3A_600, %and3A_598 : vector<16xi32>
        %select_n3A_602 = arith.select %and3A_595, %sub3A_588, %add3A_601 : vector<16xi1>, vector<16xi32>
        %swap3A_603 = arith.index_cast %scan3A_472 : i32 to index
        %swap3A_604 = arith.constant 64 : index
        %swap3A_605 = tpu.vector_load %arg10[%swap3A_603, %swap3A_604] {strides = array<i32>} : memref<15x128xi32, #tpu.memory_space<vmem>>, vector<1x16xi32>,
        %swap3A_606 = vector.shape_cast %swap3A_605 : vector<1x16xi32> to vector<16xi32>
        %swap3A_607 = vector.shape_cast %select_n3A_602 : vector<16xi32> to vector<1x16xi32>
        tpu.vector_store %arg10[%swap3A_603, %swap3A_604], %swap3A_607 {strides = array<i32>} : memref<15x128xi32, #tpu.memory_space<vmem>>, vector<1x16xi32>,
        %mul3A_608 = arith.constant 128 : i32
        %mul3A_609 = arith.muli %scan3A_472, %mul3A_608 : i32
        %add3A_610 = arith.constant 80 : i32
        %add3A_611 = arith.addi %mul3A_609, %add3A_610 : i32
        %get3A_612 = arith.index_cast %add3A_611 : i32 to index
        %get3A_613 = tpu.vector_load %arg9[%get3A_612] {strides = array<i32>} : memref<1920xi32, #tpu.memory_space<vmem>>, vector<16xi32>,
        %get3A_614 = vector.shape_cast %get3A_613 : vector<16xi32> to vector<16xi32>
        %sub3A_615 = vector.broadcast %add3A_15 : i32 to vector<16xi32>
        %sub3A_616 = arith.subi %get3A_614, %sub3A_615 : vector<16xi32>
        %ge3A_617 = arith.constant 0 : i32
        %ge3A_618 = vector.broadcast %ge3A_617 : i32 to vector<16xi32>
        %ge3A_619 = arith.cmpi sge, %sub3A_616, %ge3A_618 : vector<16xi32>
        %lt3A_620 = arith.constant 16384 : i32
        %lt3A_621 = vector.broadcast %lt3A_620 : i32 to vector<16xi32>
        %lt3A_622 = arith.cmpi slt, %sub3A_616, %lt3A_621 : vector<16xi32>
        %and3A_623 = arith.andi %ge3A_619, %lt3A_622 : vector<16xi1>
        %and3A_624 = arith.constant 127 : i32
        %and3A_625 = vector.broadcast %and3A_624 : i32 to vector<16xi32>
        %and3A_626 = arith.andi %get3A_614, %and3A_625 : vector<16xi32>
        %add3A_627 = arith.constant 16384 : i32
        %add3A_628 = vector.broadcast %add3A_627 : i32 to vector<16xi32>
        %add3A_629 = arith.addi %add3A_628, %and3A_626 : vector<16xi32>
        %select_n3A_630 = arith.select %and3A_623, %sub3A_616, %add3A_629 : vector<16xi1>, vector<16xi32>
        %swap3A_631 = arith.index_cast %scan3A_472 : i32 to index
        %swap3A_632 = arith.constant 80 : index
        %swap3A_633 = tpu.vector_load %arg10[%swap3A_631, %swap3A_632] {strides = array<i32>} : memref<15x128xi32, #tpu.memory_space<vmem>>, vector<1x16xi32>,
        %swap3A_634 = vector.shape_cast %swap3A_633 : vector<1x16xi32> to vector<16xi32>
        %swap3A_635 = vector.shape_cast %select_n3A_630 : vector<16xi32> to vector<1x16xi32>
        tpu.vector_store %arg10[%swap3A_631, %swap3A_632], %swap3A_635 {strides = array<i32>} : memref<15x128xi32, #tpu.memory_space<vmem>>, vector<1x16xi32>,
        %mul3A_636 = arith.constant 128 : i32
        %mul3A_637 = arith.muli %scan3A_472, %mul3A_636 : i32
        %add3A_638 = arith.constant 96 : i32
        %add3A_639 = arith.addi %mul3A_637, %add3A_638 : i32
        %get3A_640 = arith.index_cast %add3A_639 : i32 to index
        %get3A_641 = tpu.vector_load %arg9[%get3A_640] {strides = array<i32>} : memref<1920xi32, #tpu.memory_space<vmem>>, vector<16xi32>,
        %get3A_642 = vector.shape_cast %get3A_641 : vector<16xi32> to vector<16xi32>
        %sub3A_643 = vector.broadcast %add3A_15 : i32 to vector<16xi32>
        %sub3A_644 = arith.subi %get3A_642, %sub3A_643 : vector<16xi32>
        %ge3A_645 = arith.constant 0 : i32
        %ge3A_646 = vector.broadcast %ge3A_645 : i32 to vector<16xi32>
        %ge3A_647 = arith.cmpi sge, %sub3A_644, %ge3A_646 : vector<16xi32>
        %lt3A_648 = arith.constant 16384 : i32
        %lt3A_649 = vector.broadcast %lt3A_648 : i32 to vector<16xi32>
        %lt3A_650 = arith.cmpi slt, %sub3A_644, %lt3A_649 : vector<16xi32>
        %and3A_651 = arith.andi %ge3A_647, %lt3A_650 : vector<16xi1>
        %and3A_652 = arith.constant 127 : i32
        %and3A_653 = vector.broadcast %and3A_652 : i32 to vector<16xi32>
        %and3A_654 = arith.andi %get3A_642, %and3A_653 : vector<16xi32>
        %add3A_655 = arith.constant 16384 : i32
        %add3A_656 = vector.broadcast %add3A_655 : i32 to vector<16xi32>
        %add3A_657 = arith.addi %add3A_656, %and3A_654 : vector<16xi32>
        %select_n3A_658 = arith.select %and3A_651, %sub3A_644, %add3A_657 : vector<16xi1>, vector<16xi32>
        %swap3A_659 = arith.index_cast %scan3A_472 : i32 to index
        %swap3A_660 = arith.constant 96 : index
        %swap3A_661 = tpu.vector_load %arg10[%swap3A_659, %swap3A_660] {strides = array<i32>} : memref<15x128xi32, #tpu.memory_space<vmem>>, vector<1x16xi32>,
        %swap3A_662 = vector.shape_cast %swap3A_661 : vector<1x16xi32> to vector<16xi32>
        %swap3A_663 = vector.shape_cast %select_n3A_658 : vector<16xi32> to vector<1x16xi32>
        tpu.vector_store %arg10[%swap3A_659, %swap3A_660], %swap3A_663 {strides = array<i32>} : memref<15x128xi32, #tpu.memory_space<vmem>>, vector<1x16xi32>,
        %mul3A_664 = arith.constant 128 : i32
        %mul3A_665 = arith.muli %scan3A_472, %mul3A_664 : i32
        %add3A_666 = arith.constant 112 : i32
        %add3A_667 = arith.addi %mul3A_665, %add3A_666 : i32
        %get3A_668 = arith.index_cast %add3A_667 : i32 to index
        %get3A_669 = tpu.vector_load %arg9[%get3A_668] {strides = array<i32>} : memref<1920xi32, #tpu.memory_space<vmem>>, vector<16xi32>,
        %get3A_670 = vector.shape_cast %get3A_669 : vector<16xi32> to vector<16xi32>
        %sub3A_671 = vector.broadcast %add3A_15 : i32 to vector<16xi32>
        %sub3A_672 = arith.subi %get3A_670, %sub3A_671 : vector<16xi32>
        %ge3A_673 = arith.constant 0 : i32
        %ge3A_674 = vector.broadcast %ge3A_673 : i32 to vector<16xi32>
        %ge3A_675 = arith.cmpi sge, %sub3A_672, %ge3A_674 : vector<16xi32>
        %lt3A_676 = arith.constant 16384 : i32
        %lt3A_677 = vector.broadcast %lt3A_676 : i32 to vector<16xi32>
        %lt3A_678 = arith.cmpi slt, %sub3A_672, %lt3A_677 : vector<16xi32>
        %and3A_679 = arith.andi %ge3A_675, %lt3A_678 : vector<16xi1>
        %and3A_680 = arith.constant 127 : i32
        %and3A_681 = vector.broadcast %and3A_680 : i32 to vector<16xi32>
        %and3A_682 = arith.andi %get3A_670, %and3A_681 : vector<16xi32>
        %add3A_683 = arith.constant 16384 : i32
        %add3A_684 = vector.broadcast %add3A_683 : i32 to vector<16xi32>
        %add3A_685 = arith.addi %add3A_684, %and3A_682 : vector<16xi32>
        %select_n3A_686 = arith.select %and3A_679, %sub3A_672, %add3A_685 : vector<16xi1>, vector<16xi32>
        %swap3A_687 = arith.index_cast %scan3A_472 : i32 to index
        %swap3A_688 = arith.constant 112 : index
        %swap3A_689 = tpu.vector_load %arg10[%swap3A_687, %swap3A_688] {strides = array<i32>} : memref<15x128xi32, #tpu.memory_space<vmem>>, vector<1x16xi32>,
        %swap3A_690 = vector.shape_cast %swap3A_689 : vector<1x16xi32> to vector<16xi32>
        %swap3A_691 = vector.shape_cast %select_n3A_686 : vector<16xi32> to vector<1x16xi32>
        tpu.vector_store %arg10[%swap3A_687, %swap3A_688], %swap3A_691 {strides = array<i32>} : memref<15x128xi32, #tpu.memory_space<vmem>>, vector<1x16xi32>,
        %scan3A_692 = arith.constant 0 : i32
        scf.yield %scan3A_692 : i32
      }
      %scan3A_85 = arith.constant 15 : i32
      %dma_wait3A = arith.constant 0 : i32
      %dma_wait3A_86 = tpu.memref_slice %arg11[%add3A_19, %dma_wait3A] : memref<16512x64xf32, #tpu.memory_space<vmem_shared>> -> memref<128x64xf32, #tpu.memory_space<vmem_shared>>
      %dma_wait3A_87 = arith.constant 0 : i32
      %dma_wait3A_88 = tpu.memref_slice %arg11[%add3A_19, %dma_wait3A_87] : memref<16512x64xf32, #tpu.memory_space<vmem_shared>> -> memref<128x64xf32, #tpu.memory_space<vmem_shared>>
      tpu.wait_dma2 semaphore(%arg12 : memref<!tpu.dma_semaphore, #tpu.memory_space<semaphore_mem>>) src(%arg8 : memref<128x64xf32, #tpu.memory_space<vmem>>) dst(%dma_wait3A_88 : memref<128x64xf32, #tpu.memory_space<vmem_shared>>)
      %dma_wait3A_89 = arith.constant 0 : i32
      %dma_wait3A_90 = tpu.memref_slice %arg11[%add3A_26, %dma_wait3A_89] : memref<16512x64xf32, #tpu.memory_space<vmem_shared>> -> memref<128x64xf32, #tpu.memory_space<vmem_shared>>
      %dma_wait3A_91 = arith.constant 0 : i32
      %dma_wait3A_92 = tpu.memref_slice %arg11[%add3A_26, %dma_wait3A_91] : memref<16512x64xf32, #tpu.memory_space<vmem_shared>> -> memref<128x64xf32, #tpu.memory_space<vmem_shared>>
      tpu.wait_dma2 semaphore(%arg12 : memref<!tpu.dma_semaphore, #tpu.memory_space<semaphore_mem>>) src(%arg8 : memref<128x64xf32, #tpu.memory_space<vmem>>) dst(%dma_wait3A_92 : memref<128x64xf32, #tpu.memory_space<vmem_shared>>)
      %dma_wait3A_93 = arith.constant 0 : i32
      %dma_wait3A_94 = tpu.memref_slice %arg11[%add3A_34, %dma_wait3A_93] : memref<16512x64xf32, #tpu.memory_space<vmem_shared>> -> memref<128x64xf32, #tpu.memory_space<vmem_shared>>
      %dma_wait3A_95 = arith.constant 0 : i32
      %dma_wait3A_96 = tpu.memref_slice %arg11[%add3A_34, %dma_wait3A_95] : memref<16512x64xf32, #tpu.memory_space<vmem_shared>> -> memref<128x64xf32, #tpu.memory_space<vmem_shared>>
      tpu.wait_dma2 semaphore(%arg12 : memref<!tpu.dma_semaphore, #tpu.memory_space<semaphore_mem>>) src(%arg8 : memref<128x64xf32, #tpu.memory_space<vmem>>) dst(%dma_wait3A_96 : memref<128x64xf32, #tpu.memory_space<vmem_shared>>)
      %dma_wait3A_97 = arith.constant 0 : i32
      %dma_wait3A_98 = tpu.memref_slice %arg11[%add3A_42, %dma_wait3A_97] : memref<16512x64xf32, #tpu.memory_space<vmem_shared>> -> memref<128x64xf32, #tpu.memory_space<vmem_shared>>
      %dma_wait3A_99 = arith.constant 0 : i32
      %dma_wait3A_100 = tpu.memref_slice %arg11[%add3A_42, %dma_wait3A_99] : memref<16512x64xf32, #tpu.memory_space<vmem_shared>> -> memref<128x64xf32, #tpu.memory_space<vmem_shared>>
      tpu.wait_dma2 semaphore(%arg12 : memref<!tpu.dma_semaphore, #tpu.memory_space<semaphore_mem>>) src(%arg8 : memref<128x64xf32, #tpu.memory_space<vmem>>) dst(%dma_wait3A_100 : memref<128x64xf32, #tpu.memory_space<vmem_shared>>)
      %dma_wait3A_101 = arith.constant 0 : i32
      %dma_wait3A_102 = tpu.memref_slice %arg11[%add3A_50, %dma_wait3A_101] : memref<16512x64xf32, #tpu.memory_space<vmem_shared>> -> memref<128x64xf32, #tpu.memory_space<vmem_shared>>
      %dma_wait3A_103 = arith.constant 0 : i32
      %dma_wait3A_104 = tpu.memref_slice %arg11[%add3A_50, %dma_wait3A_103] : memref<16512x64xf32, #tpu.memory_space<vmem_shared>> -> memref<128x64xf32, #tpu.memory_space<vmem_shared>>
      tpu.wait_dma2 semaphore(%arg12 : memref<!tpu.dma_semaphore, #tpu.memory_space<semaphore_mem>>) src(%arg8 : memref<128x64xf32, #tpu.memory_space<vmem>>) dst(%dma_wait3A_104 : memref<128x64xf32, #tpu.memory_space<vmem_shared>>)
      %dma_wait3A_105 = arith.constant 0 : i32
      %dma_wait3A_106 = tpu.memref_slice %arg11[%add3A_58, %dma_wait3A_105] : memref<16512x64xf32, #tpu.memory_space<vmem_shared>> -> memref<128x64xf32, #tpu.memory_space<vmem_shared>>
      %dma_wait3A_107 = arith.constant 0 : i32
      %dma_wait3A_108 = tpu.memref_slice %arg11[%add3A_58, %dma_wait3A_107] : memref<16512x64xf32, #tpu.memory_space<vmem_shared>> -> memref<128x64xf32, #tpu.memory_space<vmem_shared>>
      tpu.wait_dma2 semaphore(%arg12 : memref<!tpu.dma_semaphore, #tpu.memory_space<semaphore_mem>>) src(%arg8 : memref<128x64xf32, #tpu.memory_space<vmem>>) dst(%dma_wait3A_108 : memref<128x64xf32, #tpu.memory_space<vmem_shared>>)
      %dma_wait3A_109 = arith.constant 0 : i32
      %dma_wait3A_110 = tpu.memref_slice %arg11[%add3A_66, %dma_wait3A_109] : memref<16512x64xf32, #tpu.memory_space<vmem_shared>> -> memref<128x64xf32, #tpu.memory_space<vmem_shared>>
      %dma_wait3A_111 = arith.constant 0 : i32
      %dma_wait3A_112 = tpu.memref_slice %arg11[%add3A_66, %dma_wait3A_111] : memref<16512x64xf32, #tpu.memory_space<vmem_shared>> -> memref<128x64xf32, #tpu.memory_space<vmem_shared>>
      tpu.wait_dma2 semaphore(%arg12 : memref<!tpu.dma_semaphore, #tpu.memory_space<semaphore_mem>>) src(%arg8 : memref<128x64xf32, #tpu.memory_space<vmem>>) dst(%dma_wait3A_112 : memref<128x64xf32, #tpu.memory_space<vmem_shared>>)
      %dma_wait3A_113 = arith.constant 0 : i32
      %dma_wait3A_114 = tpu.memref_slice %arg11[%add3A_74, %dma_wait3A_113] : memref<16512x64xf32, #tpu.memory_space<vmem_shared>> -> memref<128x64xf32, #tpu.memory_space<vmem_shared>>
      %dma_wait3A_115 = arith.constant 0 : i32
      %dma_wait3A_116 = tpu.memref_slice %arg11[%add3A_74, %dma_wait3A_115] : memref<16512x64xf32, #tpu.memory_space<vmem_shared>> -> memref<128x64xf32, #tpu.memory_space<vmem_shared>>
      tpu.wait_dma2 semaphore(%arg12 : memref<!tpu.dma_semaphore, #tpu.memory_space<semaphore_mem>>) src(%arg8 : memref<128x64xf32, #tpu.memory_space<vmem>>) dst(%dma_wait3A_116 : memref<128x64xf32, #tpu.memory_space<vmem_shared>>)
      %barrier3A = arith.constant 0 : index
      tpu.barrier barrier_id(%barrier3A)
      %dma_start3A_117 = arith.constant 0 : i32
      %dma_start3A_118 = tpu.memref_slice %arg2[%multiple_of3A, %dma_start3A_117] : memref<30000x64xf32, #tpu.memory_space<hbm>> -> memref<384x64xf32, #tpu.memory_space<hbm>>
      %dma_start3A_119 = arith.constant 0 : i32
      %dma_start3A_120 = tpu.memref_slice %arg2[%multiple_of3A, %dma_start3A_119] : memref<30000x64xf32, #tpu.memory_space<hbm>> -> memref<384x64xf32, #tpu.memory_space<hbm>>
      tpu.enqueue_dma source(%dma_start3A_120 : memref<384x64xf32, #tpu.memory_space<hbm>>) target(%arg6 : memref<384x64xf32, #tpu.memory_space<vmem>>) target_semaphore(%arg13 : memref<!tpu.dma_semaphore, #tpu.memory_space<semaphore_mem>>)
      %dma_wait3A_121 = arith.constant 0 : i32
      %dma_wait3A_122 = tpu.memref_slice %arg2[%multiple_of3A, %dma_wait3A_121] : memref<30000x64xf32, #tpu.memory_space<hbm>> -> memref<384x64xf32, #tpu.memory_space<hbm>>
      %dma_wait3A_123 = arith.constant 0 : i32
      %dma_wait3A_124 = tpu.memref_slice %arg2[%multiple_of3A, %dma_wait3A_123] : memref<30000x64xf32, #tpu.memory_space<hbm>> -> memref<384x64xf32, #tpu.memory_space<hbm>>
      tpu.wait_dma2 semaphore(%arg13 : memref<!tpu.dma_semaphore, #tpu.memory_space<semaphore_mem>>) src(%dma_wait3A_124 : memref<384x64xf32, #tpu.memory_space<hbm>>) dst(%arg6 : memref<384x64xf32, #tpu.memory_space<vmem>>)
      %add3A_125 = arith.constant 384 : i32
      %add3A_126 = arith.addi %multiple_of3A, %add3A_125 : i32
      %dma_start3A_127 = arith.constant 0 : i32
      %dma_start3A_128 = tpu.memref_slice %arg2[%add3A_126, %dma_start3A_127] : memref<30000x64xf32, #tpu.memory_space<hbm>> -> memref<384x64xf32, #tpu.memory_space<hbm>>
      %dma_start3A_129 = arith.constant 0 : i32
      %dma_start3A_130 = tpu.memref_slice %arg2[%add3A_126, %dma_start3A_129] : memref<30000x64xf32, #tpu.memory_space<hbm>> -> memref<384x64xf32, #tpu.memory_space<hbm>>
      tpu.enqueue_dma source(%dma_start3A_130 : memref<384x64xf32, #tpu.memory_space<hbm>>) target(%arg7 : memref<384x64xf32, #tpu.memory_space<vmem>>) target_semaphore(%arg14 : memref<!tpu.dma_semaphore, #tpu.memory_space<semaphore_mem>>)
      %dma_start3A_131 = arith.constant 0 : i32
      %dma_start3A_132 = arith.constant 0 : i32
      %dma_start3A_133 = arith.constant 0 : i32
      %dma_start3A_134 = tpu.memref_slice %arg6[%dma_start3A_132, %dma_start3A_133] : memref<384x64xf32, #tpu.memory_space<vmem>> -> memref<128x64xf32, #tpu.memory_space<vmem>>
      %dma_start3A_135 = arith.constant 0 : i32
      %dma_start3A_136 = tpu.memref_slice %arg10[%dma_start3A_131, %dma_start3A_135] : memref<15x128xi32, #tpu.memory_space<vmem>> -> memref<1x128xi32, #tpu.memory_space<vmem>>
      %dma_start3A_137 = tpu.memref_squeeze %dma_start3A_136 : memref<1x128xi32, #tpu.memory_space<vmem>> -> memref<128xi32, #tpu.memory_space<vmem>>
      %dma_start3A_138 = arith.constant 0 : i32
      %dma_start3A_139 = arith.constant 0 : i32
      %dma_start3A_140 = tpu.memref_slice %arg11[%dma_start3A_138, %dma_start3A_139] : memref<16512x64xf32, #tpu.memory_space<vmem_shared>> -> memref<16512x64xf32, #tpu.memory_space<vmem_shared>>
      tpu.enqueue_indirect_dma source(%dma_start3A_134 : memref<128x64xf32, #tpu.memory_space<vmem>>) target(%dma_start3A_140 : memref<16512x64xf32, #tpu.memory_space<vmem_shared>>) offsets(%dma_start3A_137 : memref<128xi32, #tpu.memory_space<vmem>>) semaphore(%arg15 : memref<!tpu.dma_semaphore, #tpu.memory_space<semaphore_mem>>) {add = true}
      %dma_start3A_141 = arith.constant 1 : i32
      %dma_start3A_142 = arith.constant 128 : i32
      %dma_start3A_143 = arith.constant 0 : i32
      %dma_start3A_144 = tpu.memref_slice %arg6[%dma_start3A_142, %dma_start3A_143] : memref<384x64xf32, #tpu.memory_space<vmem>> -> memref<128x64xf32, #tpu.memory_space<vmem>>
      %dma_start3A_145 = arith.constant 0 : i32
      %dma_start3A_146 = tpu.memref_slice %arg10[%dma_start3A_141, %dma_start3A_145] : memref<15x128xi32, #tpu.memory_space<vmem>> -> memref<1x128xi32, #tpu.memory_space<vmem>>
      %dma_start3A_147 = tpu.memref_squeeze %dma_start3A_146 : memref<1x128xi32, #tpu.memory_space<vmem>> -> memref<128xi32, #tpu.memory_space<vmem>>
      %dma_start3A_148 = arith.constant 0 : i32
      %dma_start3A_149 = arith.constant 0 : i32
      %dma_start3A_150 = tpu.memref_slice %arg11[%dma_start3A_148, %dma_start3A_149] : memref<16512x64xf32, #tpu.memory_space<vmem_shared>> -> memref<16512x64xf32, #tpu.memory_space<vmem_shared>>
      tpu.enqueue_indirect_dma source(%dma_start3A_144 : memref<128x64xf32, #tpu.memory_space<vmem>>) target(%dma_start3A_150 : memref<16512x64xf32, #tpu.memory_space<vmem_shared>>) offsets(%dma_start3A_147 : memref<128xi32, #tpu.memory_space<vmem>>) semaphore(%arg15 : memref<!tpu.dma_semaphore, #tpu.memory_space<semaphore_mem>>) {add = true}
      %dma_start3A_151 = arith.constant 2 : i32
      %dma_start3A_152 = arith.constant 256 : i32
      %dma_start3A_153 = arith.constant 0 : i32
      %dma_start3A_154 = tpu.memref_slice %arg6[%dma_start3A_152, %dma_start3A_153] : memref<384x64xf32, #tpu.memory_space<vmem>> -> memref<128x64xf32, #tpu.memory_space<vmem>>
      %dma_start3A_155 = arith.constant 0 : i32
      %dma_start3A_156 = tpu.memref_slice %arg10[%dma_start3A_151, %dma_start3A_155] : memref<15x128xi32, #tpu.memory_space<vmem>> -> memref<1x128xi32, #tpu.memory_space<vmem>>
      %dma_start3A_157 = tpu.memref_squeeze %dma_start3A_156 : memref<1x128xi32, #tpu.memory_space<vmem>> -> memref<128xi32, #tpu.memory_space<vmem>>
      %dma_start3A_158 = arith.constant 0 : i32
      %dma_start3A_159 = arith.constant 0 : i32
      %dma_start3A_160 = tpu.memref_slice %arg11[%dma_start3A_158, %dma_start3A_159] : memref<16512x64xf32, #tpu.memory_space<vmem_shared>> -> memref<16512x64xf32, #tpu.memory_space<vmem_shared>>
      tpu.enqueue_indirect_dma source(%dma_start3A_154 : memref<128x64xf32, #tpu.memory_space<vmem>>) target(%dma_start3A_160 : memref<16512x64xf32, #tpu.memory_space<vmem_shared>>) offsets(%dma_start3A_157 : memref<128xi32, #tpu.memory_space<vmem>>) semaphore(%arg15 : memref<!tpu.dma_semaphore, #tpu.memory_space<semaphore_mem>>) {add = true}
      %dma_wait3A_161 = arith.constant 0 : i32
      %dma_wait3A_162 = tpu.memref_slice %arg2[%add3A_126, %dma_wait3A_161] : memref<30000x64xf32, #tpu.memory_space<hbm>> -> memref<384x64xf32, #tpu.memory_space<hbm>>
      %dma_wait3A_163 = arith.constant 0 : i32
      %dma_wait3A_164 = tpu.memref_slice %arg2[%add3A_126, %dma_wait3A_163] : memref<30000x64xf32, #tpu.memory_space<hbm>> -> memref<384x64xf32, #tpu.memory_space<hbm>>
      tpu.wait_dma2 semaphore(%arg14 : memref<!tpu.dma_semaphore, #tpu.memory_space<semaphore_mem>>) src(%dma_wait3A_164 : memref<384x64xf32, #tpu.memory_space<hbm>>) dst(%arg7 : memref<384x64xf32, #tpu.memory_space<vmem>>)
      %dma_wait3A_165 = arith.constant 0 : i32
      %dma_wait3A_166 = arith.constant 0 : i32
      %dma_wait3A_167 = arith.constant 0 : i32
      %dma_wait3A_168 = tpu.memref_slice %arg6[%dma_wait3A_166, %dma_wait3A_167] : memref<384x64xf32, #tpu.memory_space<vmem>> -> memref<128x64xf32, #tpu.memory_space<vmem>>
      %dma_wait3A_169 = arith.constant 0 : i32
      %dma_wait3A_170 = tpu.memref_slice %arg10[%dma_wait3A_165, %dma_wait3A_169] : memref<15x128xi32, #tpu.memory_space<vmem>> -> memref<1x128xi32, #tpu.memory_space<vmem>>
      %dma_wait3A_171 = tpu.memref_squeeze %dma_wait3A_170 : memref<1x128xi32, #tpu.memory_space<vmem>> -> memref<128xi32, #tpu.memory_space<vmem>>
      %dma_wait3A_172 = arith.constant 0 : i32
      %dma_wait3A_173 = arith.constant 0 : i32
      %dma_wait3A_174 = tpu.memref_slice %arg11[%dma_wait3A_172, %dma_wait3A_173] : memref<16512x64xf32, #tpu.memory_space<vmem_shared>> -> memref<16512x64xf32, #tpu.memory_space<vmem_shared>>
      tpu.wait_indirect_dma semaphore(%arg15 : memref<!tpu.dma_semaphore, #tpu.memory_space<semaphore_mem>>) src(%dma_wait3A_168 : memref<128x64xf32, #tpu.memory_space<vmem>>) dst(%dma_wait3A_174 : memref<16512x64xf32, #tpu.memory_space<vmem_shared>>)
      %dma_wait3A_175 = arith.constant 1 : i32
      %dma_wait3A_176 = arith.constant 128 : i32
      %dma_wait3A_177 = arith.constant 0 : i32
      %dma_wait3A_178 = tpu.memref_slice %arg6[%dma_wait3A_176, %dma_wait3A_177] : memref<384x64xf32, #tpu.memory_space<vmem>> -> memref<128x64xf32, #tpu.memory_space<vmem>>
      %dma_wait3A_179 = arith.constant 0 : i32
      %dma_wait3A_180 = tpu.memref_slice %arg10[%dma_wait3A_175, %dma_wait3A_179] : memref<15x128xi32, #tpu.memory_space<vmem>> -> memref<1x128xi32, #tpu.memory_space<vmem>>
      %dma_wait3A_181 = tpu.memref_squeeze %dma_wait3A_180 : memref<1x128xi32, #tpu.memory_space<vmem>> -> memref<128xi32, #tpu.memory_space<vmem>>
      %dma_wait3A_182 = arith.constant 0 : i32
      %dma_wait3A_183 = arith.constant 0 : i32
      %dma_wait3A_184 = tpu.memref_slice %arg11[%dma_wait3A_182, %dma_wait3A_183] : memref<16512x64xf32, #tpu.memory_space<vmem_shared>> -> memref<16512x64xf32, #tpu.memory_space<vmem_shared>>
      tpu.wait_indirect_dma semaphore(%arg15 : memref<!tpu.dma_semaphore, #tpu.memory_space<semaphore_mem>>) src(%dma_wait3A_178 : memref<128x64xf32, #tpu.memory_space<vmem>>) dst(%dma_wait3A_184 : memref<16512x64xf32, #tpu.memory_space<vmem_shared>>)
      %dma_wait3A_185 = arith.constant 2 : i32
      %dma_wait3A_186 = arith.constant 256 : i32
      %dma_wait3A_187 = arith.constant 0 : i32
      %dma_wait3A_188 = tpu.memref_slice %arg6[%dma_wait3A_186, %dma_wait3A_187] : memref<384x64xf32, #tpu.memory_space<vmem>> -> memref<128x64xf32, #tpu.memory_space<vmem>>
      %dma_wait3A_189 = arith.constant 0 : i32
      %dma_wait3A_190 = tpu.memref_slice %arg10[%dma_wait3A_185, %dma_wait3A_189] : memref<15x128xi32, #tpu.memory_space<vmem>> -> memref<1x128xi32, #tpu.memory_space<vmem>>
      %dma_wait3A_191 = tpu.memref_squeeze %dma_wait3A_190 : memref<1x128xi32, #tpu.memory_space<vmem>> -> memref<128xi32, #tpu.memory_space<vmem>>
      %dma_wait3A_192 = arith.constant 0 : i32
      %dma_wait3A_193 = arith.constant 0 : i32
      %dma_wait3A_194 = tpu.memref_slice %arg11[%dma_wait3A_192, %dma_wait3A_193] : memref<16512x64xf32, #tpu.memory_space<vmem_shared>> -> memref<16512x64xf32, #tpu.memory_space<vmem_shared>>
      tpu.wait_indirect_dma semaphore(%arg15 : memref<!tpu.dma_semaphore, #tpu.memory_space<semaphore_mem>>) src(%dma_wait3A_188 : memref<128x64xf32, #tpu.memory_space<vmem>>) dst(%dma_wait3A_194 : memref<16512x64xf32, #tpu.memory_space<vmem_shared>>)
      %add3A_195 = arith.constant 768 : i32
      %add3A_196 = arith.addi %multiple_of3A, %add3A_195 : i32
      %dma_start3A_197 = arith.constant 0 : i32
      %dma_start3A_198 = tpu.memref_slice %arg2[%add3A_196, %dma_start3A_197] : memref<30000x64xf32, #tpu.memory_space<hbm>> -> memref<384x64xf32, #tpu.memory_space<hbm>>
      %dma_start3A_199 = arith.constant 0 : i32
      %dma_start3A_200 = tpu.memref_slice %arg2[%add3A_196, %dma_start3A_199] : memref<30000x64xf32, #tpu.memory_space<hbm>> -> memref<384x64xf32, #tpu.memory_space<hbm>>
      tpu.enqueue_dma source(%dma_start3A_200 : memref<384x64xf32, #tpu.memory_space<hbm>>) target(%arg6 : memref<384x64xf32, #tpu.memory_space<vmem>>) target_semaphore(%arg13 : memref<!tpu.dma_semaphore, #tpu.memory_space<semaphore_mem>>)
      %dma_start3A_201 = arith.constant 3 : i32
      %dma_start3A_202 = arith.constant 0 : i32
      %dma_start3A_203 = arith.constant 0 : i32
      %dma_start3A_204 = tpu.memref_slice %arg7[%dma_start3A_202, %dma_start3A_203] : memref<384x64xf32, #tpu.memory_space<vmem>> -> memref<128x64xf32, #tpu.memory_space<vmem>>
      %dma_start3A_205 = arith.constant 0 : i32
      %dma_start3A_206 = tpu.memref_slice %arg10[%dma_start3A_201, %dma_start3A_205] : memref<15x128xi32, #tpu.memory_space<vmem>> -> memref<1x128xi32, #tpu.memory_space<vmem>>
      %dma_start3A_207 = tpu.memref_squeeze %dma_start3A_206 : memref<1x128xi32, #tpu.memory_space<vmem>> -> memref<128xi32, #tpu.memory_space<vmem>>
      %dma_start3A_208 = arith.constant 0 : i32
      %dma_start3A_209 = arith.constant 0 : i32
      %dma_start3A_210 = tpu.memref_slice %arg11[%dma_start3A_208, %dma_start3A_209] : memref<16512x64xf32, #tpu.memory_space<vmem_shared>> -> memref<16512x64xf32, #tpu.memory_space<vmem_shared>>
      tpu.enqueue_indirect_dma source(%dma_start3A_204 : memref<128x64xf32, #tpu.memory_space<vmem>>) target(%dma_start3A_210 : memref<16512x64xf32, #tpu.memory_space<vmem_shared>>) offsets(%dma_start3A_207 : memref<128xi32, #tpu.memory_space<vmem>>) semaphore(%arg16 : memref<!tpu.dma_semaphore, #tpu.memory_space<semaphore_mem>>) {add = true}
      %dma_start3A_211 = arith.constant 4 : i32
      %dma_start3A_212 = arith.constant 128 : i32
      %dma_start3A_213 = arith.constant 0 : i32
      %dma_start3A_214 = tpu.memref_slice %arg7[%dma_start3A_212, %dma_start3A_213] : memref<384x64xf32, #tpu.memory_space<vmem>> -> memref<128x64xf32, #tpu.memory_space<vmem>>
      %dma_start3A_215 = arith.constant 0 : i32
      %dma_start3A_216 = tpu.memref_slice %arg10[%dma_start3A_211, %dma_start3A_215] : memref<15x128xi32, #tpu.memory_space<vmem>> -> memref<1x128xi32, #tpu.memory_space<vmem>>
      %dma_start3A_217 = tpu.memref_squeeze %dma_start3A_216 : memref<1x128xi32, #tpu.memory_space<vmem>> -> memref<128xi32, #tpu.memory_space<vmem>>
      %dma_start3A_218 = arith.constant 0 : i32
      %dma_start3A_219 = arith.constant 0 : i32
      %dma_start3A_220 = tpu.memref_slice %arg11[%dma_start3A_218, %dma_start3A_219] : memref<16512x64xf32, #tpu.memory_space<vmem_shared>> -> memref<16512x64xf32, #tpu.memory_space<vmem_shared>>
      tpu.enqueue_indirect_dma source(%dma_start3A_214 : memref<128x64xf32, #tpu.memory_space<vmem>>) target(%dma_start3A_220 : memref<16512x64xf32, #tpu.memory_space<vmem_shared>>) offsets(%dma_start3A_217 : memref<128xi32, #tpu.memory_space<vmem>>) semaphore(%arg16 : memref<!tpu.dma_semaphore, #tpu.memory_space<semaphore_mem>>) {add = true}
      %dma_start3A_221 = arith.constant 5 : i32
      %dma_start3A_222 = arith.constant 256 : i32
      %dma_start3A_223 = arith.constant 0 : i32
      %dma_start3A_224 = tpu.memref_slice %arg7[%dma_start3A_222, %dma_start3A_223] : memref<384x64xf32, #tpu.memory_space<vmem>> -> memref<128x64xf32, #tpu.memory_space<vmem>>
      %dma_start3A_225 = arith.constant 0 : i32
      %dma_start3A_226 = tpu.memref_slice %arg10[%dma_start3A_221, %dma_start3A_225] : memref<15x128xi32, #tpu.memory_space<vmem>> -> memref<1x128xi32, #tpu.memory_space<vmem>>
      %dma_start3A_227 = tpu.memref_squeeze %dma_start3A_226 : memref<1x128xi32, #tpu.memory_space<vmem>> -> memref<128xi32, #tpu.memory_space<vmem>>
      %dma_start3A_228 = arith.constant 0 : i32
      %dma_start3A_229 = arith.constant 0 : i32
      %dma_start3A_230 = tpu.memref_slice %arg11[%dma_start3A_228, %dma_start3A_229] : memref<16512x64xf32, #tpu.memory_space<vmem_shared>> -> memref<16512x64xf32, #tpu.memory_space<vmem_shared>>
      tpu.enqueue_indirect_dma source(%dma_start3A_224 : memref<128x64xf32, #tpu.memory_space<vmem>>) target(%dma_start3A_230 : memref<16512x64xf32, #tpu.memory_space<vmem_shared>>) offsets(%dma_start3A_227 : memref<128xi32, #tpu.memory_space<vmem>>) semaphore(%arg16 : memref<!tpu.dma_semaphore, #tpu.memory_space<semaphore_mem>>) {add = true}
      %dma_wait3A_231 = arith.constant 0 : i32
      %dma_wait3A_232 = tpu.memref_slice %arg2[%add3A_196, %dma_wait3A_231] : memref<30000x64xf32, #tpu.memory_space<hbm>> -> memref<384x64xf32, #tpu.memory_space<hbm>>
      %dma_wait3A_233 = arith.constant 0 : i32
      %dma_wait3A_234 = tpu.memref_slice %arg2[%add3A_196, %dma_wait3A_233] : memref<30000x64xf32, #tpu.memory_space<hbm>> -> memref<384x64xf32, #tpu.memory_space<hbm>>
      tpu.wait_dma2 semaphore(%arg13 : memref<!tpu.dma_semaphore, #tpu.memory_space<semaphore_mem>>) src(%dma_wait3A_234 : memref<384x64xf32, #tpu.memory_space<hbm>>) dst(%arg6 : memref<384x64xf32, #tpu.memory_space<vmem>>)
      %dma_wait3A_235 = arith.constant 3 : i32
      %dma_wait3A_236 = arith.constant 0 : i32
      %dma_wait3A_237 = arith.constant 0 : i32
      %dma_wait3A_238 = tpu.memref_slice %arg7[%dma_wait3A_236, %dma_wait3A_237] : memref<384x64xf32, #tpu.memory_space<vmem>> -> memref<128x64xf32, #tpu.memory_space<vmem>>
      %dma_wait3A_239 = arith.constant 0 : i32
      %dma_wait3A_240 = tpu.memref_slice %arg10[%dma_wait3A_235, %dma_wait3A_239] : memref<15x128xi32, #tpu.memory_space<vmem>> -> memref<1x128xi32, #tpu.memory_space<vmem>>
      %dma_wait3A_241 = tpu.memref_squeeze %dma_wait3A_240 : memref<1x128xi32, #tpu.memory_space<vmem>> -> memref<128xi32, #tpu.memory_space<vmem>>
      %dma_wait3A_242 = arith.constant 0 : i32
      %dma_wait3A_243 = arith.constant 0 : i32
      %dma_wait3A_244 = tpu.memref_slice %arg11[%dma_wait3A_242, %dma_wait3A_243] : memref<16512x64xf32, #tpu.memory_space<vmem_shared>> -> memref<16512x64xf32, #tpu.memory_space<vmem_shared>>
      tpu.wait_indirect_dma semaphore(%arg16 : memref<!tpu.dma_semaphore, #tpu.memory_space<semaphore_mem>>) src(%dma_wait3A_238 : memref<128x64xf32, #tpu.memory_space<vmem>>) dst(%dma_wait3A_244 : memref<16512x64xf32, #tpu.memory_space<vmem_shared>>)
      %dma_wait3A_245 = arith.constant 4 : i32
      %dma_wait3A_246 = arith.constant 128 : i32
      %dma_wait3A_247 = arith.constant 0 : i32
      %dma_wait3A_248 = tpu.memref_slice %arg7[%dma_wait3A_246, %dma_wait3A_247] : memref<384x64xf32, #tpu.memory_space<vmem>> -> memref<128x64xf32, #tpu.memory_space<vmem>>
      %dma_wait3A_249 = arith.constant 0 : i32
      %dma_wait3A_250 = tpu.memref_slice %arg10[%dma_wait3A_245, %dma_wait3A_249] : memref<15x128xi32, #tpu.memory_space<vmem>> -> memref<1x128xi32, #tpu.memory_space<vmem>>
      %dma_wait3A_251 = tpu.memref_squeeze %dma_wait3A_250 : memref<1x128xi32, #tpu.memory_space<vmem>> -> memref<128xi32, #tpu.memory_space<vmem>>
      %dma_wait3A_252 = arith.constant 0 : i32
      %dma_wait3A_253 = arith.constant 0 : i32
      %dma_wait3A_254 = tpu.memref_slice %arg11[%dma_wait3A_252, %dma_wait3A_253] : memref<16512x64xf32, #tpu.memory_space<vmem_shared>> -> memref<16512x64xf32, #tpu.memory_space<vmem_shared>>
      tpu.wait_indirect_dma semaphore(%arg16 : memref<!tpu.dma_semaphore, #tpu.memory_space<semaphore_mem>>) src(%dma_wait3A_248 : memref<128x64xf32, #tpu.memory_space<vmem>>) dst(%dma_wait3A_254 : memref<16512x64xf32, #tpu.memory_space<vmem_shared>>)
      %dma_wait3A_255 = arith.constant 5 : i32
      %dma_wait3A_256 = arith.constant 256 : i32
      %dma_wait3A_257 = arith.constant 0 : i32
      %dma_wait3A_258 = tpu.memref_slice %arg7[%dma_wait3A_256, %dma_wait3A_257] : memref<384x64xf32, #tpu.memory_space<vmem>> -> memref<128x64xf32, #tpu.memory_space<vmem>>
      %dma_wait3A_259 = arith.constant 0 : i32
      %dma_wait3A_260 = tpu.memref_slice %arg10[%dma_wait3A_255, %dma_wait3A_259] : memref<15x128xi32, #tpu.memory_space<vmem>> -> memref<1x128xi32, #tpu.memory_space<vmem>>
      %dma_wait3A_261 = tpu.memref_squeeze %dma_wait3A_260 : memref<1x128xi32, #tpu.memory_space<vmem>> -> memref<128xi32, #tpu.memory_space<vmem>>
      %dma_wait3A_262 = arith.constant 0 : i32
      %dma_wait3A_263 = arith.constant 0 : i32
      %dma_wait3A_264 = tpu.memref_slice %arg11[%dma_wait3A_262, %dma_wait3A_263] : memref<16512x64xf32, #tpu.memory_space<vmem_shared>> -> memref<16512x64xf32, #tpu.memory_space<vmem_shared>>
      tpu.wait_indirect_dma semaphore(%arg16 : memref<!tpu.dma_semaphore, #tpu.memory_space<semaphore_mem>>) src(%dma_wait3A_258 : memref<128x64xf32, #tpu.memory_space<vmem>>) dst(%dma_wait3A_264 : memref<16512x64xf32, #tpu.memory_space<vmem_shared>>)
      %add3A_265 = arith.constant 1152 : i32
      %add3A_266 = arith.addi %multiple_of3A, %add3A_265 : i32
      %dma_start3A_267 = arith.constant 0 : i32
      %dma_start3A_268 = tpu.memref_slice %arg2[%add3A_266, %dma_start3A_267] : memref<30000x64xf32, #tpu.memory_space<hbm>> -> memref<384x64xf32, #tpu.memory_space<hbm>>
      %dma_start3A_269 = arith.constant 0 : i32
      %dma_start3A_270 = tpu.memref_slice %arg2[%add3A_266, %dma_start3A_269] : memref<30000x64xf32, #tpu.memory_space<hbm>> -> memref<384x64xf32, #tpu.memory_space<hbm>>
      tpu.enqueue_dma source(%dma_start3A_270 : memref<384x64xf32, #tpu.memory_space<hbm>>) target(%arg7 : memref<384x64xf32, #tpu.memory_space<vmem>>) target_semaphore(%arg14 : memref<!tpu.dma_semaphore, #tpu.memory_space<semaphore_mem>>)
      %dma_start3A_271 = arith.constant 6 : i32
      %dma_start3A_272 = arith.constant 0 : i32
      %dma_start3A_273 = arith.constant 0 : i32
      %dma_start3A_274 = tpu.memref_slice %arg6[%dma_start3A_272, %dma_start3A_273] : memref<384x64xf32, #tpu.memory_space<vmem>> -> memref<128x64xf32, #tpu.memory_space<vmem>>
      %dma_start3A_275 = arith.constant 0 : i32
      %dma_start3A_276 = tpu.memref_slice %arg10[%dma_start3A_271, %dma_start3A_275] : memref<15x128xi32, #tpu.memory_space<vmem>> -> memref<1x128xi32, #tpu.memory_space<vmem>>
      %dma_start3A_277 = tpu.memref_squeeze %dma_start3A_276 : memref<1x128xi32, #tpu.memory_space<vmem>> -> memref<128xi32, #tpu.memory_space<vmem>>
      %dma_start3A_278 = arith.constant 0 : i32
      %dma_start3A_279 = arith.constant 0 : i32
      %dma_start3A_280 = tpu.memref_slice %arg11[%dma_start3A_278, %dma_start3A_279] : memref<16512x64xf32, #tpu.memory_space<vmem_shared>> -> memref<16512x64xf32, #tpu.memory_space<vmem_shared>>
      tpu.enqueue_indirect_dma source(%dma_start3A_274 : memref<128x64xf32, #tpu.memory_space<vmem>>) target(%dma_start3A_280 : memref<16512x64xf32, #tpu.memory_space<vmem_shared>>) offsets(%dma_start3A_277 : memref<128xi32, #tpu.memory_space<vmem>>) semaphore(%arg15 : memref<!tpu.dma_semaphore, #tpu.memory_space<semaphore_mem>>) {add = true}
      %dma_start3A_281 = arith.constant 7 : i32
      %dma_start3A_282 = arith.constant 128 : i32
      %dma_start3A_283 = arith.constant 0 : i32
      %dma_start3A_284 = tpu.memref_slice %arg6[%dma_start3A_282, %dma_start3A_283] : memref<384x64xf32, #tpu.memory_space<vmem>> -> memref<128x64xf32, #tpu.memory_space<vmem>>
      %dma_start3A_285 = arith.constant 0 : i32
      %dma_start3A_286 = tpu.memref_slice %arg10[%dma_start3A_281, %dma_start3A_285] : memref<15x128xi32, #tpu.memory_space<vmem>> -> memref<1x128xi32, #tpu.memory_space<vmem>>
      %dma_start3A_287 = tpu.memref_squeeze %dma_start3A_286 : memref<1x128xi32, #tpu.memory_space<vmem>> -> memref<128xi32, #tpu.memory_space<vmem>>
      %dma_start3A_288 = arith.constant 0 : i32
      %dma_start3A_289 = arith.constant 0 : i32
      %dma_start3A_290 = tpu.memref_slice %arg11[%dma_start3A_288, %dma_start3A_289] : memref<16512x64xf32, #tpu.memory_space<vmem_shared>> -> memref<16512x64xf32, #tpu.memory_space<vmem_shared>>
      tpu.enqueue_indirect_dma source(%dma_start3A_284 : memref<128x64xf32, #tpu.memory_space<vmem>>) target(%dma_start3A_290 : memref<16512x64xf32, #tpu.memory_space<vmem_shared>>) offsets(%dma_start3A_287 : memref<128xi32, #tpu.memory_space<vmem>>) semaphore(%arg15 : memref<!tpu.dma_semaphore, #tpu.memory_space<semaphore_mem>>) {add = true}
      %dma_start3A_291 = arith.constant 8 : i32
      %dma_start3A_292 = arith.constant 256 : i32
      %dma_start3A_293 = arith.constant 0 : i32
      %dma_start3A_294 = tpu.memref_slice %arg6[%dma_start3A_292, %dma_start3A_293] : memref<384x64xf32, #tpu.memory_space<vmem>> -> memref<128x64xf32, #tpu.memory_space<vmem>>
      %dma_start3A_295 = arith.constant 0 : i32
      %dma_start3A_296 = tpu.memref_slice %arg10[%dma_start3A_291, %dma_start3A_295] : memref<15x128xi32, #tpu.memory_space<vmem>> -> memref<1x128xi32, #tpu.memory_space<vmem>>
      %dma_start3A_297 = tpu.memref_squeeze %dma_start3A_296 : memref<1x128xi32, #tpu.memory_space<vmem>> -> memref<128xi32, #tpu.memory_space<vmem>>
      %dma_start3A_298 = arith.constant 0 : i32
      %dma_start3A_299 = arith.constant 0 : i32
      %dma_start3A_300 = tpu.memref_slice %arg11[%dma_start3A_298, %dma_start3A_299] : memref<16512x64xf32, #tpu.memory_space<vmem_shared>> -> memref<16512x64xf32, #tpu.memory_space<vmem_shared>>
      tpu.enqueue_indirect_dma source(%dma_start3A_294 : memref<128x64xf32, #tpu.memory_space<vmem>>) target(%dma_start3A_300 : memref<16512x64xf32, #tpu.memory_space<vmem_shared>>) offsets(%dma_start3A_297 : memref<128xi32, #tpu.memory_space<vmem>>) semaphore(%arg15 : memref<!tpu.dma_semaphore, #tpu.memory_space<semaphore_mem>>) {add = true}
      %dma_wait3A_301 = arith.constant 0 : i32
      %dma_wait3A_302 = tpu.memref_slice %arg2[%add3A_266, %dma_wait3A_301] : memref<30000x64xf32, #tpu.memory_space<hbm>> -> memref<384x64xf32, #tpu.memory_space<hbm>>
      %dma_wait3A_303 = arith.constant 0 : i32
      %dma_wait3A_304 = tpu.memref_slice %arg2[%add3A_266, %dma_wait3A_303] : memref<30000x64xf32, #tpu.memory_space<hbm>> -> memref<384x64xf32, #tpu.memory_space<hbm>>
      tpu.wait_dma2 semaphore(%arg14 : memref<!tpu.dma_semaphore, #tpu.memory_space<semaphore_mem>>) src(%dma_wait3A_304 : memref<384x64xf32, #tpu.memory_space<hbm>>) dst(%arg7 : memref<384x64xf32, #tpu.memory_space<vmem>>)
      %dma_wait3A_305 = arith.constant 6 : i32
      %dma_wait3A_306 = arith.constant 0 : i32
      %dma_wait3A_307 = arith.constant 0 : i32
      %dma_wait3A_308 = tpu.memref_slice %arg6[%dma_wait3A_306, %dma_wait3A_307] : memref<384x64xf32, #tpu.memory_space<vmem>> -> memref<128x64xf32, #tpu.memory_space<vmem>>
      %dma_wait3A_309 = arith.constant 0 : i32
      %dma_wait3A_310 = tpu.memref_slice %arg10[%dma_wait3A_305, %dma_wait3A_309] : memref<15x128xi32, #tpu.memory_space<vmem>> -> memref<1x128xi32, #tpu.memory_space<vmem>>
      %dma_wait3A_311 = tpu.memref_squeeze %dma_wait3A_310 : memref<1x128xi32, #tpu.memory_space<vmem>> -> memref<128xi32, #tpu.memory_space<vmem>>
      %dma_wait3A_312 = arith.constant 0 : i32
      %dma_wait3A_313 = arith.constant 0 : i32
      %dma_wait3A_314 = tpu.memref_slice %arg11[%dma_wait3A_312, %dma_wait3A_313] : memref<16512x64xf32, #tpu.memory_space<vmem_shared>> -> memref<16512x64xf32, #tpu.memory_space<vmem_shared>>
      tpu.wait_indirect_dma semaphore(%arg15 : memref<!tpu.dma_semaphore, #tpu.memory_space<semaphore_mem>>) src(%dma_wait3A_308 : memref<128x64xf32, #tpu.memory_space<vmem>>) dst(%dma_wait3A_314 : memref<16512x64xf32, #tpu.memory_space<vmem_shared>>)
      %dma_wait3A_315 = arith.constant 7 : i32
      %dma_wait3A_316 = arith.constant 128 : i32
      %dma_wait3A_317 = arith.constant 0 : i32
      %dma_wait3A_318 = tpu.memref_slice %arg6[%dma_wait3A_316, %dma_wait3A_317] : memref<384x64xf32, #tpu.memory_space<vmem>> -> memref<128x64xf32, #tpu.memory_space<vmem>>
      %dma_wait3A_319 = arith.constant 0 : i32
      %dma_wait3A_320 = tpu.memref_slice %arg10[%dma_wait3A_315, %dma_wait3A_319] : memref<15x128xi32, #tpu.memory_space<vmem>> -> memref<1x128xi32, #tpu.memory_space<vmem>>
      %dma_wait3A_321 = tpu.memref_squeeze %dma_wait3A_320 : memref<1x128xi32, #tpu.memory_space<vmem>> -> memref<128xi32, #tpu.memory_space<vmem>>
      %dma_wait3A_322 = arith.constant 0 : i32
      %dma_wait3A_323 = arith.constant 0 : i32
      %dma_wait3A_324 = tpu.memref_slice %arg11[%dma_wait3A_322, %dma_wait3A_323] : memref<16512x64xf32, #tpu.memory_space<vmem_shared>> -> memref<16512x64xf32, #tpu.memory_space<vmem_shared>>
      tpu.wait_indirect_dma semaphore(%arg15 : memref<!tpu.dma_semaphore, #tpu.memory_space<semaphore_mem>>) src(%dma_wait3A_318 : memref<128x64xf32, #tpu.memory_space<vmem>>) dst(%dma_wait3A_324 : memref<16512x64xf32, #tpu.memory_space<vmem_shared>>)
      %dma_wait3A_325 = arith.constant 8 : i32
      %dma_wait3A_326 = arith.constant 256 : i32
      %dma_wait3A_327 = arith.constant 0 : i32
      %dma_wait3A_328 = tpu.memref_slice %arg6[%dma_wait3A_326, %dma_wait3A_327] : memref<384x64xf32, #tpu.memory_space<vmem>> -> memref<128x64xf32, #tpu.memory_space<vmem>>
      %dma_wait3A_329 = arith.constant 0 : i32
      %dma_wait3A_330 = tpu.memref_slice %arg10[%dma_wait3A_325, %dma_wait3A_329] : memref<15x128xi32, #tpu.memory_space<vmem>> -> memref<1x128xi32, #tpu.memory_space<vmem>>
      %dma_wait3A_331 = tpu.memref_squeeze %dma_wait3A_330 : memref<1x128xi32, #tpu.memory_space<vmem>> -> memref<128xi32, #tpu.memory_space<vmem>>
      %dma_wait3A_332 = arith.constant 0 : i32
      %dma_wait3A_333 = arith.constant 0 : i32
      %dma_wait3A_334 = tpu.memref_slice %arg11[%dma_wait3A_332, %dma_wait3A_333] : memref<16512x64xf32, #tpu.memory_space<vmem_shared>> -> memref<16512x64xf32, #tpu.memory_space<vmem_shared>>
      tpu.wait_indirect_dma semaphore(%arg15 : memref<!tpu.dma_semaphore, #tpu.memory_space<semaphore_mem>>) src(%dma_wait3A_328 : memref<128x64xf32, #tpu.memory_space<vmem>>) dst(%dma_wait3A_334 : memref<16512x64xf32, #tpu.memory_space<vmem_shared>>)
      %add3A_335 = arith.constant 1536 : i32
      %add3A_336 = arith.addi %multiple_of3A, %add3A_335 : i32
      %dma_start3A_337 = arith.constant 0 : i32
      %dma_start3A_338 = tpu.memref_slice %arg2[%add3A_336, %dma_start3A_337] : memref<30000x64xf32, #tpu.memory_space<hbm>> -> memref<384x64xf32, #tpu.memory_space<hbm>>
      %dma_start3A_339 = arith.constant 0 : i32
      %dma_start3A_340 = tpu.memref_slice %arg2[%add3A_336, %dma_start3A_339] : memref<30000x64xf32, #tpu.memory_space<hbm>> -> memref<384x64xf32, #tpu.memory_space<hbm>>
      tpu.enqueue_dma source(%dma_start3A_340 : memref<384x64xf32, #tpu.memory_space<hbm>>) target(%arg6 : memref<384x64xf32, #tpu.memory_space<vmem>>) target_semaphore(%arg13 : memref<!tpu.dma_semaphore, #tpu.memory_space<semaphore_mem>>)
      %dma_start3A_341 = arith.constant 9 : i32
      %dma_start3A_342 = arith.constant 0 : i32
      %dma_start3A_343 = arith.constant 0 : i32
      %dma_start3A_344 = tpu.memref_slice %arg7[%dma_start3A_342, %dma_start3A_343] : memref<384x64xf32, #tpu.memory_space<vmem>> -> memref<128x64xf32, #tpu.memory_space<vmem>>
      %dma_start3A_345 = arith.constant 0 : i32
      %dma_start3A_346 = tpu.memref_slice %arg10[%dma_start3A_341, %dma_start3A_345] : memref<15x128xi32, #tpu.memory_space<vmem>> -> memref<1x128xi32, #tpu.memory_space<vmem>>
      %dma_start3A_347 = tpu.memref_squeeze %dma_start3A_346 : memref<1x128xi32, #tpu.memory_space<vmem>> -> memref<128xi32, #tpu.memory_space<vmem>>
      %dma_start3A_348 = arith.constant 0 : i32
      %dma_start3A_349 = arith.constant 0 : i32
      %dma_start3A_350 = tpu.memref_slice %arg11[%dma_start3A_348, %dma_start3A_349] : memref<16512x64xf32, #tpu.memory_space<vmem_shared>> -> memref<16512x64xf32, #tpu.memory_space<vmem_shared>>
      tpu.enqueue_indirect_dma source(%dma_start3A_344 : memref<128x64xf32, #tpu.memory_space<vmem>>) target(%dma_start3A_350 : memref<16512x64xf32, #tpu.memory_space<vmem_shared>>) offsets(%dma_start3A_347 : memref<128xi32, #tpu.memory_space<vmem>>) semaphore(%arg16 : memref<!tpu.dma_semaphore, #tpu.memory_space<semaphore_mem>>) {add = true}
      %dma_start3A_351 = arith.constant 10 : i32
      %dma_start3A_352 = arith.constant 128 : i32
      %dma_start3A_353 = arith.constant 0 : i32
      %dma_start3A_354 = tpu.memref_slice %arg7[%dma_start3A_352, %dma_start3A_353] : memref<384x64xf32, #tpu.memory_space<vmem>> -> memref<128x64xf32, #tpu.memory_space<vmem>>
      %dma_start3A_355 = arith.constant 0 : i32
      %dma_start3A_356 = tpu.memref_slice %arg10[%dma_start3A_351, %dma_start3A_355] : memref<15x128xi32, #tpu.memory_space<vmem>> -> memref<1x128xi32, #tpu.memory_space<vmem>>
      %dma_start3A_357 = tpu.memref_squeeze %dma_start3A_356 : memref<1x128xi32, #tpu.memory_space<vmem>> -> memref<128xi32, #tpu.memory_space<vmem>>
      %dma_start3A_358 = arith.constant 0 : i32
      %dma_start3A_359 = arith.constant 0 : i32
      %dma_start3A_360 = tpu.memref_slice %arg11[%dma_start3A_358, %dma_start3A_359] : memref<16512x64xf32, #tpu.memory_space<vmem_shared>> -> memref<16512x64xf32, #tpu.memory_space<vmem_shared>>
      tpu.enqueue_indirect_dma source(%dma_start3A_354 : memref<128x64xf32, #tpu.memory_space<vmem>>) target(%dma_start3A_360 : memref<16512x64xf32, #tpu.memory_space<vmem_shared>>) offsets(%dma_start3A_357 : memref<128xi32, #tpu.memory_space<vmem>>) semaphore(%arg16 : memref<!tpu.dma_semaphore, #tpu.memory_space<semaphore_mem>>) {add = true}
      %dma_start3A_361 = arith.constant 11 : i32
      %dma_start3A_362 = arith.constant 256 : i32
      %dma_start3A_363 = arith.constant 0 : i32
      %dma_start3A_364 = tpu.memref_slice %arg7[%dma_start3A_362, %dma_start3A_363] : memref<384x64xf32, #tpu.memory_space<vmem>> -> memref<128x64xf32, #tpu.memory_space<vmem>>
      %dma_start3A_365 = arith.constant 0 : i32
      %dma_start3A_366 = tpu.memref_slice %arg10[%dma_start3A_361, %dma_start3A_365] : memref<15x128xi32, #tpu.memory_space<vmem>> -> memref<1x128xi32, #tpu.memory_space<vmem>>
      %dma_start3A_367 = tpu.memref_squeeze %dma_start3A_366 : memref<1x128xi32, #tpu.memory_space<vmem>> -> memref<128xi32, #tpu.memory_space<vmem>>
      %dma_start3A_368 = arith.constant 0 : i32
      %dma_start3A_369 = arith.constant 0 : i32
      %dma_start3A_370 = tpu.memref_slice %arg11[%dma_start3A_368, %dma_start3A_369] : memref<16512x64xf32, #tpu.memory_space<vmem_shared>> -> memref<16512x64xf32, #tpu.memory_space<vmem_shared>>
      tpu.enqueue_indirect_dma source(%dma_start3A_364 : memref<128x64xf32, #tpu.memory_space<vmem>>) target(%dma_start3A_370 : memref<16512x64xf32, #tpu.memory_space<vmem_shared>>) offsets(%dma_start3A_367 : memref<128xi32, #tpu.memory_space<vmem>>) semaphore(%arg16 : memref<!tpu.dma_semaphore, #tpu.memory_space<semaphore_mem>>) {add = true}
      %dma_wait3A_371 = arith.constant 0 : i32
      %dma_wait3A_372 = tpu.memref_slice %arg2[%add3A_336, %dma_wait3A_371] : memref<30000x64xf32, #tpu.memory_space<hbm>> -> memref<384x64xf32, #tpu.memory_space<hbm>>
      %dma_wait3A_373 = arith.constant 0 : i32
      %dma_wait3A_374 = tpu.memref_slice %arg2[%add3A_336, %dma_wait3A_373] : memref<30000x64xf32, #tpu.memory_space<hbm>> -> memref<384x64xf32, #tpu.memory_space<hbm>>
      tpu.wait_dma2 semaphore(%arg13 : memref<!tpu.dma_semaphore, #tpu.memory_space<semaphore_mem>>) src(%dma_wait3A_374 : memref<384x64xf32, #tpu.memory_space<hbm>>) dst(%arg6 : memref<384x64xf32, #tpu.memory_space<vmem>>)
      %dma_start3A_375 = arith.constant 12 : i32
      %dma_start3A_376 = arith.constant 0 : i32
      %dma_start3A_377 = arith.constant 0 : i32
      %dma_start3A_378 = tpu.memref_slice %arg6[%dma_start3A_376, %dma_start3A_377] : memref<384x64xf32, #tpu.memory_space<vmem>> -> memref<128x64xf32, #tpu.memory_space<vmem>>
      %dma_start3A_379 = arith.constant 0 : i32
      %dma_start3A_380 = tpu.memref_slice %arg10[%dma_start3A_375, %dma_start3A_379] : memref<15x128xi32, #tpu.memory_space<vmem>> -> memref<1x128xi32, #tpu.memory_space<vmem>>
      %dma_start3A_381 = tpu.memref_squeeze %dma_start3A_380 : memref<1x128xi32, #tpu.memory_space<vmem>> -> memref<128xi32, #tpu.memory_space<vmem>>
      %dma_start3A_382 = arith.constant 0 : i32
      %dma_start3A_383 = arith.constant 0 : i32
      %dma_start3A_384 = tpu.memref_slice %arg11[%dma_start3A_382, %dma_start3A_383] : memref<16512x64xf32, #tpu.memory_space<vmem_shared>> -> memref<16512x64xf32, #tpu.memory_space<vmem_shared>>
      tpu.enqueue_indirect_dma source(%dma_start3A_378 : memref<128x64xf32, #tpu.memory_space<vmem>>) target(%dma_start3A_384 : memref<16512x64xf32, #tpu.memory_space<vmem_shared>>) offsets(%dma_start3A_381 : memref<128xi32, #tpu.memory_space<vmem>>) semaphore(%arg15 : memref<!tpu.dma_semaphore, #tpu.memory_space<semaphore_mem>>) {add = true}
      %dma_start3A_385 = arith.constant 13 : i32
      %dma_start3A_386 = arith.constant 128 : i32
      %dma_start3A_387 = arith.constant 0 : i32
      %dma_start3A_388 = tpu.memref_slice %arg6[%dma_start3A_386, %dma_start3A_387] : memref<384x64xf32, #tpu.memory_space<vmem>> -> memref<128x64xf32, #tpu.memory_space<vmem>>
      %dma_start3A_389 = arith.constant 0 : i32
      %dma_start3A_390 = tpu.memref_slice %arg10[%dma_start3A_385, %dma_start3A_389] : memref<15x128xi32, #tpu.memory_space<vmem>> -> memref<1x128xi32, #tpu.memory_space<vmem>>
      %dma_start3A_391 = tpu.memref_squeeze %dma_start3A_390 : memref<1x128xi32, #tpu.memory_space<vmem>> -> memref<128xi32, #tpu.memory_space<vmem>>
      %dma_start3A_392 = arith.constant 0 : i32
      %dma_start3A_393 = arith.constant 0 : i32
      %dma_start3A_394 = tpu.memref_slice %arg11[%dma_start3A_392, %dma_start3A_393] : memref<16512x64xf32, #tpu.memory_space<vmem_shared>> -> memref<16512x64xf32, #tpu.memory_space<vmem_shared>>
      tpu.enqueue_indirect_dma source(%dma_start3A_388 : memref<128x64xf32, #tpu.memory_space<vmem>>) target(%dma_start3A_394 : memref<16512x64xf32, #tpu.memory_space<vmem_shared>>) offsets(%dma_start3A_391 : memref<128xi32, #tpu.memory_space<vmem>>) semaphore(%arg15 : memref<!tpu.dma_semaphore, #tpu.memory_space<semaphore_mem>>) {add = true}
      %dma_start3A_395 = arith.constant 14 : i32
      %dma_start3A_396 = arith.constant 256 : i32
      %dma_start3A_397 = arith.constant 0 : i32
      %dma_start3A_398 = tpu.memref_slice %arg6[%dma_start3A_396, %dma_start3A_397] : memref<384x64xf32, #tpu.memory_space<vmem>> -> memref<128x64xf32, #tpu.memory_space<vmem>>
      %dma_start3A_399 = arith.constant 0 : i32
      %dma_start3A_400 = tpu.memref_slice %arg10[%dma_start3A_395, %dma_start3A_399] : memref<15x128xi32, #tpu.memory_space<vmem>> -> memref<1x128xi32, #tpu.memory_space<vmem>>
      %dma_start3A_401 = tpu.memref_squeeze %dma_start3A_400 : memref<1x128xi32, #tpu.memory_space<vmem>> -> memref<128xi32, #tpu.memory_space<vmem>>
      %dma_start3A_402 = arith.constant 0 : i32
      %dma_start3A_403 = arith.constant 0 : i32
      %dma_start3A_404 = tpu.memref_slice %arg11[%dma_start3A_402, %dma_start3A_403] : memref<16512x64xf32, #tpu.memory_space<vmem_shared>> -> memref<16512x64xf32, #tpu.memory_space<vmem_shared>>
      tpu.enqueue_indirect_dma source(%dma_start3A_398 : memref<128x64xf32, #tpu.memory_space<vmem>>) target(%dma_start3A_404 : memref<16512x64xf32, #tpu.memory_space<vmem_shared>>) offsets(%dma_start3A_401 : memref<128xi32, #tpu.memory_space<vmem>>) semaphore(%arg15 : memref<!tpu.dma_semaphore, #tpu.memory_space<semaphore_mem>>) {add = true}
      %dma_wait3A_405 = arith.constant 9 : i32
      %dma_wait3A_406 = arith.constant 0 : i32
      %dma_wait3A_407 = arith.constant 0 : i32
      %dma_wait3A_408 = tpu.memref_slice %arg7[%dma_wait3A_406, %dma_wait3A_407] : memref<384x64xf32, #tpu.memory_space<vmem>> -> memref<128x64xf32, #tpu.memory_space<vmem>>
      %dma_wait3A_409 = arith.constant 0 : i32
      %dma_wait3A_410 = tpu.memref_slice %arg10[%dma_wait3A_405, %dma_wait3A_409] : memref<15x128xi32, #tpu.memory_space<vmem>> -> memref<1x128xi32, #tpu.memory_space<vmem>>
      %dma_wait3A_411 = tpu.memref_squeeze %dma_wait3A_410 : memref<1x128xi32, #tpu.memory_space<vmem>> -> memref<128xi32, #tpu.memory_space<vmem>>
      %dma_wait3A_412 = arith.constant 0 : i32
      %dma_wait3A_413 = arith.constant 0 : i32
      %dma_wait3A_414 = tpu.memref_slice %arg11[%dma_wait3A_412, %dma_wait3A_413] : memref<16512x64xf32, #tpu.memory_space<vmem_shared>> -> memref<16512x64xf32, #tpu.memory_space<vmem_shared>>
      tpu.wait_indirect_dma semaphore(%arg16 : memref<!tpu.dma_semaphore, #tpu.memory_space<semaphore_mem>>) src(%dma_wait3A_408 : memref<128x64xf32, #tpu.memory_space<vmem>>) dst(%dma_wait3A_414 : memref<16512x64xf32, #tpu.memory_space<vmem_shared>>)
      %dma_wait3A_415 = arith.constant 10 : i32
      %dma_wait3A_416 = arith.constant 128 : i32
      %dma_wait3A_417 = arith.constant 0 : i32
      %dma_wait3A_418 = tpu.memref_slice %arg7[%dma_wait3A_416, %dma_wait3A_417] : memref<384x64xf32, #tpu.memory_space<vmem>> -> memref<128x64xf32, #tpu.memory_space<vmem>>
      %dma_wait3A_419 = arith.constant 0 : i32
      %dma_wait3A_420 = tpu.memref_slice %arg10[%dma_wait3A_415, %dma_wait3A_419] : memref<15x128xi32, #tpu.memory_space<vmem>> -> memref<1x128xi32, #tpu.memory_space<vmem>>
      %dma_wait3A_421 = tpu.memref_squeeze %dma_wait3A_420 : memref<1x128xi32, #tpu.memory_space<vmem>> -> memref<128xi32, #tpu.memory_space<vmem>>
      %dma_wait3A_422 = arith.constant 0 : i32
      %dma_wait3A_423 = arith.constant 0 : i32
      %dma_wait3A_424 = tpu.memref_slice %arg11[%dma_wait3A_422, %dma_wait3A_423] : memref<16512x64xf32, #tpu.memory_space<vmem_shared>> -> memref<16512x64xf32, #tpu.memory_space<vmem_shared>>
      tpu.wait_indirect_dma semaphore(%arg16 : memref<!tpu.dma_semaphore, #tpu.memory_space<semaphore_mem>>) src(%dma_wait3A_418 : memref<128x64xf32, #tpu.memory_space<vmem>>) dst(%dma_wait3A_424 : memref<16512x64xf32, #tpu.memory_space<vmem_shared>>)
      %dma_wait3A_425 = arith.constant 11 : i32
      %dma_wait3A_426 = arith.constant 256 : i32
      %dma_wait3A_427 = arith.constant 0 : i32
      %dma_wait3A_428 = tpu.memref_slice %arg7[%dma_wait3A_426, %dma_wait3A_427] : memref<384x64xf32, #tpu.memory_space<vmem>> -> memref<128x64xf32, #tpu.memory_space<vmem>>
      %dma_wait3A_429 = arith.constant 0 : i32
      %dma_wait3A_430 = tpu.memref_slice %arg10[%dma_wait3A_425, %dma_wait3A_429] : memref<15x128xi32, #tpu.memory_space<vmem>> -> memref<1x128xi32, #tpu.memory_space<vmem>>
      %dma_wait3A_431 = tpu.memref_squeeze %dma_wait3A_430 : memref<1x128xi32, #tpu.memory_space<vmem>> -> memref<128xi32, #tpu.memory_space<vmem>>
      %dma_wait3A_432 = arith.constant 0 : i32
      %dma_wait3A_433 = arith.constant 0 : i32
      %dma_wait3A_434 = tpu.memref_slice %arg11[%dma_wait3A_432, %dma_wait3A_433] : memref<16512x64xf32, #tpu.memory_space<vmem_shared>> -> memref<16512x64xf32, #tpu.memory_space<vmem_shared>>
      tpu.wait_indirect_dma semaphore(%arg16 : memref<!tpu.dma_semaphore, #tpu.memory_space<semaphore_mem>>) src(%dma_wait3A_428 : memref<128x64xf32, #tpu.memory_space<vmem>>) dst(%dma_wait3A_434 : memref<16512x64xf32, #tpu.memory_space<vmem_shared>>)
      %dma_wait3A_435 = arith.constant 12 : i32
      %dma_wait3A_436 = arith.constant 0 : i32
      %dma_wait3A_437 = arith.constant 0 : i32
      %dma_wait3A_438 = tpu.memref_slice %arg6[%dma_wait3A_436, %dma_wait3A_437] : memref<384x64xf32, #tpu.memory_space<vmem>> -> memref<128x64xf32, #tpu.memory_space<vmem>>
      %dma_wait3A_439 = arith.constant 0 : i32
      %dma_wait3A_440 = tpu.memref_slice %arg10[%dma_wait3A_435, %dma_wait3A_439] : memref<15x128xi32, #tpu.memory_space<vmem>> -> memref<1x128xi32, #tpu.memory_space<vmem>>
      %dma_wait3A_441 = tpu.memref_squeeze %dma_wait3A_440 : memref<1x128xi32, #tpu.memory_space<vmem>> -> memref<128xi32, #tpu.memory_space<vmem>>
      %dma_wait3A_442 = arith.constant 0 : i32
      %dma_wait3A_443 = arith.constant 0 : i32
      %dma_wait3A_444 = tpu.memref_slice %arg11[%dma_wait3A_442, %dma_wait3A_443] : memref<16512x64xf32, #tpu.memory_space<vmem_shared>> -> memref<16512x64xf32, #tpu.memory_space<vmem_shared>>
      tpu.wait_indirect_dma semaphore(%arg15 : memref<!tpu.dma_semaphore, #tpu.memory_space<semaphore_mem>>) src(%dma_wait3A_438 : memref<128x64xf32, #tpu.memory_space<vmem>>) dst(%dma_wait3A_444 : memref<16512x64xf32, #tpu.memory_space<vmem_shared>>)
      %dma_wait3A_445 = arith.constant 13 : i32
      %dma_wait3A_446 = arith.constant 128 : i32
      %dma_wait3A_447 = arith.constant 0 : i32
      %dma_wait3A_448 = tpu.memref_slice %arg6[%dma_wait3A_446, %dma_wait3A_447] : memref<384x64xf32, #tpu.memory_space<vmem>> -> memref<128x64xf32, #tpu.memory_space<vmem>>
      %dma_wait3A_449 = arith.constant 0 : i32
      %dma_wait3A_450 = tpu.memref_slice %arg10[%dma_wait3A_445, %dma_wait3A_449] : memref<15x128xi32, #tpu.memory_space<vmem>> -> memref<1x128xi32, #tpu.memory_space<vmem>>
      %dma_wait3A_451 = tpu.memref_squeeze %dma_wait3A_450 : memref<1x128xi32, #tpu.memory_space<vmem>> -> memref<128xi32, #tpu.memory_space<vmem>>
      %dma_wait3A_452 = arith.constant 0 : i32
      %dma_wait3A_453 = arith.constant 0 : i32
      %dma_wait3A_454 = tpu.memref_slice %arg11[%dma_wait3A_452, %dma_wait3A_453] : memref<16512x64xf32, #tpu.memory_space<vmem_shared>> -> memref<16512x64xf32, #tpu.memory_space<vmem_shared>>
      tpu.wait_indirect_dma semaphore(%arg15 : memref<!tpu.dma_semaphore, #tpu.memory_space<semaphore_mem>>) src(%dma_wait3A_448 : memref<128x64xf32, #tpu.memory_space<vmem>>) dst(%dma_wait3A_454 : memref<16512x64xf32, #tpu.memory_space<vmem_shared>>)
      %dma_wait3A_455 = arith.constant 14 : i32
      %dma_wait3A_456 = arith.constant 256 : i32
      %dma_wait3A_457 = arith.constant 0 : i32
      %dma_wait3A_458 = tpu.memref_slice %arg6[%dma_wait3A_456, %dma_wait3A_457] : memref<384x64xf32, #tpu.memory_space<vmem>> -> memref<128x64xf32, #tpu.memory_space<vmem>>
      %dma_wait3A_459 = arith.constant 0 : i32
      %dma_wait3A_460 = tpu.memref_slice %arg10[%dma_wait3A_455, %dma_wait3A_459] : memref<15x128xi32, #tpu.memory_space<vmem>> -> memref<1x128xi32, #tpu.memory_space<vmem>>
      %dma_wait3A_461 = tpu.memref_squeeze %dma_wait3A_460 : memref<1x128xi32, #tpu.memory_space<vmem>> -> memref<128xi32, #tpu.memory_space<vmem>>
      %dma_wait3A_462 = arith.constant 0 : i32
      %dma_wait3A_463 = arith.constant 0 : i32
      %dma_wait3A_464 = tpu.memref_slice %arg11[%dma_wait3A_462, %dma_wait3A_463] : memref<16512x64xf32, #tpu.memory_space<vmem_shared>> -> memref<16512x64xf32, #tpu.memory_space<vmem_shared>>
      tpu.wait_indirect_dma semaphore(%arg15 : memref<!tpu.dma_semaphore, #tpu.memory_space<semaphore_mem>>) src(%dma_wait3A_458 : memref<128x64xf32, #tpu.memory_space<vmem>>) dst(%dma_wait3A_464 : memref<16512x64xf32, #tpu.memory_space<vmem_shared>>)
      %barrier3A_465 = arith.constant 0 : index
      tpu.barrier barrier_id(%barrier3A_465)
      %mul3A_466 = arith.constant 1024 : i32
      %mul3A_467 = arith.muli %arg1, %mul3A_466 : i32
      %mul3A_468 = arith.constant 1024 : i32
      %mul3A_469 = arith.muli %arg1, %mul3A_468 : i32
      %add3A_470 = arith.addi %add3A, %mul3A_469 : i32
      "tpu.region"() ({
        %run_scoped3A = tpu.sem_alloc : memref<!tpu.dma_semaphore, #tpu.memory_space<semaphore_mem>>
        %dma_start3A_472 = arith.constant 0 : i32
        %dma_start3A_473 = tpu.memref_slice %arg5[%add3A_470, %dma_start3A_472] : memref<65536x128xf32, #tpu.memory_space<hbm>> -> memref<1024x64xf32, #tpu.memory_space<hbm>>
        %dma_start3A_474 = arith.constant 0 : i32
        %dma_start3A_475 = tpu.memref_slice %arg11[%mul3A_467, %dma_start3A_474] : memref<16512x64xf32, #tpu.memory_space<vmem_shared>> -> memref<1024x64xf32, #tpu.memory_space<vmem_shared>>
        tpu.enqueue_dma source(%dma_start3A_475 : memref<1024x64xf32, #tpu.memory_space<vmem_shared>>) target(%dma_start3A_473 : memref<1024x64xf32, #tpu.memory_space<hbm>>) target_semaphore(%run_scoped3A : memref<!tpu.dma_semaphore, #tpu.memory_space<semaphore_mem>>)
        %dma_wait3A_476 = arith.constant 0 : i32
        %dma_wait3A_477 = tpu.memref_slice %arg5[%add3A_470, %dma_wait3A_476] : memref<65536x128xf32, #tpu.memory_space<hbm>> -> memref<1024x64xf32, #tpu.memory_space<hbm>>
        %dma_wait3A_478 = arith.constant 0 : i32
        %dma_wait3A_479 = tpu.memref_slice %arg11[%mul3A_467, %dma_wait3A_478] : memref<16512x64xf32, #tpu.memory_space<vmem_shared>> -> memref<1024x64xf32, #tpu.memory_space<vmem_shared>>
        tpu.wait_dma2 semaphore(%run_scoped3A : memref<!tpu.dma_semaphore, #tpu.memory_space<semaphore_mem>>) src(%dma_wait3A_479 : memref<1024x64xf32, #tpu.memory_space<vmem_shared>>) dst(%dma_wait3A_477 : memref<1024x64xf32, #tpu.memory_space<hbm>>)
        tpu.yield
      }) : () -> ()
      %scan3A_471 = arith.constant 0 : i32
      scf.yield %scan3A_471 : i32
    }
    %scan3A_7 = arith.constant 2 : i32
    return
  }
}

#map = affine_map<(d0, d1) -> (0, 0)>
#map1 = affine_map<(d0, d1) -> (0)>
module attributes {stable_mosaic.version = 14 : i64} {
  func.func @body(%arg0: i32, %arg1: i32, %arg2: memref<30000x64xf32, #tpu.memory_space<hbm>>, %arg3: memref<30720xi32, #tpu.memory_space<hbm>>, %arg4: memref<128x64xf32, #tpu.memory_space<hbm>>, %arg5: memref<65536x128xf32, #tpu.memory_space<hbm>>, %arg6: memref<384x64xf32, #tpu.memory_space<vmem>>, %arg7: memref<384x64xf32, #tpu.memory_space<vmem>>, %arg8: memref<128x64xf32, #tpu.memory_space<vmem>>, %arg9: memref<1920xi32, #tpu.memory_space<vmem>>, %arg10: memref<15x128xi32, #tpu.memory_space<vmem>>, %arg11: memref<16512x64xf32, #tpu.memory_space<vmem_shared>>, %arg12: memref<!tpu.dma_semaphore, #tpu.memory_space<semaphore_mem>>, %arg13: memref<!tpu.dma_semaphore, #tpu.memory_space<semaphore_mem>>, %arg14: memref<!tpu.dma_semaphore, #tpu.memory_space<semaphore_mem>>, %arg15: memref<!tpu.dma_semaphore, #tpu.memory_space<semaphore_mem>>, %arg16: memref<!tpu.dma_semaphore, #tpu.memory_space<semaphore_mem>>) attributes {dimension_semantics = [#tpu.dimension_semantics<core_parallel>, #tpu.dimension_semantics<subcore_parallel>], iteration_bounds = array<i64: 2, 16>, scalar_prefetch = 0 : i64, scratch_operands = 11 : i64, tpu.core_type = #tpu.core_type<sc_vector_subcore>, window_params = [{transform_indices = #map}, {transform_indices = #map1}, {transform_indices = #map}, {transform_indices = #map}]} {
    %mul3A = arith.constant 1920 : i32
    %mul3A_0 = arith.muli %arg1, %mul3A : i32
    %eq3A = arith.constant 15 : i32
    %eq3A_1 = arith.cmpi eq, %arg1, %eq3A : i32
    %jit3A = arith.constant 28080 : i32
    %select_n3A = arith.select %eq3A_1, %jit3A, %mul3A_0 : i32
    %multiple_of3A = tpu.assume_multiple %select_n3A, 16 : i32
    "tpu.region"() ({
      %run_scoped3A = tpu.sem_alloc : memref<!tpu.dma_semaphore, #tpu.memory_space<semaphore_mem>>
      %dma_start3A = tpu.memref_slice %arg3[%mul3A_0] : memref<30720xi32, #tpu.memory_space<hbm>> -> memref<1920xi32, #tpu.memory_space<hbm>>
      %dma_start3A_8 = tpu.memref_slice %arg3[%mul3A_0] : memref<30720xi32, #tpu.memory_space<hbm>> -> memref<1920xi32, #tpu.memory_space<hbm>>
      tpu.enqueue_dma source(%dma_start3A_8 : memref<1920xi32, #tpu.memory_space<hbm>>) target(%arg9 : memref<1920xi32, #tpu.memory_space<vmem>>) target_semaphore(%run_scoped3A : memref<!tpu.dma_semaphore, #tpu.memory_space<semaphore_mem>>)
      %dma_wait3A = tpu.memref_slice %arg3[%mul3A_0] : memref<30720xi32, #tpu.memory_space<hbm>> -> memref<1920xi32, #tpu.memory_space<hbm>>
      %dma_wait3A_9 = tpu.memref_slice %arg3[%mul3A_0] : memref<30720xi32, #tpu.memory_space<hbm>> -> memref<1920xi32, #tpu.memory_space<hbm>>
      tpu.wait_dma2 semaphore(%run_scoped3A : memref<!tpu.dma_semaphore, #tpu.memory_space<semaphore_mem>>) src(%dma_wait3A_9 : memref<1920xi32, #tpu.memory_space<hbm>>) dst(%arg9 : memref<1920xi32, #tpu.memory_space<vmem>>)
      tpu.yield
    }) : () -> ()
    "tpu.region"() ({
      %run_scoped3A = tpu.sem_alloc : memref<!tpu.dma_semaphore, #tpu.memory_space<semaphore_mem>>
      tpu.enqueue_dma source(%arg4 : memref<128x64xf32, #tpu.memory_space<hbm>>) target(%arg8 : memref<128x64xf32, #tpu.memory_space<vmem>>) target_semaphore(%run_scoped3A : memref<!tpu.dma_semaphore, #tpu.memory_space<semaphore_mem>>)
      tpu.wait_dma2 semaphore(%run_scoped3A : memref<!tpu.dma_semaphore, #tpu.memory_space<semaphore_mem>>) src(%arg4 : memref<128x64xf32, #tpu.memory_space<hbm>>) dst(%arg8 : memref<128x64xf32, #tpu.memory_space<vmem>>)
      tpu.yield
    }) : () -> ()
    %scan3A = arith.constant 0 : i32
    %scan3A_2 = arith.constant 0 : i32
    %scan3A_3 = arith.constant 2 : i32
    %scan3A_4 = arith.addi %scan3A_2, %scan3A_3 : i32
    %scan3A_5 = arith.constant 1 : i32
    %scan3A_6 = scf.for %scan3A_8 = %scan3A_2 to %scan3A_4 step %scan3A_5 iter_args(%scan3A_9 = %scan3A) -> (i32)  : i32 {
      %mul3A_10 = arith.constant 32768 : i32
      %mul3A_11 = arith.muli %arg0, %mul3A_10 : i32
      %mul3A_12 = arith.constant 16384 : i32
      %mul3A_13 = arith.muli %scan3A_8, %mul3A_12 : i32
      %add3A = arith.addi %mul3A_11, %mul3A_13 : i32
      %add3A_14 = arith.constant 196608 : i32
      %add3A_15 = arith.addi %add3A_14, %add3A : i32
      %mul3A_16 = arith.constant 1024 : i32
      %mul3A_17 = arith.muli %arg1, %mul3A_16 : i32
      %add3A_18 = arith.constant 0 : i32
      %add3A_19 = arith.addi %mul3A_17, %add3A_18 : i32
      %dma_start3A = arith.constant 0 : i32
      %dma_start3A_20 = tpu.memref_slice %arg11[%add3A_19, %dma_start3A] : memref<16512x64xf32, #tpu.memory_space<vmem_shared>> -> memref<128x64xf32, #tpu.memory_space<vmem_shared>>
      %dma_start3A_21 = arith.constant 0 : i32
      %dma_start3A_22 = tpu.memref_slice %arg11[%add3A_19, %dma_start3A_21] : memref<16512x64xf32, #tpu.memory_space<vmem_shared>> -> memref<128x64xf32, #tpu.memory_space<vmem_shared>>
      tpu.enqueue_dma source(%arg8 : memref<128x64xf32, #tpu.memory_space<vmem>>) target(%dma_start3A_22 : memref<128x64xf32, #tpu.memory_space<vmem_shared>>) target_semaphore(%arg12 : memref<!tpu.dma_semaphore, #tpu.memory_space<semaphore_mem>>)
      %mul3A_23 = arith.constant 1024 : i32
      %mul3A_24 = arith.muli %arg1, %mul3A_23 : i32
      %add3A_25 = arith.constant 128 : i32
      %add3A_26 = arith.addi %mul3A_24, %add3A_25 : i32
      %dma_start3A_27 = arith.constant 0 : i32
      %dma_start3A_28 = tpu.memref_slice %arg11[%add3A_26, %dma_start3A_27] : memref<16512x64xf32, #tpu.memory_space<vmem_shared>> -> memref<128x64xf32, #tpu.memory_space<vmem_shared>>
      %dma_start3A_29 = arith.constant 0 : i32
      %dma_start3A_30 = tpu.memref_slice %arg11[%add3A_26, %dma_start3A_29] : memref<16512x64xf32, #tpu.memory_space<vmem_shared>> -> memref<128x64xf32, #tpu.memory_space<vmem_shared>>
      tpu.enqueue_dma source(%arg8 : memref<128x64xf32, #tpu.memory_space<vmem>>) target(%dma_start3A_30 : memref<128x64xf32, #tpu.memory_space<vmem_shared>>) target_semaphore(%arg12 : memref<!tpu.dma_semaphore, #tpu.memory_space<semaphore_mem>>)
      %mul3A_31 = arith.constant 1024 : i32
      %mul3A_32 = arith.muli %arg1, %mul3A_31 : i32
      %add3A_33 = arith.constant 256 : i32
      %add3A_34 = arith.addi %mul3A_32, %add3A_33 : i32
      %dma_start3A_35 = arith.constant 0 : i32
      %dma_start3A_36 = tpu.memref_slice %arg11[%add3A_34, %dma_start3A_35] : memref<16512x64xf32, #tpu.memory_space<vmem_shared>> -> memref<128x64xf32, #tpu.memory_space<vmem_shared>>
      %dma_start3A_37 = arith.constant 0 : i32
      %dma_start3A_38 = tpu.memref_slice %arg11[%add3A_34, %dma_start3A_37] : memref<16512x64xf32, #tpu.memory_space<vmem_shared>> -> memref<128x64xf32, #tpu.memory_space<vmem_shared>>
      tpu.enqueue_dma source(%arg8 : memref<128x64xf32, #tpu.memory_space<vmem>>) target(%dma_start3A_38 : memref<128x64xf32, #tpu.memory_space<vmem_shared>>) target_semaphore(%arg12 : memref<!tpu.dma_semaphore, #tpu.memory_space<semaphore_mem>>)
      %mul3A_39 = arith.constant 1024 : i32
      %mul3A_40 = arith.muli %arg1, %mul3A_39 : i32
      %add3A_41 = arith.constant 384 : i32
      %add3A_42 = arith.addi %mul3A_40, %add3A_41 : i32
      %dma_start3A_43 = arith.constant 0 : i32
      %dma_start3A_44 = tpu.memref_slice %arg11[%add3A_42, %dma_start3A_43] : memref<16512x64xf32, #tpu.memory_space<vmem_shared>> -> memref<128x64xf32, #tpu.memory_space<vmem_shared>>
      %dma_start3A_45 = arith.constant 0 : i32
      %dma_start3A_46 = tpu.memref_slice %arg11[%add3A_42, %dma_start3A_45] : memref<16512x64xf32, #tpu.memory_space<vmem_shared>> -> memref<128x64xf32, #tpu.memory_space<vmem_shared>>
      tpu.enqueue_dma source(%arg8 : memref<128x64xf32, #tpu.memory_space<vmem>>) target(%dma_start3A_46 : memref<128x64xf32, #tpu.memory_space<vmem_shared>>) target_semaphore(%arg12 : memref<!tpu.dma_semaphore, #tpu.memory_space<semaphore_mem>>)
      %mul3A_47 = arith.constant 1024 : i32
      %mul3A_48 = arith.muli %arg1, %mul3A_47 : i32
      %add3A_49 = arith.constant 512 : i32
      %add3A_50 = arith.addi %mul3A_48, %add3A_49 : i32
      %dma_start3A_51 = arith.constant 0 : i32
      %dma_start3A_52 = tpu.memref_slice %arg11[%add3A_50, %dma_start3A_51] : memref<16512x64xf32, #tpu.memory_space<vmem_shared>> -> memref<128x64xf32, #tpu.memory_space<vmem_shared>>
      %dma_start3A_53 = arith.constant 0 : i32
      %dma_start3A_54 = tpu.memref_slice %arg11[%add3A_50, %dma_start3A_53] : memref<16512x64xf32, #tpu.memory_space<vmem_shared>> -> memref<128x64xf32, #tpu.memory_space<vmem_shared>>
      tpu.enqueue_dma source(%arg8 : memref<128x64xf32, #tpu.memory_space<vmem>>) target(%dma_start3A_54 : memref<128x64xf32, #tpu.memory_space<vmem_shared>>) target_semaphore(%arg12 : memref<!tpu.dma_semaphore, #tpu.memory_space<semaphore_mem>>)
      %mul3A_55 = arith.constant 1024 : i32
      %mul3A_56 = arith.muli %arg1, %mul3A_55 : i32
      %add3A_57 = arith.constant 640 : i32
      %add3A_58 = arith.addi %mul3A_56, %add3A_57 : i32
      %dma_start3A_59 = arith.constant 0 : i32
      %dma_start3A_60 = tpu.memref_slice %arg11[%add3A_58, %dma_start3A_59] : memref<16512x64xf32, #tpu.memory_space<vmem_shared>> -> memref<128x64xf32, #tpu.memory_space<vmem_shared>>
      %dma_start3A_61 = arith.constant 0 : i32
      %dma_start3A_62 = tpu.memref_slice %arg11[%add3A_58, %dma_start3A_61] : memref<16512x64xf32, #tpu.memory_space<vmem_shared>> -> memref<128x64xf32, #tpu.memory_space<vmem_shared>>
      tpu.enqueue_dma source(%arg8 : memref<128x64xf32, #tpu.memory_space<vmem>>) target(%dma_start3A_62 : memref<128x64xf32, #tpu.memory_space<vmem_shared>>) target_semaphore(%arg12 : memref<!tpu.dma_semaphore, #tpu.memory_space<semaphore_mem>>)
      %mul3A_63 = arith.constant 1024 : i32
      %mul3A_64 = arith.muli %arg1, %mul3A_63 : i32
      %add3A_65 = arith.constant 768 : i32
      %add3A_66 = arith.addi %mul3A_64, %add3A_65 : i32
      %dma_start3A_67 = arith.constant 0 : i32
      %dma_start3A_68 = tpu.memref_slice %arg11[%add3A_66, %dma_start3A_67] : memref<16512x64xf32, #tpu.memory_space<vmem_shared>> -> memref<128x64xf32, #tpu.memory_space<vmem_shared>>
      %dma_start3A_69 = arith.constant 0 : i32
      %dma_start3A_70 = tpu.memref_slice %arg11[%add3A_66, %dma_start3A_69] : memref<16512x64xf32, #tpu.memory_space<vmem_shared>> -> memref<128x64xf32, #tpu.memory_space<vmem_shared>>
      tpu.enqueue_dma source(%arg8 : memref<128x64xf32, #tpu.memory_space<vmem>>) target(%dma_start3A_70 : memref<128x64xf32, #tpu.memory_space<vmem_shared>>) target_semaphore(%arg12 : memref<!tpu.dma_semaphore, #tpu.memory_space<semaphore_mem>>)
      %mul3A_71 = arith.constant 1024 : i32
      %mul3A_72 = arith.muli %arg1, %mul3A_71 : i32
      %add3A_73 = arith.constant 896 : i32
      %add3A_74 = arith.addi %mul3A_72, %add3A_73 : i32
      %dma_start3A_75 = arith.constant 0 : i32
      %dma_start3A_76 = tpu.memref_slice %arg11[%add3A_74, %dma_start3A_75] : memref<16512x64xf32, #tpu.memory_space<vmem_shared>> -> memref<128x64xf32, #tpu.memory_space<vmem_shared>>
      %dma_start3A_77 = arith.constant 0 : i32
      %dma_start3A_78 = tpu.memref_slice %arg11[%add3A_74, %dma_start3A_77] : memref<16512x64xf32, #tpu.memory_space<vmem_shared>> -> memref<128x64xf32, #tpu.memory_space<vmem_shared>>
      tpu.enqueue_dma source(%arg8 : memref<128x64xf32, #tpu.memory_space<vmem>>) target(%dma_start3A_78 : memref<128x64xf32, #tpu.memory_space<vmem_shared>>) target_semaphore(%arg12 : memref<!tpu.dma_semaphore, #tpu.memory_space<semaphore_mem>>)
      %scan3A_79 = arith.constant 0 : i32
      %scan3A_80 = arith.constant 0 : i32
      %scan3A_81 = arith.constant 15 : i32
      %scan3A_82 = arith.addi %scan3A_80, %scan3A_81 : i32
      %scan3A_83 = arith.constant 1 : i32
      %scan3A_84 = scf.for %scan3A_472 = %scan3A_80 to %scan3A_82 step %scan3A_83 iter_args(%scan3A_473 = %scan3A_79) -> (i32)  : i32 {
        %mul3A_474 = arith.constant 128 : i32
        %mul3A_475 = arith.muli %scan3A_472, %mul3A_474 : i32
        %add3A_476 = arith.constant 0 : i32
        %add3A_477 = arith.addi %mul3A_475, %add3A_476 : i32
        %get3A = arith.index_cast %add3A_477 : i32 to index
        %get3A_478 = tpu.vector_load %arg9[%get3A] {strides = array<i32>} : memref<1920xi32, #tpu.memory_space<vmem>>, vector<16xi32>,
        %get3A_479 = vector.shape_cast %get3A_478 : vector<16xi32> to vector<16xi32>
        %sub3A = vector.broadcast %add3A_15 : i32 to vector<16xi32>
        %sub3A_480 = arith.subi %get3A_479, %sub3A : vector<16xi32>
        %ge3A = arith.constant 0 : i32
        %ge3A_481 = vector.broadcast %ge3A : i32 to vector<16xi32>
        %ge3A_482 = arith.cmpi sge, %sub3A_480, %ge3A_481 : vector<16xi32>
        %lt3A = arith.constant 16384 : i32
        %lt3A_483 = vector.broadcast %lt3A : i32 to vector<16xi32>
        %lt3A_484 = arith.cmpi slt, %sub3A_480, %lt3A_483 : vector<16xi32>
        %and3A = arith.andi %ge3A_482, %lt3A_484 : vector<16xi1>
        %and3A_485 = arith.constant 127 : i32
        %and3A_486 = vector.broadcast %and3A_485 : i32 to vector<16xi32>
        %and3A_487 = arith.andi %get3A_479, %and3A_486 : vector<16xi32>
        %add3A_488 = arith.constant 16384 : i32
        %add3A_489 = vector.broadcast %add3A_488 : i32 to vector<16xi32>
        %add3A_490 = arith.addi %add3A_489, %and3A_487 : vector<16xi32>
        %select_n3A_491 = arith.select %and3A, %sub3A_480, %add3A_490 : vector<16xi1>, vector<16xi32>
        %swap3A = arith.index_cast %scan3A_472 : i32 to index
        %swap3A_492 = arith.constant 0 : index
        %swap3A_493 = tpu.vector_load %arg10[%swap3A, %swap3A_492] {strides = array<i32>} : memref<15x128xi32, #tpu.memory_space<vmem>>, vector<1x16xi32>,
        %swap3A_494 = vector.shape_cast %swap3A_493 : vector<1x16xi32> to vector<16xi32>
        %swap3A_495 = vector.shape_cast %select_n3A_491 : vector<16xi32> to vector<1x16xi32>
        tpu.vector_store %arg10[%swap3A, %swap3A_492], %swap3A_495 {strides = array<i32>} : memref<15x128xi32, #tpu.memory_space<vmem>>, vector<1x16xi32>,
        %mul3A_496 = arith.constant 128 : i32
        %mul3A_497 = arith.muli %scan3A_472, %mul3A_496 : i32
        %add3A_498 = arith.constant 16 : i32
        %add3A_499 = arith.addi %mul3A_497, %add3A_498 : i32
        %get3A_500 = arith.index_cast %add3A_499 : i32 to index
        %get3A_501 = tpu.vector_load %arg9[%get3A_500] {strides = array<i32>} : memref<1920xi32, #tpu.memory_space<vmem>>, vector<16xi32>,
        %get3A_502 = vector.shape_cast %get3A_501 : vector<16xi32> to vector<16xi32>
        %sub3A_503 = vector.broadcast %add3A_15 : i32 to vector<16xi32>
        %sub3A_504 = arith.subi %get3A_502, %sub3A_503 : vector<16xi32>
        %ge3A_505 = arith.constant 0 : i32
        %ge3A_506 = vector.broadcast %ge3A_505 : i32 to vector<16xi32>
        %ge3A_507 = arith.cmpi sge, %sub3A_504, %ge3A_506 : vector<16xi32>
        %lt3A_508 = arith.constant 16384 : i32
        %lt3A_509 = vector.broadcast %lt3A_508 : i32 to vector<16xi32>
        %lt3A_510 = arith.cmpi slt, %sub3A_504, %lt3A_509 : vector<16xi32>
        %and3A_511 = arith.andi %ge3A_507, %lt3A_510 : vector<16xi1>
        %and3A_512 = arith.constant 127 : i32
        %and3A_513 = vector.broadcast %and3A_512 : i32 to vector<16xi32>
        %and3A_514 = arith.andi %get3A_502, %and3A_513 : vector<16xi32>
        %add3A_515 = arith.constant 16384 : i32
        %add3A_516 = vector.broadcast %add3A_515 : i32 to vector<16xi32>
        %add3A_517 = arith.addi %add3A_516, %and3A_514 : vector<16xi32>
        %select_n3A_518 = arith.select %and3A_511, %sub3A_504, %add3A_517 : vector<16xi1>, vector<16xi32>
        %swap3A_519 = arith.index_cast %scan3A_472 : i32 to index
        %swap3A_520 = arith.constant 16 : index
        %swap3A_521 = tpu.vector_load %arg10[%swap3A_519, %swap3A_520] {strides = array<i32>} : memref<15x128xi32, #tpu.memory_space<vmem>>, vector<1x16xi32>,
        %swap3A_522 = vector.shape_cast %swap3A_521 : vector<1x16xi32> to vector<16xi32>
        %swap3A_523 = vector.shape_cast %select_n3A_518 : vector<16xi32> to vector<1x16xi32>
        tpu.vector_store %arg10[%swap3A_519, %swap3A_520], %swap3A_523 {strides = array<i32>} : memref<15x128xi32, #tpu.memory_space<vmem>>, vector<1x16xi32>,
        %mul3A_524 = arith.constant 128 : i32
        %mul3A_525 = arith.muli %scan3A_472, %mul3A_524 : i32
        %add3A_526 = arith.constant 32 : i32
        %add3A_527 = arith.addi %mul3A_525, %add3A_526 : i32
        %get3A_528 = arith.index_cast %add3A_527 : i32 to index
        %get3A_529 = tpu.vector_load %arg9[%get3A_528] {strides = array<i32>} : memref<1920xi32, #tpu.memory_space<vmem>>, vector<16xi32>,
        %get3A_530 = vector.shape_cast %get3A_529 : vector<16xi32> to vector<16xi32>
        %sub3A_531 = vector.broadcast %add3A_15 : i32 to vector<16xi32>
        %sub3A_532 = arith.subi %get3A_530, %sub3A_531 : vector<16xi32>
        %ge3A_533 = arith.constant 0 : i32
        %ge3A_534 = vector.broadcast %ge3A_533 : i32 to vector<16xi32>
        %ge3A_535 = arith.cmpi sge, %sub3A_532, %ge3A_534 : vector<16xi32>
        %lt3A_536 = arith.constant 16384 : i32
        %lt3A_537 = vector.broadcast %lt3A_536 : i32 to vector<16xi32>
        %lt3A_538 = arith.cmpi slt, %sub3A_532, %lt3A_537 : vector<16xi32>
        %and3A_539 = arith.andi %ge3A_535, %lt3A_538 : vector<16xi1>
        %and3A_540 = arith.constant 127 : i32
        %and3A_541 = vector.broadcast %and3A_540 : i32 to vector<16xi32>
        %and3A_542 = arith.andi %get3A_530, %and3A_541 : vector<16xi32>
        %add3A_543 = arith.constant 16384 : i32
        %add3A_544 = vector.broadcast %add3A_543 : i32 to vector<16xi32>
        %add3A_545 = arith.addi %add3A_544, %and3A_542 : vector<16xi32>
        %select_n3A_546 = arith.select %and3A_539, %sub3A_532, %add3A_545 : vector<16xi1>, vector<16xi32>
        %swap3A_547 = arith.index_cast %scan3A_472 : i32 to index
        %swap3A_548 = arith.constant 32 : index
        %swap3A_549 = tpu.vector_load %arg10[%swap3A_547, %swap3A_548] {strides = array<i32>} : memref<15x128xi32, #tpu.memory_space<vmem>>, vector<1x16xi32>,
        %swap3A_550 = vector.shape_cast %swap3A_549 : vector<1x16xi32> to vector<16xi32>
        %swap3A_551 = vector.shape_cast %select_n3A_546 : vector<16xi32> to vector<1x16xi32>
        tpu.vector_store %arg10[%swap3A_547, %swap3A_548], %swap3A_551 {strides = array<i32>} : memref<15x128xi32, #tpu.memory_space<vmem>>, vector<1x16xi32>,
        %mul3A_552 = arith.constant 128 : i32
        %mul3A_553 = arith.muli %scan3A_472, %mul3A_552 : i32
        %add3A_554 = arith.constant 48 : i32
        %add3A_555 = arith.addi %mul3A_553, %add3A_554 : i32
        %get3A_556 = arith.index_cast %add3A_555 : i32 to index
        %get3A_557 = tpu.vector_load %arg9[%get3A_556] {strides = array<i32>} : memref<1920xi32, #tpu.memory_space<vmem>>, vector<16xi32>,
        %get3A_558 = vector.shape_cast %get3A_557 : vector<16xi32> to vector<16xi32>
        %sub3A_559 = vector.broadcast %add3A_15 : i32 to vector<16xi32>
        %sub3A_560 = arith.subi %get3A_558, %sub3A_559 : vector<16xi32>
        %ge3A_561 = arith.constant 0 : i32
        %ge3A_562 = vector.broadcast %ge3A_561 : i32 to vector<16xi32>
        %ge3A_563 = arith.cmpi sge, %sub3A_560, %ge3A_562 : vector<16xi32>
        %lt3A_564 = arith.constant 16384 : i32
        %lt3A_565 = vector.broadcast %lt3A_564 : i32 to vector<16xi32>
        %lt3A_566 = arith.cmpi slt, %sub3A_560, %lt3A_565 : vector<16xi32>
        %and3A_567 = arith.andi %ge3A_563, %lt3A_566 : vector<16xi1>
        %and3A_568 = arith.constant 127 : i32
        %and3A_569 = vector.broadcast %and3A_568 : i32 to vector<16xi32>
        %and3A_570 = arith.andi %get3A_558, %and3A_569 : vector<16xi32>
        %add3A_571 = arith.constant 16384 : i32
        %add3A_572 = vector.broadcast %add3A_571 : i32 to vector<16xi32>
        %add3A_573 = arith.addi %add3A_572, %and3A_570 : vector<16xi32>
        %select_n3A_574 = arith.select %and3A_567, %sub3A_560, %add3A_573 : vector<16xi1>, vector<16xi32>
        %swap3A_575 = arith.index_cast %scan3A_472 : i32 to index
        %swap3A_576 = arith.constant 48 : index
        %swap3A_577 = tpu.vector_load %arg10[%swap3A_575, %swap3A_576] {strides = array<i32>} : memref<15x128xi32, #tpu.memory_space<vmem>>, vector<1x16xi32>,
        %swap3A_578 = vector.shape_cast %swap3A_577 : vector<1x16xi32> to vector<16xi32>
        %swap3A_579 = vector.shape_cast %select_n3A_574 : vector<16xi32> to vector<1x16xi32>
        tpu.vector_store %arg10[%swap3A_575, %swap3A_576], %swap3A_579 {strides = array<i32>} : memref<15x128xi32, #tpu.memory_space<vmem>>, vector<1x16xi32>,
        %mul3A_580 = arith.constant 128 : i32
        %mul3A_581 = arith.muli %scan3A_472, %mul3A_580 : i32
        %add3A_582 = arith.constant 64 : i32
        %add3A_583 = arith.addi %mul3A_581, %add3A_582 : i32
        %get3A_584 = arith.index_cast %add3A_583 : i32 to index
        %get3A_585 = tpu.vector_load %arg9[%get3A_584] {strides = array<i32>} : memref<1920xi32, #tpu.memory_space<vmem>>, vector<16xi32>,
        %get3A_586 = vector.shape_cast %get3A_585 : vector<16xi32> to vector<16xi32>
        %sub3A_587 = vector.broadcast %add3A_15 : i32 to vector<16xi32>
        %sub3A_588 = arith.subi %get3A_586, %sub3A_587 : vector<16xi32>
        %ge3A_589 = arith.constant 0 : i32
        %ge3A_590 = vector.broadcast %ge3A_589 : i32 to vector<16xi32>
        %ge3A_591 = arith.cmpi sge, %sub3A_588, %ge3A_590 : vector<16xi32>
        %lt3A_592 = arith.constant 16384 : i32
        %lt3A_593 = vector.broadcast %lt3A_592 : i32 to vector<16xi32>
        %lt3A_594 = arith.cmpi slt, %sub3A_588, %lt3A_593 : vector<16xi32>
        %and3A_595 = arith.andi %ge3A_591, %lt3A_594 : vector<16xi1>
        %and3A_596 = arith.constant 127 : i32
        %and3A_597 = vector.broadcast %and3A_596 : i32 to vector<16xi32>
        %and3A_598 = arith.andi %get3A_586, %and3A_597 : vector<16xi32>
        %add3A_599 = arith.constant 16384 : i32
        %add3A_600 = vector.broadcast %add3A_599 : i32 to vector<16xi32>
        %add3A_601 = arith.addi %add3A_600, %and3A_598 : vector<16xi32>
        %select_n3A_602 = arith.select %and3A_595, %sub3A_588, %add3A_601 : vector<16xi1>, vector<16xi32>
        %swap3A_603 = arith.index_cast %scan3A_472 : i32 to index
        %swap3A_604 = arith.constant 64 : index
        %swap3A_605 = tpu.vector_load %arg10[%swap3A_603, %swap3A_604] {strides = array<i32>} : memref<15x128xi32, #tpu.memory_space<vmem>>, vector<1x16xi32>,
        %swap3A_606 = vector.shape_cast %swap3A_605 : vector<1x16xi32> to vector<16xi32>
        %swap3A_607 = vector.shape_cast %select_n3A_602 : vector<16xi32> to vector<1x16xi32>
        tpu.vector_store %arg10[%swap3A_603, %swap3A_604], %swap3A_607 {strides = array<i32>} : memref<15x128xi32, #tpu.memory_space<vmem>>, vector<1x16xi32>,
        %mul3A_608 = arith.constant 128 : i32
        %mul3A_609 = arith.muli %scan3A_472, %mul3A_608 : i32
        %add3A_610 = arith.constant 80 : i32
        %add3A_611 = arith.addi %mul3A_609, %add3A_610 : i32
        %get3A_612 = arith.index_cast %add3A_611 : i32 to index
        %get3A_613 = tpu.vector_load %arg9[%get3A_612] {strides = array<i32>} : memref<1920xi32, #tpu.memory_space<vmem>>, vector<16xi32>,
        %get3A_614 = vector.shape_cast %get3A_613 : vector<16xi32> to vector<16xi32>
        %sub3A_615 = vector.broadcast %add3A_15 : i32 to vector<16xi32>
        %sub3A_616 = arith.subi %get3A_614, %sub3A_615 : vector<16xi32>
        %ge3A_617 = arith.constant 0 : i32
        %ge3A_618 = vector.broadcast %ge3A_617 : i32 to vector<16xi32>
        %ge3A_619 = arith.cmpi sge, %sub3A_616, %ge3A_618 : vector<16xi32>
        %lt3A_620 = arith.constant 16384 : i32
        %lt3A_621 = vector.broadcast %lt3A_620 : i32 to vector<16xi32>
        %lt3A_622 = arith.cmpi slt, %sub3A_616, %lt3A_621 : vector<16xi32>
        %and3A_623 = arith.andi %ge3A_619, %lt3A_622 : vector<16xi1>
        %and3A_624 = arith.constant 127 : i32
        %and3A_625 = vector.broadcast %and3A_624 : i32 to vector<16xi32>
        %and3A_626 = arith.andi %get3A_614, %and3A_625 : vector<16xi32>
        %add3A_627 = arith.constant 16384 : i32
        %add3A_628 = vector.broadcast %add3A_627 : i32 to vector<16xi32>
        %add3A_629 = arith.addi %add3A_628, %and3A_626 : vector<16xi32>
        %select_n3A_630 = arith.select %and3A_623, %sub3A_616, %add3A_629 : vector<16xi1>, vector<16xi32>
        %swap3A_631 = arith.index_cast %scan3A_472 : i32 to index
        %swap3A_632 = arith.constant 80 : index
        %swap3A_633 = tpu.vector_load %arg10[%swap3A_631, %swap3A_632] {strides = array<i32>} : memref<15x128xi32, #tpu.memory_space<vmem>>, vector<1x16xi32>,
        %swap3A_634 = vector.shape_cast %swap3A_633 : vector<1x16xi32> to vector<16xi32>
        %swap3A_635 = vector.shape_cast %select_n3A_630 : vector<16xi32> to vector<1x16xi32>
        tpu.vector_store %arg10[%swap3A_631, %swap3A_632], %swap3A_635 {strides = array<i32>} : memref<15x128xi32, #tpu.memory_space<vmem>>, vector<1x16xi32>,
        %mul3A_636 = arith.constant 128 : i32
        %mul3A_637 = arith.muli %scan3A_472, %mul3A_636 : i32
        %add3A_638 = arith.constant 96 : i32
        %add3A_639 = arith.addi %mul3A_637, %add3A_638 : i32
        %get3A_640 = arith.index_cast %add3A_639 : i32 to index
        %get3A_641 = tpu.vector_load %arg9[%get3A_640] {strides = array<i32>} : memref<1920xi32, #tpu.memory_space<vmem>>, vector<16xi32>,
        %get3A_642 = vector.shape_cast %get3A_641 : vector<16xi32> to vector<16xi32>
        %sub3A_643 = vector.broadcast %add3A_15 : i32 to vector<16xi32>
        %sub3A_644 = arith.subi %get3A_642, %sub3A_643 : vector<16xi32>
        %ge3A_645 = arith.constant 0 : i32
        %ge3A_646 = vector.broadcast %ge3A_645 : i32 to vector<16xi32>
        %ge3A_647 = arith.cmpi sge, %sub3A_644, %ge3A_646 : vector<16xi32>
        %lt3A_648 = arith.constant 16384 : i32
        %lt3A_649 = vector.broadcast %lt3A_648 : i32 to vector<16xi32>
        %lt3A_650 = arith.cmpi slt, %sub3A_644, %lt3A_649 : vector<16xi32>
        %and3A_651 = arith.andi %ge3A_647, %lt3A_650 : vector<16xi1>
        %and3A_652 = arith.constant 127 : i32
        %and3A_653 = vector.broadcast %and3A_652 : i32 to vector<16xi32>
        %and3A_654 = arith.andi %get3A_642, %and3A_653 : vector<16xi32>
        %add3A_655 = arith.constant 16384 : i32
        %add3A_656 = vector.broadcast %add3A_655 : i32 to vector<16xi32>
        %add3A_657 = arith.addi %add3A_656, %and3A_654 : vector<16xi32>
        %select_n3A_658 = arith.select %and3A_651, %sub3A_644, %add3A_657 : vector<16xi1>, vector<16xi32>
        %swap3A_659 = arith.index_cast %scan3A_472 : i32 to index
        %swap3A_660 = arith.constant 96 : index
        %swap3A_661 = tpu.vector_load %arg10[%swap3A_659, %swap3A_660] {strides = array<i32>} : memref<15x128xi32, #tpu.memory_space<vmem>>, vector<1x16xi32>,
        %swap3A_662 = vector.shape_cast %swap3A_661 : vector<1x16xi32> to vector<16xi32>
        %swap3A_663 = vector.shape_cast %select_n3A_658 : vector<16xi32> to vector<1x16xi32>
        tpu.vector_store %arg10[%swap3A_659, %swap3A_660], %swap3A_663 {strides = array<i32>} : memref<15x128xi32, #tpu.memory_space<vmem>>, vector<1x16xi32>,
        %mul3A_664 = arith.constant 128 : i32
        %mul3A_665 = arith.muli %scan3A_472, %mul3A_664 : i32
        %add3A_666 = arith.constant 112 : i32
        %add3A_667 = arith.addi %mul3A_665, %add3A_666 : i32
        %get3A_668 = arith.index_cast %add3A_667 : i32 to index
        %get3A_669 = tpu.vector_load %arg9[%get3A_668] {strides = array<i32>} : memref<1920xi32, #tpu.memory_space<vmem>>, vector<16xi32>,
        %get3A_670 = vector.shape_cast %get3A_669 : vector<16xi32> to vector<16xi32>
        %sub3A_671 = vector.broadcast %add3A_15 : i32 to vector<16xi32>
        %sub3A_672 = arith.subi %get3A_670, %sub3A_671 : vector<16xi32>
        %ge3A_673 = arith.constant 0 : i32
        %ge3A_674 = vector.broadcast %ge3A_673 : i32 to vector<16xi32>
        %ge3A_675 = arith.cmpi sge, %sub3A_672, %ge3A_674 : vector<16xi32>
        %lt3A_676 = arith.constant 16384 : i32
        %lt3A_677 = vector.broadcast %lt3A_676 : i32 to vector<16xi32>
        %lt3A_678 = arith.cmpi slt, %sub3A_672, %lt3A_677 : vector<16xi32>
        %and3A_679 = arith.andi %ge3A_675, %lt3A_678 : vector<16xi1>
        %and3A_680 = arith.constant 127 : i32
        %and3A_681 = vector.broadcast %and3A_680 : i32 to vector<16xi32>
        %and3A_682 = arith.andi %get3A_670, %and3A_681 : vector<16xi32>
        %add3A_683 = arith.constant 16384 : i32
        %add3A_684 = vector.broadcast %add3A_683 : i32 to vector<16xi32>
        %add3A_685 = arith.addi %add3A_684, %and3A_682 : vector<16xi32>
        %select_n3A_686 = arith.select %and3A_679, %sub3A_672, %add3A_685 : vector<16xi1>, vector<16xi32>
        %swap3A_687 = arith.index_cast %scan3A_472 : i32 to index
        %swap3A_688 = arith.constant 112 : index
        %swap3A_689 = tpu.vector_load %arg10[%swap3A_687, %swap3A_688] {strides = array<i32>} : memref<15x128xi32, #tpu.memory_space<vmem>>, vector<1x16xi32>,
        %swap3A_690 = vector.shape_cast %swap3A_689 : vector<1x16xi32> to vector<16xi32>
        %swap3A_691 = vector.shape_cast %select_n3A_686 : vector<16xi32> to vector<1x16xi32>
        tpu.vector_store %arg10[%swap3A_687, %swap3A_688], %swap3A_691 {strides = array<i32>} : memref<15x128xi32, #tpu.memory_space<vmem>>, vector<1x16xi32>,
        %scan3A_692 = arith.constant 0 : i32
        scf.yield %scan3A_692 : i32
      }
      %scan3A_85 = arith.constant 15 : i32
      %dma_wait3A = arith.constant 0 : i32
      %dma_wait3A_86 = tpu.memref_slice %arg11[%add3A_19, %dma_wait3A] : memref<16512x64xf32, #tpu.memory_space<vmem_shared>> -> memref<128x64xf32, #tpu.memory_space<vmem_shared>>
      %dma_wait3A_87 = arith.constant 0 : i32
      %dma_wait3A_88 = tpu.memref_slice %arg11[%add3A_19, %dma_wait3A_87] : memref<16512x64xf32, #tpu.memory_space<vmem_shared>> -> memref<128x64xf32, #tpu.memory_space<vmem_shared>>
      tpu.wait_dma2 semaphore(%arg12 : memref<!tpu.dma_semaphore, #tpu.memory_space<semaphore_mem>>) src(%arg8 : memref<128x64xf32, #tpu.memory_space<vmem>>) dst(%dma_wait3A_88 : memref<128x64xf32, #tpu.memory_space<vmem_shared>>)
      %dma_wait3A_89 = arith.constant 0 : i32
      %dma_wait3A_90 = tpu.memref_slice %arg11[%add3A_26, %dma_wait3A_89] : memref<16512x64xf32, #tpu.memory_space<vmem_shared>> -> memref<128x64xf32, #tpu.memory_space<vmem_shared>>
      %dma_wait3A_91 = arith.constant 0 : i32
      %dma_wait3A_92 = tpu.memref_slice %arg11[%add3A_26, %dma_wait3A_91] : memref<16512x64xf32, #tpu.memory_space<vmem_shared>> -> memref<128x64xf32, #tpu.memory_space<vmem_shared>>
      tpu.wait_dma2 semaphore(%arg12 : memref<!tpu.dma_semaphore, #tpu.memory_space<semaphore_mem>>) src(%arg8 : memref<128x64xf32, #tpu.memory_space<vmem>>) dst(%dma_wait3A_92 : memref<128x64xf32, #tpu.memory_space<vmem_shared>>)
      %dma_wait3A_93 = arith.constant 0 : i32
      %dma_wait3A_94 = tpu.memref_slice %arg11[%add3A_34, %dma_wait3A_93] : memref<16512x64xf32, #tpu.memory_space<vmem_shared>> -> memref<128x64xf32, #tpu.memory_space<vmem_shared>>
      %dma_wait3A_95 = arith.constant 0 : i32
      %dma_wait3A_96 = tpu.memref_slice %arg11[%add3A_34, %dma_wait3A_95] : memref<16512x64xf32, #tpu.memory_space<vmem_shared>> -> memref<128x64xf32, #tpu.memory_space<vmem_shared>>
      tpu.wait_dma2 semaphore(%arg12 : memref<!tpu.dma_semaphore, #tpu.memory_space<semaphore_mem>>) src(%arg8 : memref<128x64xf32, #tpu.memory_space<vmem>>) dst(%dma_wait3A_96 : memref<128x64xf32, #tpu.memory_space<vmem_shared>>)
      %dma_wait3A_97 = arith.constant 0 : i32
      %dma_wait3A_98 = tpu.memref_slice %arg11[%add3A_42, %dma_wait3A_97] : memref<16512x64xf32, #tpu.memory_space<vmem_shared>> -> memref<128x64xf32, #tpu.memory_space<vmem_shared>>
      %dma_wait3A_99 = arith.constant 0 : i32
      %dma_wait3A_100 = tpu.memref_slice %arg11[%add3A_42, %dma_wait3A_99] : memref<16512x64xf32, #tpu.memory_space<vmem_shared>> -> memref<128x64xf32, #tpu.memory_space<vmem_shared>>
      tpu.wait_dma2 semaphore(%arg12 : memref<!tpu.dma_semaphore, #tpu.memory_space<semaphore_mem>>) src(%arg8 : memref<128x64xf32, #tpu.memory_space<vmem>>) dst(%dma_wait3A_100 : memref<128x64xf32, #tpu.memory_space<vmem_shared>>)
      %dma_wait3A_101 = arith.constant 0 : i32
      %dma_wait3A_102 = tpu.memref_slice %arg11[%add3A_50, %dma_wait3A_101] : memref<16512x64xf32, #tpu.memory_space<vmem_shared>> -> memref<128x64xf32, #tpu.memory_space<vmem_shared>>
      %dma_wait3A_103 = arith.constant 0 : i32
      %dma_wait3A_104 = tpu.memref_slice %arg11[%add3A_50, %dma_wait3A_103] : memref<16512x64xf32, #tpu.memory_space<vmem_shared>> -> memref<128x64xf32, #tpu.memory_space<vmem_shared>>
      tpu.wait_dma2 semaphore(%arg12 : memref<!tpu.dma_semaphore, #tpu.memory_space<semaphore_mem>>) src(%arg8 : memref<128x64xf32, #tpu.memory_space<vmem>>) dst(%dma_wait3A_104 : memref<128x64xf32, #tpu.memory_space<vmem_shared>>)
      %dma_wait3A_105 = arith.constant 0 : i32
      %dma_wait3A_106 = tpu.memref_slice %arg11[%add3A_58, %dma_wait3A_105] : memref<16512x64xf32, #tpu.memory_space<vmem_shared>> -> memref<128x64xf32, #tpu.memory_space<vmem_shared>>
      %dma_wait3A_107 = arith.constant 0 : i32
      %dma_wait3A_108 = tpu.memref_slice %arg11[%add3A_58, %dma_wait3A_107] : memref<16512x64xf32, #tpu.memory_space<vmem_shared>> -> memref<128x64xf32, #tpu.memory_space<vmem_shared>>
      tpu.wait_dma2 semaphore(%arg12 : memref<!tpu.dma_semaphore, #tpu.memory_space<semaphore_mem>>) src(%arg8 : memref<128x64xf32, #tpu.memory_space<vmem>>) dst(%dma_wait3A_108 : memref<128x64xf32, #tpu.memory_space<vmem_shared>>)
      %dma_wait3A_109 = arith.constant 0 : i32
      %dma_wait3A_110 = tpu.memref_slice %arg11[%add3A_66, %dma_wait3A_109] : memref<16512x64xf32, #tpu.memory_space<vmem_shared>> -> memref<128x64xf32, #tpu.memory_space<vmem_shared>>
      %dma_wait3A_111 = arith.constant 0 : i32
      %dma_wait3A_112 = tpu.memref_slice %arg11[%add3A_66, %dma_wait3A_111] : memref<16512x64xf32, #tpu.memory_space<vmem_shared>> -> memref<128x64xf32, #tpu.memory_space<vmem_shared>>
      tpu.wait_dma2 semaphore(%arg12 : memref<!tpu.dma_semaphore, #tpu.memory_space<semaphore_mem>>) src(%arg8 : memref<128x64xf32, #tpu.memory_space<vmem>>) dst(%dma_wait3A_112 : memref<128x64xf32, #tpu.memory_space<vmem_shared>>)
      %dma_wait3A_113 = arith.constant 0 : i32
      %dma_wait3A_114 = tpu.memref_slice %arg11[%add3A_74, %dma_wait3A_113] : memref<16512x64xf32, #tpu.memory_space<vmem_shared>> -> memref<128x64xf32, #tpu.memory_space<vmem_shared>>
      %dma_wait3A_115 = arith.constant 0 : i32
      %dma_wait3A_116 = tpu.memref_slice %arg11[%add3A_74, %dma_wait3A_115] : memref<16512x64xf32, #tpu.memory_space<vmem_shared>> -> memref<128x64xf32, #tpu.memory_space<vmem_shared>>
      tpu.wait_dma2 semaphore(%arg12 : memref<!tpu.dma_semaphore, #tpu.memory_space<semaphore_mem>>) src(%arg8 : memref<128x64xf32, #tpu.memory_space<vmem>>) dst(%dma_wait3A_116 : memref<128x64xf32, #tpu.memory_space<vmem_shared>>)
      %barrier3A = arith.constant 0 : index
      tpu.barrier barrier_id(%barrier3A)
      %dma_start3A_117 = arith.constant 0 : i32
      %dma_start3A_118 = tpu.memref_slice %arg2[%multiple_of3A, %dma_start3A_117] : memref<30000x64xf32, #tpu.memory_space<hbm>> -> memref<384x64xf32, #tpu.memory_space<hbm>>
      %dma_start3A_119 = arith.constant 0 : i32
      %dma_start3A_120 = tpu.memref_slice %arg2[%multiple_of3A, %dma_start3A_119] : memref<30000x64xf32, #tpu.memory_space<hbm>> -> memref<384x64xf32, #tpu.memory_space<hbm>>
      tpu.enqueue_dma source(%dma_start3A_120 : memref<384x64xf32, #tpu.memory_space<hbm>>) target(%arg6 : memref<384x64xf32, #tpu.memory_space<vmem>>) target_semaphore(%arg13 : memref<!tpu.dma_semaphore, #tpu.memory_space<semaphore_mem>>)
      %dma_wait3A_121 = arith.constant 0 : i32
      %dma_wait3A_122 = tpu.memref_slice %arg2[%multiple_of3A, %dma_wait3A_121] : memref<30000x64xf32, #tpu.memory_space<hbm>> -> memref<384x64xf32, #tpu.memory_space<hbm>>
      %dma_wait3A_123 = arith.constant 0 : i32
      %dma_wait3A_124 = tpu.memref_slice %arg2[%multiple_of3A, %dma_wait3A_123] : memref<30000x64xf32, #tpu.memory_space<hbm>> -> memref<384x64xf32, #tpu.memory_space<hbm>>
      tpu.wait_dma2 semaphore(%arg13 : memref<!tpu.dma_semaphore, #tpu.memory_space<semaphore_mem>>) src(%dma_wait3A_124 : memref<384x64xf32, #tpu.memory_space<hbm>>) dst(%arg6 : memref<384x64xf32, #tpu.memory_space<vmem>>)
      %add3A_125 = arith.constant 384 : i32
      %add3A_126 = arith.addi %multiple_of3A, %add3A_125 : i32
      %dma_start3A_127 = arith.constant 0 : i32
      %dma_start3A_128 = tpu.memref_slice %arg2[%add3A_126, %dma_start3A_127] : memref<30000x64xf32, #tpu.memory_space<hbm>> -> memref<384x64xf32, #tpu.memory_space<hbm>>
      %dma_start3A_129 = arith.constant 0 : i32
      %dma_start3A_130 = tpu.memref_slice %arg2[%add3A_126, %dma_start3A_129] : memref<30000x64xf32, #tpu.memory_space<hbm>> -> memref<384x64xf32, #tpu.memory_space<hbm>>
      tpu.enqueue_dma source(%dma_start3A_130 : memref<384x64xf32, #tpu.memory_space<hbm>>) target(%arg7 : memref<384x64xf32, #tpu.memory_space<vmem>>) target_semaphore(%arg14 : memref<!tpu.dma_semaphore, #tpu.memory_space<semaphore_mem>>)
      %dma_start3A_131 = arith.constant 0 : i32
      %dma_start3A_132 = arith.constant 0 : i32
      %dma_start3A_133 = arith.constant 0 : i32
      %dma_start3A_134 = tpu.memref_slice %arg6[%dma_start3A_132, %dma_start3A_133] : memref<384x64xf32, #tpu.memory_space<vmem>> -> memref<128x64xf32, #tpu.memory_space<vmem>>
      %dma_start3A_135 = arith.constant 0 : i32
      %dma_start3A_136 = tpu.memref_slice %arg10[%dma_start3A_131, %dma_start3A_135] : memref<15x128xi32, #tpu.memory_space<vmem>> -> memref<1x128xi32, #tpu.memory_space<vmem>>
      %dma_start3A_137 = tpu.memref_squeeze %dma_start3A_136 : memref<1x128xi32, #tpu.memory_space<vmem>> -> memref<128xi32, #tpu.memory_space<vmem>>
      %dma_start3A_138 = arith.constant 0 : i32
      %dma_start3A_139 = arith.constant 0 : i32
      %dma_start3A_140 = tpu.memref_slice %arg11[%dma_start3A_138, %dma_start3A_139] : memref<16512x64xf32, #tpu.memory_space<vmem_shared>> -> memref<16512x64xf32, #tpu.memory_space<vmem_shared>>
      tpu.enqueue_indirect_dma source(%dma_start3A_134 : memref<128x64xf32, #tpu.memory_space<vmem>>) target(%dma_start3A_140 : memref<16512x64xf32, #tpu.memory_space<vmem_shared>>) offsets(%dma_start3A_137 : memref<128xi32, #tpu.memory_space<vmem>>) semaphore(%arg15 : memref<!tpu.dma_semaphore, #tpu.memory_space<semaphore_mem>>) {add = true}
      %dma_start3A_141 = arith.constant 1 : i32
      %dma_start3A_142 = arith.constant 128 : i32
      %dma_start3A_143 = arith.constant 0 : i32
      %dma_start3A_144 = tpu.memref_slice %arg6[%dma_start3A_142, %dma_start3A_143] : memref<384x64xf32, #tpu.memory_space<vmem>> -> memref<128x64xf32, #tpu.memory_space<vmem>>
      %dma_start3A_145 = arith.constant 0 : i32
      %dma_start3A_146 = tpu.memref_slice %arg10[%dma_start3A_141, %dma_start3A_145] : memref<15x128xi32, #tpu.memory_space<vmem>> -> memref<1x128xi32, #tpu.memory_space<vmem>>
      %dma_start3A_147 = tpu.memref_squeeze %dma_start3A_146 : memref<1x128xi32, #tpu.memory_space<vmem>> -> memref<128xi32, #tpu.memory_space<vmem>>
      %dma_start3A_148 = arith.constant 0 : i32
      %dma_start3A_149 = arith.constant 0 : i32
      %dma_start3A_150 = tpu.memref_slice %arg11[%dma_start3A_148, %dma_start3A_149] : memref<16512x64xf32, #tpu.memory_space<vmem_shared>> -> memref<16512x64xf32, #tpu.memory_space<vmem_shared>>
      tpu.enqueue_indirect_dma source(%dma_start3A_144 : memref<128x64xf32, #tpu.memory_space<vmem>>) target(%dma_start3A_150 : memref<16512x64xf32, #tpu.memory_space<vmem_shared>>) offsets(%dma_start3A_147 : memref<128xi32, #tpu.memory_space<vmem>>) semaphore(%arg15 : memref<!tpu.dma_semaphore, #tpu.memory_space<semaphore_mem>>) {add = true}
      %dma_start3A_151 = arith.constant 2 : i32
      %dma_start3A_152 = arith.constant 256 : i32
      %dma_start3A_153 = arith.constant 0 : i32
      %dma_start3A_154 = tpu.memref_slice %arg6[%dma_start3A_152, %dma_start3A_153] : memref<384x64xf32, #tpu.memory_space<vmem>> -> memref<128x64xf32, #tpu.memory_space<vmem>>
      %dma_start3A_155 = arith.constant 0 : i32
      %dma_start3A_156 = tpu.memref_slice %arg10[%dma_start3A_151, %dma_start3A_155] : memref<15x128xi32, #tpu.memory_space<vmem>> -> memref<1x128xi32, #tpu.memory_space<vmem>>
      %dma_start3A_157 = tpu.memref_squeeze %dma_start3A_156 : memref<1x128xi32, #tpu.memory_space<vmem>> -> memref<128xi32, #tpu.memory_space<vmem>>
      %dma_start3A_158 = arith.constant 0 : i32
      %dma_start3A_159 = arith.constant 0 : i32
      %dma_start3A_160 = tpu.memref_slice %arg11[%dma_start3A_158, %dma_start3A_159] : memref<16512x64xf32, #tpu.memory_space<vmem_shared>> -> memref<16512x64xf32, #tpu.memory_space<vmem_shared>>
      tpu.enqueue_indirect_dma source(%dma_start3A_154 : memref<128x64xf32, #tpu.memory_space<vmem>>) target(%dma_start3A_160 : memref<16512x64xf32, #tpu.memory_space<vmem_shared>>) offsets(%dma_start3A_157 : memref<128xi32, #tpu.memory_space<vmem>>) semaphore(%arg15 : memref<!tpu.dma_semaphore, #tpu.memory_space<semaphore_mem>>) {add = true}
      %dma_wait3A_161 = arith.constant 0 : i32
      %dma_wait3A_162 = tpu.memref_slice %arg2[%add3A_126, %dma_wait3A_161] : memref<30000x64xf32, #tpu.memory_space<hbm>> -> memref<384x64xf32, #tpu.memory_space<hbm>>
      %dma_wait3A_163 = arith.constant 0 : i32
      %dma_wait3A_164 = tpu.memref_slice %arg2[%add3A_126, %dma_wait3A_163] : memref<30000x64xf32, #tpu.memory_space<hbm>> -> memref<384x64xf32, #tpu.memory_space<hbm>>
      tpu.wait_dma2 semaphore(%arg14 : memref<!tpu.dma_semaphore, #tpu.memory_space<semaphore_mem>>) src(%dma_wait3A_164 : memref<384x64xf32, #tpu.memory_space<hbm>>) dst(%arg7 : memref<384x64xf32, #tpu.memory_space<vmem>>)
      %dma_wait3A_165 = arith.constant 0 : i32
      %dma_wait3A_166 = arith.constant 0 : i32
      %dma_wait3A_167 = arith.constant 0 : i32
      %dma_wait3A_168 = tpu.memref_slice %arg6[%dma_wait3A_166, %dma_wait3A_167] : memref<384x64xf32, #tpu.memory_space<vmem>> -> memref<128x64xf32, #tpu.memory_space<vmem>>
      %dma_wait3A_169 = arith.constant 0 : i32
      %dma_wait3A_170 = tpu.memref_slice %arg10[%dma_wait3A_165, %dma_wait3A_169] : memref<15x128xi32, #tpu.memory_space<vmem>> -> memref<1x128xi32, #tpu.memory_space<vmem>>
      %dma_wait3A_171 = tpu.memref_squeeze %dma_wait3A_170 : memref<1x128xi32, #tpu.memory_space<vmem>> -> memref<128xi32, #tpu.memory_space<vmem>>
      %dma_wait3A_172 = arith.constant 0 : i32
      %dma_wait3A_173 = arith.constant 0 : i32
      %dma_wait3A_174 = tpu.memref_slice %arg11[%dma_wait3A_172, %dma_wait3A_173] : memref<16512x64xf32, #tpu.memory_space<vmem_shared>> -> memref<16512x64xf32, #tpu.memory_space<vmem_shared>>
      tpu.wait_indirect_dma semaphore(%arg15 : memref<!tpu.dma_semaphore, #tpu.memory_space<semaphore_mem>>) src(%dma_wait3A_168 : memref<128x64xf32, #tpu.memory_space<vmem>>) dst(%dma_wait3A_174 : memref<16512x64xf32, #tpu.memory_space<vmem_shared>>)
      %dma_wait3A_175 = arith.constant 1 : i32
      %dma_wait3A_176 = arith.constant 128 : i32
      %dma_wait3A_177 = arith.constant 0 : i32
      %dma_wait3A_178 = tpu.memref_slice %arg6[%dma_wait3A_176, %dma_wait3A_177] : memref<384x64xf32, #tpu.memory_space<vmem>> -> memref<128x64xf32, #tpu.memory_space<vmem>>
      %dma_wait3A_179 = arith.constant 0 : i32
      %dma_wait3A_180 = tpu.memref_slice %arg10[%dma_wait3A_175, %dma_wait3A_179] : memref<15x128xi32, #tpu.memory_space<vmem>> -> memref<1x128xi32, #tpu.memory_space<vmem>>
      %dma_wait3A_181 = tpu.memref_squeeze %dma_wait3A_180 : memref<1x128xi32, #tpu.memory_space<vmem>> -> memref<128xi32, #tpu.memory_space<vmem>>
      %dma_wait3A_182 = arith.constant 0 : i32
      %dma_wait3A_183 = arith.constant 0 : i32
      %dma_wait3A_184 = tpu.memref_slice %arg11[%dma_wait3A_182, %dma_wait3A_183] : memref<16512x64xf32, #tpu.memory_space<vmem_shared>> -> memref<16512x64xf32, #tpu.memory_space<vmem_shared>>
      tpu.wait_indirect_dma semaphore(%arg15 : memref<!tpu.dma_semaphore, #tpu.memory_space<semaphore_mem>>) src(%dma_wait3A_178 : memref<128x64xf32, #tpu.memory_space<vmem>>) dst(%dma_wait3A_184 : memref<16512x64xf32, #tpu.memory_space<vmem_shared>>)
      %dma_wait3A_185 = arith.constant 2 : i32
      %dma_wait3A_186 = arith.constant 256 : i32
      %dma_wait3A_187 = arith.constant 0 : i32
      %dma_wait3A_188 = tpu.memref_slice %arg6[%dma_wait3A_186, %dma_wait3A_187] : memref<384x64xf32, #tpu.memory_space<vmem>> -> memref<128x64xf32, #tpu.memory_space<vmem>>
      %dma_wait3A_189 = arith.constant 0 : i32
      %dma_wait3A_190 = tpu.memref_slice %arg10[%dma_wait3A_185, %dma_wait3A_189] : memref<15x128xi32, #tpu.memory_space<vmem>> -> memref<1x128xi32, #tpu.memory_space<vmem>>
      %dma_wait3A_191 = tpu.memref_squeeze %dma_wait3A_190 : memref<1x128xi32, #tpu.memory_space<vmem>> -> memref<128xi32, #tpu.memory_space<vmem>>
      %dma_wait3A_192 = arith.constant 0 : i32
      %dma_wait3A_193 = arith.constant 0 : i32
      %dma_wait3A_194 = tpu.memref_slice %arg11[%dma_wait3A_192, %dma_wait3A_193] : memref<16512x64xf32, #tpu.memory_space<vmem_shared>> -> memref<16512x64xf32, #tpu.memory_space<vmem_shared>>
      tpu.wait_indirect_dma semaphore(%arg15 : memref<!tpu.dma_semaphore, #tpu.memory_space<semaphore_mem>>) src(%dma_wait3A_188 : memref<128x64xf32, #tpu.memory_space<vmem>>) dst(%dma_wait3A_194 : memref<16512x64xf32, #tpu.memory_space<vmem_shared>>)
      %add3A_195 = arith.constant 768 : i32
      %add3A_196 = arith.addi %multiple_of3A, %add3A_195 : i32
      %dma_start3A_197 = arith.constant 0 : i32
      %dma_start3A_198 = tpu.memref_slice %arg2[%add3A_196, %dma_start3A_197] : memref<30000x64xf32, #tpu.memory_space<hbm>> -> memref<384x64xf32, #tpu.memory_space<hbm>>
      %dma_start3A_199 = arith.constant 0 : i32
      %dma_start3A_200 = tpu.memref_slice %arg2[%add3A_196, %dma_start3A_199] : memref<30000x64xf32, #tpu.memory_space<hbm>> -> memref<384x64xf32, #tpu.memory_space<hbm>>
      tpu.enqueue_dma source(%dma_start3A_200 : memref<384x64xf32, #tpu.memory_space<hbm>>) target(%arg6 : memref<384x64xf32, #tpu.memory_space<vmem>>) target_semaphore(%arg13 : memref<!tpu.dma_semaphore, #tpu.memory_space<semaphore_mem>>)
      %dma_start3A_201 = arith.constant 3 : i32
      %dma_start3A_202 = arith.constant 0 : i32
      %dma_start3A_203 = arith.constant 0 : i32
      %dma_start3A_204 = tpu.memref_slice %arg7[%dma_start3A_202, %dma_start3A_203] : memref<384x64xf32, #tpu.memory_space<vmem>> -> memref<128x64xf32, #tpu.memory_space<vmem>>
      %dma_start3A_205 = arith.constant 0 : i32
      %dma_start3A_206 = tpu.memref_slice %arg10[%dma_start3A_201, %dma_start3A_205] : memref<15x128xi32, #tpu.memory_space<vmem>> -> memref<1x128xi32, #tpu.memory_space<vmem>>
      %dma_start3A_207 = tpu.memref_squeeze %dma_start3A_206 : memref<1x128xi32, #tpu.memory_space<vmem>> -> memref<128xi32, #tpu.memory_space<vmem>>
      %dma_start3A_208 = arith.constant 0 : i32
      %dma_start3A_209 = arith.constant 0 : i32
      %dma_start3A_210 = tpu.memref_slice %arg11[%dma_start3A_208, %dma_start3A_209] : memref<16512x64xf32, #tpu.memory_space<vmem_shared>> -> memref<16512x64xf32, #tpu.memory_space<vmem_shared>>
      tpu.enqueue_indirect_dma source(%dma_start3A_204 : memref<128x64xf32, #tpu.memory_space<vmem>>) target(%dma_start3A_210 : memref<16512x64xf32, #tpu.memory_space<vmem_shared>>) offsets(%dma_start3A_207 : memref<128xi32, #tpu.memory_space<vmem>>) semaphore(%arg16 : memref<!tpu.dma_semaphore, #tpu.memory_space<semaphore_mem>>) {add = true}
      %dma_start3A_211 = arith.constant 4 : i32
      %dma_start3A_212 = arith.constant 128 : i32
      %dma_start3A_213 = arith.constant 0 : i32
      %dma_start3A_214 = tpu.memref_slice %arg7[%dma_start3A_212, %dma_start3A_213] : memref<384x64xf32, #tpu.memory_space<vmem>> -> memref<128x64xf32, #tpu.memory_space<vmem>>
      %dma_start3A_215 = arith.constant 0 : i32
      %dma_start3A_216 = tpu.memref_slice %arg10[%dma_start3A_211, %dma_start3A_215] : memref<15x128xi32, #tpu.memory_space<vmem>> -> memref<1x128xi32, #tpu.memory_space<vmem>>
      %dma_start3A_217 = tpu.memref_squeeze %dma_start3A_216 : memref<1x128xi32, #tpu.memory_space<vmem>> -> memref<128xi32, #tpu.memory_space<vmem>>
      %dma_start3A_218 = arith.constant 0 : i32
      %dma_start3A_219 = arith.constant 0 : i32
      %dma_start3A_220 = tpu.memref_slice %arg11[%dma_start3A_218, %dma_start3A_219] : memref<16512x64xf32, #tpu.memory_space<vmem_shared>> -> memref<16512x64xf32, #tpu.memory_space<vmem_shared>>
      tpu.enqueue_indirect_dma source(%dma_start3A_214 : memref<128x64xf32, #tpu.memory_space<vmem>>) target(%dma_start3A_220 : memref<16512x64xf32, #tpu.memory_space<vmem_shared>>) offsets(%dma_start3A_217 : memref<128xi32, #tpu.memory_space<vmem>>) semaphore(%arg16 : memref<!tpu.dma_semaphore, #tpu.memory_space<semaphore_mem>>) {add = true}
      %dma_start3A_221 = arith.constant 5 : i32
      %dma_start3A_222 = arith.constant 256 : i32
      %dma_start3A_223 = arith.constant 0 : i32
      %dma_start3A_224 = tpu.memref_slice %arg7[%dma_start3A_222, %dma_start3A_223] : memref<384x64xf32, #tpu.memory_space<vmem>> -> memref<128x64xf32, #tpu.memory_space<vmem>>
      %dma_start3A_225 = arith.constant 0 : i32
      %dma_start3A_226 = tpu.memref_slice %arg10[%dma_start3A_221, %dma_start3A_225] : memref<15x128xi32, #tpu.memory_space<vmem>> -> memref<1x128xi32, #tpu.memory_space<vmem>>
      %dma_start3A_227 = tpu.memref_squeeze %dma_start3A_226 : memref<1x128xi32, #tpu.memory_space<vmem>> -> memref<128xi32, #tpu.memory_space<vmem>>
      %dma_start3A_228 = arith.constant 0 : i32
      %dma_start3A_229 = arith.constant 0 : i32
      %dma_start3A_230 = tpu.memref_slice %arg11[%dma_start3A_228, %dma_start3A_229] : memref<16512x64xf32, #tpu.memory_space<vmem_shared>> -> memref<16512x64xf32, #tpu.memory_space<vmem_shared>>
      tpu.enqueue_indirect_dma source(%dma_start3A_224 : memref<128x64xf32, #tpu.memory_space<vmem>>) target(%dma_start3A_230 : memref<16512x64xf32, #tpu.memory_space<vmem_shared>>) offsets(%dma_start3A_227 : memref<128xi32, #tpu.memory_space<vmem>>) semaphore(%arg16 : memref<!tpu.dma_semaphore, #tpu.memory_space<semaphore_mem>>) {add = true}
      %dma_wait3A_231 = arith.constant 0 : i32
      %dma_wait3A_232 = tpu.memref_slice %arg2[%add3A_196, %dma_wait3A_231] : memref<30000x64xf32, #tpu.memory_space<hbm>> -> memref<384x64xf32, #tpu.memory_space<hbm>>
      %dma_wait3A_233 = arith.constant 0 : i32
      %dma_wait3A_234 = tpu.memref_slice %arg2[%add3A_196, %dma_wait3A_233] : memref<30000x64xf32, #tpu.memory_space<hbm>> -> memref<384x64xf32, #tpu.memory_space<hbm>>
      tpu.wait_dma2 semaphore(%arg13 : memref<!tpu.dma_semaphore, #tpu.memory_space<semaphore_mem>>) src(%dma_wait3A_234 : memref<384x64xf32, #tpu.memory_space<hbm>>) dst(%arg6 : memref<384x64xf32, #tpu.memory_space<vmem>>)
      %dma_wait3A_235 = arith.constant 3 : i32
      %dma_wait3A_236 = arith.constant 0 : i32
      %dma_wait3A_237 = arith.constant 0 : i32
      %dma_wait3A_238 = tpu.memref_slice %arg7[%dma_wait3A_236, %dma_wait3A_237] : memref<384x64xf32, #tpu.memory_space<vmem>> -> memref<128x64xf32, #tpu.memory_space<vmem>>
      %dma_wait3A_239 = arith.constant 0 : i32
      %dma_wait3A_240 = tpu.memref_slice %arg10[%dma_wait3A_235, %dma_wait3A_239] : memref<15x128xi32, #tpu.memory_space<vmem>> -> memref<1x128xi32, #tpu.memory_space<vmem>>
      %dma_wait3A_241 = tpu.memref_squeeze %dma_wait3A_240 : memref<1x128xi32, #tpu.memory_space<vmem>> -> memref<128xi32, #tpu.memory_space<vmem>>
      %dma_wait3A_242 = arith.constant 0 : i32
      %dma_wait3A_243 = arith.constant 0 : i32
      %dma_wait3A_244 = tpu.memref_slice %arg11[%dma_wait3A_242, %dma_wait3A_243] : memref<16512x64xf32, #tpu.memory_space<vmem_shared>> -> memref<16512x64xf32, #tpu.memory_space<vmem_shared>>
      tpu.wait_indirect_dma semaphore(%arg16 : memref<!tpu.dma_semaphore, #tpu.memory_space<semaphore_mem>>) src(%dma_wait3A_238 : memref<128x64xf32, #tpu.memory_space<vmem>>) dst(%dma_wait3A_244 : memref<16512x64xf32, #tpu.memory_space<vmem_shared>>)
      %dma_wait3A_245 = arith.constant 4 : i32
      %dma_wait3A_246 = arith.constant 128 : i32
      %dma_wait3A_247 = arith.constant 0 : i32
      %dma_wait3A_248 = tpu.memref_slice %arg7[%dma_wait3A_246, %dma_wait3A_247] : memref<384x64xf32, #tpu.memory_space<vmem>> -> memref<128x64xf32, #tpu.memory_space<vmem>>
      %dma_wait3A_249 = arith.constant 0 : i32
      %dma_wait3A_250 = tpu.memref_slice %arg10[%dma_wait3A_245, %dma_wait3A_249] : memref<15x128xi32, #tpu.memory_space<vmem>> -> memref<1x128xi32, #tpu.memory_space<vmem>>
      %dma_wait3A_251 = tpu.memref_squeeze %dma_wait3A_250 : memref<1x128xi32, #tpu.memory_space<vmem>> -> memref<128xi32, #tpu.memory_space<vmem>>
      %dma_wait3A_252 = arith.constant 0 : i32
      %dma_wait3A_253 = arith.constant 0 : i32
      %dma_wait3A_254 = tpu.memref_slice %arg11[%dma_wait3A_252, %dma_wait3A_253] : memref<16512x64xf32, #tpu.memory_space<vmem_shared>> -> memref<16512x64xf32, #tpu.memory_space<vmem_shared>>
      tpu.wait_indirect_dma semaphore(%arg16 : memref<!tpu.dma_semaphore, #tpu.memory_space<semaphore_mem>>) src(%dma_wait3A_248 : memref<128x64xf32, #tpu.memory_space<vmem>>) dst(%dma_wait3A_254 : memref<16512x64xf32, #tpu.memory_space<vmem_shared>>)
      %dma_wait3A_255 = arith.constant 5 : i32
      %dma_wait3A_256 = arith.constant 256 : i32
      %dma_wait3A_257 = arith.constant 0 : i32
      %dma_wait3A_258 = tpu.memref_slice %arg7[%dma_wait3A_256, %dma_wait3A_257] : memref<384x64xf32, #tpu.memory_space<vmem>> -> memref<128x64xf32, #tpu.memory_space<vmem>>
      %dma_wait3A_259 = arith.constant 0 : i32
      %dma_wait3A_260 = tpu.memref_slice %arg10[%dma_wait3A_255, %dma_wait3A_259] : memref<15x128xi32, #tpu.memory_space<vmem>> -> memref<1x128xi32, #tpu.memory_space<vmem>>
      %dma_wait3A_261 = tpu.memref_squeeze %dma_wait3A_260 : memref<1x128xi32, #tpu.memory_space<vmem>> -> memref<128xi32, #tpu.memory_space<vmem>>
      %dma_wait3A_262 = arith.constant 0 : i32
      %dma_wait3A_263 = arith.constant 0 : i32
      %dma_wait3A_264 = tpu.memref_slice %arg11[%dma_wait3A_262, %dma_wait3A_263] : memref<16512x64xf32, #tpu.memory_space<vmem_shared>> -> memref<16512x64xf32, #tpu.memory_space<vmem_shared>>
      tpu.wait_indirect_dma semaphore(%arg16 : memref<!tpu.dma_semaphore, #tpu.memory_space<semaphore_mem>>) src(%dma_wait3A_258 : memref<128x64xf32, #tpu.memory_space<vmem>>) dst(%dma_wait3A_264 : memref<16512x64xf32, #tpu.memory_space<vmem_shared>>)
      %add3A_265 = arith.constant 1152 : i32
      %add3A_266 = arith.addi %multiple_of3A, %add3A_265 : i32
      %dma_start3A_267 = arith.constant 0 : i32
      %dma_start3A_268 = tpu.memref_slice %arg2[%add3A_266, %dma_start3A_267] : memref<30000x64xf32, #tpu.memory_space<hbm>> -> memref<384x64xf32, #tpu.memory_space<hbm>>
      %dma_start3A_269 = arith.constant 0 : i32
      %dma_start3A_270 = tpu.memref_slice %arg2[%add3A_266, %dma_start3A_269] : memref<30000x64xf32, #tpu.memory_space<hbm>> -> memref<384x64xf32, #tpu.memory_space<hbm>>
      tpu.enqueue_dma source(%dma_start3A_270 : memref<384x64xf32, #tpu.memory_space<hbm>>) target(%arg7 : memref<384x64xf32, #tpu.memory_space<vmem>>) target_semaphore(%arg14 : memref<!tpu.dma_semaphore, #tpu.memory_space<semaphore_mem>>)
      %dma_start3A_271 = arith.constant 6 : i32
      %dma_start3A_272 = arith.constant 0 : i32
      %dma_start3A_273 = arith.constant 0 : i32
      %dma_start3A_274 = tpu.memref_slice %arg6[%dma_start3A_272, %dma_start3A_273] : memref<384x64xf32, #tpu.memory_space<vmem>> -> memref<128x64xf32, #tpu.memory_space<vmem>>
      %dma_start3A_275 = arith.constant 0 : i32
      %dma_start3A_276 = tpu.memref_slice %arg10[%dma_start3A_271, %dma_start3A_275] : memref<15x128xi32, #tpu.memory_space<vmem>> -> memref<1x128xi32, #tpu.memory_space<vmem>>
      %dma_start3A_277 = tpu.memref_squeeze %dma_start3A_276 : memref<1x128xi32, #tpu.memory_space<vmem>> -> memref<128xi32, #tpu.memory_space<vmem>>
      %dma_start3A_278 = arith.constant 0 : i32
      %dma_start3A_279 = arith.constant 0 : i32
      %dma_start3A_280 = tpu.memref_slice %arg11[%dma_start3A_278, %dma_start3A_279] : memref<16512x64xf32, #tpu.memory_space<vmem_shared>> -> memref<16512x64xf32, #tpu.memory_space<vmem_shared>>
      tpu.enqueue_indirect_dma source(%dma_start3A_274 : memref<128x64xf32, #tpu.memory_space<vmem>>) target(%dma_start3A_280 : memref<16512x64xf32, #tpu.memory_space<vmem_shared>>) offsets(%dma_start3A_277 : memref<128xi32, #tpu.memory_space<vmem>>) semaphore(%arg15 : memref<!tpu.dma_semaphore, #tpu.memory_space<semaphore_mem>>) {add = true}
      %dma_start3A_281 = arith.constant 7 : i32
      %dma_start3A_282 = arith.constant 128 : i32
      %dma_start3A_283 = arith.constant 0 : i32
      %dma_start3A_284 = tpu.memref_slice %arg6[%dma_start3A_282, %dma_start3A_283] : memref<384x64xf32, #tpu.memory_space<vmem>> -> memref<128x64xf32, #tpu.memory_space<vmem>>
      %dma_start3A_285 = arith.constant 0 : i32
      %dma_start3A_286 = tpu.memref_slice %arg10[%dma_start3A_281, %dma_start3A_285] : memref<15x128xi32, #tpu.memory_space<vmem>> -> memref<1x128xi32, #tpu.memory_space<vmem>>
      %dma_start3A_287 = tpu.memref_squeeze %dma_start3A_286 : memref<1x128xi32, #tpu.memory_space<vmem>> -> memref<128xi32, #tpu.memory_space<vmem>>
      %dma_start3A_288 = arith.constant 0 : i32
      %dma_start3A_289 = arith.constant 0 : i32
      %dma_start3A_290 = tpu.memref_slice %arg11[%dma_start3A_288, %dma_start3A_289] : memref<16512x64xf32, #tpu.memory_space<vmem_shared>> -> memref<16512x64xf32, #tpu.memory_space<vmem_shared>>
      tpu.enqueue_indirect_dma source(%dma_start3A_284 : memref<128x64xf32, #tpu.memory_space<vmem>>) target(%dma_start3A_290 : memref<16512x64xf32, #tpu.memory_space<vmem_shared>>) offsets(%dma_start3A_287 : memref<128xi32, #tpu.memory_space<vmem>>) semaphore(%arg15 : memref<!tpu.dma_semaphore, #tpu.memory_space<semaphore_mem>>) {add = true}
      %dma_start3A_291 = arith.constant 8 : i32
      %dma_start3A_292 = arith.constant 256 : i32
      %dma_start3A_293 = arith.constant 0 : i32
      %dma_start3A_294 = tpu.memref_slice %arg6[%dma_start3A_292, %dma_start3A_293] : memref<384x64xf32, #tpu.memory_space<vmem>> -> memref<128x64xf32, #tpu.memory_space<vmem>>
      %dma_start3A_295 = arith.constant 0 : i32
      %dma_start3A_296 = tpu.memref_slice %arg10[%dma_start3A_291, %dma_start3A_295] : memref<15x128xi32, #tpu.memory_space<vmem>> -> memref<1x128xi32, #tpu.memory_space<vmem>>
      %dma_start3A_297 = tpu.memref_squeeze %dma_start3A_296 : memref<1x128xi32, #tpu.memory_space<vmem>> -> memref<128xi32, #tpu.memory_space<vmem>>
      %dma_start3A_298 = arith.constant 0 : i32
      %dma_start3A_299 = arith.constant 0 : i32
      %dma_start3A_300 = tpu.memref_slice %arg11[%dma_start3A_298, %dma_start3A_299] : memref<16512x64xf32, #tpu.memory_space<vmem_shared>> -> memref<16512x64xf32, #tpu.memory_space<vmem_shared>>
      tpu.enqueue_indirect_dma source(%dma_start3A_294 : memref<128x64xf32, #tpu.memory_space<vmem>>) target(%dma_start3A_300 : memref<16512x64xf32, #tpu.memory_space<vmem_shared>>) offsets(%dma_start3A_297 : memref<128xi32, #tpu.memory_space<vmem>>) semaphore(%arg15 : memref<!tpu.dma_semaphore, #tpu.memory_space<semaphore_mem>>) {add = true}
      %dma_wait3A_301 = arith.constant 0 : i32
      %dma_wait3A_302 = tpu.memref_slice %arg2[%add3A_266, %dma_wait3A_301] : memref<30000x64xf32, #tpu.memory_space<hbm>> -> memref<384x64xf32, #tpu.memory_space<hbm>>
      %dma_wait3A_303 = arith.constant 0 : i32
      %dma_wait3A_304 = tpu.memref_slice %arg2[%add3A_266, %dma_wait3A_303] : memref<30000x64xf32, #tpu.memory_space<hbm>> -> memref<384x64xf32, #tpu.memory_space<hbm>>
      tpu.wait_dma2 semaphore(%arg14 : memref<!tpu.dma_semaphore, #tpu.memory_space<semaphore_mem>>) src(%dma_wait3A_304 : memref<384x64xf32, #tpu.memory_space<hbm>>) dst(%arg7 : memref<384x64xf32, #tpu.memory_space<vmem>>)
      %dma_wait3A_305 = arith.constant 6 : i32
      %dma_wait3A_306 = arith.constant 0 : i32
      %dma_wait3A_307 = arith.constant 0 : i32
      %dma_wait3A_308 = tpu.memref_slice %arg6[%dma_wait3A_306, %dma_wait3A_307] : memref<384x64xf32, #tpu.memory_space<vmem>> -> memref<128x64xf32, #tpu.memory_space<vmem>>
      %dma_wait3A_309 = arith.constant 0 : i32
      %dma_wait3A_310 = tpu.memref_slice %arg10[%dma_wait3A_305, %dma_wait3A_309] : memref<15x128xi32, #tpu.memory_space<vmem>> -> memref<1x128xi32, #tpu.memory_space<vmem>>
      %dma_wait3A_311 = tpu.memref_squeeze %dma_wait3A_310 : memref<1x128xi32, #tpu.memory_space<vmem>> -> memref<128xi32, #tpu.memory_space<vmem>>
      %dma_wait3A_312 = arith.constant 0 : i32
      %dma_wait3A_313 = arith.constant 0 : i32
      %dma_wait3A_314 = tpu.memref_slice %arg11[%dma_wait3A_312, %dma_wait3A_313] : memref<16512x64xf32, #tpu.memory_space<vmem_shared>> -> memref<16512x64xf32, #tpu.memory_space<vmem_shared>>
      tpu.wait_indirect_dma semaphore(%arg15 : memref<!tpu.dma_semaphore, #tpu.memory_space<semaphore_mem>>) src(%dma_wait3A_308 : memref<128x64xf32, #tpu.memory_space<vmem>>) dst(%dma_wait3A_314 : memref<16512x64xf32, #tpu.memory_space<vmem_shared>>)
      %dma_wait3A_315 = arith.constant 7 : i32
      %dma_wait3A_316 = arith.constant 128 : i32
      %dma_wait3A_317 = arith.constant 0 : i32
      %dma_wait3A_318 = tpu.memref_slice %arg6[%dma_wait3A_316, %dma_wait3A_317] : memref<384x64xf32, #tpu.memory_space<vmem>> -> memref<128x64xf32, #tpu.memory_space<vmem>>
      %dma_wait3A_319 = arith.constant 0 : i32
      %dma_wait3A_320 = tpu.memref_slice %arg10[%dma_wait3A_315, %dma_wait3A_319] : memref<15x128xi32, #tpu.memory_space<vmem>> -> memref<1x128xi32, #tpu.memory_space<vmem>>
      %dma_wait3A_321 = tpu.memref_squeeze %dma_wait3A_320 : memref<1x128xi32, #tpu.memory_space<vmem>> -> memref<128xi32, #tpu.memory_space<vmem>>
      %dma_wait3A_322 = arith.constant 0 : i32
      %dma_wait3A_323 = arith.constant 0 : i32
      %dma_wait3A_324 = tpu.memref_slice %arg11[%dma_wait3A_322, %dma_wait3A_323] : memref<16512x64xf32, #tpu.memory_space<vmem_shared>> -> memref<16512x64xf32, #tpu.memory_space<vmem_shared>>
      tpu.wait_indirect_dma semaphore(%arg15 : memref<!tpu.dma_semaphore, #tpu.memory_space<semaphore_mem>>) src(%dma_wait3A_318 : memref<128x64xf32, #tpu.memory_space<vmem>>) dst(%dma_wait3A_324 : memref<16512x64xf32, #tpu.memory_space<vmem_shared>>)
      %dma_wait3A_325 = arith.constant 8 : i32
      %dma_wait3A_326 = arith.constant 256 : i32
      %dma_wait3A_327 = arith.constant 0 : i32
      %dma_wait3A_328 = tpu.memref_slice %arg6[%dma_wait3A_326, %dma_wait3A_327] : memref<384x64xf32, #tpu.memory_space<vmem>> -> memref<128x64xf32, #tpu.memory_space<vmem>>
      %dma_wait3A_329 = arith.constant 0 : i32
      %dma_wait3A_330 = tpu.memref_slice %arg10[%dma_wait3A_325, %dma_wait3A_329] : memref<15x128xi32, #tpu.memory_space<vmem>> -> memref<1x128xi32, #tpu.memory_space<vmem>>
      %dma_wait3A_331 = tpu.memref_squeeze %dma_wait3A_330 : memref<1x128xi32, #tpu.memory_space<vmem>> -> memref<128xi32, #tpu.memory_space<vmem>>
      %dma_wait3A_332 = arith.constant 0 : i32
      %dma_wait3A_333 = arith.constant 0 : i32
      %dma_wait3A_334 = tpu.memref_slice %arg11[%dma_wait3A_332, %dma_wait3A_333] : memref<16512x64xf32, #tpu.memory_space<vmem_shared>> -> memref<16512x64xf32, #tpu.memory_space<vmem_shared>>
      tpu.wait_indirect_dma semaphore(%arg15 : memref<!tpu.dma_semaphore, #tpu.memory_space<semaphore_mem>>) src(%dma_wait3A_328 : memref<128x64xf32, #tpu.memory_space<vmem>>) dst(%dma_wait3A_334 : memref<16512x64xf32, #tpu.memory_space<vmem_shared>>)
      %add3A_335 = arith.constant 1536 : i32
      %add3A_336 = arith.addi %multiple_of3A, %add3A_335 : i32
      %dma_start3A_337 = arith.constant 0 : i32
      %dma_start3A_338 = tpu.memref_slice %arg2[%add3A_336, %dma_start3A_337] : memref<30000x64xf32, #tpu.memory_space<hbm>> -> memref<384x64xf32, #tpu.memory_space<hbm>>
      %dma_start3A_339 = arith.constant 0 : i32
      %dma_start3A_340 = tpu.memref_slice %arg2[%add3A_336, %dma_start3A_339] : memref<30000x64xf32, #tpu.memory_space<hbm>> -> memref<384x64xf32, #tpu.memory_space<hbm>>
      tpu.enqueue_dma source(%dma_start3A_340 : memref<384x64xf32, #tpu.memory_space<hbm>>) target(%arg6 : memref<384x64xf32, #tpu.memory_space<vmem>>) target_semaphore(%arg13 : memref<!tpu.dma_semaphore, #tpu.memory_space<semaphore_mem>>)
      %dma_start3A_341 = arith.constant 9 : i32
      %dma_start3A_342 = arith.constant 0 : i32
      %dma_start3A_343 = arith.constant 0 : i32
      %dma_start3A_344 = tpu.memref_slice %arg7[%dma_start3A_342, %dma_start3A_343] : memref<384x64xf32, #tpu.memory_space<vmem>> -> memref<128x64xf32, #tpu.memory_space<vmem>>
      %dma_start3A_345 = arith.constant 0 : i32
      %dma_start3A_346 = tpu.memref_slice %arg10[%dma_start3A_341, %dma_start3A_345] : memref<15x128xi32, #tpu.memory_space<vmem>> -> memref<1x128xi32, #tpu.memory_space<vmem>>
      %dma_start3A_347 = tpu.memref_squeeze %dma_start3A_346 : memref<1x128xi32, #tpu.memory_space<vmem>> -> memref<128xi32, #tpu.memory_space<vmem>>
      %dma_start3A_348 = arith.constant 0 : i32
      %dma_start3A_349 = arith.constant 0 : i32
      %dma_start3A_350 = tpu.memref_slice %arg11[%dma_start3A_348, %dma_start3A_349] : memref<16512x64xf32, #tpu.memory_space<vmem_shared>> -> memref<16512x64xf32, #tpu.memory_space<vmem_shared>>
      tpu.enqueue_indirect_dma source(%dma_start3A_344 : memref<128x64xf32, #tpu.memory_space<vmem>>) target(%dma_start3A_350 : memref<16512x64xf32, #tpu.memory_space<vmem_shared>>) offsets(%dma_start3A_347 : memref<128xi32, #tpu.memory_space<vmem>>) semaphore(%arg16 : memref<!tpu.dma_semaphore, #tpu.memory_space<semaphore_mem>>) {add = true}
      %dma_start3A_351 = arith.constant 10 : i32
      %dma_start3A_352 = arith.constant 128 : i32
      %dma_start3A_353 = arith.constant 0 : i32
      %dma_start3A_354 = tpu.memref_slice %arg7[%dma_start3A_352, %dma_start3A_353] : memref<384x64xf32, #tpu.memory_space<vmem>> -> memref<128x64xf32, #tpu.memory_space<vmem>>
      %dma_start3A_355 = arith.constant 0 : i32
      %dma_start3A_356 = tpu.memref_slice %arg10[%dma_start3A_351, %dma_start3A_355] : memref<15x128xi32, #tpu.memory_space<vmem>> -> memref<1x128xi32, #tpu.memory_space<vmem>>
      %dma_start3A_357 = tpu.memref_squeeze %dma_start3A_356 : memref<1x128xi32, #tpu.memory_space<vmem>> -> memref<128xi32, #tpu.memory_space<vmem>>
      %dma_start3A_358 = arith.constant 0 : i32
      %dma_start3A_359 = arith.constant 0 : i32
      %dma_start3A_360 = tpu.memref_slice %arg11[%dma_start3A_358, %dma_start3A_359] : memref<16512x64xf32, #tpu.memory_space<vmem_shared>> -> memref<16512x64xf32, #tpu.memory_space<vmem_shared>>
      tpu.enqueue_indirect_dma source(%dma_start3A_354 : memref<128x64xf32, #tpu.memory_space<vmem>>) target(%dma_start3A_360 : memref<16512x64xf32, #tpu.memory_space<vmem_shared>>) offsets(%dma_start3A_357 : memref<128xi32, #tpu.memory_space<vmem>>) semaphore(%arg16 : memref<!tpu.dma_semaphore, #tpu.memory_space<semaphore_mem>>) {add = true}
      %dma_start3A_361 = arith.constant 11 : i32
      %dma_start3A_362 = arith.constant 256 : i32
      %dma_start3A_363 = arith.constant 0 : i32
      %dma_start3A_364 = tpu.memref_slice %arg7[%dma_start3A_362, %dma_start3A_363] : memref<384x64xf32, #tpu.memory_space<vmem>> -> memref<128x64xf32, #tpu.memory_space<vmem>>
      %dma_start3A_365 = arith.constant 0 : i32
      %dma_start3A_366 = tpu.memref_slice %arg10[%dma_start3A_361, %dma_start3A_365] : memref<15x128xi32, #tpu.memory_space<vmem>> -> memref<1x128xi32, #tpu.memory_space<vmem>>
      %dma_start3A_367 = tpu.memref_squeeze %dma_start3A_366 : memref<1x128xi32, #tpu.memory_space<vmem>> -> memref<128xi32, #tpu.memory_space<vmem>>
      %dma_start3A_368 = arith.constant 0 : i32
      %dma_start3A_369 = arith.constant 0 : i32
      %dma_start3A_370 = tpu.memref_slice %arg11[%dma_start3A_368, %dma_start3A_369] : memref<16512x64xf32, #tpu.memory_space<vmem_shared>> -> memref<16512x64xf32, #tpu.memory_space<vmem_shared>>
      tpu.enqueue_indirect_dma source(%dma_start3A_364 : memref<128x64xf32, #tpu.memory_space<vmem>>) target(%dma_start3A_370 : memref<16512x64xf32, #tpu.memory_space<vmem_shared>>) offsets(%dma_start3A_367 : memref<128xi32, #tpu.memory_space<vmem>>) semaphore(%arg16 : memref<!tpu.dma_semaphore, #tpu.memory_space<semaphore_mem>>) {add = true}
      %dma_wait3A_371 = arith.constant 0 : i32
      %dma_wait3A_372 = tpu.memref_slice %arg2[%add3A_336, %dma_wait3A_371] : memref<30000x64xf32, #tpu.memory_space<hbm>> -> memref<384x64xf32, #tpu.memory_space<hbm>>
      %dma_wait3A_373 = arith.constant 0 : i32
      %dma_wait3A_374 = tpu.memref_slice %arg2[%add3A_336, %dma_wait3A_373] : memref<30000x64xf32, #tpu.memory_space<hbm>> -> memref<384x64xf32, #tpu.memory_space<hbm>>
      tpu.wait_dma2 semaphore(%arg13 : memref<!tpu.dma_semaphore, #tpu.memory_space<semaphore_mem>>) src(%dma_wait3A_374 : memref<384x64xf32, #tpu.memory_space<hbm>>) dst(%arg6 : memref<384x64xf32, #tpu.memory_space<vmem>>)
      %dma_start3A_375 = arith.constant 12 : i32
      %dma_start3A_376 = arith.constant 0 : i32
      %dma_start3A_377 = arith.constant 0 : i32
      %dma_start3A_378 = tpu.memref_slice %arg6[%dma_start3A_376, %dma_start3A_377] : memref<384x64xf32, #tpu.memory_space<vmem>> -> memref<128x64xf32, #tpu.memory_space<vmem>>
      %dma_start3A_379 = arith.constant 0 : i32
      %dma_start3A_380 = tpu.memref_slice %arg10[%dma_start3A_375, %dma_start3A_379] : memref<15x128xi32, #tpu.memory_space<vmem>> -> memref<1x128xi32, #tpu.memory_space<vmem>>
      %dma_start3A_381 = tpu.memref_squeeze %dma_start3A_380 : memref<1x128xi32, #tpu.memory_space<vmem>> -> memref<128xi32, #tpu.memory_space<vmem>>
      %dma_start3A_382 = arith.constant 0 : i32
      %dma_start3A_383 = arith.constant 0 : i32
      %dma_start3A_384 = tpu.memref_slice %arg11[%dma_start3A_382, %dma_start3A_383] : memref<16512x64xf32, #tpu.memory_space<vmem_shared>> -> memref<16512x64xf32, #tpu.memory_space<vmem_shared>>
      tpu.enqueue_indirect_dma source(%dma_start3A_378 : memref<128x64xf32, #tpu.memory_space<vmem>>) target(%dma_start3A_384 : memref<16512x64xf32, #tpu.memory_space<vmem_shared>>) offsets(%dma_start3A_381 : memref<128xi32, #tpu.memory_space<vmem>>) semaphore(%arg15 : memref<!tpu.dma_semaphore, #tpu.memory_space<semaphore_mem>>) {add = true}
      %dma_start3A_385 = arith.constant 13 : i32
      %dma_start3A_386 = arith.constant 128 : i32
      %dma_start3A_387 = arith.constant 0 : i32
      %dma_start3A_388 = tpu.memref_slice %arg6[%dma_start3A_386, %dma_start3A_387] : memref<384x64xf32, #tpu.memory_space<vmem>> -> memref<128x64xf32, #tpu.memory_space<vmem>>
      %dma_start3A_389 = arith.constant 0 : i32
      %dma_start3A_390 = tpu.memref_slice %arg10[%dma_start3A_385, %dma_start3A_389] : memref<15x128xi32, #tpu.memory_space<vmem>> -> memref<1x128xi32, #tpu.memory_space<vmem>>
      %dma_start3A_391 = tpu.memref_squeeze %dma_start3A_390 : memref<1x128xi32, #tpu.memory_space<vmem>> -> memref<128xi32, #tpu.memory_space<vmem>>
      %dma_start3A_392 = arith.constant 0 : i32
      %dma_start3A_393 = arith.constant 0 : i32
      %dma_start3A_394 = tpu.memref_slice %arg11[%dma_start3A_392, %dma_start3A_393] : memref<16512x64xf32, #tpu.memory_space<vmem_shared>> -> memref<16512x64xf32, #tpu.memory_space<vmem_shared>>
      tpu.enqueue_indirect_dma source(%dma_start3A_388 : memref<128x64xf32, #tpu.memory_space<vmem>>) target(%dma_start3A_394 : memref<16512x64xf32, #tpu.memory_space<vmem_shared>>) offsets(%dma_start3A_391 : memref<128xi32, #tpu.memory_space<vmem>>) semaphore(%arg15 : memref<!tpu.dma_semaphore, #tpu.memory_space<semaphore_mem>>) {add = true}
      %dma_start3A_395 = arith.constant 14 : i32
      %dma_start3A_396 = arith.constant 256 : i32
      %dma_start3A_397 = arith.constant 0 : i32
      %dma_start3A_398 = tpu.memref_slice %arg6[%dma_start3A_396, %dma_start3A_397] : memref<384x64xf32, #tpu.memory_space<vmem>> -> memref<128x64xf32, #tpu.memory_space<vmem>>
      %dma_start3A_399 = arith.constant 0 : i32
      %dma_start3A_400 = tpu.memref_slice %arg10[%dma_start3A_395, %dma_start3A_399] : memref<15x128xi32, #tpu.memory_space<vmem>> -> memref<1x128xi32, #tpu.memory_space<vmem>>
      %dma_start3A_401 = tpu.memref_squeeze %dma_start3A_400 : memref<1x128xi32, #tpu.memory_space<vmem>> -> memref<128xi32, #tpu.memory_space<vmem>>
      %dma_start3A_402 = arith.constant 0 : i32
      %dma_start3A_403 = arith.constant 0 : i32
      %dma_start3A_404 = tpu.memref_slice %arg11[%dma_start3A_402, %dma_start3A_403] : memref<16512x64xf32, #tpu.memory_space<vmem_shared>> -> memref<16512x64xf32, #tpu.memory_space<vmem_shared>>
      tpu.enqueue_indirect_dma source(%dma_start3A_398 : memref<128x64xf32, #tpu.memory_space<vmem>>) target(%dma_start3A_404 : memref<16512x64xf32, #tpu.memory_space<vmem_shared>>) offsets(%dma_start3A_401 : memref<128xi32, #tpu.memory_space<vmem>>) semaphore(%arg15 : memref<!tpu.dma_semaphore, #tpu.memory_space<semaphore_mem>>) {add = true}
      %dma_wait3A_405 = arith.constant 9 : i32
      %dma_wait3A_406 = arith.constant 0 : i32
      %dma_wait3A_407 = arith.constant 0 : i32
      %dma_wait3A_408 = tpu.memref_slice %arg7[%dma_wait3A_406, %dma_wait3A_407] : memref<384x64xf32, #tpu.memory_space<vmem>> -> memref<128x64xf32, #tpu.memory_space<vmem>>
      %dma_wait3A_409 = arith.constant 0 : i32
      %dma_wait3A_410 = tpu.memref_slice %arg10[%dma_wait3A_405, %dma_wait3A_409] : memref<15x128xi32, #tpu.memory_space<vmem>> -> memref<1x128xi32, #tpu.memory_space<vmem>>
      %dma_wait3A_411 = tpu.memref_squeeze %dma_wait3A_410 : memref<1x128xi32, #tpu.memory_space<vmem>> -> memref<128xi32, #tpu.memory_space<vmem>>
      %dma_wait3A_412 = arith.constant 0 : i32
      %dma_wait3A_413 = arith.constant 0 : i32
      %dma_wait3A_414 = tpu.memref_slice %arg11[%dma_wait3A_412, %dma_wait3A_413] : memref<16512x64xf32, #tpu.memory_space<vmem_shared>> -> memref<16512x64xf32, #tpu.memory_space<vmem_shared>>
      tpu.wait_indirect_dma semaphore(%arg16 : memref<!tpu.dma_semaphore, #tpu.memory_space<semaphore_mem>>) src(%dma_wait3A_408 : memref<128x64xf32, #tpu.memory_space<vmem>>) dst(%dma_wait3A_414 : memref<16512x64xf32, #tpu.memory_space<vmem_shared>>)
      %dma_wait3A_415 = arith.constant 10 : i32
      %dma_wait3A_416 = arith.constant 128 : i32
      %dma_wait3A_417 = arith.constant 0 : i32
      %dma_wait3A_418 = tpu.memref_slice %arg7[%dma_wait3A_416, %dma_wait3A_417] : memref<384x64xf32, #tpu.memory_space<vmem>> -> memref<128x64xf32, #tpu.memory_space<vmem>>
      %dma_wait3A_419 = arith.constant 0 : i32
      %dma_wait3A_420 = tpu.memref_slice %arg10[%dma_wait3A_415, %dma_wait3A_419] : memref<15x128xi32, #tpu.memory_space<vmem>> -> memref<1x128xi32, #tpu.memory_space<vmem>>
      %dma_wait3A_421 = tpu.memref_squeeze %dma_wait3A_420 : memref<1x128xi32, #tpu.memory_space<vmem>> -> memref<128xi32, #tpu.memory_space<vmem>>
      %dma_wait3A_422 = arith.constant 0 : i32
      %dma_wait3A_423 = arith.constant 0 : i32
      %dma_wait3A_424 = tpu.memref_slice %arg11[%dma_wait3A_422, %dma_wait3A_423] : memref<16512x64xf32, #tpu.memory_space<vmem_shared>> -> memref<16512x64xf32, #tpu.memory_space<vmem_shared>>
      tpu.wait_indirect_dma semaphore(%arg16 : memref<!tpu.dma_semaphore, #tpu.memory_space<semaphore_mem>>) src(%dma_wait3A_418 : memref<128x64xf32, #tpu.memory_space<vmem>>) dst(%dma_wait3A_424 : memref<16512x64xf32, #tpu.memory_space<vmem_shared>>)
      %dma_wait3A_425 = arith.constant 11 : i32
      %dma_wait3A_426 = arith.constant 256 : i32
      %dma_wait3A_427 = arith.constant 0 : i32
      %dma_wait3A_428 = tpu.memref_slice %arg7[%dma_wait3A_426, %dma_wait3A_427] : memref<384x64xf32, #tpu.memory_space<vmem>> -> memref<128x64xf32, #tpu.memory_space<vmem>>
      %dma_wait3A_429 = arith.constant 0 : i32
      %dma_wait3A_430 = tpu.memref_slice %arg10[%dma_wait3A_425, %dma_wait3A_429] : memref<15x128xi32, #tpu.memory_space<vmem>> -> memref<1x128xi32, #tpu.memory_space<vmem>>
      %dma_wait3A_431 = tpu.memref_squeeze %dma_wait3A_430 : memref<1x128xi32, #tpu.memory_space<vmem>> -> memref<128xi32, #tpu.memory_space<vmem>>
      %dma_wait3A_432 = arith.constant 0 : i32
      %dma_wait3A_433 = arith.constant 0 : i32
      %dma_wait3A_434 = tpu.memref_slice %arg11[%dma_wait3A_432, %dma_wait3A_433] : memref<16512x64xf32, #tpu.memory_space<vmem_shared>> -> memref<16512x64xf32, #tpu.memory_space<vmem_shared>>
      tpu.wait_indirect_dma semaphore(%arg16 : memref<!tpu.dma_semaphore, #tpu.memory_space<semaphore_mem>>) src(%dma_wait3A_428 : memref<128x64xf32, #tpu.memory_space<vmem>>) dst(%dma_wait3A_434 : memref<16512x64xf32, #tpu.memory_space<vmem_shared>>)
      %dma_wait3A_435 = arith.constant 12 : i32
      %dma_wait3A_436 = arith.constant 0 : i32
      %dma_wait3A_437 = arith.constant 0 : i32
      %dma_wait3A_438 = tpu.memref_slice %arg6[%dma_wait3A_436, %dma_wait3A_437] : memref<384x64xf32, #tpu.memory_space<vmem>> -> memref<128x64xf32, #tpu.memory_space<vmem>>
      %dma_wait3A_439 = arith.constant 0 : i32
      %dma_wait3A_440 = tpu.memref_slice %arg10[%dma_wait3A_435, %dma_wait3A_439] : memref<15x128xi32, #tpu.memory_space<vmem>> -> memref<1x128xi32, #tpu.memory_space<vmem>>
      %dma_wait3A_441 = tpu.memref_squeeze %dma_wait3A_440 : memref<1x128xi32, #tpu.memory_space<vmem>> -> memref<128xi32, #tpu.memory_space<vmem>>
      %dma_wait3A_442 = arith.constant 0 : i32
      %dma_wait3A_443 = arith.constant 0 : i32
      %dma_wait3A_444 = tpu.memref_slice %arg11[%dma_wait3A_442, %dma_wait3A_443] : memref<16512x64xf32, #tpu.memory_space<vmem_shared>> -> memref<16512x64xf32, #tpu.memory_space<vmem_shared>>
      tpu.wait_indirect_dma semaphore(%arg15 : memref<!tpu.dma_semaphore, #tpu.memory_space<semaphore_mem>>) src(%dma_wait3A_438 : memref<128x64xf32, #tpu.memory_space<vmem>>) dst(%dma_wait3A_444 : memref<16512x64xf32, #tpu.memory_space<vmem_shared>>)
      %dma_wait3A_445 = arith.constant 13 : i32
      %dma_wait3A_446 = arith.constant 128 : i32
      %dma_wait3A_447 = arith.constant 0 : i32
      %dma_wait3A_448 = tpu.memref_slice %arg6[%dma_wait3A_446, %dma_wait3A_447] : memref<384x64xf32, #tpu.memory_space<vmem>> -> memref<128x64xf32, #tpu.memory_space<vmem>>
      %dma_wait3A_449 = arith.constant 0 : i32
      %dma_wait3A_450 = tpu.memref_slice %arg10[%dma_wait3A_445, %dma_wait3A_449] : memref<15x128xi32, #tpu.memory_space<vmem>> -> memref<1x128xi32, #tpu.memory_space<vmem>>
      %dma_wait3A_451 = tpu.memref_squeeze %dma_wait3A_450 : memref<1x128xi32, #tpu.memory_space<vmem>> -> memref<128xi32, #tpu.memory_space<vmem>>
      %dma_wait3A_452 = arith.constant 0 : i32
      %dma_wait3A_453 = arith.constant 0 : i32
      %dma_wait3A_454 = tpu.memref_slice %arg11[%dma_wait3A_452, %dma_wait3A_453] : memref<16512x64xf32, #tpu.memory_space<vmem_shared>> -> memref<16512x64xf32, #tpu.memory_space<vmem_shared>>
      tpu.wait_indirect_dma semaphore(%arg15 : memref<!tpu.dma_semaphore, #tpu.memory_space<semaphore_mem>>) src(%dma_wait3A_448 : memref<128x64xf32, #tpu.memory_space<vmem>>) dst(%dma_wait3A_454 : memref<16512x64xf32, #tpu.memory_space<vmem_shared>>)
      %dma_wait3A_455 = arith.constant 14 : i32
      %dma_wait3A_456 = arith.constant 256 : i32
      %dma_wait3A_457 = arith.constant 0 : i32
      %dma_wait3A_458 = tpu.memref_slice %arg6[%dma_wait3A_456, %dma_wait3A_457] : memref<384x64xf32, #tpu.memory_space<vmem>> -> memref<128x64xf32, #tpu.memory_space<vmem>>
      %dma_wait3A_459 = arith.constant 0 : i32
      %dma_wait3A_460 = tpu.memref_slice %arg10[%dma_wait3A_455, %dma_wait3A_459] : memref<15x128xi32, #tpu.memory_space<vmem>> -> memref<1x128xi32, #tpu.memory_space<vmem>>
      %dma_wait3A_461 = tpu.memref_squeeze %dma_wait3A_460 : memref<1x128xi32, #tpu.memory_space<vmem>> -> memref<128xi32, #tpu.memory_space<vmem>>
      %dma_wait3A_462 = arith.constant 0 : i32
      %dma_wait3A_463 = arith.constant 0 : i32
      %dma_wait3A_464 = tpu.memref_slice %arg11[%dma_wait3A_462, %dma_wait3A_463] : memref<16512x64xf32, #tpu.memory_space<vmem_shared>> -> memref<16512x64xf32, #tpu.memory_space<vmem_shared>>
      tpu.wait_indirect_dma semaphore(%arg15 : memref<!tpu.dma_semaphore, #tpu.memory_space<semaphore_mem>>) src(%dma_wait3A_458 : memref<128x64xf32, #tpu.memory_space<vmem>>) dst(%dma_wait3A_464 : memref<16512x64xf32, #tpu.memory_space<vmem_shared>>)
      %barrier3A_465 = arith.constant 0 : index
      tpu.barrier barrier_id(%barrier3A_465)
      %mul3A_466 = arith.constant 1024 : i32
      %mul3A_467 = arith.muli %arg1, %mul3A_466 : i32
      %mul3A_468 = arith.constant 1024 : i32
      %mul3A_469 = arith.muli %arg1, %mul3A_468 : i32
      %add3A_470 = arith.addi %add3A, %mul3A_469 : i32
      "tpu.region"() ({
        %run_scoped3A = tpu.sem_alloc : memref<!tpu.dma_semaphore, #tpu.memory_space<semaphore_mem>>
        %dma_start3A_472 = arith.constant 0 : i32
        %dma_start3A_473 = tpu.memref_slice %arg5[%add3A_470, %dma_start3A_472] : memref<65536x128xf32, #tpu.memory_space<hbm>> -> memref<1024x64xf32, #tpu.memory_space<hbm>>
        %dma_start3A_474 = arith.constant 0 : i32
        %dma_start3A_475 = tpu.memref_slice %arg11[%mul3A_467, %dma_start3A_474] : memref<16512x64xf32, #tpu.memory_space<vmem_shared>> -> memref<1024x64xf32, #tpu.memory_space<vmem_shared>>
        tpu.enqueue_dma source(%dma_start3A_475 : memref<1024x64xf32, #tpu.memory_space<vmem_shared>>) target(%dma_start3A_473 : memref<1024x64xf32, #tpu.memory_space<hbm>>) target_semaphore(%run_scoped3A : memref<!tpu.dma_semaphore, #tpu.memory_space<semaphore_mem>>)
        %dma_wait3A_476 = arith.constant 0 : i32
        %dma_wait3A_477 = tpu.memref_slice %arg5[%add3A_470, %dma_wait3A_476] : memref<65536x128xf32, #tpu.memory_space<hbm>> -> memref<1024x64xf32, #tpu.memory_space<hbm>>
        %dma_wait3A_478 = arith.constant 0 : i32
        %dma_wait3A_479 = tpu.memref_slice %arg11[%mul3A_467, %dma_wait3A_478] : memref<16512x64xf32, #tpu.memory_space<vmem_shared>> -> memref<1024x64xf32, #tpu.memory_space<vmem_shared>>
        tpu.wait_dma2 semaphore(%run_scoped3A : memref<!tpu.dma_semaphore, #tpu.memory_space<semaphore_mem>>) src(%dma_wait3A_479 : memref<1024x64xf32, #tpu.memory_space<vmem_shared>>) dst(%dma_wait3A_477 : memref<1024x64xf32, #tpu.memory_space<hbm>>)
        tpu.yield
      }) : () -> ()
      %scan3A_471 = arith.constant 0 : i32
      scf.yield %scan3A_471 : i32
    }
    %scan3A_7 = arith.constant 2 : i32
    return
  }
}

#map = affine_map<(d0, d1) -> (0, 0)>
#map1 = affine_map<(d0, d1) -> (0)>
module attributes {stable_mosaic.version = 14 : i64} {
  func.func @body(%arg0: i32, %arg1: i32, %arg2: memref<30000x64xf32, #tpu.memory_space<hbm>>, %arg3: memref<30720xi32, #tpu.memory_space<hbm>>, %arg4: memref<128x64xf32, #tpu.memory_space<hbm>>, %arg5: memref<65536x128xf32, #tpu.memory_space<hbm>>, %arg6: memref<384x64xf32, #tpu.memory_space<vmem>>, %arg7: memref<384x64xf32, #tpu.memory_space<vmem>>, %arg8: memref<128x64xf32, #tpu.memory_space<vmem>>, %arg9: memref<1920xi32, #tpu.memory_space<vmem>>, %arg10: memref<15x128xi32, #tpu.memory_space<vmem>>, %arg11: memref<16512x64xf32, #tpu.memory_space<vmem_shared>>, %arg12: memref<!tpu.dma_semaphore, #tpu.memory_space<semaphore_mem>>, %arg13: memref<!tpu.dma_semaphore, #tpu.memory_space<semaphore_mem>>, %arg14: memref<!tpu.dma_semaphore, #tpu.memory_space<semaphore_mem>>, %arg15: memref<!tpu.dma_semaphore, #tpu.memory_space<semaphore_mem>>, %arg16: memref<!tpu.dma_semaphore, #tpu.memory_space<semaphore_mem>>) attributes {dimension_semantics = [#tpu.dimension_semantics<core_parallel>, #tpu.dimension_semantics<subcore_parallel>], iteration_bounds = array<i64: 2, 16>, scalar_prefetch = 0 : i64, scratch_operands = 11 : i64, tpu.core_type = #tpu.core_type<sc_vector_subcore>, window_params = [{transform_indices = #map}, {transform_indices = #map1}, {transform_indices = #map}, {transform_indices = #map}]} {
    %mul3A = arith.constant 1920 : i32
    %mul3A_0 = arith.muli %arg1, %mul3A : i32
    %eq3A = arith.constant 15 : i32
    %eq3A_1 = arith.cmpi eq, %arg1, %eq3A : i32
    %jit3A = arith.constant 28080 : i32
    %select_n3A = arith.select %eq3A_1, %jit3A, %mul3A_0 : i32
    %multiple_of3A = tpu.assume_multiple %select_n3A, 16 : i32
    "tpu.region"() ({
      %run_scoped3A = tpu.sem_alloc : memref<!tpu.dma_semaphore, #tpu.memory_space<semaphore_mem>>
      %dma_start3A = tpu.memref_slice %arg3[%mul3A_0] : memref<30720xi32, #tpu.memory_space<hbm>> -> memref<1920xi32, #tpu.memory_space<hbm>>
      %dma_start3A_8 = tpu.memref_slice %arg3[%mul3A_0] : memref<30720xi32, #tpu.memory_space<hbm>> -> memref<1920xi32, #tpu.memory_space<hbm>>
      tpu.enqueue_dma source(%dma_start3A_8 : memref<1920xi32, #tpu.memory_space<hbm>>) target(%arg9 : memref<1920xi32, #tpu.memory_space<vmem>>) target_semaphore(%run_scoped3A : memref<!tpu.dma_semaphore, #tpu.memory_space<semaphore_mem>>)
      %dma_wait3A = tpu.memref_slice %arg3[%mul3A_0] : memref<30720xi32, #tpu.memory_space<hbm>> -> memref<1920xi32, #tpu.memory_space<hbm>>
      %dma_wait3A_9 = tpu.memref_slice %arg3[%mul3A_0] : memref<30720xi32, #tpu.memory_space<hbm>> -> memref<1920xi32, #tpu.memory_space<hbm>>
      tpu.wait_dma2 semaphore(%run_scoped3A : memref<!tpu.dma_semaphore, #tpu.memory_space<semaphore_mem>>) src(%dma_wait3A_9 : memref<1920xi32, #tpu.memory_space<hbm>>) dst(%arg9 : memref<1920xi32, #tpu.memory_space<vmem>>)
      tpu.yield
    }) : () -> ()
    "tpu.region"() ({
      %run_scoped3A = tpu.sem_alloc : memref<!tpu.dma_semaphore, #tpu.memory_space<semaphore_mem>>
      tpu.enqueue_dma source(%arg4 : memref<128x64xf32, #tpu.memory_space<hbm>>) target(%arg8 : memref<128x64xf32, #tpu.memory_space<vmem>>) target_semaphore(%run_scoped3A : memref<!tpu.dma_semaphore, #tpu.memory_space<semaphore_mem>>)
      tpu.wait_dma2 semaphore(%run_scoped3A : memref<!tpu.dma_semaphore, #tpu.memory_space<semaphore_mem>>) src(%arg4 : memref<128x64xf32, #tpu.memory_space<hbm>>) dst(%arg8 : memref<128x64xf32, #tpu.memory_space<vmem>>)
      tpu.yield
    }) : () -> ()
    %scan3A = arith.constant 0 : i32
    %scan3A_2 = arith.constant 0 : i32
    %scan3A_3 = arith.constant 2 : i32
    %scan3A_4 = arith.addi %scan3A_2, %scan3A_3 : i32
    %scan3A_5 = arith.constant 1 : i32
    %scan3A_6 = scf.for %scan3A_8 = %scan3A_2 to %scan3A_4 step %scan3A_5 iter_args(%scan3A_9 = %scan3A) -> (i32)  : i32 {
      %mul3A_10 = arith.constant 32768 : i32
      %mul3A_11 = arith.muli %arg0, %mul3A_10 : i32
      %mul3A_12 = arith.constant 16384 : i32
      %mul3A_13 = arith.muli %scan3A_8, %mul3A_12 : i32
      %add3A = arith.addi %mul3A_11, %mul3A_13 : i32
      %add3A_14 = arith.constant 65536 : i32
      %add3A_15 = arith.addi %add3A_14, %add3A : i32
      %mul3A_16 = arith.constant 1024 : i32
      %mul3A_17 = arith.muli %arg1, %mul3A_16 : i32
      %add3A_18 = arith.constant 0 : i32
      %add3A_19 = arith.addi %mul3A_17, %add3A_18 : i32
      %dma_start3A = arith.constant 0 : i32
      %dma_start3A_20 = tpu.memref_slice %arg11[%add3A_19, %dma_start3A] : memref<16512x64xf32, #tpu.memory_space<vmem_shared>> -> memref<128x64xf32, #tpu.memory_space<vmem_shared>>
      %dma_start3A_21 = arith.constant 0 : i32
      %dma_start3A_22 = tpu.memref_slice %arg11[%add3A_19, %dma_start3A_21] : memref<16512x64xf32, #tpu.memory_space<vmem_shared>> -> memref<128x64xf32, #tpu.memory_space<vmem_shared>>
      tpu.enqueue_dma source(%arg8 : memref<128x64xf32, #tpu.memory_space<vmem>>) target(%dma_start3A_22 : memref<128x64xf32, #tpu.memory_space<vmem_shared>>) target_semaphore(%arg12 : memref<!tpu.dma_semaphore, #tpu.memory_space<semaphore_mem>>)
      %mul3A_23 = arith.constant 1024 : i32
      %mul3A_24 = arith.muli %arg1, %mul3A_23 : i32
      %add3A_25 = arith.constant 128 : i32
      %add3A_26 = arith.addi %mul3A_24, %add3A_25 : i32
      %dma_start3A_27 = arith.constant 0 : i32
      %dma_start3A_28 = tpu.memref_slice %arg11[%add3A_26, %dma_start3A_27] : memref<16512x64xf32, #tpu.memory_space<vmem_shared>> -> memref<128x64xf32, #tpu.memory_space<vmem_shared>>
      %dma_start3A_29 = arith.constant 0 : i32
      %dma_start3A_30 = tpu.memref_slice %arg11[%add3A_26, %dma_start3A_29] : memref<16512x64xf32, #tpu.memory_space<vmem_shared>> -> memref<128x64xf32, #tpu.memory_space<vmem_shared>>
      tpu.enqueue_dma source(%arg8 : memref<128x64xf32, #tpu.memory_space<vmem>>) target(%dma_start3A_30 : memref<128x64xf32, #tpu.memory_space<vmem_shared>>) target_semaphore(%arg12 : memref<!tpu.dma_semaphore, #tpu.memory_space<semaphore_mem>>)
      %mul3A_31 = arith.constant 1024 : i32
      %mul3A_32 = arith.muli %arg1, %mul3A_31 : i32
      %add3A_33 = arith.constant 256 : i32
      %add3A_34 = arith.addi %mul3A_32, %add3A_33 : i32
      %dma_start3A_35 = arith.constant 0 : i32
      %dma_start3A_36 = tpu.memref_slice %arg11[%add3A_34, %dma_start3A_35] : memref<16512x64xf32, #tpu.memory_space<vmem_shared>> -> memref<128x64xf32, #tpu.memory_space<vmem_shared>>
      %dma_start3A_37 = arith.constant 0 : i32
      %dma_start3A_38 = tpu.memref_slice %arg11[%add3A_34, %dma_start3A_37] : memref<16512x64xf32, #tpu.memory_space<vmem_shared>> -> memref<128x64xf32, #tpu.memory_space<vmem_shared>>
      tpu.enqueue_dma source(%arg8 : memref<128x64xf32, #tpu.memory_space<vmem>>) target(%dma_start3A_38 : memref<128x64xf32, #tpu.memory_space<vmem_shared>>) target_semaphore(%arg12 : memref<!tpu.dma_semaphore, #tpu.memory_space<semaphore_mem>>)
      %mul3A_39 = arith.constant 1024 : i32
      %mul3A_40 = arith.muli %arg1, %mul3A_39 : i32
      %add3A_41 = arith.constant 384 : i32
      %add3A_42 = arith.addi %mul3A_40, %add3A_41 : i32
      %dma_start3A_43 = arith.constant 0 : i32
      %dma_start3A_44 = tpu.memref_slice %arg11[%add3A_42, %dma_start3A_43] : memref<16512x64xf32, #tpu.memory_space<vmem_shared>> -> memref<128x64xf32, #tpu.memory_space<vmem_shared>>
      %dma_start3A_45 = arith.constant 0 : i32
      %dma_start3A_46 = tpu.memref_slice %arg11[%add3A_42, %dma_start3A_45] : memref<16512x64xf32, #tpu.memory_space<vmem_shared>> -> memref<128x64xf32, #tpu.memory_space<vmem_shared>>
      tpu.enqueue_dma source(%arg8 : memref<128x64xf32, #tpu.memory_space<vmem>>) target(%dma_start3A_46 : memref<128x64xf32, #tpu.memory_space<vmem_shared>>) target_semaphore(%arg12 : memref<!tpu.dma_semaphore, #tpu.memory_space<semaphore_mem>>)
      %mul3A_47 = arith.constant 1024 : i32
      %mul3A_48 = arith.muli %arg1, %mul3A_47 : i32
      %add3A_49 = arith.constant 512 : i32
      %add3A_50 = arith.addi %mul3A_48, %add3A_49 : i32
      %dma_start3A_51 = arith.constant 0 : i32
      %dma_start3A_52 = tpu.memref_slice %arg11[%add3A_50, %dma_start3A_51] : memref<16512x64xf32, #tpu.memory_space<vmem_shared>> -> memref<128x64xf32, #tpu.memory_space<vmem_shared>>
      %dma_start3A_53 = arith.constant 0 : i32
      %dma_start3A_54 = tpu.memref_slice %arg11[%add3A_50, %dma_start3A_53] : memref<16512x64xf32, #tpu.memory_space<vmem_shared>> -> memref<128x64xf32, #tpu.memory_space<vmem_shared>>
      tpu.enqueue_dma source(%arg8 : memref<128x64xf32, #tpu.memory_space<vmem>>) target(%dma_start3A_54 : memref<128x64xf32, #tpu.memory_space<vmem_shared>>) target_semaphore(%arg12 : memref<!tpu.dma_semaphore, #tpu.memory_space<semaphore_mem>>)
      %mul3A_55 = arith.constant 1024 : i32
      %mul3A_56 = arith.muli %arg1, %mul3A_55 : i32
      %add3A_57 = arith.constant 640 : i32
      %add3A_58 = arith.addi %mul3A_56, %add3A_57 : i32
      %dma_start3A_59 = arith.constant 0 : i32
      %dma_start3A_60 = tpu.memref_slice %arg11[%add3A_58, %dma_start3A_59] : memref<16512x64xf32, #tpu.memory_space<vmem_shared>> -> memref<128x64xf32, #tpu.memory_space<vmem_shared>>
      %dma_start3A_61 = arith.constant 0 : i32
      %dma_start3A_62 = tpu.memref_slice %arg11[%add3A_58, %dma_start3A_61] : memref<16512x64xf32, #tpu.memory_space<vmem_shared>> -> memref<128x64xf32, #tpu.memory_space<vmem_shared>>
      tpu.enqueue_dma source(%arg8 : memref<128x64xf32, #tpu.memory_space<vmem>>) target(%dma_start3A_62 : memref<128x64xf32, #tpu.memory_space<vmem_shared>>) target_semaphore(%arg12 : memref<!tpu.dma_semaphore, #tpu.memory_space<semaphore_mem>>)
      %mul3A_63 = arith.constant 1024 : i32
      %mul3A_64 = arith.muli %arg1, %mul3A_63 : i32
      %add3A_65 = arith.constant 768 : i32
      %add3A_66 = arith.addi %mul3A_64, %add3A_65 : i32
      %dma_start3A_67 = arith.constant 0 : i32
      %dma_start3A_68 = tpu.memref_slice %arg11[%add3A_66, %dma_start3A_67] : memref<16512x64xf32, #tpu.memory_space<vmem_shared>> -> memref<128x64xf32, #tpu.memory_space<vmem_shared>>
      %dma_start3A_69 = arith.constant 0 : i32
      %dma_start3A_70 = tpu.memref_slice %arg11[%add3A_66, %dma_start3A_69] : memref<16512x64xf32, #tpu.memory_space<vmem_shared>> -> memref<128x64xf32, #tpu.memory_space<vmem_shared>>
      tpu.enqueue_dma source(%arg8 : memref<128x64xf32, #tpu.memory_space<vmem>>) target(%dma_start3A_70 : memref<128x64xf32, #tpu.memory_space<vmem_shared>>) target_semaphore(%arg12 : memref<!tpu.dma_semaphore, #tpu.memory_space<semaphore_mem>>)
      %mul3A_71 = arith.constant 1024 : i32
      %mul3A_72 = arith.muli %arg1, %mul3A_71 : i32
      %add3A_73 = arith.constant 896 : i32
      %add3A_74 = arith.addi %mul3A_72, %add3A_73 : i32
      %dma_start3A_75 = arith.constant 0 : i32
      %dma_start3A_76 = tpu.memref_slice %arg11[%add3A_74, %dma_start3A_75] : memref<16512x64xf32, #tpu.memory_space<vmem_shared>> -> memref<128x64xf32, #tpu.memory_space<vmem_shared>>
      %dma_start3A_77 = arith.constant 0 : i32
      %dma_start3A_78 = tpu.memref_slice %arg11[%add3A_74, %dma_start3A_77] : memref<16512x64xf32, #tpu.memory_space<vmem_shared>> -> memref<128x64xf32, #tpu.memory_space<vmem_shared>>
      tpu.enqueue_dma source(%arg8 : memref<128x64xf32, #tpu.memory_space<vmem>>) target(%dma_start3A_78 : memref<128x64xf32, #tpu.memory_space<vmem_shared>>) target_semaphore(%arg12 : memref<!tpu.dma_semaphore, #tpu.memory_space<semaphore_mem>>)
      %scan3A_79 = arith.constant 0 : i32
      %scan3A_80 = arith.constant 0 : i32
      %scan3A_81 = arith.constant 15 : i32
      %scan3A_82 = arith.addi %scan3A_80, %scan3A_81 : i32
      %scan3A_83 = arith.constant 1 : i32
      %scan3A_84 = scf.for %scan3A_472 = %scan3A_80 to %scan3A_82 step %scan3A_83 iter_args(%scan3A_473 = %scan3A_79) -> (i32)  : i32 {
        %mul3A_474 = arith.constant 128 : i32
        %mul3A_475 = arith.muli %scan3A_472, %mul3A_474 : i32
        %add3A_476 = arith.constant 0 : i32
        %add3A_477 = arith.addi %mul3A_475, %add3A_476 : i32
        %get3A = arith.index_cast %add3A_477 : i32 to index
        %get3A_478 = tpu.vector_load %arg9[%get3A] {strides = array<i32>} : memref<1920xi32, #tpu.memory_space<vmem>>, vector<16xi32>,
        %get3A_479 = vector.shape_cast %get3A_478 : vector<16xi32> to vector<16xi32>
        %sub3A = vector.broadcast %add3A_15 : i32 to vector<16xi32>
        %sub3A_480 = arith.subi %get3A_479, %sub3A : vector<16xi32>
        %ge3A = arith.constant 0 : i32
        %ge3A_481 = vector.broadcast %ge3A : i32 to vector<16xi32>
        %ge3A_482 = arith.cmpi sge, %sub3A_480, %ge3A_481 : vector<16xi32>
        %lt3A = arith.constant 16384 : i32
        %lt3A_483 = vector.broadcast %lt3A : i32 to vector<16xi32>
        %lt3A_484 = arith.cmpi slt, %sub3A_480, %lt3A_483 : vector<16xi32>
        %and3A = arith.andi %ge3A_482, %lt3A_484 : vector<16xi1>
        %and3A_485 = arith.constant 127 : i32
        %and3A_486 = vector.broadcast %and3A_485 : i32 to vector<16xi32>
        %and3A_487 = arith.andi %get3A_479, %and3A_486 : vector<16xi32>
        %add3A_488 = arith.constant 16384 : i32
        %add3A_489 = vector.broadcast %add3A_488 : i32 to vector<16xi32>
        %add3A_490 = arith.addi %add3A_489, %and3A_487 : vector<16xi32>
        %select_n3A_491 = arith.select %and3A, %sub3A_480, %add3A_490 : vector<16xi1>, vector<16xi32>
        %swap3A = arith.index_cast %scan3A_472 : i32 to index
        %swap3A_492 = arith.constant 0 : index
        %swap3A_493 = tpu.vector_load %arg10[%swap3A, %swap3A_492] {strides = array<i32>} : memref<15x128xi32, #tpu.memory_space<vmem>>, vector<1x16xi32>,
        %swap3A_494 = vector.shape_cast %swap3A_493 : vector<1x16xi32> to vector<16xi32>
        %swap3A_495 = vector.shape_cast %select_n3A_491 : vector<16xi32> to vector<1x16xi32>
        tpu.vector_store %arg10[%swap3A, %swap3A_492], %swap3A_495 {strides = array<i32>} : memref<15x128xi32, #tpu.memory_space<vmem>>, vector<1x16xi32>,
        %mul3A_496 = arith.constant 128 : i32
        %mul3A_497 = arith.muli %scan3A_472, %mul3A_496 : i32
        %add3A_498 = arith.constant 16 : i32
        %add3A_499 = arith.addi %mul3A_497, %add3A_498 : i32
        %get3A_500 = arith.index_cast %add3A_499 : i32 to index
        %get3A_501 = tpu.vector_load %arg9[%get3A_500] {strides = array<i32>} : memref<1920xi32, #tpu.memory_space<vmem>>, vector<16xi32>,
        %get3A_502 = vector.shape_cast %get3A_501 : vector<16xi32> to vector<16xi32>
        %sub3A_503 = vector.broadcast %add3A_15 : i32 to vector<16xi32>
        %sub3A_504 = arith.subi %get3A_502, %sub3A_503 : vector<16xi32>
        %ge3A_505 = arith.constant 0 : i32
        %ge3A_506 = vector.broadcast %ge3A_505 : i32 to vector<16xi32>
        %ge3A_507 = arith.cmpi sge, %sub3A_504, %ge3A_506 : vector<16xi32>
        %lt3A_508 = arith.constant 16384 : i32
        %lt3A_509 = vector.broadcast %lt3A_508 : i32 to vector<16xi32>
        %lt3A_510 = arith.cmpi slt, %sub3A_504, %lt3A_509 : vector<16xi32>
        %and3A_511 = arith.andi %ge3A_507, %lt3A_510 : vector<16xi1>
        %and3A_512 = arith.constant 127 : i32
        %and3A_513 = vector.broadcast %and3A_512 : i32 to vector<16xi32>
        %and3A_514 = arith.andi %get3A_502, %and3A_513 : vector<16xi32>
        %add3A_515 = arith.constant 16384 : i32
        %add3A_516 = vector.broadcast %add3A_515 : i32 to vector<16xi32>
        %add3A_517 = arith.addi %add3A_516, %and3A_514 : vector<16xi32>
        %select_n3A_518 = arith.select %and3A_511, %sub3A_504, %add3A_517 : vector<16xi1>, vector<16xi32>
        %swap3A_519 = arith.index_cast %scan3A_472 : i32 to index
        %swap3A_520 = arith.constant 16 : index
        %swap3A_521 = tpu.vector_load %arg10[%swap3A_519, %swap3A_520] {strides = array<i32>} : memref<15x128xi32, #tpu.memory_space<vmem>>, vector<1x16xi32>,
        %swap3A_522 = vector.shape_cast %swap3A_521 : vector<1x16xi32> to vector<16xi32>
        %swap3A_523 = vector.shape_cast %select_n3A_518 : vector<16xi32> to vector<1x16xi32>
        tpu.vector_store %arg10[%swap3A_519, %swap3A_520], %swap3A_523 {strides = array<i32>} : memref<15x128xi32, #tpu.memory_space<vmem>>, vector<1x16xi32>,
        %mul3A_524 = arith.constant 128 : i32
        %mul3A_525 = arith.muli %scan3A_472, %mul3A_524 : i32
        %add3A_526 = arith.constant 32 : i32
        %add3A_527 = arith.addi %mul3A_525, %add3A_526 : i32
        %get3A_528 = arith.index_cast %add3A_527 : i32 to index
        %get3A_529 = tpu.vector_load %arg9[%get3A_528] {strides = array<i32>} : memref<1920xi32, #tpu.memory_space<vmem>>, vector<16xi32>,
        %get3A_530 = vector.shape_cast %get3A_529 : vector<16xi32> to vector<16xi32>
        %sub3A_531 = vector.broadcast %add3A_15 : i32 to vector<16xi32>
        %sub3A_532 = arith.subi %get3A_530, %sub3A_531 : vector<16xi32>
        %ge3A_533 = arith.constant 0 : i32
        %ge3A_534 = vector.broadcast %ge3A_533 : i32 to vector<16xi32>
        %ge3A_535 = arith.cmpi sge, %sub3A_532, %ge3A_534 : vector<16xi32>
        %lt3A_536 = arith.constant 16384 : i32
        %lt3A_537 = vector.broadcast %lt3A_536 : i32 to vector<16xi32>
        %lt3A_538 = arith.cmpi slt, %sub3A_532, %lt3A_537 : vector<16xi32>
        %and3A_539 = arith.andi %ge3A_535, %lt3A_538 : vector<16xi1>
        %and3A_540 = arith.constant 127 : i32
        %and3A_541 = vector.broadcast %and3A_540 : i32 to vector<16xi32>
        %and3A_542 = arith.andi %get3A_530, %and3A_541 : vector<16xi32>
        %add3A_543 = arith.constant 16384 : i32
        %add3A_544 = vector.broadcast %add3A_543 : i32 to vector<16xi32>
        %add3A_545 = arith.addi %add3A_544, %and3A_542 : vector<16xi32>
        %select_n3A_546 = arith.select %and3A_539, %sub3A_532, %add3A_545 : vector<16xi1>, vector<16xi32>
        %swap3A_547 = arith.index_cast %scan3A_472 : i32 to index
        %swap3A_548 = arith.constant 32 : index
        %swap3A_549 = tpu.vector_load %arg10[%swap3A_547, %swap3A_548] {strides = array<i32>} : memref<15x128xi32, #tpu.memory_space<vmem>>, vector<1x16xi32>,
        %swap3A_550 = vector.shape_cast %swap3A_549 : vector<1x16xi32> to vector<16xi32>
        %swap3A_551 = vector.shape_cast %select_n3A_546 : vector<16xi32> to vector<1x16xi32>
        tpu.vector_store %arg10[%swap3A_547, %swap3A_548], %swap3A_551 {strides = array<i32>} : memref<15x128xi32, #tpu.memory_space<vmem>>, vector<1x16xi32>,
        %mul3A_552 = arith.constant 128 : i32
        %mul3A_553 = arith.muli %scan3A_472, %mul3A_552 : i32
        %add3A_554 = arith.constant 48 : i32
        %add3A_555 = arith.addi %mul3A_553, %add3A_554 : i32
        %get3A_556 = arith.index_cast %add3A_555 : i32 to index
        %get3A_557 = tpu.vector_load %arg9[%get3A_556] {strides = array<i32>} : memref<1920xi32, #tpu.memory_space<vmem>>, vector<16xi32>,
        %get3A_558 = vector.shape_cast %get3A_557 : vector<16xi32> to vector<16xi32>
        %sub3A_559 = vector.broadcast %add3A_15 : i32 to vector<16xi32>
        %sub3A_560 = arith.subi %get3A_558, %sub3A_559 : vector<16xi32>
        %ge3A_561 = arith.constant 0 : i32
        %ge3A_562 = vector.broadcast %ge3A_561 : i32 to vector<16xi32>
        %ge3A_563 = arith.cmpi sge, %sub3A_560, %ge3A_562 : vector<16xi32>
        %lt3A_564 = arith.constant 16384 : i32
        %lt3A_565 = vector.broadcast %lt3A_564 : i32 to vector<16xi32>
        %lt3A_566 = arith.cmpi slt, %sub3A_560, %lt3A_565 : vector<16xi32>
        %and3A_567 = arith.andi %ge3A_563, %lt3A_566 : vector<16xi1>
        %and3A_568 = arith.constant 127 : i32
        %and3A_569 = vector.broadcast %and3A_568 : i32 to vector<16xi32>
        %and3A_570 = arith.andi %get3A_558, %and3A_569 : vector<16xi32>
        %add3A_571 = arith.constant 16384 : i32
        %add3A_572 = vector.broadcast %add3A_571 : i32 to vector<16xi32>
        %add3A_573 = arith.addi %add3A_572, %and3A_570 : vector<16xi32>
        %select_n3A_574 = arith.select %and3A_567, %sub3A_560, %add3A_573 : vector<16xi1>, vector<16xi32>
        %swap3A_575 = arith.index_cast %scan3A_472 : i32 to index
        %swap3A_576 = arith.constant 48 : index
        %swap3A_577 = tpu.vector_load %arg10[%swap3A_575, %swap3A_576] {strides = array<i32>} : memref<15x128xi32, #tpu.memory_space<vmem>>, vector<1x16xi32>,
        %swap3A_578 = vector.shape_cast %swap3A_577 : vector<1x16xi32> to vector<16xi32>
        %swap3A_579 = vector.shape_cast %select_n3A_574 : vector<16xi32> to vector<1x16xi32>
        tpu.vector_store %arg10[%swap3A_575, %swap3A_576], %swap3A_579 {strides = array<i32>} : memref<15x128xi32, #tpu.memory_space<vmem>>, vector<1x16xi32>,
        %mul3A_580 = arith.constant 128 : i32
        %mul3A_581 = arith.muli %scan3A_472, %mul3A_580 : i32
        %add3A_582 = arith.constant 64 : i32
        %add3A_583 = arith.addi %mul3A_581, %add3A_582 : i32
        %get3A_584 = arith.index_cast %add3A_583 : i32 to index
        %get3A_585 = tpu.vector_load %arg9[%get3A_584] {strides = array<i32>} : memref<1920xi32, #tpu.memory_space<vmem>>, vector<16xi32>,
        %get3A_586 = vector.shape_cast %get3A_585 : vector<16xi32> to vector<16xi32>
        %sub3A_587 = vector.broadcast %add3A_15 : i32 to vector<16xi32>
        %sub3A_588 = arith.subi %get3A_586, %sub3A_587 : vector<16xi32>
        %ge3A_589 = arith.constant 0 : i32
        %ge3A_590 = vector.broadcast %ge3A_589 : i32 to vector<16xi32>
        %ge3A_591 = arith.cmpi sge, %sub3A_588, %ge3A_590 : vector<16xi32>
        %lt3A_592 = arith.constant 16384 : i32
        %lt3A_593 = vector.broadcast %lt3A_592 : i32 to vector<16xi32>
        %lt3A_594 = arith.cmpi slt, %sub3A_588, %lt3A_593 : vector<16xi32>
        %and3A_595 = arith.andi %ge3A_591, %lt3A_594 : vector<16xi1>
        %and3A_596 = arith.constant 127 : i32
        %and3A_597 = vector.broadcast %and3A_596 : i32 to vector<16xi32>
        %and3A_598 = arith.andi %get3A_586, %and3A_597 : vector<16xi32>
        %add3A_599 = arith.constant 16384 : i32
        %add3A_600 = vector.broadcast %add3A_599 : i32 to vector<16xi32>
        %add3A_601 = arith.addi %add3A_600, %and3A_598 : vector<16xi32>
        %select_n3A_602 = arith.select %and3A_595, %sub3A_588, %add3A_601 : vector<16xi1>, vector<16xi32>
        %swap3A_603 = arith.index_cast %scan3A_472 : i32 to index
        %swap3A_604 = arith.constant 64 : index
        %swap3A_605 = tpu.vector_load %arg10[%swap3A_603, %swap3A_604] {strides = array<i32>} : memref<15x128xi32, #tpu.memory_space<vmem>>, vector<1x16xi32>,
        %swap3A_606 = vector.shape_cast %swap3A_605 : vector<1x16xi32> to vector<16xi32>
        %swap3A_607 = vector.shape_cast %select_n3A_602 : vector<16xi32> to vector<1x16xi32>
        tpu.vector_store %arg10[%swap3A_603, %swap3A_604], %swap3A_607 {strides = array<i32>} : memref<15x128xi32, #tpu.memory_space<vmem>>, vector<1x16xi32>,
        %mul3A_608 = arith.constant 128 : i32
        %mul3A_609 = arith.muli %scan3A_472, %mul3A_608 : i32
        %add3A_610 = arith.constant 80 : i32
        %add3A_611 = arith.addi %mul3A_609, %add3A_610 : i32
        %get3A_612 = arith.index_cast %add3A_611 : i32 to index
        %get3A_613 = tpu.vector_load %arg9[%get3A_612] {strides = array<i32>} : memref<1920xi32, #tpu.memory_space<vmem>>, vector<16xi32>,
        %get3A_614 = vector.shape_cast %get3A_613 : vector<16xi32> to vector<16xi32>
        %sub3A_615 = vector.broadcast %add3A_15 : i32 to vector<16xi32>
        %sub3A_616 = arith.subi %get3A_614, %sub3A_615 : vector<16xi32>
        %ge3A_617 = arith.constant 0 : i32
        %ge3A_618 = vector.broadcast %ge3A_617 : i32 to vector<16xi32>
        %ge3A_619 = arith.cmpi sge, %sub3A_616, %ge3A_618 : vector<16xi32>
        %lt3A_620 = arith.constant 16384 : i32
        %lt3A_621 = vector.broadcast %lt3A_620 : i32 to vector<16xi32>
        %lt3A_622 = arith.cmpi slt, %sub3A_616, %lt3A_621 : vector<16xi32>
        %and3A_623 = arith.andi %ge3A_619, %lt3A_622 : vector<16xi1>
        %and3A_624 = arith.constant 127 : i32
        %and3A_625 = vector.broadcast %and3A_624 : i32 to vector<16xi32>
        %and3A_626 = arith.andi %get3A_614, %and3A_625 : vector<16xi32>
        %add3A_627 = arith.constant 16384 : i32
        %add3A_628 = vector.broadcast %add3A_627 : i32 to vector<16xi32>
        %add3A_629 = arith.addi %add3A_628, %and3A_626 : vector<16xi32>
        %select_n3A_630 = arith.select %and3A_623, %sub3A_616, %add3A_629 : vector<16xi1>, vector<16xi32>
        %swap3A_631 = arith.index_cast %scan3A_472 : i32 to index
        %swap3A_632 = arith.constant 80 : index
        %swap3A_633 = tpu.vector_load %arg10[%swap3A_631, %swap3A_632] {strides = array<i32>} : memref<15x128xi32, #tpu.memory_space<vmem>>, vector<1x16xi32>,
        %swap3A_634 = vector.shape_cast %swap3A_633 : vector<1x16xi32> to vector<16xi32>
        %swap3A_635 = vector.shape_cast %select_n3A_630 : vector<16xi32> to vector<1x16xi32>
        tpu.vector_store %arg10[%swap3A_631, %swap3A_632], %swap3A_635 {strides = array<i32>} : memref<15x128xi32, #tpu.memory_space<vmem>>, vector<1x16xi32>,
        %mul3A_636 = arith.constant 128 : i32
        %mul3A_637 = arith.muli %scan3A_472, %mul3A_636 : i32
        %add3A_638 = arith.constant 96 : i32
        %add3A_639 = arith.addi %mul3A_637, %add3A_638 : i32
        %get3A_640 = arith.index_cast %add3A_639 : i32 to index
        %get3A_641 = tpu.vector_load %arg9[%get3A_640] {strides = array<i32>} : memref<1920xi32, #tpu.memory_space<vmem>>, vector<16xi32>,
        %get3A_642 = vector.shape_cast %get3A_641 : vector<16xi32> to vector<16xi32>
        %sub3A_643 = vector.broadcast %add3A_15 : i32 to vector<16xi32>
        %sub3A_644 = arith.subi %get3A_642, %sub3A_643 : vector<16xi32>
        %ge3A_645 = arith.constant 0 : i32
        %ge3A_646 = vector.broadcast %ge3A_645 : i32 to vector<16xi32>
        %ge3A_647 = arith.cmpi sge, %sub3A_644, %ge3A_646 : vector<16xi32>
        %lt3A_648 = arith.constant 16384 : i32
        %lt3A_649 = vector.broadcast %lt3A_648 : i32 to vector<16xi32>
        %lt3A_650 = arith.cmpi slt, %sub3A_644, %lt3A_649 : vector<16xi32>
        %and3A_651 = arith.andi %ge3A_647, %lt3A_650 : vector<16xi1>
        %and3A_652 = arith.constant 127 : i32
        %and3A_653 = vector.broadcast %and3A_652 : i32 to vector<16xi32>
        %and3A_654 = arith.andi %get3A_642, %and3A_653 : vector<16xi32>
        %add3A_655 = arith.constant 16384 : i32
        %add3A_656 = vector.broadcast %add3A_655 : i32 to vector<16xi32>
        %add3A_657 = arith.addi %add3A_656, %and3A_654 : vector<16xi32>
        %select_n3A_658 = arith.select %and3A_651, %sub3A_644, %add3A_657 : vector<16xi1>, vector<16xi32>
        %swap3A_659 = arith.index_cast %scan3A_472 : i32 to index
        %swap3A_660 = arith.constant 96 : index
        %swap3A_661 = tpu.vector_load %arg10[%swap3A_659, %swap3A_660] {strides = array<i32>} : memref<15x128xi32, #tpu.memory_space<vmem>>, vector<1x16xi32>,
        %swap3A_662 = vector.shape_cast %swap3A_661 : vector<1x16xi32> to vector<16xi32>
        %swap3A_663 = vector.shape_cast %select_n3A_658 : vector<16xi32> to vector<1x16xi32>
        tpu.vector_store %arg10[%swap3A_659, %swap3A_660], %swap3A_663 {strides = array<i32>} : memref<15x128xi32, #tpu.memory_space<vmem>>, vector<1x16xi32>,
        %mul3A_664 = arith.constant 128 : i32
        %mul3A_665 = arith.muli %scan3A_472, %mul3A_664 : i32
        %add3A_666 = arith.constant 112 : i32
        %add3A_667 = arith.addi %mul3A_665, %add3A_666 : i32
        %get3A_668 = arith.index_cast %add3A_667 : i32 to index
        %get3A_669 = tpu.vector_load %arg9[%get3A_668] {strides = array<i32>} : memref<1920xi32, #tpu.memory_space<vmem>>, vector<16xi32>,
        %get3A_670 = vector.shape_cast %get3A_669 : vector<16xi32> to vector<16xi32>
        %sub3A_671 = vector.broadcast %add3A_15 : i32 to vector<16xi32>
        %sub3A_672 = arith.subi %get3A_670, %sub3A_671 : vector<16xi32>
        %ge3A_673 = arith.constant 0 : i32
        %ge3A_674 = vector.broadcast %ge3A_673 : i32 to vector<16xi32>
        %ge3A_675 = arith.cmpi sge, %sub3A_672, %ge3A_674 : vector<16xi32>
        %lt3A_676 = arith.constant 16384 : i32
        %lt3A_677 = vector.broadcast %lt3A_676 : i32 to vector<16xi32>
        %lt3A_678 = arith.cmpi slt, %sub3A_672, %lt3A_677 : vector<16xi32>
        %and3A_679 = arith.andi %ge3A_675, %lt3A_678 : vector<16xi1>
        %and3A_680 = arith.constant 127 : i32
        %and3A_681 = vector.broadcast %and3A_680 : i32 to vector<16xi32>
        %and3A_682 = arith.andi %get3A_670, %and3A_681 : vector<16xi32>
        %add3A_683 = arith.constant 16384 : i32
        %add3A_684 = vector.broadcast %add3A_683 : i32 to vector<16xi32>
        %add3A_685 = arith.addi %add3A_684, %and3A_682 : vector<16xi32>
        %select_n3A_686 = arith.select %and3A_679, %sub3A_672, %add3A_685 : vector<16xi1>, vector<16xi32>
        %swap3A_687 = arith.index_cast %scan3A_472 : i32 to index
        %swap3A_688 = arith.constant 112 : index
        %swap3A_689 = tpu.vector_load %arg10[%swap3A_687, %swap3A_688] {strides = array<i32>} : memref<15x128xi32, #tpu.memory_space<vmem>>, vector<1x16xi32>,
        %swap3A_690 = vector.shape_cast %swap3A_689 : vector<1x16xi32> to vector<16xi32>
        %swap3A_691 = vector.shape_cast %select_n3A_686 : vector<16xi32> to vector<1x16xi32>
        tpu.vector_store %arg10[%swap3A_687, %swap3A_688], %swap3A_691 {strides = array<i32>} : memref<15x128xi32, #tpu.memory_space<vmem>>, vector<1x16xi32>,
        %scan3A_692 = arith.constant 0 : i32
        scf.yield %scan3A_692 : i32
      }
      %scan3A_85 = arith.constant 15 : i32
      %dma_wait3A = arith.constant 0 : i32
      %dma_wait3A_86 = tpu.memref_slice %arg11[%add3A_19, %dma_wait3A] : memref<16512x64xf32, #tpu.memory_space<vmem_shared>> -> memref<128x64xf32, #tpu.memory_space<vmem_shared>>
      %dma_wait3A_87 = arith.constant 0 : i32
      %dma_wait3A_88 = tpu.memref_slice %arg11[%add3A_19, %dma_wait3A_87] : memref<16512x64xf32, #tpu.memory_space<vmem_shared>> -> memref<128x64xf32, #tpu.memory_space<vmem_shared>>
      tpu.wait_dma2 semaphore(%arg12 : memref<!tpu.dma_semaphore, #tpu.memory_space<semaphore_mem>>) src(%arg8 : memref<128x64xf32, #tpu.memory_space<vmem>>) dst(%dma_wait3A_88 : memref<128x64xf32, #tpu.memory_space<vmem_shared>>)
      %dma_wait3A_89 = arith.constant 0 : i32
      %dma_wait3A_90 = tpu.memref_slice %arg11[%add3A_26, %dma_wait3A_89] : memref<16512x64xf32, #tpu.memory_space<vmem_shared>> -> memref<128x64xf32, #tpu.memory_space<vmem_shared>>
      %dma_wait3A_91 = arith.constant 0 : i32
      %dma_wait3A_92 = tpu.memref_slice %arg11[%add3A_26, %dma_wait3A_91] : memref<16512x64xf32, #tpu.memory_space<vmem_shared>> -> memref<128x64xf32, #tpu.memory_space<vmem_shared>>
      tpu.wait_dma2 semaphore(%arg12 : memref<!tpu.dma_semaphore, #tpu.memory_space<semaphore_mem>>) src(%arg8 : memref<128x64xf32, #tpu.memory_space<vmem>>) dst(%dma_wait3A_92 : memref<128x64xf32, #tpu.memory_space<vmem_shared>>)
      %dma_wait3A_93 = arith.constant 0 : i32
      %dma_wait3A_94 = tpu.memref_slice %arg11[%add3A_34, %dma_wait3A_93] : memref<16512x64xf32, #tpu.memory_space<vmem_shared>> -> memref<128x64xf32, #tpu.memory_space<vmem_shared>>
      %dma_wait3A_95 = arith.constant 0 : i32
      %dma_wait3A_96 = tpu.memref_slice %arg11[%add3A_34, %dma_wait3A_95] : memref<16512x64xf32, #tpu.memory_space<vmem_shared>> -> memref<128x64xf32, #tpu.memory_space<vmem_shared>>
      tpu.wait_dma2 semaphore(%arg12 : memref<!tpu.dma_semaphore, #tpu.memory_space<semaphore_mem>>) src(%arg8 : memref<128x64xf32, #tpu.memory_space<vmem>>) dst(%dma_wait3A_96 : memref<128x64xf32, #tpu.memory_space<vmem_shared>>)
      %dma_wait3A_97 = arith.constant 0 : i32
      %dma_wait3A_98 = tpu.memref_slice %arg11[%add3A_42, %dma_wait3A_97] : memref<16512x64xf32, #tpu.memory_space<vmem_shared>> -> memref<128x64xf32, #tpu.memory_space<vmem_shared>>
      %dma_wait3A_99 = arith.constant 0 : i32
      %dma_wait3A_100 = tpu.memref_slice %arg11[%add3A_42, %dma_wait3A_99] : memref<16512x64xf32, #tpu.memory_space<vmem_shared>> -> memref<128x64xf32, #tpu.memory_space<vmem_shared>>
      tpu.wait_dma2 semaphore(%arg12 : memref<!tpu.dma_semaphore, #tpu.memory_space<semaphore_mem>>) src(%arg8 : memref<128x64xf32, #tpu.memory_space<vmem>>) dst(%dma_wait3A_100 : memref<128x64xf32, #tpu.memory_space<vmem_shared>>)
      %dma_wait3A_101 = arith.constant 0 : i32
      %dma_wait3A_102 = tpu.memref_slice %arg11[%add3A_50, %dma_wait3A_101] : memref<16512x64xf32, #tpu.memory_space<vmem_shared>> -> memref<128x64xf32, #tpu.memory_space<vmem_shared>>
      %dma_wait3A_103 = arith.constant 0 : i32
      %dma_wait3A_104 = tpu.memref_slice %arg11[%add3A_50, %dma_wait3A_103] : memref<16512x64xf32, #tpu.memory_space<vmem_shared>> -> memref<128x64xf32, #tpu.memory_space<vmem_shared>>
      tpu.wait_dma2 semaphore(%arg12 : memref<!tpu.dma_semaphore, #tpu.memory_space<semaphore_mem>>) src(%arg8 : memref<128x64xf32, #tpu.memory_space<vmem>>) dst(%dma_wait3A_104 : memref<128x64xf32, #tpu.memory_space<vmem_shared>>)
      %dma_wait3A_105 = arith.constant 0 : i32
      %dma_wait3A_106 = tpu.memref_slice %arg11[%add3A_58, %dma_wait3A_105] : memref<16512x64xf32, #tpu.memory_space<vmem_shared>> -> memref<128x64xf32, #tpu.memory_space<vmem_shared>>
      %dma_wait3A_107 = arith.constant 0 : i32
      %dma_wait3A_108 = tpu.memref_slice %arg11[%add3A_58, %dma_wait3A_107] : memref<16512x64xf32, #tpu.memory_space<vmem_shared>> -> memref<128x64xf32, #tpu.memory_space<vmem_shared>>
      tpu.wait_dma2 semaphore(%arg12 : memref<!tpu.dma_semaphore, #tpu.memory_space<semaphore_mem>>) src(%arg8 : memref<128x64xf32, #tpu.memory_space<vmem>>) dst(%dma_wait3A_108 : memref<128x64xf32, #tpu.memory_space<vmem_shared>>)
      %dma_wait3A_109 = arith.constant 0 : i32
      %dma_wait3A_110 = tpu.memref_slice %arg11[%add3A_66, %dma_wait3A_109] : memref<16512x64xf32, #tpu.memory_space<vmem_shared>> -> memref<128x64xf32, #tpu.memory_space<vmem_shared>>
      %dma_wait3A_111 = arith.constant 0 : i32
      %dma_wait3A_112 = tpu.memref_slice %arg11[%add3A_66, %dma_wait3A_111] : memref<16512x64xf32, #tpu.memory_space<vmem_shared>> -> memref<128x64xf32, #tpu.memory_space<vmem_shared>>
      tpu.wait_dma2 semaphore(%arg12 : memref<!tpu.dma_semaphore, #tpu.memory_space<semaphore_mem>>) src(%arg8 : memref<128x64xf32, #tpu.memory_space<vmem>>) dst(%dma_wait3A_112 : memref<128x64xf32, #tpu.memory_space<vmem_shared>>)
      %dma_wait3A_113 = arith.constant 0 : i32
      %dma_wait3A_114 = tpu.memref_slice %arg11[%add3A_74, %dma_wait3A_113] : memref<16512x64xf32, #tpu.memory_space<vmem_shared>> -> memref<128x64xf32, #tpu.memory_space<vmem_shared>>
      %dma_wait3A_115 = arith.constant 0 : i32
      %dma_wait3A_116 = tpu.memref_slice %arg11[%add3A_74, %dma_wait3A_115] : memref<16512x64xf32, #tpu.memory_space<vmem_shared>> -> memref<128x64xf32, #tpu.memory_space<vmem_shared>>
      tpu.wait_dma2 semaphore(%arg12 : memref<!tpu.dma_semaphore, #tpu.memory_space<semaphore_mem>>) src(%arg8 : memref<128x64xf32, #tpu.memory_space<vmem>>) dst(%dma_wait3A_116 : memref<128x64xf32, #tpu.memory_space<vmem_shared>>)
      %barrier3A = arith.constant 0 : index
      tpu.barrier barrier_id(%barrier3A)
      %dma_start3A_117 = arith.constant 0 : i32
      %dma_start3A_118 = tpu.memref_slice %arg2[%multiple_of3A, %dma_start3A_117] : memref<30000x64xf32, #tpu.memory_space<hbm>> -> memref<384x64xf32, #tpu.memory_space<hbm>>
      %dma_start3A_119 = arith.constant 0 : i32
      %dma_start3A_120 = tpu.memref_slice %arg2[%multiple_of3A, %dma_start3A_119] : memref<30000x64xf32, #tpu.memory_space<hbm>> -> memref<384x64xf32, #tpu.memory_space<hbm>>
      tpu.enqueue_dma source(%dma_start3A_120 : memref<384x64xf32, #tpu.memory_space<hbm>>) target(%arg6 : memref<384x64xf32, #tpu.memory_space<vmem>>) target_semaphore(%arg13 : memref<!tpu.dma_semaphore, #tpu.memory_space<semaphore_mem>>)
      %dma_wait3A_121 = arith.constant 0 : i32
      %dma_wait3A_122 = tpu.memref_slice %arg2[%multiple_of3A, %dma_wait3A_121] : memref<30000x64xf32, #tpu.memory_space<hbm>> -> memref<384x64xf32, #tpu.memory_space<hbm>>
      %dma_wait3A_123 = arith.constant 0 : i32
      %dma_wait3A_124 = tpu.memref_slice %arg2[%multiple_of3A, %dma_wait3A_123] : memref<30000x64xf32, #tpu.memory_space<hbm>> -> memref<384x64xf32, #tpu.memory_space<hbm>>
      tpu.wait_dma2 semaphore(%arg13 : memref<!tpu.dma_semaphore, #tpu.memory_space<semaphore_mem>>) src(%dma_wait3A_124 : memref<384x64xf32, #tpu.memory_space<hbm>>) dst(%arg6 : memref<384x64xf32, #tpu.memory_space<vmem>>)
      %add3A_125 = arith.constant 384 : i32
      %add3A_126 = arith.addi %multiple_of3A, %add3A_125 : i32
      %dma_start3A_127 = arith.constant 0 : i32
      %dma_start3A_128 = tpu.memref_slice %arg2[%add3A_126, %dma_start3A_127] : memref<30000x64xf32, #tpu.memory_space<hbm>> -> memref<384x64xf32, #tpu.memory_space<hbm>>
      %dma_start3A_129 = arith.constant 0 : i32
      %dma_start3A_130 = tpu.memref_slice %arg2[%add3A_126, %dma_start3A_129] : memref<30000x64xf32, #tpu.memory_space<hbm>> -> memref<384x64xf32, #tpu.memory_space<hbm>>
      tpu.enqueue_dma source(%dma_start3A_130 : memref<384x64xf32, #tpu.memory_space<hbm>>) target(%arg7 : memref<384x64xf32, #tpu.memory_space<vmem>>) target_semaphore(%arg14 : memref<!tpu.dma_semaphore, #tpu.memory_space<semaphore_mem>>)
      %dma_start3A_131 = arith.constant 0 : i32
      %dma_start3A_132 = arith.constant 0 : i32
      %dma_start3A_133 = arith.constant 0 : i32
      %dma_start3A_134 = tpu.memref_slice %arg6[%dma_start3A_132, %dma_start3A_133] : memref<384x64xf32, #tpu.memory_space<vmem>> -> memref<128x64xf32, #tpu.memory_space<vmem>>
      %dma_start3A_135 = arith.constant 0 : i32
      %dma_start3A_136 = tpu.memref_slice %arg10[%dma_start3A_131, %dma_start3A_135] : memref<15x128xi32, #tpu.memory_space<vmem>> -> memref<1x128xi32, #tpu.memory_space<vmem>>
      %dma_start3A_137 = tpu.memref_squeeze %dma_start3A_136 : memref<1x128xi32, #tpu.memory_space<vmem>> -> memref<128xi32, #tpu.memory_space<vmem>>
      %dma_start3A_138 = arith.constant 0 : i32
      %dma_start3A_139 = arith.constant 0 : i32
      %dma_start3A_140 = tpu.memref_slice %arg11[%dma_start3A_138, %dma_start3A_139] : memref<16512x64xf32, #tpu.memory_space<vmem_shared>> -> memref<16512x64xf32, #tpu.memory_space<vmem_shared>>
      tpu.enqueue_indirect_dma source(%dma_start3A_134 : memref<128x64xf32, #tpu.memory_space<vmem>>) target(%dma_start3A_140 : memref<16512x64xf32, #tpu.memory_space<vmem_shared>>) offsets(%dma_start3A_137 : memref<128xi32, #tpu.memory_space<vmem>>) semaphore(%arg15 : memref<!tpu.dma_semaphore, #tpu.memory_space<semaphore_mem>>) {add = true}
      %dma_start3A_141 = arith.constant 1 : i32
      %dma_start3A_142 = arith.constant 128 : i32
      %dma_start3A_143 = arith.constant 0 : i32
      %dma_start3A_144 = tpu.memref_slice %arg6[%dma_start3A_142, %dma_start3A_143] : memref<384x64xf32, #tpu.memory_space<vmem>> -> memref<128x64xf32, #tpu.memory_space<vmem>>
      %dma_start3A_145 = arith.constant 0 : i32
      %dma_start3A_146 = tpu.memref_slice %arg10[%dma_start3A_141, %dma_start3A_145] : memref<15x128xi32, #tpu.memory_space<vmem>> -> memref<1x128xi32, #tpu.memory_space<vmem>>
      %dma_start3A_147 = tpu.memref_squeeze %dma_start3A_146 : memref<1x128xi32, #tpu.memory_space<vmem>> -> memref<128xi32, #tpu.memory_space<vmem>>
      %dma_start3A_148 = arith.constant 0 : i32
      %dma_start3A_149 = arith.constant 0 : i32
      %dma_start3A_150 = tpu.memref_slice %arg11[%dma_start3A_148, %dma_start3A_149] : memref<16512x64xf32, #tpu.memory_space<vmem_shared>> -> memref<16512x64xf32, #tpu.memory_space<vmem_shared>>
      tpu.enqueue_indirect_dma source(%dma_start3A_144 : memref<128x64xf32, #tpu.memory_space<vmem>>) target(%dma_start3A_150 : memref<16512x64xf32, #tpu.memory_space<vmem_shared>>) offsets(%dma_start3A_147 : memref<128xi32, #tpu.memory_space<vmem>>) semaphore(%arg15 : memref<!tpu.dma_semaphore, #tpu.memory_space<semaphore_mem>>) {add = true}
      %dma_start3A_151 = arith.constant 2 : i32
      %dma_start3A_152 = arith.constant 256 : i32
      %dma_start3A_153 = arith.constant 0 : i32
      %dma_start3A_154 = tpu.memref_slice %arg6[%dma_start3A_152, %dma_start3A_153] : memref<384x64xf32, #tpu.memory_space<vmem>> -> memref<128x64xf32, #tpu.memory_space<vmem>>
      %dma_start3A_155 = arith.constant 0 : i32
      %dma_start3A_156 = tpu.memref_slice %arg10[%dma_start3A_151, %dma_start3A_155] : memref<15x128xi32, #tpu.memory_space<vmem>> -> memref<1x128xi32, #tpu.memory_space<vmem>>
      %dma_start3A_157 = tpu.memref_squeeze %dma_start3A_156 : memref<1x128xi32, #tpu.memory_space<vmem>> -> memref<128xi32, #tpu.memory_space<vmem>>
      %dma_start3A_158 = arith.constant 0 : i32
      %dma_start3A_159 = arith.constant 0 : i32
      %dma_start3A_160 = tpu.memref_slice %arg11[%dma_start3A_158, %dma_start3A_159] : memref<16512x64xf32, #tpu.memory_space<vmem_shared>> -> memref<16512x64xf32, #tpu.memory_space<vmem_shared>>
      tpu.enqueue_indirect_dma source(%dma_start3A_154 : memref<128x64xf32, #tpu.memory_space<vmem>>) target(%dma_start3A_160 : memref<16512x64xf32, #tpu.memory_space<vmem_shared>>) offsets(%dma_start3A_157 : memref<128xi32, #tpu.memory_space<vmem>>) semaphore(%arg15 : memref<!tpu.dma_semaphore, #tpu.memory_space<semaphore_mem>>) {add = true}
      %dma_wait3A_161 = arith.constant 0 : i32
      %dma_wait3A_162 = tpu.memref_slice %arg2[%add3A_126, %dma_wait3A_161] : memref<30000x64xf32, #tpu.memory_space<hbm>> -> memref<384x64xf32, #tpu.memory_space<hbm>>
      %dma_wait3A_163 = arith.constant 0 : i32
      %dma_wait3A_164 = tpu.memref_slice %arg2[%add3A_126, %dma_wait3A_163] : memref<30000x64xf32, #tpu.memory_space<hbm>> -> memref<384x64xf32, #tpu.memory_space<hbm>>
      tpu.wait_dma2 semaphore(%arg14 : memref<!tpu.dma_semaphore, #tpu.memory_space<semaphore_mem>>) src(%dma_wait3A_164 : memref<384x64xf32, #tpu.memory_space<hbm>>) dst(%arg7 : memref<384x64xf32, #tpu.memory_space<vmem>>)
      %dma_wait3A_165 = arith.constant 0 : i32
      %dma_wait3A_166 = arith.constant 0 : i32
      %dma_wait3A_167 = arith.constant 0 : i32
      %dma_wait3A_168 = tpu.memref_slice %arg6[%dma_wait3A_166, %dma_wait3A_167] : memref<384x64xf32, #tpu.memory_space<vmem>> -> memref<128x64xf32, #tpu.memory_space<vmem>>
      %dma_wait3A_169 = arith.constant 0 : i32
      %dma_wait3A_170 = tpu.memref_slice %arg10[%dma_wait3A_165, %dma_wait3A_169] : memref<15x128xi32, #tpu.memory_space<vmem>> -> memref<1x128xi32, #tpu.memory_space<vmem>>
      %dma_wait3A_171 = tpu.memref_squeeze %dma_wait3A_170 : memref<1x128xi32, #tpu.memory_space<vmem>> -> memref<128xi32, #tpu.memory_space<vmem>>
      %dma_wait3A_172 = arith.constant 0 : i32
      %dma_wait3A_173 = arith.constant 0 : i32
      %dma_wait3A_174 = tpu.memref_slice %arg11[%dma_wait3A_172, %dma_wait3A_173] : memref<16512x64xf32, #tpu.memory_space<vmem_shared>> -> memref<16512x64xf32, #tpu.memory_space<vmem_shared>>
      tpu.wait_indirect_dma semaphore(%arg15 : memref<!tpu.dma_semaphore, #tpu.memory_space<semaphore_mem>>) src(%dma_wait3A_168 : memref<128x64xf32, #tpu.memory_space<vmem>>) dst(%dma_wait3A_174 : memref<16512x64xf32, #tpu.memory_space<vmem_shared>>)
      %dma_wait3A_175 = arith.constant 1 : i32
      %dma_wait3A_176 = arith.constant 128 : i32
      %dma_wait3A_177 = arith.constant 0 : i32
      %dma_wait3A_178 = tpu.memref_slice %arg6[%dma_wait3A_176, %dma_wait3A_177] : memref<384x64xf32, #tpu.memory_space<vmem>> -> memref<128x64xf32, #tpu.memory_space<vmem>>
      %dma_wait3A_179 = arith.constant 0 : i32
      %dma_wait3A_180 = tpu.memref_slice %arg10[%dma_wait3A_175, %dma_wait3A_179] : memref<15x128xi32, #tpu.memory_space<vmem>> -> memref<1x128xi32, #tpu.memory_space<vmem>>
      %dma_wait3A_181 = tpu.memref_squeeze %dma_wait3A_180 : memref<1x128xi32, #tpu.memory_space<vmem>> -> memref<128xi32, #tpu.memory_space<vmem>>
      %dma_wait3A_182 = arith.constant 0 : i32
      %dma_wait3A_183 = arith.constant 0 : i32
      %dma_wait3A_184 = tpu.memref_slice %arg11[%dma_wait3A_182, %dma_wait3A_183] : memref<16512x64xf32, #tpu.memory_space<vmem_shared>> -> memref<16512x64xf32, #tpu.memory_space<vmem_shared>>
      tpu.wait_indirect_dma semaphore(%arg15 : memref<!tpu.dma_semaphore, #tpu.memory_space<semaphore_mem>>) src(%dma_wait3A_178 : memref<128x64xf32, #tpu.memory_space<vmem>>) dst(%dma_wait3A_184 : memref<16512x64xf32, #tpu.memory_space<vmem_shared>>)
      %dma_wait3A_185 = arith.constant 2 : i32
      %dma_wait3A_186 = arith.constant 256 : i32
      %dma_wait3A_187 = arith.constant 0 : i32
      %dma_wait3A_188 = tpu.memref_slice %arg6[%dma_wait3A_186, %dma_wait3A_187] : memref<384x64xf32, #tpu.memory_space<vmem>> -> memref<128x64xf32, #tpu.memory_space<vmem>>
      %dma_wait3A_189 = arith.constant 0 : i32
      %dma_wait3A_190 = tpu.memref_slice %arg10[%dma_wait3A_185, %dma_wait3A_189] : memref<15x128xi32, #tpu.memory_space<vmem>> -> memref<1x128xi32, #tpu.memory_space<vmem>>
      %dma_wait3A_191 = tpu.memref_squeeze %dma_wait3A_190 : memref<1x128xi32, #tpu.memory_space<vmem>> -> memref<128xi32, #tpu.memory_space<vmem>>
      %dma_wait3A_192 = arith.constant 0 : i32
      %dma_wait3A_193 = arith.constant 0 : i32
      %dma_wait3A_194 = tpu.memref_slice %arg11[%dma_wait3A_192, %dma_wait3A_193] : memref<16512x64xf32, #tpu.memory_space<vmem_shared>> -> memref<16512x64xf32, #tpu.memory_space<vmem_shared>>
      tpu.wait_indirect_dma semaphore(%arg15 : memref<!tpu.dma_semaphore, #tpu.memory_space<semaphore_mem>>) src(%dma_wait3A_188 : memref<128x64xf32, #tpu.memory_space<vmem>>) dst(%dma_wait3A_194 : memref<16512x64xf32, #tpu.memory_space<vmem_shared>>)
      %add3A_195 = arith.constant 768 : i32
      %add3A_196 = arith.addi %multiple_of3A, %add3A_195 : i32
      %dma_start3A_197 = arith.constant 0 : i32
      %dma_start3A_198 = tpu.memref_slice %arg2[%add3A_196, %dma_start3A_197] : memref<30000x64xf32, #tpu.memory_space<hbm>> -> memref<384x64xf32, #tpu.memory_space<hbm>>
      %dma_start3A_199 = arith.constant 0 : i32
      %dma_start3A_200 = tpu.memref_slice %arg2[%add3A_196, %dma_start3A_199] : memref<30000x64xf32, #tpu.memory_space<hbm>> -> memref<384x64xf32, #tpu.memory_space<hbm>>
      tpu.enqueue_dma source(%dma_start3A_200 : memref<384x64xf32, #tpu.memory_space<hbm>>) target(%arg6 : memref<384x64xf32, #tpu.memory_space<vmem>>) target_semaphore(%arg13 : memref<!tpu.dma_semaphore, #tpu.memory_space<semaphore_mem>>)
      %dma_start3A_201 = arith.constant 3 : i32
      %dma_start3A_202 = arith.constant 0 : i32
      %dma_start3A_203 = arith.constant 0 : i32
      %dma_start3A_204 = tpu.memref_slice %arg7[%dma_start3A_202, %dma_start3A_203] : memref<384x64xf32, #tpu.memory_space<vmem>> -> memref<128x64xf32, #tpu.memory_space<vmem>>
      %dma_start3A_205 = arith.constant 0 : i32
      %dma_start3A_206 = tpu.memref_slice %arg10[%dma_start3A_201, %dma_start3A_205] : memref<15x128xi32, #tpu.memory_space<vmem>> -> memref<1x128xi32, #tpu.memory_space<vmem>>
      %dma_start3A_207 = tpu.memref_squeeze %dma_start3A_206 : memref<1x128xi32, #tpu.memory_space<vmem>> -> memref<128xi32, #tpu.memory_space<vmem>>
      %dma_start3A_208 = arith.constant 0 : i32
      %dma_start3A_209 = arith.constant 0 : i32
      %dma_start3A_210 = tpu.memref_slice %arg11[%dma_start3A_208, %dma_start3A_209] : memref<16512x64xf32, #tpu.memory_space<vmem_shared>> -> memref<16512x64xf32, #tpu.memory_space<vmem_shared>>
      tpu.enqueue_indirect_dma source(%dma_start3A_204 : memref<128x64xf32, #tpu.memory_space<vmem>>) target(%dma_start3A_210 : memref<16512x64xf32, #tpu.memory_space<vmem_shared>>) offsets(%dma_start3A_207 : memref<128xi32, #tpu.memory_space<vmem>>) semaphore(%arg16 : memref<!tpu.dma_semaphore, #tpu.memory_space<semaphore_mem>>) {add = true}
      %dma_start3A_211 = arith.constant 4 : i32
      %dma_start3A_212 = arith.constant 128 : i32
      %dma_start3A_213 = arith.constant 0 : i32
      %dma_start3A_214 = tpu.memref_slice %arg7[%dma_start3A_212, %dma_start3A_213] : memref<384x64xf32, #tpu.memory_space<vmem>> -> memref<128x64xf32, #tpu.memory_space<vmem>>
      %dma_start3A_215 = arith.constant 0 : i32
      %dma_start3A_216 = tpu.memref_slice %arg10[%dma_start3A_211, %dma_start3A_215] : memref<15x128xi32, #tpu.memory_space<vmem>> -> memref<1x128xi32, #tpu.memory_space<vmem>>
      %dma_start3A_217 = tpu.memref_squeeze %dma_start3A_216 : memref<1x128xi32, #tpu.memory_space<vmem>> -> memref<128xi32, #tpu.memory_space<vmem>>
      %dma_start3A_218 = arith.constant 0 : i32
      %dma_start3A_219 = arith.constant 0 : i32
      %dma_start3A_220 = tpu.memref_slice %arg11[%dma_start3A_218, %dma_start3A_219] : memref<16512x64xf32, #tpu.memory_space<vmem_shared>> -> memref<16512x64xf32, #tpu.memory_space<vmem_shared>>
      tpu.enqueue_indirect_dma source(%dma_start3A_214 : memref<128x64xf32, #tpu.memory_space<vmem>>) target(%dma_start3A_220 : memref<16512x64xf32, #tpu.memory_space<vmem_shared>>) offsets(%dma_start3A_217 : memref<128xi32, #tpu.memory_space<vmem>>) semaphore(%arg16 : memref<!tpu.dma_semaphore, #tpu.memory_space<semaphore_mem>>) {add = true}
      %dma_start3A_221 = arith.constant 5 : i32
      %dma_start3A_222 = arith.constant 256 : i32
      %dma_start3A_223 = arith.constant 0 : i32
      %dma_start3A_224 = tpu.memref_slice %arg7[%dma_start3A_222, %dma_start3A_223] : memref<384x64xf32, #tpu.memory_space<vmem>> -> memref<128x64xf32, #tpu.memory_space<vmem>>
      %dma_start3A_225 = arith.constant 0 : i32
      %dma_start3A_226 = tpu.memref_slice %arg10[%dma_start3A_221, %dma_start3A_225] : memref<15x128xi32, #tpu.memory_space<vmem>> -> memref<1x128xi32, #tpu.memory_space<vmem>>
      %dma_start3A_227 = tpu.memref_squeeze %dma_start3A_226 : memref<1x128xi32, #tpu.memory_space<vmem>> -> memref<128xi32, #tpu.memory_space<vmem>>
      %dma_start3A_228 = arith.constant 0 : i32
      %dma_start3A_229 = arith.constant 0 : i32
      %dma_start3A_230 = tpu.memref_slice %arg11[%dma_start3A_228, %dma_start3A_229] : memref<16512x64xf32, #tpu.memory_space<vmem_shared>> -> memref<16512x64xf32, #tpu.memory_space<vmem_shared>>
      tpu.enqueue_indirect_dma source(%dma_start3A_224 : memref<128x64xf32, #tpu.memory_space<vmem>>) target(%dma_start3A_230 : memref<16512x64xf32, #tpu.memory_space<vmem_shared>>) offsets(%dma_start3A_227 : memref<128xi32, #tpu.memory_space<vmem>>) semaphore(%arg16 : memref<!tpu.dma_semaphore, #tpu.memory_space<semaphore_mem>>) {add = true}
      %dma_wait3A_231 = arith.constant 0 : i32
      %dma_wait3A_232 = tpu.memref_slice %arg2[%add3A_196, %dma_wait3A_231] : memref<30000x64xf32, #tpu.memory_space<hbm>> -> memref<384x64xf32, #tpu.memory_space<hbm>>
      %dma_wait3A_233 = arith.constant 0 : i32
      %dma_wait3A_234 = tpu.memref_slice %arg2[%add3A_196, %dma_wait3A_233] : memref<30000x64xf32, #tpu.memory_space<hbm>> -> memref<384x64xf32, #tpu.memory_space<hbm>>
      tpu.wait_dma2 semaphore(%arg13 : memref<!tpu.dma_semaphore, #tpu.memory_space<semaphore_mem>>) src(%dma_wait3A_234 : memref<384x64xf32, #tpu.memory_space<hbm>>) dst(%arg6 : memref<384x64xf32, #tpu.memory_space<vmem>>)
      %dma_wait3A_235 = arith.constant 3 : i32
      %dma_wait3A_236 = arith.constant 0 : i32
      %dma_wait3A_237 = arith.constant 0 : i32
      %dma_wait3A_238 = tpu.memref_slice %arg7[%dma_wait3A_236, %dma_wait3A_237] : memref<384x64xf32, #tpu.memory_space<vmem>> -> memref<128x64xf32, #tpu.memory_space<vmem>>
      %dma_wait3A_239 = arith.constant 0 : i32
      %dma_wait3A_240 = tpu.memref_slice %arg10[%dma_wait3A_235, %dma_wait3A_239] : memref<15x128xi32, #tpu.memory_space<vmem>> -> memref<1x128xi32, #tpu.memory_space<vmem>>
      %dma_wait3A_241 = tpu.memref_squeeze %dma_wait3A_240 : memref<1x128xi32, #tpu.memory_space<vmem>> -> memref<128xi32, #tpu.memory_space<vmem>>
      %dma_wait3A_242 = arith.constant 0 : i32
      %dma_wait3A_243 = arith.constant 0 : i32
      %dma_wait3A_244 = tpu.memref_slice %arg11[%dma_wait3A_242, %dma_wait3A_243] : memref<16512x64xf32, #tpu.memory_space<vmem_shared>> -> memref<16512x64xf32, #tpu.memory_space<vmem_shared>>
      tpu.wait_indirect_dma semaphore(%arg16 : memref<!tpu.dma_semaphore, #tpu.memory_space<semaphore_mem>>) src(%dma_wait3A_238 : memref<128x64xf32, #tpu.memory_space<vmem>>) dst(%dma_wait3A_244 : memref<16512x64xf32, #tpu.memory_space<vmem_shared>>)
      %dma_wait3A_245 = arith.constant 4 : i32
      %dma_wait3A_246 = arith.constant 128 : i32
      %dma_wait3A_247 = arith.constant 0 : i32
      %dma_wait3A_248 = tpu.memref_slice %arg7[%dma_wait3A_246, %dma_wait3A_247] : memref<384x64xf32, #tpu.memory_space<vmem>> -> memref<128x64xf32, #tpu.memory_space<vmem>>
      %dma_wait3A_249 = arith.constant 0 : i32
      %dma_wait3A_250 = tpu.memref_slice %arg10[%dma_wait3A_245, %dma_wait3A_249] : memref<15x128xi32, #tpu.memory_space<vmem>> -> memref<1x128xi32, #tpu.memory_space<vmem>>
      %dma_wait3A_251 = tpu.memref_squeeze %dma_wait3A_250 : memref<1x128xi32, #tpu.memory_space<vmem>> -> memref<128xi32, #tpu.memory_space<vmem>>
      %dma_wait3A_252 = arith.constant 0 : i32
      %dma_wait3A_253 = arith.constant 0 : i32
      %dma_wait3A_254 = tpu.memref_slice %arg11[%dma_wait3A_252, %dma_wait3A_253] : memref<16512x64xf32, #tpu.memory_space<vmem_shared>> -> memref<16512x64xf32, #tpu.memory_space<vmem_shared>>
      tpu.wait_indirect_dma semaphore(%arg16 : memref<!tpu.dma_semaphore, #tpu.memory_space<semaphore_mem>>) src(%dma_wait3A_248 : memref<128x64xf32, #tpu.memory_space<vmem>>) dst(%dma_wait3A_254 : memref<16512x64xf32, #tpu.memory_space<vmem_shared>>)
      %dma_wait3A_255 = arith.constant 5 : i32
      %dma_wait3A_256 = arith.constant 256 : i32
      %dma_wait3A_257 = arith.constant 0 : i32
      %dma_wait3A_258 = tpu.memref_slice %arg7[%dma_wait3A_256, %dma_wait3A_257] : memref<384x64xf32, #tpu.memory_space<vmem>> -> memref<128x64xf32, #tpu.memory_space<vmem>>
      %dma_wait3A_259 = arith.constant 0 : i32
      %dma_wait3A_260 = tpu.memref_slice %arg10[%dma_wait3A_255, %dma_wait3A_259] : memref<15x128xi32, #tpu.memory_space<vmem>> -> memref<1x128xi32, #tpu.memory_space<vmem>>
      %dma_wait3A_261 = tpu.memref_squeeze %dma_wait3A_260 : memref<1x128xi32, #tpu.memory_space<vmem>> -> memref<128xi32, #tpu.memory_space<vmem>>
      %dma_wait3A_262 = arith.constant 0 : i32
      %dma_wait3A_263 = arith.constant 0 : i32
      %dma_wait3A_264 = tpu.memref_slice %arg11[%dma_wait3A_262, %dma_wait3A_263] : memref<16512x64xf32, #tpu.memory_space<vmem_shared>> -> memref<16512x64xf32, #tpu.memory_space<vmem_shared>>
      tpu.wait_indirect_dma semaphore(%arg16 : memref<!tpu.dma_semaphore, #tpu.memory_space<semaphore_mem>>) src(%dma_wait3A_258 : memref<128x64xf32, #tpu.memory_space<vmem>>) dst(%dma_wait3A_264 : memref<16512x64xf32, #tpu.memory_space<vmem_shared>>)
      %add3A_265 = arith.constant 1152 : i32
      %add3A_266 = arith.addi %multiple_of3A, %add3A_265 : i32
      %dma_start3A_267 = arith.constant 0 : i32
      %dma_start3A_268 = tpu.memref_slice %arg2[%add3A_266, %dma_start3A_267] : memref<30000x64xf32, #tpu.memory_space<hbm>> -> memref<384x64xf32, #tpu.memory_space<hbm>>
      %dma_start3A_269 = arith.constant 0 : i32
      %dma_start3A_270 = tpu.memref_slice %arg2[%add3A_266, %dma_start3A_269] : memref<30000x64xf32, #tpu.memory_space<hbm>> -> memref<384x64xf32, #tpu.memory_space<hbm>>
      tpu.enqueue_dma source(%dma_start3A_270 : memref<384x64xf32, #tpu.memory_space<hbm>>) target(%arg7 : memref<384x64xf32, #tpu.memory_space<vmem>>) target_semaphore(%arg14 : memref<!tpu.dma_semaphore, #tpu.memory_space<semaphore_mem>>)
      %dma_start3A_271 = arith.constant 6 : i32
      %dma_start3A_272 = arith.constant 0 : i32
      %dma_start3A_273 = arith.constant 0 : i32
      %dma_start3A_274 = tpu.memref_slice %arg6[%dma_start3A_272, %dma_start3A_273] : memref<384x64xf32, #tpu.memory_space<vmem>> -> memref<128x64xf32, #tpu.memory_space<vmem>>
      %dma_start3A_275 = arith.constant 0 : i32
      %dma_start3A_276 = tpu.memref_slice %arg10[%dma_start3A_271, %dma_start3A_275] : memref<15x128xi32, #tpu.memory_space<vmem>> -> memref<1x128xi32, #tpu.memory_space<vmem>>
      %dma_start3A_277 = tpu.memref_squeeze %dma_start3A_276 : memref<1x128xi32, #tpu.memory_space<vmem>> -> memref<128xi32, #tpu.memory_space<vmem>>
      %dma_start3A_278 = arith.constant 0 : i32
      %dma_start3A_279 = arith.constant 0 : i32
      %dma_start3A_280 = tpu.memref_slice %arg11[%dma_start3A_278, %dma_start3A_279] : memref<16512x64xf32, #tpu.memory_space<vmem_shared>> -> memref<16512x64xf32, #tpu.memory_space<vmem_shared>>
      tpu.enqueue_indirect_dma source(%dma_start3A_274 : memref<128x64xf32, #tpu.memory_space<vmem>>) target(%dma_start3A_280 : memref<16512x64xf32, #tpu.memory_space<vmem_shared>>) offsets(%dma_start3A_277 : memref<128xi32, #tpu.memory_space<vmem>>) semaphore(%arg15 : memref<!tpu.dma_semaphore, #tpu.memory_space<semaphore_mem>>) {add = true}
      %dma_start3A_281 = arith.constant 7 : i32
      %dma_start3A_282 = arith.constant 128 : i32
      %dma_start3A_283 = arith.constant 0 : i32
      %dma_start3A_284 = tpu.memref_slice %arg6[%dma_start3A_282, %dma_start3A_283] : memref<384x64xf32, #tpu.memory_space<vmem>> -> memref<128x64xf32, #tpu.memory_space<vmem>>
      %dma_start3A_285 = arith.constant 0 : i32
      %dma_start3A_286 = tpu.memref_slice %arg10[%dma_start3A_281, %dma_start3A_285] : memref<15x128xi32, #tpu.memory_space<vmem>> -> memref<1x128xi32, #tpu.memory_space<vmem>>
      %dma_start3A_287 = tpu.memref_squeeze %dma_start3A_286 : memref<1x128xi32, #tpu.memory_space<vmem>> -> memref<128xi32, #tpu.memory_space<vmem>>
      %dma_start3A_288 = arith.constant 0 : i32
      %dma_start3A_289 = arith.constant 0 : i32
      %dma_start3A_290 = tpu.memref_slice %arg11[%dma_start3A_288, %dma_start3A_289] : memref<16512x64xf32, #tpu.memory_space<vmem_shared>> -> memref<16512x64xf32, #tpu.memory_space<vmem_shared>>
      tpu.enqueue_indirect_dma source(%dma_start3A_284 : memref<128x64xf32, #tpu.memory_space<vmem>>) target(%dma_start3A_290 : memref<16512x64xf32, #tpu.memory_space<vmem_shared>>) offsets(%dma_start3A_287 : memref<128xi32, #tpu.memory_space<vmem>>) semaphore(%arg15 : memref<!tpu.dma_semaphore, #tpu.memory_space<semaphore_mem>>) {add = true}
      %dma_start3A_291 = arith.constant 8 : i32
      %dma_start3A_292 = arith.constant 256 : i32
      %dma_start3A_293 = arith.constant 0 : i32
      %dma_start3A_294 = tpu.memref_slice %arg6[%dma_start3A_292, %dma_start3A_293] : memref<384x64xf32, #tpu.memory_space<vmem>> -> memref<128x64xf32, #tpu.memory_space<vmem>>
      %dma_start3A_295 = arith.constant 0 : i32
      %dma_start3A_296 = tpu.memref_slice %arg10[%dma_start3A_291, %dma_start3A_295] : memref<15x128xi32, #tpu.memory_space<vmem>> -> memref<1x128xi32, #tpu.memory_space<vmem>>
      %dma_start3A_297 = tpu.memref_squeeze %dma_start3A_296 : memref<1x128xi32, #tpu.memory_space<vmem>> -> memref<128xi32, #tpu.memory_space<vmem>>
      %dma_start3A_298 = arith.constant 0 : i32
      %dma_start3A_299 = arith.constant 0 : i32
      %dma_start3A_300 = tpu.memref_slice %arg11[%dma_start3A_298, %dma_start3A_299] : memref<16512x64xf32, #tpu.memory_space<vmem_shared>> -> memref<16512x64xf32, #tpu.memory_space<vmem_shared>>
      tpu.enqueue_indirect_dma source(%dma_start3A_294 : memref<128x64xf32, #tpu.memory_space<vmem>>) target(%dma_start3A_300 : memref<16512x64xf32, #tpu.memory_space<vmem_shared>>) offsets(%dma_start3A_297 : memref<128xi32, #tpu.memory_space<vmem>>) semaphore(%arg15 : memref<!tpu.dma_semaphore, #tpu.memory_space<semaphore_mem>>) {add = true}
      %dma_wait3A_301 = arith.constant 0 : i32
      %dma_wait3A_302 = tpu.memref_slice %arg2[%add3A_266, %dma_wait3A_301] : memref<30000x64xf32, #tpu.memory_space<hbm>> -> memref<384x64xf32, #tpu.memory_space<hbm>>
      %dma_wait3A_303 = arith.constant 0 : i32
      %dma_wait3A_304 = tpu.memref_slice %arg2[%add3A_266, %dma_wait3A_303] : memref<30000x64xf32, #tpu.memory_space<hbm>> -> memref<384x64xf32, #tpu.memory_space<hbm>>
      tpu.wait_dma2 semaphore(%arg14 : memref<!tpu.dma_semaphore, #tpu.memory_space<semaphore_mem>>) src(%dma_wait3A_304 : memref<384x64xf32, #tpu.memory_space<hbm>>) dst(%arg7 : memref<384x64xf32, #tpu.memory_space<vmem>>)
      %dma_wait3A_305 = arith.constant 6 : i32
      %dma_wait3A_306 = arith.constant 0 : i32
      %dma_wait3A_307 = arith.constant 0 : i32
      %dma_wait3A_308 = tpu.memref_slice %arg6[%dma_wait3A_306, %dma_wait3A_307] : memref<384x64xf32, #tpu.memory_space<vmem>> -> memref<128x64xf32, #tpu.memory_space<vmem>>
      %dma_wait3A_309 = arith.constant 0 : i32
      %dma_wait3A_310 = tpu.memref_slice %arg10[%dma_wait3A_305, %dma_wait3A_309] : memref<15x128xi32, #tpu.memory_space<vmem>> -> memref<1x128xi32, #tpu.memory_space<vmem>>
      %dma_wait3A_311 = tpu.memref_squeeze %dma_wait3A_310 : memref<1x128xi32, #tpu.memory_space<vmem>> -> memref<128xi32, #tpu.memory_space<vmem>>
      %dma_wait3A_312 = arith.constant 0 : i32
      %dma_wait3A_313 = arith.constant 0 : i32
      %dma_wait3A_314 = tpu.memref_slice %arg11[%dma_wait3A_312, %dma_wait3A_313] : memref<16512x64xf32, #tpu.memory_space<vmem_shared>> -> memref<16512x64xf32, #tpu.memory_space<vmem_shared>>
      tpu.wait_indirect_dma semaphore(%arg15 : memref<!tpu.dma_semaphore, #tpu.memory_space<semaphore_mem>>) src(%dma_wait3A_308 : memref<128x64xf32, #tpu.memory_space<vmem>>) dst(%dma_wait3A_314 : memref<16512x64xf32, #tpu.memory_space<vmem_shared>>)
      %dma_wait3A_315 = arith.constant 7 : i32
      %dma_wait3A_316 = arith.constant 128 : i32
      %dma_wait3A_317 = arith.constant 0 : i32
      %dma_wait3A_318 = tpu.memref_slice %arg6[%dma_wait3A_316, %dma_wait3A_317] : memref<384x64xf32, #tpu.memory_space<vmem>> -> memref<128x64xf32, #tpu.memory_space<vmem>>
      %dma_wait3A_319 = arith.constant 0 : i32
      %dma_wait3A_320 = tpu.memref_slice %arg10[%dma_wait3A_315, %dma_wait3A_319] : memref<15x128xi32, #tpu.memory_space<vmem>> -> memref<1x128xi32, #tpu.memory_space<vmem>>
      %dma_wait3A_321 = tpu.memref_squeeze %dma_wait3A_320 : memref<1x128xi32, #tpu.memory_space<vmem>> -> memref<128xi32, #tpu.memory_space<vmem>>
      %dma_wait3A_322 = arith.constant 0 : i32
      %dma_wait3A_323 = arith.constant 0 : i32
      %dma_wait3A_324 = tpu.memref_slice %arg11[%dma_wait3A_322, %dma_wait3A_323] : memref<16512x64xf32, #tpu.memory_space<vmem_shared>> -> memref<16512x64xf32, #tpu.memory_space<vmem_shared>>
      tpu.wait_indirect_dma semaphore(%arg15 : memref<!tpu.dma_semaphore, #tpu.memory_space<semaphore_mem>>) src(%dma_wait3A_318 : memref<128x64xf32, #tpu.memory_space<vmem>>) dst(%dma_wait3A_324 : memref<16512x64xf32, #tpu.memory_space<vmem_shared>>)
      %dma_wait3A_325 = arith.constant 8 : i32
      %dma_wait3A_326 = arith.constant 256 : i32
      %dma_wait3A_327 = arith.constant 0 : i32
      %dma_wait3A_328 = tpu.memref_slice %arg6[%dma_wait3A_326, %dma_wait3A_327] : memref<384x64xf32, #tpu.memory_space<vmem>> -> memref<128x64xf32, #tpu.memory_space<vmem>>
      %dma_wait3A_329 = arith.constant 0 : i32
      %dma_wait3A_330 = tpu.memref_slice %arg10[%dma_wait3A_325, %dma_wait3A_329] : memref<15x128xi32, #tpu.memory_space<vmem>> -> memref<1x128xi32, #tpu.memory_space<vmem>>
      %dma_wait3A_331 = tpu.memref_squeeze %dma_wait3A_330 : memref<1x128xi32, #tpu.memory_space<vmem>> -> memref<128xi32, #tpu.memory_space<vmem>>
      %dma_wait3A_332 = arith.constant 0 : i32
      %dma_wait3A_333 = arith.constant 0 : i32
      %dma_wait3A_334 = tpu.memref_slice %arg11[%dma_wait3A_332, %dma_wait3A_333] : memref<16512x64xf32, #tpu.memory_space<vmem_shared>> -> memref<16512x64xf32, #tpu.memory_space<vmem_shared>>
      tpu.wait_indirect_dma semaphore(%arg15 : memref<!tpu.dma_semaphore, #tpu.memory_space<semaphore_mem>>) src(%dma_wait3A_328 : memref<128x64xf32, #tpu.memory_space<vmem>>) dst(%dma_wait3A_334 : memref<16512x64xf32, #tpu.memory_space<vmem_shared>>)
      %add3A_335 = arith.constant 1536 : i32
      %add3A_336 = arith.addi %multiple_of3A, %add3A_335 : i32
      %dma_start3A_337 = arith.constant 0 : i32
      %dma_start3A_338 = tpu.memref_slice %arg2[%add3A_336, %dma_start3A_337] : memref<30000x64xf32, #tpu.memory_space<hbm>> -> memref<384x64xf32, #tpu.memory_space<hbm>>
      %dma_start3A_339 = arith.constant 0 : i32
      %dma_start3A_340 = tpu.memref_slice %arg2[%add3A_336, %dma_start3A_339] : memref<30000x64xf32, #tpu.memory_space<hbm>> -> memref<384x64xf32, #tpu.memory_space<hbm>>
      tpu.enqueue_dma source(%dma_start3A_340 : memref<384x64xf32, #tpu.memory_space<hbm>>) target(%arg6 : memref<384x64xf32, #tpu.memory_space<vmem>>) target_semaphore(%arg13 : memref<!tpu.dma_semaphore, #tpu.memory_space<semaphore_mem>>)
      %dma_start3A_341 = arith.constant 9 : i32
      %dma_start3A_342 = arith.constant 0 : i32
      %dma_start3A_343 = arith.constant 0 : i32
      %dma_start3A_344 = tpu.memref_slice %arg7[%dma_start3A_342, %dma_start3A_343] : memref<384x64xf32, #tpu.memory_space<vmem>> -> memref<128x64xf32, #tpu.memory_space<vmem>>
      %dma_start3A_345 = arith.constant 0 : i32
      %dma_start3A_346 = tpu.memref_slice %arg10[%dma_start3A_341, %dma_start3A_345] : memref<15x128xi32, #tpu.memory_space<vmem>> -> memref<1x128xi32, #tpu.memory_space<vmem>>
      %dma_start3A_347 = tpu.memref_squeeze %dma_start3A_346 : memref<1x128xi32, #tpu.memory_space<vmem>> -> memref<128xi32, #tpu.memory_space<vmem>>
      %dma_start3A_348 = arith.constant 0 : i32
      %dma_start3A_349 = arith.constant 0 : i32
      %dma_start3A_350 = tpu.memref_slice %arg11[%dma_start3A_348, %dma_start3A_349] : memref<16512x64xf32, #tpu.memory_space<vmem_shared>> -> memref<16512x64xf32, #tpu.memory_space<vmem_shared>>
      tpu.enqueue_indirect_dma source(%dma_start3A_344 : memref<128x64xf32, #tpu.memory_space<vmem>>) target(%dma_start3A_350 : memref<16512x64xf32, #tpu.memory_space<vmem_shared>>) offsets(%dma_start3A_347 : memref<128xi32, #tpu.memory_space<vmem>>) semaphore(%arg16 : memref<!tpu.dma_semaphore, #tpu.memory_space<semaphore_mem>>) {add = true}
      %dma_start3A_351 = arith.constant 10 : i32
      %dma_start3A_352 = arith.constant 128 : i32
      %dma_start3A_353 = arith.constant 0 : i32
      %dma_start3A_354 = tpu.memref_slice %arg7[%dma_start3A_352, %dma_start3A_353] : memref<384x64xf32, #tpu.memory_space<vmem>> -> memref<128x64xf32, #tpu.memory_space<vmem>>
      %dma_start3A_355 = arith.constant 0 : i32
      %dma_start3A_356 = tpu.memref_slice %arg10[%dma_start3A_351, %dma_start3A_355] : memref<15x128xi32, #tpu.memory_space<vmem>> -> memref<1x128xi32, #tpu.memory_space<vmem>>
      %dma_start3A_357 = tpu.memref_squeeze %dma_start3A_356 : memref<1x128xi32, #tpu.memory_space<vmem>> -> memref<128xi32, #tpu.memory_space<vmem>>
      %dma_start3A_358 = arith.constant 0 : i32
      %dma_start3A_359 = arith.constant 0 : i32
      %dma_start3A_360 = tpu.memref_slice %arg11[%dma_start3A_358, %dma_start3A_359] : memref<16512x64xf32, #tpu.memory_space<vmem_shared>> -> memref<16512x64xf32, #tpu.memory_space<vmem_shared>>
      tpu.enqueue_indirect_dma source(%dma_start3A_354 : memref<128x64xf32, #tpu.memory_space<vmem>>) target(%dma_start3A_360 : memref<16512x64xf32, #tpu.memory_space<vmem_shared>>) offsets(%dma_start3A_357 : memref<128xi32, #tpu.memory_space<vmem>>) semaphore(%arg16 : memref<!tpu.dma_semaphore, #tpu.memory_space<semaphore_mem>>) {add = true}
      %dma_start3A_361 = arith.constant 11 : i32
      %dma_start3A_362 = arith.constant 256 : i32
      %dma_start3A_363 = arith.constant 0 : i32
      %dma_start3A_364 = tpu.memref_slice %arg7[%dma_start3A_362, %dma_start3A_363] : memref<384x64xf32, #tpu.memory_space<vmem>> -> memref<128x64xf32, #tpu.memory_space<vmem>>
      %dma_start3A_365 = arith.constant 0 : i32
      %dma_start3A_366 = tpu.memref_slice %arg10[%dma_start3A_361, %dma_start3A_365] : memref<15x128xi32, #tpu.memory_space<vmem>> -> memref<1x128xi32, #tpu.memory_space<vmem>>
      %dma_start3A_367 = tpu.memref_squeeze %dma_start3A_366 : memref<1x128xi32, #tpu.memory_space<vmem>> -> memref<128xi32, #tpu.memory_space<vmem>>
      %dma_start3A_368 = arith.constant 0 : i32
      %dma_start3A_369 = arith.constant 0 : i32
      %dma_start3A_370 = tpu.memref_slice %arg11[%dma_start3A_368, %dma_start3A_369] : memref<16512x64xf32, #tpu.memory_space<vmem_shared>> -> memref<16512x64xf32, #tpu.memory_space<vmem_shared>>
      tpu.enqueue_indirect_dma source(%dma_start3A_364 : memref<128x64xf32, #tpu.memory_space<vmem>>) target(%dma_start3A_370 : memref<16512x64xf32, #tpu.memory_space<vmem_shared>>) offsets(%dma_start3A_367 : memref<128xi32, #tpu.memory_space<vmem>>) semaphore(%arg16 : memref<!tpu.dma_semaphore, #tpu.memory_space<semaphore_mem>>) {add = true}
      %dma_wait3A_371 = arith.constant 0 : i32
      %dma_wait3A_372 = tpu.memref_slice %arg2[%add3A_336, %dma_wait3A_371] : memref<30000x64xf32, #tpu.memory_space<hbm>> -> memref<384x64xf32, #tpu.memory_space<hbm>>
      %dma_wait3A_373 = arith.constant 0 : i32
      %dma_wait3A_374 = tpu.memref_slice %arg2[%add3A_336, %dma_wait3A_373] : memref<30000x64xf32, #tpu.memory_space<hbm>> -> memref<384x64xf32, #tpu.memory_space<hbm>>
      tpu.wait_dma2 semaphore(%arg13 : memref<!tpu.dma_semaphore, #tpu.memory_space<semaphore_mem>>) src(%dma_wait3A_374 : memref<384x64xf32, #tpu.memory_space<hbm>>) dst(%arg6 : memref<384x64xf32, #tpu.memory_space<vmem>>)
      %dma_start3A_375 = arith.constant 12 : i32
      %dma_start3A_376 = arith.constant 0 : i32
      %dma_start3A_377 = arith.constant 0 : i32
      %dma_start3A_378 = tpu.memref_slice %arg6[%dma_start3A_376, %dma_start3A_377] : memref<384x64xf32, #tpu.memory_space<vmem>> -> memref<128x64xf32, #tpu.memory_space<vmem>>
      %dma_start3A_379 = arith.constant 0 : i32
      %dma_start3A_380 = tpu.memref_slice %arg10[%dma_start3A_375, %dma_start3A_379] : memref<15x128xi32, #tpu.memory_space<vmem>> -> memref<1x128xi32, #tpu.memory_space<vmem>>
      %dma_start3A_381 = tpu.memref_squeeze %dma_start3A_380 : memref<1x128xi32, #tpu.memory_space<vmem>> -> memref<128xi32, #tpu.memory_space<vmem>>
      %dma_start3A_382 = arith.constant 0 : i32
      %dma_start3A_383 = arith.constant 0 : i32
      %dma_start3A_384 = tpu.memref_slice %arg11[%dma_start3A_382, %dma_start3A_383] : memref<16512x64xf32, #tpu.memory_space<vmem_shared>> -> memref<16512x64xf32, #tpu.memory_space<vmem_shared>>
      tpu.enqueue_indirect_dma source(%dma_start3A_378 : memref<128x64xf32, #tpu.memory_space<vmem>>) target(%dma_start3A_384 : memref<16512x64xf32, #tpu.memory_space<vmem_shared>>) offsets(%dma_start3A_381 : memref<128xi32, #tpu.memory_space<vmem>>) semaphore(%arg15 : memref<!tpu.dma_semaphore, #tpu.memory_space<semaphore_mem>>) {add = true}
      %dma_start3A_385 = arith.constant 13 : i32
      %dma_start3A_386 = arith.constant 128 : i32
      %dma_start3A_387 = arith.constant 0 : i32
      %dma_start3A_388 = tpu.memref_slice %arg6[%dma_start3A_386, %dma_start3A_387] : memref<384x64xf32, #tpu.memory_space<vmem>> -> memref<128x64xf32, #tpu.memory_space<vmem>>
      %dma_start3A_389 = arith.constant 0 : i32
      %dma_start3A_390 = tpu.memref_slice %arg10[%dma_start3A_385, %dma_start3A_389] : memref<15x128xi32, #tpu.memory_space<vmem>> -> memref<1x128xi32, #tpu.memory_space<vmem>>
      %dma_start3A_391 = tpu.memref_squeeze %dma_start3A_390 : memref<1x128xi32, #tpu.memory_space<vmem>> -> memref<128xi32, #tpu.memory_space<vmem>>
      %dma_start3A_392 = arith.constant 0 : i32
      %dma_start3A_393 = arith.constant 0 : i32
      %dma_start3A_394 = tpu.memref_slice %arg11[%dma_start3A_392, %dma_start3A_393] : memref<16512x64xf32, #tpu.memory_space<vmem_shared>> -> memref<16512x64xf32, #tpu.memory_space<vmem_shared>>
      tpu.enqueue_indirect_dma source(%dma_start3A_388 : memref<128x64xf32, #tpu.memory_space<vmem>>) target(%dma_start3A_394 : memref<16512x64xf32, #tpu.memory_space<vmem_shared>>) offsets(%dma_start3A_391 : memref<128xi32, #tpu.memory_space<vmem>>) semaphore(%arg15 : memref<!tpu.dma_semaphore, #tpu.memory_space<semaphore_mem>>) {add = true}
      %dma_start3A_395 = arith.constant 14 : i32
      %dma_start3A_396 = arith.constant 256 : i32
      %dma_start3A_397 = arith.constant 0 : i32
      %dma_start3A_398 = tpu.memref_slice %arg6[%dma_start3A_396, %dma_start3A_397] : memref<384x64xf32, #tpu.memory_space<vmem>> -> memref<128x64xf32, #tpu.memory_space<vmem>>
      %dma_start3A_399 = arith.constant 0 : i32
      %dma_start3A_400 = tpu.memref_slice %arg10[%dma_start3A_395, %dma_start3A_399] : memref<15x128xi32, #tpu.memory_space<vmem>> -> memref<1x128xi32, #tpu.memory_space<vmem>>
      %dma_start3A_401 = tpu.memref_squeeze %dma_start3A_400 : memref<1x128xi32, #tpu.memory_space<vmem>> -> memref<128xi32, #tpu.memory_space<vmem>>
      %dma_start3A_402 = arith.constant 0 : i32
      %dma_start3A_403 = arith.constant 0 : i32
      %dma_start3A_404 = tpu.memref_slice %arg11[%dma_start3A_402, %dma_start3A_403] : memref<16512x64xf32, #tpu.memory_space<vmem_shared>> -> memref<16512x64xf32, #tpu.memory_space<vmem_shared>>
      tpu.enqueue_indirect_dma source(%dma_start3A_398 : memref<128x64xf32, #tpu.memory_space<vmem>>) target(%dma_start3A_404 : memref<16512x64xf32, #tpu.memory_space<vmem_shared>>) offsets(%dma_start3A_401 : memref<128xi32, #tpu.memory_space<vmem>>) semaphore(%arg15 : memref<!tpu.dma_semaphore, #tpu.memory_space<semaphore_mem>>) {add = true}
      %dma_wait3A_405 = arith.constant 9 : i32
      %dma_wait3A_406 = arith.constant 0 : i32
      %dma_wait3A_407 = arith.constant 0 : i32
      %dma_wait3A_408 = tpu.memref_slice %arg7[%dma_wait3A_406, %dma_wait3A_407] : memref<384x64xf32, #tpu.memory_space<vmem>> -> memref<128x64xf32, #tpu.memory_space<vmem>>
      %dma_wait3A_409 = arith.constant 0 : i32
      %dma_wait3A_410 = tpu.memref_slice %arg10[%dma_wait3A_405, %dma_wait3A_409] : memref<15x128xi32, #tpu.memory_space<vmem>> -> memref<1x128xi32, #tpu.memory_space<vmem>>
      %dma_wait3A_411 = tpu.memref_squeeze %dma_wait3A_410 : memref<1x128xi32, #tpu.memory_space<vmem>> -> memref<128xi32, #tpu.memory_space<vmem>>
      %dma_wait3A_412 = arith.constant 0 : i32
      %dma_wait3A_413 = arith.constant 0 : i32
      %dma_wait3A_414 = tpu.memref_slice %arg11[%dma_wait3A_412, %dma_wait3A_413] : memref<16512x64xf32, #tpu.memory_space<vmem_shared>> -> memref<16512x64xf32, #tpu.memory_space<vmem_shared>>
      tpu.wait_indirect_dma semaphore(%arg16 : memref<!tpu.dma_semaphore, #tpu.memory_space<semaphore_mem>>) src(%dma_wait3A_408 : memref<128x64xf32, #tpu.memory_space<vmem>>) dst(%dma_wait3A_414 : memref<16512x64xf32, #tpu.memory_space<vmem_shared>>)
      %dma_wait3A_415 = arith.constant 10 : i32
      %dma_wait3A_416 = arith.constant 128 : i32
      %dma_wait3A_417 = arith.constant 0 : i32
      %dma_wait3A_418 = tpu.memref_slice %arg7[%dma_wait3A_416, %dma_wait3A_417] : memref<384x64xf32, #tpu.memory_space<vmem>> -> memref<128x64xf32, #tpu.memory_space<vmem>>
      %dma_wait3A_419 = arith.constant 0 : i32
      %dma_wait3A_420 = tpu.memref_slice %arg10[%dma_wait3A_415, %dma_wait3A_419] : memref<15x128xi32, #tpu.memory_space<vmem>> -> memref<1x128xi32, #tpu.memory_space<vmem>>
      %dma_wait3A_421 = tpu.memref_squeeze %dma_wait3A_420 : memref<1x128xi32, #tpu.memory_space<vmem>> -> memref<128xi32, #tpu.memory_space<vmem>>
      %dma_wait3A_422 = arith.constant 0 : i32
      %dma_wait3A_423 = arith.constant 0 : i32
      %dma_wait3A_424 = tpu.memref_slice %arg11[%dma_wait3A_422, %dma_wait3A_423] : memref<16512x64xf32, #tpu.memory_space<vmem_shared>> -> memref<16512x64xf32, #tpu.memory_space<vmem_shared>>
      tpu.wait_indirect_dma semaphore(%arg16 : memref<!tpu.dma_semaphore, #tpu.memory_space<semaphore_mem>>) src(%dma_wait3A_418 : memref<128x64xf32, #tpu.memory_space<vmem>>) dst(%dma_wait3A_424 : memref<16512x64xf32, #tpu.memory_space<vmem_shared>>)
      %dma_wait3A_425 = arith.constant 11 : i32
      %dma_wait3A_426 = arith.constant 256 : i32
      %dma_wait3A_427 = arith.constant 0 : i32
      %dma_wait3A_428 = tpu.memref_slice %arg7[%dma_wait3A_426, %dma_wait3A_427] : memref<384x64xf32, #tpu.memory_space<vmem>> -> memref<128x64xf32, #tpu.memory_space<vmem>>
      %dma_wait3A_429 = arith.constant 0 : i32
      %dma_wait3A_430 = tpu.memref_slice %arg10[%dma_wait3A_425, %dma_wait3A_429] : memref<15x128xi32, #tpu.memory_space<vmem>> -> memref<1x128xi32, #tpu.memory_space<vmem>>
      %dma_wait3A_431 = tpu.memref_squeeze %dma_wait3A_430 : memref<1x128xi32, #tpu.memory_space<vmem>> -> memref<128xi32, #tpu.memory_space<vmem>>
      %dma_wait3A_432 = arith.constant 0 : i32
      %dma_wait3A_433 = arith.constant 0 : i32
      %dma_wait3A_434 = tpu.memref_slice %arg11[%dma_wait3A_432, %dma_wait3A_433] : memref<16512x64xf32, #tpu.memory_space<vmem_shared>> -> memref<16512x64xf32, #tpu.memory_space<vmem_shared>>
      tpu.wait_indirect_dma semaphore(%arg16 : memref<!tpu.dma_semaphore, #tpu.memory_space<semaphore_mem>>) src(%dma_wait3A_428 : memref<128x64xf32, #tpu.memory_space<vmem>>) dst(%dma_wait3A_434 : memref<16512x64xf32, #tpu.memory_space<vmem_shared>>)
      %dma_wait3A_435 = arith.constant 12 : i32
      %dma_wait3A_436 = arith.constant 0 : i32
      %dma_wait3A_437 = arith.constant 0 : i32
      %dma_wait3A_438 = tpu.memref_slice %arg6[%dma_wait3A_436, %dma_wait3A_437] : memref<384x64xf32, #tpu.memory_space<vmem>> -> memref<128x64xf32, #tpu.memory_space<vmem>>
      %dma_wait3A_439 = arith.constant 0 : i32
      %dma_wait3A_440 = tpu.memref_slice %arg10[%dma_wait3A_435, %dma_wait3A_439] : memref<15x128xi32, #tpu.memory_space<vmem>> -> memref<1x128xi32, #tpu.memory_space<vmem>>
      %dma_wait3A_441 = tpu.memref_squeeze %dma_wait3A_440 : memref<1x128xi32, #tpu.memory_space<vmem>> -> memref<128xi32, #tpu.memory_space<vmem>>
      %dma_wait3A_442 = arith.constant 0 : i32
      %dma_wait3A_443 = arith.constant 0 : i32
      %dma_wait3A_444 = tpu.memref_slice %arg11[%dma_wait3A_442, %dma_wait3A_443] : memref<16512x64xf32, #tpu.memory_space<vmem_shared>> -> memref<16512x64xf32, #tpu.memory_space<vmem_shared>>
      tpu.wait_indirect_dma semaphore(%arg15 : memref<!tpu.dma_semaphore, #tpu.memory_space<semaphore_mem>>) src(%dma_wait3A_438 : memref<128x64xf32, #tpu.memory_space<vmem>>) dst(%dma_wait3A_444 : memref<16512x64xf32, #tpu.memory_space<vmem_shared>>)
      %dma_wait3A_445 = arith.constant 13 : i32
      %dma_wait3A_446 = arith.constant 128 : i32
      %dma_wait3A_447 = arith.constant 0 : i32
      %dma_wait3A_448 = tpu.memref_slice %arg6[%dma_wait3A_446, %dma_wait3A_447] : memref<384x64xf32, #tpu.memory_space<vmem>> -> memref<128x64xf32, #tpu.memory_space<vmem>>
      %dma_wait3A_449 = arith.constant 0 : i32
      %dma_wait3A_450 = tpu.memref_slice %arg10[%dma_wait3A_445, %dma_wait3A_449] : memref<15x128xi32, #tpu.memory_space<vmem>> -> memref<1x128xi32, #tpu.memory_space<vmem>>
      %dma_wait3A_451 = tpu.memref_squeeze %dma_wait3A_450 : memref<1x128xi32, #tpu.memory_space<vmem>> -> memref<128xi32, #tpu.memory_space<vmem>>
      %dma_wait3A_452 = arith.constant 0 : i32
      %dma_wait3A_453 = arith.constant 0 : i32
      %dma_wait3A_454 = tpu.memref_slice %arg11[%dma_wait3A_452, %dma_wait3A_453] : memref<16512x64xf32, #tpu.memory_space<vmem_shared>> -> memref<16512x64xf32, #tpu.memory_space<vmem_shared>>
      tpu.wait_indirect_dma semaphore(%arg15 : memref<!tpu.dma_semaphore, #tpu.memory_space<semaphore_mem>>) src(%dma_wait3A_448 : memref<128x64xf32, #tpu.memory_space<vmem>>) dst(%dma_wait3A_454 : memref<16512x64xf32, #tpu.memory_space<vmem_shared>>)
      %dma_wait3A_455 = arith.constant 14 : i32
      %dma_wait3A_456 = arith.constant 256 : i32
      %dma_wait3A_457 = arith.constant 0 : i32
      %dma_wait3A_458 = tpu.memref_slice %arg6[%dma_wait3A_456, %dma_wait3A_457] : memref<384x64xf32, #tpu.memory_space<vmem>> -> memref<128x64xf32, #tpu.memory_space<vmem>>
      %dma_wait3A_459 = arith.constant 0 : i32
      %dma_wait3A_460 = tpu.memref_slice %arg10[%dma_wait3A_455, %dma_wait3A_459] : memref<15x128xi32, #tpu.memory_space<vmem>> -> memref<1x128xi32, #tpu.memory_space<vmem>>
      %dma_wait3A_461 = tpu.memref_squeeze %dma_wait3A_460 : memref<1x128xi32, #tpu.memory_space<vmem>> -> memref<128xi32, #tpu.memory_space<vmem>>
      %dma_wait3A_462 = arith.constant 0 : i32
      %dma_wait3A_463 = arith.constant 0 : i32
      %dma_wait3A_464 = tpu.memref_slice %arg11[%dma_wait3A_462, %dma_wait3A_463] : memref<16512x64xf32, #tpu.memory_space<vmem_shared>> -> memref<16512x64xf32, #tpu.memory_space<vmem_shared>>
      tpu.wait_indirect_dma semaphore(%arg15 : memref<!tpu.dma_semaphore, #tpu.memory_space<semaphore_mem>>) src(%dma_wait3A_458 : memref<128x64xf32, #tpu.memory_space<vmem>>) dst(%dma_wait3A_464 : memref<16512x64xf32, #tpu.memory_space<vmem_shared>>)
      %barrier3A_465 = arith.constant 0 : index
      tpu.barrier barrier_id(%barrier3A_465)
      %mul3A_466 = arith.constant 1024 : i32
      %mul3A_467 = arith.muli %arg1, %mul3A_466 : i32
      %mul3A_468 = arith.constant 1024 : i32
      %mul3A_469 = arith.muli %arg1, %mul3A_468 : i32
      %add3A_470 = arith.addi %add3A, %mul3A_469 : i32
      "tpu.region"() ({
        %run_scoped3A = tpu.sem_alloc : memref<!tpu.dma_semaphore, #tpu.memory_space<semaphore_mem>>
        %dma_start3A_472 = arith.constant 0 : i32
        %dma_start3A_473 = tpu.memref_slice %arg5[%add3A_470, %dma_start3A_472] : memref<65536x128xf32, #tpu.memory_space<hbm>> -> memref<1024x64xf32, #tpu.memory_space<hbm>>
        %dma_start3A_474 = arith.constant 0 : i32
        %dma_start3A_475 = tpu.memref_slice %arg11[%mul3A_467, %dma_start3A_474] : memref<16512x64xf32, #tpu.memory_space<vmem_shared>> -> memref<1024x64xf32, #tpu.memory_space<vmem_shared>>
        tpu.enqueue_dma source(%dma_start3A_475 : memref<1024x64xf32, #tpu.memory_space<vmem_shared>>) target(%dma_start3A_473 : memref<1024x64xf32, #tpu.memory_space<hbm>>) target_semaphore(%run_scoped3A : memref<!tpu.dma_semaphore, #tpu.memory_space<semaphore_mem>>)
        %dma_wait3A_476 = arith.constant 0 : i32
        %dma_wait3A_477 = tpu.memref_slice %arg5[%add3A_470, %dma_wait3A_476] : memref<65536x128xf32, #tpu.memory_space<hbm>> -> memref<1024x64xf32, #tpu.memory_space<hbm>>
        %dma_wait3A_478 = arith.constant 0 : i32
        %dma_wait3A_479 = tpu.memref_slice %arg11[%mul3A_467, %dma_wait3A_478] : memref<16512x64xf32, #tpu.memory_space<vmem_shared>> -> memref<1024x64xf32, #tpu.memory_space<vmem_shared>>
        tpu.wait_dma2 semaphore(%run_scoped3A : memref<!tpu.dma_semaphore, #tpu.memory_space<semaphore_mem>>) src(%dma_wait3A_479 : memref<1024x64xf32, #tpu.memory_space<vmem_shared>>) dst(%dma_wait3A_477 : memref<1024x64xf32, #tpu.memory_space<hbm>>)
        tpu.yield
      }) : () -> ()
      %scan3A_471 = arith.constant 0 : i32
      scf.yield %scan3A_471 : i32
    }
    %scan3A_7 = arith.constant 2 : i32
    return
  }
}

module attributes {stable_mosaic.version = 14 : i64} {
  func.func @tkernel(%arg0: i32, %arg1: memref<4096x128xf32, #tpu.memory_space<vmem>>, %arg2: memref<512x512xf32, #tpu.memory_space<vmem>>, %arg3: memref<64x8x512xf32, #tpu.memory_space<vmem>>) attributes {dimension_semantics = [#tpu.dimension_semantics<arbitrary>], iteration_bounds = array<i64: 16>, scalar_prefetch = 0 : i64, scratch_operands = 0 : i64, tpu.core_type = #tpu.core_type<tc>, window_params = [{transform_indices = @transform_0, window_bounds = array<i64: 4096, 128>}, {pipeline_mode = #tpu.pipeline_mode<synchronous>, transform_indices = @transform_1, window_bounds = array<i64: 512, 512>}, {transform_indices = @transform_2, window_bounds = array<i64: 64, 8, 512>}]} {
    %get3A = arith.constant 0 : index
    %get3A_0 = arith.constant 0 : index
    %get3A_1 = vector.load %arg1[%get3A, %get3A_0] : memref<4096x128xf32, #tpu.memory_space<vmem>>, vector<512x64xf32>
    %get3A_2 = arith.constant 0 : index
    %get3A_3 = arith.constant 0 : index
    %get3A_4 = vector.load %arg2[%get3A_2, %get3A_3] : memref<512x512xf32, #tpu.memory_space<vmem>>, vector<512x512xf32>
    %dot_general3A = arith.constant dense<0.000000e+00> : vector<64x512xf32>
    %dot_general3A_5 = tpu.matmul %get3A_1, %get3A_4, %dot_general3A {dimension_numbers = #tpu.dot_dimension_numbers<[0], [0], [1], [1], [0, 1, 1, 1], [], []>, transpose_lhs_hint = false} : vector<512x64xf32>, vector<512x512xf32>, vector<64x512xf32> -> vector<64x512xf32>
    %swap3A = arith.constant 0 : index
    %swap3A_6 = arith.constant 0 : index
    %swap3A_7 = arith.constant 0 : index
    %swap3A_8 = vector.load %arg3[%swap3A, %swap3A_6, %swap3A_7] : memref<64x8x512xf32, #tpu.memory_space<vmem>>, vector<64x1x512xf32>
    %swap3A_9 = vector.shape_cast %swap3A_8 : vector<64x1x512xf32> to vector<64x512xf32>
    %swap3A_10 = vector.shape_cast %dot_general3A_5 : vector<64x512xf32> to vector<64x1x512xf32>
    tpu.vector_store %arg3[%swap3A, %swap3A_6, %swap3A_7], %swap3A_10 {strides = array<i32>} : memref<64x8x512xf32, #tpu.memory_space<vmem>>, vector<64x1x512xf32>,
    %get3A_11 = arith.constant 512 : index
    %get3A_12 = arith.constant 0 : index
    %get3A_13 = vector.load %arg1[%get3A_11, %get3A_12] : memref<4096x128xf32, #tpu.memory_space<vmem>>, vector<512x64xf32>
    %get3A_14 = arith.constant 0 : index
    %get3A_15 = arith.constant 0 : index
    %get3A_16 = vector.load %arg2[%get3A_14, %get3A_15] : memref<512x512xf32, #tpu.memory_space<vmem>>, vector<512x512xf32>
    %dot_general3A_17 = arith.constant dense<0.000000e+00> : vector<64x512xf32>
    %dot_general3A_18 = tpu.matmul %get3A_13, %get3A_16, %dot_general3A_17 {dimension_numbers = #tpu.dot_dimension_numbers<[0], [0], [1], [1], [0, 1, 1, 1], [], []>, transpose_lhs_hint = false} : vector<512x64xf32>, vector<512x512xf32>, vector<64x512xf32> -> vector<64x512xf32>
    %swap3A_19 = arith.constant 0 : index
    %swap3A_20 = arith.constant 1 : index
    %swap3A_21 = arith.constant 0 : index
    %swap3A_22 = vector.load %arg3[%swap3A_19, %swap3A_20, %swap3A_21] : memref<64x8x512xf32, #tpu.memory_space<vmem>>, vector<64x1x512xf32>
    %swap3A_23 = vector.shape_cast %swap3A_22 : vector<64x1x512xf32> to vector<64x512xf32>
    %swap3A_24 = vector.shape_cast %dot_general3A_18 : vector<64x512xf32> to vector<64x1x512xf32>
    tpu.vector_store %arg3[%swap3A_19, %swap3A_20, %swap3A_21], %swap3A_24 {strides = array<i32>} : memref<64x8x512xf32, #tpu.memory_space<vmem>>, vector<64x1x512xf32>,
    %get3A_25 = arith.constant 1024 : index
    %get3A_26 = arith.constant 0 : index
    %get3A_27 = vector.load %arg1[%get3A_25, %get3A_26] : memref<4096x128xf32, #tpu.memory_space<vmem>>, vector<512x64xf32>
    %get3A_28 = arith.constant 0 : index
    %get3A_29 = arith.constant 0 : index
    %get3A_30 = vector.load %arg2[%get3A_28, %get3A_29] : memref<512x512xf32, #tpu.memory_space<vmem>>, vector<512x512xf32>
    %dot_general3A_31 = arith.constant dense<0.000000e+00> : vector<64x512xf32>
    %dot_general3A_32 = tpu.matmul %get3A_27, %get3A_30, %dot_general3A_31 {dimension_numbers = #tpu.dot_dimension_numbers<[0], [0], [1], [1], [0, 1, 1, 1], [], []>, transpose_lhs_hint = false} : vector<512x64xf32>, vector<512x512xf32>, vector<64x512xf32> -> vector<64x512xf32>
    %swap3A_33 = arith.constant 0 : index
    %swap3A_34 = arith.constant 2 : index
    %swap3A_35 = arith.constant 0 : index
    %swap3A_36 = vector.load %arg3[%swap3A_33, %swap3A_34, %swap3A_35] : memref<64x8x512xf32, #tpu.memory_space<vmem>>, vector<64x1x512xf32>
    %swap3A_37 = vector.shape_cast %swap3A_36 : vector<64x1x512xf32> to vector<64x512xf32>
    %swap3A_38 = vector.shape_cast %dot_general3A_32 : vector<64x512xf32> to vector<64x1x512xf32>
    tpu.vector_store %arg3[%swap3A_33, %swap3A_34, %swap3A_35], %swap3A_38 {strides = array<i32>} : memref<64x8x512xf32, #tpu.memory_space<vmem>>, vector<64x1x512xf32>,
    %get3A_39 = arith.constant 1536 : index
    %get3A_40 = arith.constant 0 : index
    %get3A_41 = vector.load %arg1[%get3A_39, %get3A_40] : memref<4096x128xf32, #tpu.memory_space<vmem>>, vector<512x64xf32>
    %get3A_42 = arith.constant 0 : index
    %get3A_43 = arith.constant 0 : index
    %get3A_44 = vector.load %arg2[%get3A_42, %get3A_43] : memref<512x512xf32, #tpu.memory_space<vmem>>, vector<512x512xf32>
    %dot_general3A_45 = arith.constant dense<0.000000e+00> : vector<64x512xf32>
    %dot_general3A_46 = tpu.matmul %get3A_41, %get3A_44, %dot_general3A_45 {dimension_numbers = #tpu.dot_dimension_numbers<[0], [0], [1], [1], [0, 1, 1, 1], [], []>, transpose_lhs_hint = false} : vector<512x64xf32>, vector<512x512xf32>, vector<64x512xf32> -> vector<64x512xf32>
    %swap3A_47 = arith.constant 0 : index
    %swap3A_48 = arith.constant 3 : index
    %swap3A_49 = arith.constant 0 : index
    %swap3A_50 = vector.load %arg3[%swap3A_47, %swap3A_48, %swap3A_49] : memref<64x8x512xf32, #tpu.memory_space<vmem>>, vector<64x1x512xf32>
    %swap3A_51 = vector.shape_cast %swap3A_50 : vector<64x1x512xf32> to vector<64x512xf32>
    %swap3A_52 = vector.shape_cast %dot_general3A_46 : vector<64x512xf32> to vector<64x1x512xf32>
    tpu.vector_store %arg3[%swap3A_47, %swap3A_48, %swap3A_49], %swap3A_52 {strides = array<i32>} : memref<64x8x512xf32, #tpu.memory_space<vmem>>, vector<64x1x512xf32>,
    %get3A_53 = arith.constant 2048 : index
    %get3A_54 = arith.constant 0 : index
    %get3A_55 = vector.load %arg1[%get3A_53, %get3A_54] : memref<4096x128xf32, #tpu.memory_space<vmem>>, vector<512x64xf32>
    %get3A_56 = arith.constant 0 : index
    %get3A_57 = arith.constant 0 : index
    %get3A_58 = vector.load %arg2[%get3A_56, %get3A_57] : memref<512x512xf32, #tpu.memory_space<vmem>>, vector<512x512xf32>
    %dot_general3A_59 = arith.constant dense<0.000000e+00> : vector<64x512xf32>
    %dot_general3A_60 = tpu.matmul %get3A_55, %get3A_58, %dot_general3A_59 {dimension_numbers = #tpu.dot_dimension_numbers<[0], [0], [1], [1], [0, 1, 1, 1], [], []>, transpose_lhs_hint = false} : vector<512x64xf32>, vector<512x512xf32>, vector<64x512xf32> -> vector<64x512xf32>
    %swap3A_61 = arith.constant 0 : index
    %swap3A_62 = arith.constant 4 : index
    %swap3A_63 = arith.constant 0 : index
    %swap3A_64 = vector.load %arg3[%swap3A_61, %swap3A_62, %swap3A_63] : memref<64x8x512xf32, #tpu.memory_space<vmem>>, vector<64x1x512xf32>
    %swap3A_65 = vector.shape_cast %swap3A_64 : vector<64x1x512xf32> to vector<64x512xf32>
    %swap3A_66 = vector.shape_cast %dot_general3A_60 : vector<64x512xf32> to vector<64x1x512xf32>
    tpu.vector_store %arg3[%swap3A_61, %swap3A_62, %swap3A_63], %swap3A_66 {strides = array<i32>} : memref<64x8x512xf32, #tpu.memory_space<vmem>>, vector<64x1x512xf32>,
    %get3A_67 = arith.constant 2560 : index
    %get3A_68 = arith.constant 0 : index
    %get3A_69 = vector.load %arg1[%get3A_67, %get3A_68] : memref<4096x128xf32, #tpu.memory_space<vmem>>, vector<512x64xf32>
    %get3A_70 = arith.constant 0 : index
    %get3A_71 = arith.constant 0 : index
    %get3A_72 = vector.load %arg2[%get3A_70, %get3A_71] : memref<512x512xf32, #tpu.memory_space<vmem>>, vector<512x512xf32>
    %dot_general3A_73 = arith.constant dense<0.000000e+00> : vector<64x512xf32>
    %dot_general3A_74 = tpu.matmul %get3A_69, %get3A_72, %dot_general3A_73 {dimension_numbers = #tpu.dot_dimension_numbers<[0], [0], [1], [1], [0, 1, 1, 1], [], []>, transpose_lhs_hint = false} : vector<512x64xf32>, vector<512x512xf32>, vector<64x512xf32> -> vector<64x512xf32>
    %swap3A_75 = arith.constant 0 : index
    %swap3A_76 = arith.constant 5 : index
    %swap3A_77 = arith.constant 0 : index
    %swap3A_78 = vector.load %arg3[%swap3A_75, %swap3A_76, %swap3A_77] : memref<64x8x512xf32, #tpu.memory_space<vmem>>, vector<64x1x512xf32>
    %swap3A_79 = vector.shape_cast %swap3A_78 : vector<64x1x512xf32> to vector<64x512xf32>
    %swap3A_80 = vector.shape_cast %dot_general3A_74 : vector<64x512xf32> to vector<64x1x512xf32>
    tpu.vector_store %arg3[%swap3A_75, %swap3A_76, %swap3A_77], %swap3A_80 {strides = array<i32>} : memref<64x8x512xf32, #tpu.memory_space<vmem>>, vector<64x1x512xf32>,
    %get3A_81 = arith.constant 3072 : index
    %get3A_82 = arith.constant 0 : index
    %get3A_83 = vector.load %arg1[%get3A_81, %get3A_82] : memref<4096x128xf32, #tpu.memory_space<vmem>>, vector<512x64xf32>
    %get3A_84 = arith.constant 0 : index
    %get3A_85 = arith.constant 0 : index
    %get3A_86 = vector.load %arg2[%get3A_84, %get3A_85] : memref<512x512xf32, #tpu.memory_space<vmem>>, vector<512x512xf32>
    %dot_general3A_87 = arith.constant dense<0.000000e+00> : vector<64x512xf32>
    %dot_general3A_88 = tpu.matmul %get3A_83, %get3A_86, %dot_general3A_87 {dimension_numbers = #tpu.dot_dimension_numbers<[0], [0], [1], [1], [0, 1, 1, 1], [], []>, transpose_lhs_hint = false} : vector<512x64xf32>, vector<512x512xf32>, vector<64x512xf32> -> vector<64x512xf32>
    %swap3A_89 = arith.constant 0 : index
    %swap3A_90 = arith.constant 6 : index
    %swap3A_91 = arith.constant 0 : index
    %swap3A_92 = vector.load %arg3[%swap3A_89, %swap3A_90, %swap3A_91] : memref<64x8x512xf32, #tpu.memory_space<vmem>>, vector<64x1x512xf32>
    %swap3A_93 = vector.shape_cast %swap3A_92 : vector<64x1x512xf32> to vector<64x512xf32>
    %swap3A_94 = vector.shape_cast %dot_general3A_88 : vector<64x512xf32> to vector<64x1x512xf32>
    tpu.vector_store %arg3[%swap3A_89, %swap3A_90, %swap3A_91], %swap3A_94 {strides = array<i32>} : memref<64x8x512xf32, #tpu.memory_space<vmem>>, vector<64x1x512xf32>,
    %get3A_95 = arith.constant 3584 : index
    %get3A_96 = arith.constant 0 : index
    %get3A_97 = vector.load %arg1[%get3A_95, %get3A_96] : memref<4096x128xf32, #tpu.memory_space<vmem>>, vector<512x64xf32>
    %get3A_98 = arith.constant 0 : index
    %get3A_99 = arith.constant 0 : index
    %get3A_100 = vector.load %arg2[%get3A_98, %get3A_99] : memref<512x512xf32, #tpu.memory_space<vmem>>, vector<512x512xf32>
    %dot_general3A_101 = arith.constant dense<0.000000e+00> : vector<64x512xf32>
    %dot_general3A_102 = tpu.matmul %get3A_97, %get3A_100, %dot_general3A_101 {dimension_numbers = #tpu.dot_dimension_numbers<[0], [0], [1], [1], [0, 1, 1, 1], [], []>, transpose_lhs_hint = false} : vector<512x64xf32>, vector<512x512xf32>, vector<64x512xf32> -> vector<64x512xf32>
    %swap3A_103 = arith.constant 0 : index
    %swap3A_104 = arith.constant 7 : index
    %swap3A_105 = arith.constant 0 : index
    %swap3A_106 = vector.load %arg3[%swap3A_103, %swap3A_104, %swap3A_105] : memref<64x8x512xf32, #tpu.memory_space<vmem>>, vector<64x1x512xf32>
    %swap3A_107 = vector.shape_cast %swap3A_106 : vector<64x1x512xf32> to vector<64x512xf32>
    %swap3A_108 = vector.shape_cast %dot_general3A_102 : vector<64x512xf32> to vector<64x1x512xf32>
    tpu.vector_store %arg3[%swap3A_103, %swap3A_104, %swap3A_105], %swap3A_108 {strides = array<i32>} : memref<64x8x512xf32, #tpu.memory_space<vmem>>, vector<64x1x512xf32>,
    return
  }
  func.func @transform_0(%arg0: i32) -> (i32, i32) {
    %c0_i32 = arith.constant 0 : i32
    %c0_i32_0 = arith.constant 0 : i32
    return %arg0, %c0_i32 : i32, i32
  }
  func.func @transform_1(%arg0: i32) -> (i32, i32) {
    %c0_i32 = arith.constant 0 : i32
    %c0_i32_0 = arith.constant 0 : i32
    %c0_i32_1 = arith.constant 0 : i32
    return %c0_i32, %c0_i32_0 : i32, i32
  }
  func.func @transform_2(%arg0: i32) -> (i32, i32, i32) {
    %add3A = arith.constant 0 : i32
    %add3A_0 = arith.addi %add3A, %arg0 : i32
    %c0_i32 = arith.constant 0 : i32
    %c0_i32_1 = arith.constant 0 : i32
    %c0_i32_2 = arith.constant 0 : i32
    return %c0_i32, %add3A_0, %c0_i32_1 : i32, i32, i32
  }
}

module attributes {stable_mosaic.version = 14 : i64} {
  func.func @tkernel(%arg0: i32, %arg1: memref<4096x128xf32, #tpu.memory_space<vmem>>, %arg2: memref<512x512xf32, #tpu.memory_space<vmem>>, %arg3: memref<64x512x512xf32, #tpu.memory_space<any>>, %arg4: memref<64x8x512xf32, #tpu.memory_space<vmem>>) attributes {dimension_semantics = [#tpu.dimension_semantics<arbitrary>], iteration_bounds = array<i64: 16>, scalar_prefetch = 0 : i64, scratch_operands = 0 : i64, tpu.core_type = #tpu.core_type<tc>, window_params = [{transform_indices = @transform_0, window_bounds = array<i64: 4096, 128>}, {pipeline_mode = #tpu.pipeline_mode<synchronous>, transform_indices = @transform_1, window_bounds = array<i64: 512, 512>}, {}, {transform_indices = @transform_3, window_bounds = array<i64: 64, 8, 512>}]} {
    %get3A = arith.constant 0 : index
    %get3A_0 = arith.constant 0 : index
    %get3A_1 = vector.load %arg1[%get3A, %get3A_0] : memref<4096x128xf32, #tpu.memory_space<vmem>>, vector<512x64xf32>
    %get3A_2 = arith.constant 0 : index
    %get3A_3 = arith.constant 0 : index
    %get3A_4 = vector.load %arg2[%get3A_2, %get3A_3] : memref<512x512xf32, #tpu.memory_space<vmem>>, vector<512x512xf32>
    %dot_general3A = arith.constant dense<0.000000e+00> : vector<64x512xf32>
    %dot_general3A_5 = tpu.matmul %get3A_1, %get3A_4, %dot_general3A {dimension_numbers = #tpu.dot_dimension_numbers<[0], [0], [1], [1], [0, 1, 1, 1], [], []>, transpose_lhs_hint = false} : vector<512x64xf32>, vector<512x512xf32>, vector<64x512xf32> -> vector<64x512xf32>
    %swap3A = arith.constant 0 : index
    %swap3A_6 = arith.constant 0 : index
    %swap3A_7 = arith.constant 0 : index
    %swap3A_8 = vector.load %arg4[%swap3A, %swap3A_6, %swap3A_7] : memref<64x8x512xf32, #tpu.memory_space<vmem>>, vector<64x1x512xf32>
    %swap3A_9 = vector.shape_cast %swap3A_8 : vector<64x1x512xf32> to vector<64x512xf32>
    %swap3A_10 = vector.shape_cast %dot_general3A_5 : vector<64x512xf32> to vector<64x1x512xf32>
    tpu.vector_store %arg4[%swap3A, %swap3A_6, %swap3A_7], %swap3A_10 {strides = array<i32>} : memref<64x8x512xf32, #tpu.memory_space<vmem>>, vector<64x1x512xf32>,
    %get3A_11 = arith.constant 512 : index
    %get3A_12 = arith.constant 0 : index
    %get3A_13 = vector.load %arg1[%get3A_11, %get3A_12] : memref<4096x128xf32, #tpu.memory_space<vmem>>, vector<512x64xf32>
    %get3A_14 = arith.constant 0 : index
    %get3A_15 = arith.constant 0 : index
    %get3A_16 = vector.load %arg2[%get3A_14, %get3A_15] : memref<512x512xf32, #tpu.memory_space<vmem>>, vector<512x512xf32>
    %dot_general3A_17 = arith.constant dense<0.000000e+00> : vector<64x512xf32>
    %dot_general3A_18 = tpu.matmul %get3A_13, %get3A_16, %dot_general3A_17 {dimension_numbers = #tpu.dot_dimension_numbers<[0], [0], [1], [1], [0, 1, 1, 1], [], []>, transpose_lhs_hint = false} : vector<512x64xf32>, vector<512x512xf32>, vector<64x512xf32> -> vector<64x512xf32>
    %swap3A_19 = arith.constant 0 : index
    %swap3A_20 = arith.constant 1 : index
    %swap3A_21 = arith.constant 0 : index
    %swap3A_22 = vector.load %arg4[%swap3A_19, %swap3A_20, %swap3A_21] : memref<64x8x512xf32, #tpu.memory_space<vmem>>, vector<64x1x512xf32>
    %swap3A_23 = vector.shape_cast %swap3A_22 : vector<64x1x512xf32> to vector<64x512xf32>
    %swap3A_24 = vector.shape_cast %dot_general3A_18 : vector<64x512xf32> to vector<64x1x512xf32>
    tpu.vector_store %arg4[%swap3A_19, %swap3A_20, %swap3A_21], %swap3A_24 {strides = array<i32>} : memref<64x8x512xf32, #tpu.memory_space<vmem>>, vector<64x1x512xf32>,
    %get3A_25 = arith.constant 1024 : index
    %get3A_26 = arith.constant 0 : index
    %get3A_27 = vector.load %arg1[%get3A_25, %get3A_26] : memref<4096x128xf32, #tpu.memory_space<vmem>>, vector<512x64xf32>
    %get3A_28 = arith.constant 0 : index
    %get3A_29 = arith.constant 0 : index
    %get3A_30 = vector.load %arg2[%get3A_28, %get3A_29] : memref<512x512xf32, #tpu.memory_space<vmem>>, vector<512x512xf32>
    %dot_general3A_31 = arith.constant dense<0.000000e+00> : vector<64x512xf32>
    %dot_general3A_32 = tpu.matmul %get3A_27, %get3A_30, %dot_general3A_31 {dimension_numbers = #tpu.dot_dimension_numbers<[0], [0], [1], [1], [0, 1, 1, 1], [], []>, transpose_lhs_hint = false} : vector<512x64xf32>, vector<512x512xf32>, vector<64x512xf32> -> vector<64x512xf32>
    %swap3A_33 = arith.constant 0 : index
    %swap3A_34 = arith.constant 2 : index
    %swap3A_35 = arith.constant 0 : index
    %swap3A_36 = vector.load %arg4[%swap3A_33, %swap3A_34, %swap3A_35] : memref<64x8x512xf32, #tpu.memory_space<vmem>>, vector<64x1x512xf32>
    %swap3A_37 = vector.shape_cast %swap3A_36 : vector<64x1x512xf32> to vector<64x512xf32>
    %swap3A_38 = vector.shape_cast %dot_general3A_32 : vector<64x512xf32> to vector<64x1x512xf32>
    tpu.vector_store %arg4[%swap3A_33, %swap3A_34, %swap3A_35], %swap3A_38 {strides = array<i32>} : memref<64x8x512xf32, #tpu.memory_space<vmem>>, vector<64x1x512xf32>,
    %get3A_39 = arith.constant 1536 : index
    %get3A_40 = arith.constant 0 : index
    %get3A_41 = vector.load %arg1[%get3A_39, %get3A_40] : memref<4096x128xf32, #tpu.memory_space<vmem>>, vector<512x64xf32>
    %get3A_42 = arith.constant 0 : index
    %get3A_43 = arith.constant 0 : index
    %get3A_44 = vector.load %arg2[%get3A_42, %get3A_43] : memref<512x512xf32, #tpu.memory_space<vmem>>, vector<512x512xf32>
    %dot_general3A_45 = arith.constant dense<0.000000e+00> : vector<64x512xf32>
    %dot_general3A_46 = tpu.matmul %get3A_41, %get3A_44, %dot_general3A_45 {dimension_numbers = #tpu.dot_dimension_numbers<[0], [0], [1], [1], [0, 1, 1, 1], [], []>, transpose_lhs_hint = false} : vector<512x64xf32>, vector<512x512xf32>, vector<64x512xf32> -> vector<64x512xf32>
    %swap3A_47 = arith.constant 0 : index
    %swap3A_48 = arith.constant 3 : index
    %swap3A_49 = arith.constant 0 : index
    %swap3A_50 = vector.load %arg4[%swap3A_47, %swap3A_48, %swap3A_49] : memref<64x8x512xf32, #tpu.memory_space<vmem>>, vector<64x1x512xf32>
    %swap3A_51 = vector.shape_cast %swap3A_50 : vector<64x1x512xf32> to vector<64x512xf32>
    %swap3A_52 = vector.shape_cast %dot_general3A_46 : vector<64x512xf32> to vector<64x1x512xf32>
    tpu.vector_store %arg4[%swap3A_47, %swap3A_48, %swap3A_49], %swap3A_52 {strides = array<i32>} : memref<64x8x512xf32, #tpu.memory_space<vmem>>, vector<64x1x512xf32>,
    %get3A_53 = arith.constant 2048 : index
    %get3A_54 = arith.constant 0 : index
    %get3A_55 = vector.load %arg1[%get3A_53, %get3A_54] : memref<4096x128xf32, #tpu.memory_space<vmem>>, vector<512x64xf32>
    %get3A_56 = arith.constant 0 : index
    %get3A_57 = arith.constant 0 : index
    %get3A_58 = vector.load %arg2[%get3A_56, %get3A_57] : memref<512x512xf32, #tpu.memory_space<vmem>>, vector<512x512xf32>
    %dot_general3A_59 = arith.constant dense<0.000000e+00> : vector<64x512xf32>
    %dot_general3A_60 = tpu.matmul %get3A_55, %get3A_58, %dot_general3A_59 {dimension_numbers = #tpu.dot_dimension_numbers<[0], [0], [1], [1], [0, 1, 1, 1], [], []>, transpose_lhs_hint = false} : vector<512x64xf32>, vector<512x512xf32>, vector<64x512xf32> -> vector<64x512xf32>
    %swap3A_61 = arith.constant 0 : index
    %swap3A_62 = arith.constant 4 : index
    %swap3A_63 = arith.constant 0 : index
    %swap3A_64 = vector.load %arg4[%swap3A_61, %swap3A_62, %swap3A_63] : memref<64x8x512xf32, #tpu.memory_space<vmem>>, vector<64x1x512xf32>
    %swap3A_65 = vector.shape_cast %swap3A_64 : vector<64x1x512xf32> to vector<64x512xf32>
    %swap3A_66 = vector.shape_cast %dot_general3A_60 : vector<64x512xf32> to vector<64x1x512xf32>
    tpu.vector_store %arg4[%swap3A_61, %swap3A_62, %swap3A_63], %swap3A_66 {strides = array<i32>} : memref<64x8x512xf32, #tpu.memory_space<vmem>>, vector<64x1x512xf32>,
    %get3A_67 = arith.constant 2560 : index
    %get3A_68 = arith.constant 0 : index
    %get3A_69 = vector.load %arg1[%get3A_67, %get3A_68] : memref<4096x128xf32, #tpu.memory_space<vmem>>, vector<512x64xf32>
    %get3A_70 = arith.constant 0 : index
    %get3A_71 = arith.constant 0 : index
    %get3A_72 = vector.load %arg2[%get3A_70, %get3A_71] : memref<512x512xf32, #tpu.memory_space<vmem>>, vector<512x512xf32>
    %dot_general3A_73 = arith.constant dense<0.000000e+00> : vector<64x512xf32>
    %dot_general3A_74 = tpu.matmul %get3A_69, %get3A_72, %dot_general3A_73 {dimension_numbers = #tpu.dot_dimension_numbers<[0], [0], [1], [1], [0, 1, 1, 1], [], []>, transpose_lhs_hint = false} : vector<512x64xf32>, vector<512x512xf32>, vector<64x512xf32> -> vector<64x512xf32>
    %swap3A_75 = arith.constant 0 : index
    %swap3A_76 = arith.constant 5 : index
    %swap3A_77 = arith.constant 0 : index
    %swap3A_78 = vector.load %arg4[%swap3A_75, %swap3A_76, %swap3A_77] : memref<64x8x512xf32, #tpu.memory_space<vmem>>, vector<64x1x512xf32>
    %swap3A_79 = vector.shape_cast %swap3A_78 : vector<64x1x512xf32> to vector<64x512xf32>
    %swap3A_80 = vector.shape_cast %dot_general3A_74 : vector<64x512xf32> to vector<64x1x512xf32>
    tpu.vector_store %arg4[%swap3A_75, %swap3A_76, %swap3A_77], %swap3A_80 {strides = array<i32>} : memref<64x8x512xf32, #tpu.memory_space<vmem>>, vector<64x1x512xf32>,
    %get3A_81 = arith.constant 3072 : index
    %get3A_82 = arith.constant 0 : index
    %get3A_83 = vector.load %arg1[%get3A_81, %get3A_82] : memref<4096x128xf32, #tpu.memory_space<vmem>>, vector<512x64xf32>
    %get3A_84 = arith.constant 0 : index
    %get3A_85 = arith.constant 0 : index
    %get3A_86 = vector.load %arg2[%get3A_84, %get3A_85] : memref<512x512xf32, #tpu.memory_space<vmem>>, vector<512x512xf32>
    %dot_general3A_87 = arith.constant dense<0.000000e+00> : vector<64x512xf32>
    %dot_general3A_88 = tpu.matmul %get3A_83, %get3A_86, %dot_general3A_87 {dimension_numbers = #tpu.dot_dimension_numbers<[0], [0], [1], [1], [0, 1, 1, 1], [], []>, transpose_lhs_hint = false} : vector<512x64xf32>, vector<512x512xf32>, vector<64x512xf32> -> vector<64x512xf32>
    %swap3A_89 = arith.constant 0 : index
    %swap3A_90 = arith.constant 6 : index
    %swap3A_91 = arith.constant 0 : index
    %swap3A_92 = vector.load %arg4[%swap3A_89, %swap3A_90, %swap3A_91] : memref<64x8x512xf32, #tpu.memory_space<vmem>>, vector<64x1x512xf32>
    %swap3A_93 = vector.shape_cast %swap3A_92 : vector<64x1x512xf32> to vector<64x512xf32>
    %swap3A_94 = vector.shape_cast %dot_general3A_88 : vector<64x512xf32> to vector<64x1x512xf32>
    tpu.vector_store %arg4[%swap3A_89, %swap3A_90, %swap3A_91], %swap3A_94 {strides = array<i32>} : memref<64x8x512xf32, #tpu.memory_space<vmem>>, vector<64x1x512xf32>,
    %get3A_95 = arith.constant 3584 : index
    %get3A_96 = arith.constant 0 : index
    %get3A_97 = vector.load %arg1[%get3A_95, %get3A_96] : memref<4096x128xf32, #tpu.memory_space<vmem>>, vector<512x64xf32>
    %get3A_98 = arith.constant 0 : index
    %get3A_99 = arith.constant 0 : index
    %get3A_100 = vector.load %arg2[%get3A_98, %get3A_99] : memref<512x512xf32, #tpu.memory_space<vmem>>, vector<512x512xf32>
    %dot_general3A_101 = arith.constant dense<0.000000e+00> : vector<64x512xf32>
    %dot_general3A_102 = tpu.matmul %get3A_97, %get3A_100, %dot_general3A_101 {dimension_numbers = #tpu.dot_dimension_numbers<[0], [0], [1], [1], [0, 1, 1, 1], [], []>, transpose_lhs_hint = false} : vector<512x64xf32>, vector<512x512xf32>, vector<64x512xf32> -> vector<64x512xf32>
    %swap3A_103 = arith.constant 0 : index
    %swap3A_104 = arith.constant 7 : index
    %swap3A_105 = arith.constant 0 : index
    %swap3A_106 = vector.load %arg4[%swap3A_103, %swap3A_104, %swap3A_105] : memref<64x8x512xf32, #tpu.memory_space<vmem>>, vector<64x1x512xf32>
    %swap3A_107 = vector.shape_cast %swap3A_106 : vector<64x1x512xf32> to vector<64x512xf32>
    %swap3A_108 = vector.shape_cast %dot_general3A_102 : vector<64x512xf32> to vector<64x1x512xf32>
    tpu.vector_store %arg4[%swap3A_103, %swap3A_104, %swap3A_105], %swap3A_108 {strides = array<i32>} : memref<64x8x512xf32, #tpu.memory_space<vmem>>, vector<64x1x512xf32>,
    return
  }
  func.func @transform_0(%arg0: i32) -> (i32, i32) {
    %c0_i32 = arith.constant 0 : i32
    %c0_i32_0 = arith.constant 0 : i32
    return %arg0, %c0_i32 : i32, i32
  }
  func.func @transform_1(%arg0: i32) -> (i32, i32) {
    %c0_i32 = arith.constant 0 : i32
    %c0_i32_0 = arith.constant 0 : i32
    %c0_i32_1 = arith.constant 0 : i32
    return %c0_i32, %c0_i32_0 : i32, i32
  }
  func.func @transform_3(%arg0: i32) -> (i32, i32, i32) {
    %add3A = arith.constant 16 : i32
    %add3A_0 = arith.addi %add3A, %arg0 : i32
    %c0_i32 = arith.constant 0 : i32
    %c0_i32_1 = arith.constant 0 : i32
    %c0_i32_2 = arith.constant 0 : i32
    return %c0_i32, %add3A_0, %c0_i32_1 : i32, i32, i32
  }
}

module attributes {stable_mosaic.version = 14 : i64} {
  func.func @tkernel(%arg0: i32, %arg1: memref<4096x128xf32, #tpu.memory_space<vmem>>, %arg2: memref<512x512xf32, #tpu.memory_space<vmem>>, %arg3: memref<64x512x512xf32, #tpu.memory_space<any>>, %arg4: memref<64x8x512xf32, #tpu.memory_space<vmem>>) attributes {dimension_semantics = [#tpu.dimension_semantics<arbitrary>], iteration_bounds = array<i64: 16>, scalar_prefetch = 0 : i64, scratch_operands = 0 : i64, tpu.core_type = #tpu.core_type<tc>, window_params = [{transform_indices = @transform_0, window_bounds = array<i64: 4096, 128>}, {pipeline_mode = #tpu.pipeline_mode<synchronous>, transform_indices = @transform_1, window_bounds = array<i64: 512, 512>}, {}, {transform_indices = @transform_3, window_bounds = array<i64: 64, 8, 512>}]} {
    %get3A = arith.constant 0 : index
    %get3A_0 = arith.constant 0 : index
    %get3A_1 = vector.load %arg1[%get3A, %get3A_0] : memref<4096x128xf32, #tpu.memory_space<vmem>>, vector<512x64xf32>
    %get3A_2 = arith.constant 0 : index
    %get3A_3 = arith.constant 0 : index
    %get3A_4 = vector.load %arg2[%get3A_2, %get3A_3] : memref<512x512xf32, #tpu.memory_space<vmem>>, vector<512x512xf32>
    %dot_general3A = arith.constant dense<0.000000e+00> : vector<64x512xf32>
    %dot_general3A_5 = tpu.matmul %get3A_1, %get3A_4, %dot_general3A {dimension_numbers = #tpu.dot_dimension_numbers<[0], [0], [1], [1], [0, 1, 1, 1], [], []>, transpose_lhs_hint = false} : vector<512x64xf32>, vector<512x512xf32>, vector<64x512xf32> -> vector<64x512xf32>
    %swap3A = arith.constant 0 : index
    %swap3A_6 = arith.constant 0 : index
    %swap3A_7 = arith.constant 0 : index
    %swap3A_8 = vector.load %arg4[%swap3A, %swap3A_6, %swap3A_7] : memref<64x8x512xf32, #tpu.memory_space<vmem>>, vector<64x1x512xf32>
    %swap3A_9 = vector.shape_cast %swap3A_8 : vector<64x1x512xf32> to vector<64x512xf32>
    %swap3A_10 = vector.shape_cast %dot_general3A_5 : vector<64x512xf32> to vector<64x1x512xf32>
    tpu.vector_store %arg4[%swap3A, %swap3A_6, %swap3A_7], %swap3A_10 {strides = array<i32>} : memref<64x8x512xf32, #tpu.memory_space<vmem>>, vector<64x1x512xf32>,
    %get3A_11 = arith.constant 512 : index
    %get3A_12 = arith.constant 0 : index
    %get3A_13 = vector.load %arg1[%get3A_11, %get3A_12] : memref<4096x128xf32, #tpu.memory_space<vmem>>, vector<512x64xf32>
    %get3A_14 = arith.constant 0 : index
    %get3A_15 = arith.constant 0 : index
    %get3A_16 = vector.load %arg2[%get3A_14, %get3A_15] : memref<512x512xf32, #tpu.memory_space<vmem>>, vector<512x512xf32>
    %dot_general3A_17 = arith.constant dense<0.000000e+00> : vector<64x512xf32>
    %dot_general3A_18 = tpu.matmul %get3A_13, %get3A_16, %dot_general3A_17 {dimension_numbers = #tpu.dot_dimension_numbers<[0], [0], [1], [1], [0, 1, 1, 1], [], []>, transpose_lhs_hint = false} : vector<512x64xf32>, vector<512x512xf32>, vector<64x512xf32> -> vector<64x512xf32>
    %swap3A_19 = arith.constant 0 : index
    %swap3A_20 = arith.constant 1 : index
    %swap3A_21 = arith.constant 0 : index
    %swap3A_22 = vector.load %arg4[%swap3A_19, %swap3A_20, %swap3A_21] : memref<64x8x512xf32, #tpu.memory_space<vmem>>, vector<64x1x512xf32>
    %swap3A_23 = vector.shape_cast %swap3A_22 : vector<64x1x512xf32> to vector<64x512xf32>
    %swap3A_24 = vector.shape_cast %dot_general3A_18 : vector<64x512xf32> to vector<64x1x512xf32>
    tpu.vector_store %arg4[%swap3A_19, %swap3A_20, %swap3A_21], %swap3A_24 {strides = array<i32>} : memref<64x8x512xf32, #tpu.memory_space<vmem>>, vector<64x1x512xf32>,
    %get3A_25 = arith.constant 1024 : index
    %get3A_26 = arith.constant 0 : index
    %get3A_27 = vector.load %arg1[%get3A_25, %get3A_26] : memref<4096x128xf32, #tpu.memory_space<vmem>>, vector<512x64xf32>
    %get3A_28 = arith.constant 0 : index
    %get3A_29 = arith.constant 0 : index
    %get3A_30 = vector.load %arg2[%get3A_28, %get3A_29] : memref<512x512xf32, #tpu.memory_space<vmem>>, vector<512x512xf32>
    %dot_general3A_31 = arith.constant dense<0.000000e+00> : vector<64x512xf32>
    %dot_general3A_32 = tpu.matmul %get3A_27, %get3A_30, %dot_general3A_31 {dimension_numbers = #tpu.dot_dimension_numbers<[0], [0], [1], [1], [0, 1, 1, 1], [], []>, transpose_lhs_hint = false} : vector<512x64xf32>, vector<512x512xf32>, vector<64x512xf32> -> vector<64x512xf32>
    %swap3A_33 = arith.constant 0 : index
    %swap3A_34 = arith.constant 2 : index
    %swap3A_35 = arith.constant 0 : index
    %swap3A_36 = vector.load %arg4[%swap3A_33, %swap3A_34, %swap3A_35] : memref<64x8x512xf32, #tpu.memory_space<vmem>>, vector<64x1x512xf32>
    %swap3A_37 = vector.shape_cast %swap3A_36 : vector<64x1x512xf32> to vector<64x512xf32>
    %swap3A_38 = vector.shape_cast %dot_general3A_32 : vector<64x512xf32> to vector<64x1x512xf32>
    tpu.vector_store %arg4[%swap3A_33, %swap3A_34, %swap3A_35], %swap3A_38 {strides = array<i32>} : memref<64x8x512xf32, #tpu.memory_space<vmem>>, vector<64x1x512xf32>,
    %get3A_39 = arith.constant 1536 : index
    %get3A_40 = arith.constant 0 : index
    %get3A_41 = vector.load %arg1[%get3A_39, %get3A_40] : memref<4096x128xf32, #tpu.memory_space<vmem>>, vector<512x64xf32>
    %get3A_42 = arith.constant 0 : index
    %get3A_43 = arith.constant 0 : index
    %get3A_44 = vector.load %arg2[%get3A_42, %get3A_43] : memref<512x512xf32, #tpu.memory_space<vmem>>, vector<512x512xf32>
    %dot_general3A_45 = arith.constant dense<0.000000e+00> : vector<64x512xf32>
    %dot_general3A_46 = tpu.matmul %get3A_41, %get3A_44, %dot_general3A_45 {dimension_numbers = #tpu.dot_dimension_numbers<[0], [0], [1], [1], [0, 1, 1, 1], [], []>, transpose_lhs_hint = false} : vector<512x64xf32>, vector<512x512xf32>, vector<64x512xf32> -> vector<64x512xf32>
    %swap3A_47 = arith.constant 0 : index
    %swap3A_48 = arith.constant 3 : index
    %swap3A_49 = arith.constant 0 : index
    %swap3A_50 = vector.load %arg4[%swap3A_47, %swap3A_48, %swap3A_49] : memref<64x8x512xf32, #tpu.memory_space<vmem>>, vector<64x1x512xf32>
    %swap3A_51 = vector.shape_cast %swap3A_50 : vector<64x1x512xf32> to vector<64x512xf32>
    %swap3A_52 = vector.shape_cast %dot_general3A_46 : vector<64x512xf32> to vector<64x1x512xf32>
    tpu.vector_store %arg4[%swap3A_47, %swap3A_48, %swap3A_49], %swap3A_52 {strides = array<i32>} : memref<64x8x512xf32, #tpu.memory_space<vmem>>, vector<64x1x512xf32>,
    %get3A_53 = arith.constant 2048 : index
    %get3A_54 = arith.constant 0 : index
    %get3A_55 = vector.load %arg1[%get3A_53, %get3A_54] : memref<4096x128xf32, #tpu.memory_space<vmem>>, vector<512x64xf32>
    %get3A_56 = arith.constant 0 : index
    %get3A_57 = arith.constant 0 : index
    %get3A_58 = vector.load %arg2[%get3A_56, %get3A_57] : memref<512x512xf32, #tpu.memory_space<vmem>>, vector<512x512xf32>
    %dot_general3A_59 = arith.constant dense<0.000000e+00> : vector<64x512xf32>
    %dot_general3A_60 = tpu.matmul %get3A_55, %get3A_58, %dot_general3A_59 {dimension_numbers = #tpu.dot_dimension_numbers<[0], [0], [1], [1], [0, 1, 1, 1], [], []>, transpose_lhs_hint = false} : vector<512x64xf32>, vector<512x512xf32>, vector<64x512xf32> -> vector<64x512xf32>
    %swap3A_61 = arith.constant 0 : index
    %swap3A_62 = arith.constant 4 : index
    %swap3A_63 = arith.constant 0 : index
    %swap3A_64 = vector.load %arg4[%swap3A_61, %swap3A_62, %swap3A_63] : memref<64x8x512xf32, #tpu.memory_space<vmem>>, vector<64x1x512xf32>
    %swap3A_65 = vector.shape_cast %swap3A_64 : vector<64x1x512xf32> to vector<64x512xf32>
    %swap3A_66 = vector.shape_cast %dot_general3A_60 : vector<64x512xf32> to vector<64x1x512xf32>
    tpu.vector_store %arg4[%swap3A_61, %swap3A_62, %swap3A_63], %swap3A_66 {strides = array<i32>} : memref<64x8x512xf32, #tpu.memory_space<vmem>>, vector<64x1x512xf32>,
    %get3A_67 = arith.constant 2560 : index
    %get3A_68 = arith.constant 0 : index
    %get3A_69 = vector.load %arg1[%get3A_67, %get3A_68] : memref<4096x128xf32, #tpu.memory_space<vmem>>, vector<512x64xf32>
    %get3A_70 = arith.constant 0 : index
    %get3A_71 = arith.constant 0 : index
    %get3A_72 = vector.load %arg2[%get3A_70, %get3A_71] : memref<512x512xf32, #tpu.memory_space<vmem>>, vector<512x512xf32>
    %dot_general3A_73 = arith.constant dense<0.000000e+00> : vector<64x512xf32>
    %dot_general3A_74 = tpu.matmul %get3A_69, %get3A_72, %dot_general3A_73 {dimension_numbers = #tpu.dot_dimension_numbers<[0], [0], [1], [1], [0, 1, 1, 1], [], []>, transpose_lhs_hint = false} : vector<512x64xf32>, vector<512x512xf32>, vector<64x512xf32> -> vector<64x512xf32>
    %swap3A_75 = arith.constant 0 : index
    %swap3A_76 = arith.constant 5 : index
    %swap3A_77 = arith.constant 0 : index
    %swap3A_78 = vector.load %arg4[%swap3A_75, %swap3A_76, %swap3A_77] : memref<64x8x512xf32, #tpu.memory_space<vmem>>, vector<64x1x512xf32>
    %swap3A_79 = vector.shape_cast %swap3A_78 : vector<64x1x512xf32> to vector<64x512xf32>
    %swap3A_80 = vector.shape_cast %dot_general3A_74 : vector<64x512xf32> to vector<64x1x512xf32>
    tpu.vector_store %arg4[%swap3A_75, %swap3A_76, %swap3A_77], %swap3A_80 {strides = array<i32>} : memref<64x8x512xf32, #tpu.memory_space<vmem>>, vector<64x1x512xf32>,
    %get3A_81 = arith.constant 3072 : index
    %get3A_82 = arith.constant 0 : index
    %get3A_83 = vector.load %arg1[%get3A_81, %get3A_82] : memref<4096x128xf32, #tpu.memory_space<vmem>>, vector<512x64xf32>
    %get3A_84 = arith.constant 0 : index
    %get3A_85 = arith.constant 0 : index
    %get3A_86 = vector.load %arg2[%get3A_84, %get3A_85] : memref<512x512xf32, #tpu.memory_space<vmem>>, vector<512x512xf32>
    %dot_general3A_87 = arith.constant dense<0.000000e+00> : vector<64x512xf32>
    %dot_general3A_88 = tpu.matmul %get3A_83, %get3A_86, %dot_general3A_87 {dimension_numbers = #tpu.dot_dimension_numbers<[0], [0], [1], [1], [0, 1, 1, 1], [], []>, transpose_lhs_hint = false} : vector<512x64xf32>, vector<512x512xf32>, vector<64x512xf32> -> vector<64x512xf32>
    %swap3A_89 = arith.constant 0 : index
    %swap3A_90 = arith.constant 6 : index
    %swap3A_91 = arith.constant 0 : index
    %swap3A_92 = vector.load %arg4[%swap3A_89, %swap3A_90, %swap3A_91] : memref<64x8x512xf32, #tpu.memory_space<vmem>>, vector<64x1x512xf32>
    %swap3A_93 = vector.shape_cast %swap3A_92 : vector<64x1x512xf32> to vector<64x512xf32>
    %swap3A_94 = vector.shape_cast %dot_general3A_88 : vector<64x512xf32> to vector<64x1x512xf32>
    tpu.vector_store %arg4[%swap3A_89, %swap3A_90, %swap3A_91], %swap3A_94 {strides = array<i32>} : memref<64x8x512xf32, #tpu.memory_space<vmem>>, vector<64x1x512xf32>,
    %get3A_95 = arith.constant 3584 : index
    %get3A_96 = arith.constant 0 : index
    %get3A_97 = vector.load %arg1[%get3A_95, %get3A_96] : memref<4096x128xf32, #tpu.memory_space<vmem>>, vector<512x64xf32>
    %get3A_98 = arith.constant 0 : index
    %get3A_99 = arith.constant 0 : index
    %get3A_100 = vector.load %arg2[%get3A_98, %get3A_99] : memref<512x512xf32, #tpu.memory_space<vmem>>, vector<512x512xf32>
    %dot_general3A_101 = arith.constant dense<0.000000e+00> : vector<64x512xf32>
    %dot_general3A_102 = tpu.matmul %get3A_97, %get3A_100, %dot_general3A_101 {dimension_numbers = #tpu.dot_dimension_numbers<[0], [0], [1], [1], [0, 1, 1, 1], [], []>, transpose_lhs_hint = false} : vector<512x64xf32>, vector<512x512xf32>, vector<64x512xf32> -> vector<64x512xf32>
    %swap3A_103 = arith.constant 0 : index
    %swap3A_104 = arith.constant 7 : index
    %swap3A_105 = arith.constant 0 : index
    %swap3A_106 = vector.load %arg4[%swap3A_103, %swap3A_104, %swap3A_105] : memref<64x8x512xf32, #tpu.memory_space<vmem>>, vector<64x1x512xf32>
    %swap3A_107 = vector.shape_cast %swap3A_106 : vector<64x1x512xf32> to vector<64x512xf32>
    %swap3A_108 = vector.shape_cast %dot_general3A_102 : vector<64x512xf32> to vector<64x1x512xf32>
    tpu.vector_store %arg4[%swap3A_103, %swap3A_104, %swap3A_105], %swap3A_108 {strides = array<i32>} : memref<64x8x512xf32, #tpu.memory_space<vmem>>, vector<64x1x512xf32>,
    return
  }
  func.func @transform_0(%arg0: i32) -> (i32, i32) {
    %c0_i32 = arith.constant 0 : i32
    %c0_i32_0 = arith.constant 0 : i32
    return %arg0, %c0_i32 : i32, i32
  }
  func.func @transform_1(%arg0: i32) -> (i32, i32) {
    %c0_i32 = arith.constant 0 : i32
    %c0_i32_0 = arith.constant 0 : i32
    %c0_i32_1 = arith.constant 0 : i32
    return %c0_i32, %c0_i32_0 : i32, i32
  }
  func.func @transform_3(%arg0: i32) -> (i32, i32, i32) {
    %add3A = arith.constant 32 : i32
    %add3A_0 = arith.addi %add3A, %arg0 : i32
    %c0_i32 = arith.constant 0 : i32
    %c0_i32_1 = arith.constant 0 : i32
    %c0_i32_2 = arith.constant 0 : i32
    return %c0_i32, %add3A_0, %c0_i32_1 : i32, i32, i32
  }
}

module attributes {stable_mosaic.version = 14 : i64} {
  func.func @tkernel(%arg0: i32, %arg1: memref<4096x128xf32, #tpu.memory_space<vmem>>, %arg2: memref<512x512xf32, #tpu.memory_space<vmem>>, %arg3: memref<64x512x512xf32, #tpu.memory_space<any>>, %arg4: memref<64x8x512xf32, #tpu.memory_space<vmem>>) attributes {dimension_semantics = [#tpu.dimension_semantics<arbitrary>], iteration_bounds = array<i64: 16>, scalar_prefetch = 0 : i64, scratch_operands = 0 : i64, tpu.core_type = #tpu.core_type<tc>, window_params = [{transform_indices = @transform_0, window_bounds = array<i64: 4096, 128>}, {pipeline_mode = #tpu.pipeline_mode<synchronous>, transform_indices = @transform_1, window_bounds = array<i64: 512, 512>}, {}, {transform_indices = @transform_3, window_bounds = array<i64: 64, 8, 512>}]} {
    %get3A = arith.constant 0 : index
    %get3A_0 = arith.constant 0 : index
    %get3A_1 = vector.load %arg1[%get3A, %get3A_0] : memref<4096x128xf32, #tpu.memory_space<vmem>>, vector<512x64xf32>
    %get3A_2 = arith.constant 0 : index
    %get3A_3 = arith.constant 0 : index
    %get3A_4 = vector.load %arg2[%get3A_2, %get3A_3] : memref<512x512xf32, #tpu.memory_space<vmem>>, vector<512x512xf32>
    %dot_general3A = arith.constant dense<0.000000e+00> : vector<64x512xf32>
    %dot_general3A_5 = tpu.matmul %get3A_1, %get3A_4, %dot_general3A {dimension_numbers = #tpu.dot_dimension_numbers<[0], [0], [1], [1], [0, 1, 1, 1], [], []>, transpose_lhs_hint = false} : vector<512x64xf32>, vector<512x512xf32>, vector<64x512xf32> -> vector<64x512xf32>
    %swap3A = arith.constant 0 : index
    %swap3A_6 = arith.constant 0 : index
    %swap3A_7 = arith.constant 0 : index
    %swap3A_8 = vector.load %arg4[%swap3A, %swap3A_6, %swap3A_7] : memref<64x8x512xf32, #tpu.memory_space<vmem>>, vector<64x1x512xf32>
    %swap3A_9 = vector.shape_cast %swap3A_8 : vector<64x1x512xf32> to vector<64x512xf32>
    %swap3A_10 = vector.shape_cast %dot_general3A_5 : vector<64x512xf32> to vector<64x1x512xf32>
    tpu.vector_store %arg4[%swap3A, %swap3A_6, %swap3A_7], %swap3A_10 {strides = array<i32>} : memref<64x8x512xf32, #tpu.memory_space<vmem>>, vector<64x1x512xf32>,
    %get3A_11 = arith.constant 512 : index
    %get3A_12 = arith.constant 0 : index
    %get3A_13 = vector.load %arg1[%get3A_11, %get3A_12] : memref<4096x128xf32, #tpu.memory_space<vmem>>, vector<512x64xf32>
    %get3A_14 = arith.constant 0 : index
    %get3A_15 = arith.constant 0 : index
    %get3A_16 = vector.load %arg2[%get3A_14, %get3A_15] : memref<512x512xf32, #tpu.memory_space<vmem>>, vector<512x512xf32>
    %dot_general3A_17 = arith.constant dense<0.000000e+00> : vector<64x512xf32>
    %dot_general3A_18 = tpu.matmul %get3A_13, %get3A_16, %dot_general3A_17 {dimension_numbers = #tpu.dot_dimension_numbers<[0], [0], [1], [1], [0, 1, 1, 1], [], []>, transpose_lhs_hint = false} : vector<512x64xf32>, vector<512x512xf32>, vector<64x512xf32> -> vector<64x512xf32>
    %swap3A_19 = arith.constant 0 : index
    %swap3A_20 = arith.constant 1 : index
    %swap3A_21 = arith.constant 0 : index
    %swap3A_22 = vector.load %arg4[%swap3A_19, %swap3A_20, %swap3A_21] : memref<64x8x512xf32, #tpu.memory_space<vmem>>, vector<64x1x512xf32>
    %swap3A_23 = vector.shape_cast %swap3A_22 : vector<64x1x512xf32> to vector<64x512xf32>
    %swap3A_24 = vector.shape_cast %dot_general3A_18 : vector<64x512xf32> to vector<64x1x512xf32>
    tpu.vector_store %arg4[%swap3A_19, %swap3A_20, %swap3A_21], %swap3A_24 {strides = array<i32>} : memref<64x8x512xf32, #tpu.memory_space<vmem>>, vector<64x1x512xf32>,
    %get3A_25 = arith.constant 1024 : index
    %get3A_26 = arith.constant 0 : index
    %get3A_27 = vector.load %arg1[%get3A_25, %get3A_26] : memref<4096x128xf32, #tpu.memory_space<vmem>>, vector<512x64xf32>
    %get3A_28 = arith.constant 0 : index
    %get3A_29 = arith.constant 0 : index
    %get3A_30 = vector.load %arg2[%get3A_28, %get3A_29] : memref<512x512xf32, #tpu.memory_space<vmem>>, vector<512x512xf32>
    %dot_general3A_31 = arith.constant dense<0.000000e+00> : vector<64x512xf32>
    %dot_general3A_32 = tpu.matmul %get3A_27, %get3A_30, %dot_general3A_31 {dimension_numbers = #tpu.dot_dimension_numbers<[0], [0], [1], [1], [0, 1, 1, 1], [], []>, transpose_lhs_hint = false} : vector<512x64xf32>, vector<512x512xf32>, vector<64x512xf32> -> vector<64x512xf32>
    %swap3A_33 = arith.constant 0 : index
    %swap3A_34 = arith.constant 2 : index
    %swap3A_35 = arith.constant 0 : index
    %swap3A_36 = vector.load %arg4[%swap3A_33, %swap3A_34, %swap3A_35] : memref<64x8x512xf32, #tpu.memory_space<vmem>>, vector<64x1x512xf32>
    %swap3A_37 = vector.shape_cast %swap3A_36 : vector<64x1x512xf32> to vector<64x512xf32>
    %swap3A_38 = vector.shape_cast %dot_general3A_32 : vector<64x512xf32> to vector<64x1x512xf32>
    tpu.vector_store %arg4[%swap3A_33, %swap3A_34, %swap3A_35], %swap3A_38 {strides = array<i32>} : memref<64x8x512xf32, #tpu.memory_space<vmem>>, vector<64x1x512xf32>,
    %get3A_39 = arith.constant 1536 : index
    %get3A_40 = arith.constant 0 : index
    %get3A_41 = vector.load %arg1[%get3A_39, %get3A_40] : memref<4096x128xf32, #tpu.memory_space<vmem>>, vector<512x64xf32>
    %get3A_42 = arith.constant 0 : index
    %get3A_43 = arith.constant 0 : index
    %get3A_44 = vector.load %arg2[%get3A_42, %get3A_43] : memref<512x512xf32, #tpu.memory_space<vmem>>, vector<512x512xf32>
    %dot_general3A_45 = arith.constant dense<0.000000e+00> : vector<64x512xf32>
    %dot_general3A_46 = tpu.matmul %get3A_41, %get3A_44, %dot_general3A_45 {dimension_numbers = #tpu.dot_dimension_numbers<[0], [0], [1], [1], [0, 1, 1, 1], [], []>, transpose_lhs_hint = false} : vector<512x64xf32>, vector<512x512xf32>, vector<64x512xf32> -> vector<64x512xf32>
    %swap3A_47 = arith.constant 0 : index
    %swap3A_48 = arith.constant 3 : index
    %swap3A_49 = arith.constant 0 : index
    %swap3A_50 = vector.load %arg4[%swap3A_47, %swap3A_48, %swap3A_49] : memref<64x8x512xf32, #tpu.memory_space<vmem>>, vector<64x1x512xf32>
    %swap3A_51 = vector.shape_cast %swap3A_50 : vector<64x1x512xf32> to vector<64x512xf32>
    %swap3A_52 = vector.shape_cast %dot_general3A_46 : vector<64x512xf32> to vector<64x1x512xf32>
    tpu.vector_store %arg4[%swap3A_47, %swap3A_48, %swap3A_49], %swap3A_52 {strides = array<i32>} : memref<64x8x512xf32, #tpu.memory_space<vmem>>, vector<64x1x512xf32>,
    %get3A_53 = arith.constant 2048 : index
    %get3A_54 = arith.constant 0 : index
    %get3A_55 = vector.load %arg1[%get3A_53, %get3A_54] : memref<4096x128xf32, #tpu.memory_space<vmem>>, vector<512x64xf32>
    %get3A_56 = arith.constant 0 : index
    %get3A_57 = arith.constant 0 : index
    %get3A_58 = vector.load %arg2[%get3A_56, %get3A_57] : memref<512x512xf32, #tpu.memory_space<vmem>>, vector<512x512xf32>
    %dot_general3A_59 = arith.constant dense<0.000000e+00> : vector<64x512xf32>
    %dot_general3A_60 = tpu.matmul %get3A_55, %get3A_58, %dot_general3A_59 {dimension_numbers = #tpu.dot_dimension_numbers<[0], [0], [1], [1], [0, 1, 1, 1], [], []>, transpose_lhs_hint = false} : vector<512x64xf32>, vector<512x512xf32>, vector<64x512xf32> -> vector<64x512xf32>
    %swap3A_61 = arith.constant 0 : index
    %swap3A_62 = arith.constant 4 : index
    %swap3A_63 = arith.constant 0 : index
    %swap3A_64 = vector.load %arg4[%swap3A_61, %swap3A_62, %swap3A_63] : memref<64x8x512xf32, #tpu.memory_space<vmem>>, vector<64x1x512xf32>
    %swap3A_65 = vector.shape_cast %swap3A_64 : vector<64x1x512xf32> to vector<64x512xf32>
    %swap3A_66 = vector.shape_cast %dot_general3A_60 : vector<64x512xf32> to vector<64x1x512xf32>
    tpu.vector_store %arg4[%swap3A_61, %swap3A_62, %swap3A_63], %swap3A_66 {strides = array<i32>} : memref<64x8x512xf32, #tpu.memory_space<vmem>>, vector<64x1x512xf32>,
    %get3A_67 = arith.constant 2560 : index
    %get3A_68 = arith.constant 0 : index
    %get3A_69 = vector.load %arg1[%get3A_67, %get3A_68] : memref<4096x128xf32, #tpu.memory_space<vmem>>, vector<512x64xf32>
    %get3A_70 = arith.constant 0 : index
    %get3A_71 = arith.constant 0 : index
    %get3A_72 = vector.load %arg2[%get3A_70, %get3A_71] : memref<512x512xf32, #tpu.memory_space<vmem>>, vector<512x512xf32>
    %dot_general3A_73 = arith.constant dense<0.000000e+00> : vector<64x512xf32>
    %dot_general3A_74 = tpu.matmul %get3A_69, %get3A_72, %dot_general3A_73 {dimension_numbers = #tpu.dot_dimension_numbers<[0], [0], [1], [1], [0, 1, 1, 1], [], []>, transpose_lhs_hint = false} : vector<512x64xf32>, vector<512x512xf32>, vector<64x512xf32> -> vector<64x512xf32>
    %swap3A_75 = arith.constant 0 : index
    %swap3A_76 = arith.constant 5 : index
    %swap3A_77 = arith.constant 0 : index
    %swap3A_78 = vector.load %arg4[%swap3A_75, %swap3A_76, %swap3A_77] : memref<64x8x512xf32, #tpu.memory_space<vmem>>, vector<64x1x512xf32>
    %swap3A_79 = vector.shape_cast %swap3A_78 : vector<64x1x512xf32> to vector<64x512xf32>
    %swap3A_80 = vector.shape_cast %dot_general3A_74 : vector<64x512xf32> to vector<64x1x512xf32>
    tpu.vector_store %arg4[%swap3A_75, %swap3A_76, %swap3A_77], %swap3A_80 {strides = array<i32>} : memref<64x8x512xf32, #tpu.memory_space<vmem>>, vector<64x1x512xf32>,
    %get3A_81 = arith.constant 3072 : index
    %get3A_82 = arith.constant 0 : index
    %get3A_83 = vector.load %arg1[%get3A_81, %get3A_82] : memref<4096x128xf32, #tpu.memory_space<vmem>>, vector<512x64xf32>
    %get3A_84 = arith.constant 0 : index
    %get3A_85 = arith.constant 0 : index
    %get3A_86 = vector.load %arg2[%get3A_84, %get3A_85] : memref<512x512xf32, #tpu.memory_space<vmem>>, vector<512x512xf32>
    %dot_general3A_87 = arith.constant dense<0.000000e+00> : vector<64x512xf32>
    %dot_general3A_88 = tpu.matmul %get3A_83, %get3A_86, %dot_general3A_87 {dimension_numbers = #tpu.dot_dimension_numbers<[0], [0], [1], [1], [0, 1, 1, 1], [], []>, transpose_lhs_hint = false} : vector<512x64xf32>, vector<512x512xf32>, vector<64x512xf32> -> vector<64x512xf32>
    %swap3A_89 = arith.constant 0 : index
    %swap3A_90 = arith.constant 6 : index
    %swap3A_91 = arith.constant 0 : index
    %swap3A_92 = vector.load %arg4[%swap3A_89, %swap3A_90, %swap3A_91] : memref<64x8x512xf32, #tpu.memory_space<vmem>>, vector<64x1x512xf32>
    %swap3A_93 = vector.shape_cast %swap3A_92 : vector<64x1x512xf32> to vector<64x512xf32>
    %swap3A_94 = vector.shape_cast %dot_general3A_88 : vector<64x512xf32> to vector<64x1x512xf32>
    tpu.vector_store %arg4[%swap3A_89, %swap3A_90, %swap3A_91], %swap3A_94 {strides = array<i32>} : memref<64x8x512xf32, #tpu.memory_space<vmem>>, vector<64x1x512xf32>,
    %get3A_95 = arith.constant 3584 : index
    %get3A_96 = arith.constant 0 : index
    %get3A_97 = vector.load %arg1[%get3A_95, %get3A_96] : memref<4096x128xf32, #tpu.memory_space<vmem>>, vector<512x64xf32>
    %get3A_98 = arith.constant 0 : index
    %get3A_99 = arith.constant 0 : index
    %get3A_100 = vector.load %arg2[%get3A_98, %get3A_99] : memref<512x512xf32, #tpu.memory_space<vmem>>, vector<512x512xf32>
    %dot_general3A_101 = arith.constant dense<0.000000e+00> : vector<64x512xf32>
    %dot_general3A_102 = tpu.matmul %get3A_97, %get3A_100, %dot_general3A_101 {dimension_numbers = #tpu.dot_dimension_numbers<[0], [0], [1], [1], [0, 1, 1, 1], [], []>, transpose_lhs_hint = false} : vector<512x64xf32>, vector<512x512xf32>, vector<64x512xf32> -> vector<64x512xf32>
    %swap3A_103 = arith.constant 0 : index
    %swap3A_104 = arith.constant 7 : index
    %swap3A_105 = arith.constant 0 : index
    %swap3A_106 = vector.load %arg4[%swap3A_103, %swap3A_104, %swap3A_105] : memref<64x8x512xf32, #tpu.memory_space<vmem>>, vector<64x1x512xf32>
    %swap3A_107 = vector.shape_cast %swap3A_106 : vector<64x1x512xf32> to vector<64x512xf32>
    %swap3A_108 = vector.shape_cast %dot_general3A_102 : vector<64x512xf32> to vector<64x1x512xf32>
    tpu.vector_store %arg4[%swap3A_103, %swap3A_104, %swap3A_105], %swap3A_108 {strides = array<i32>} : memref<64x8x512xf32, #tpu.memory_space<vmem>>, vector<64x1x512xf32>,
    return
  }
  func.func @transform_0(%arg0: i32) -> (i32, i32) {
    %c0_i32 = arith.constant 0 : i32
    %c0_i32_0 = arith.constant 0 : i32
    return %arg0, %c0_i32 : i32, i32
  }
  func.func @transform_1(%arg0: i32) -> (i32, i32) {
    %c0_i32 = arith.constant 0 : i32
    %c0_i32_0 = arith.constant 0 : i32
    %c0_i32_1 = arith.constant 0 : i32
    return %c0_i32, %c0_i32_0 : i32, i32
  }
  func.func @transform_3(%arg0: i32) -> (i32, i32, i32) {
    %add3A = arith.constant 48 : i32
    %add3A_0 = arith.addi %add3A, %arg0 : i32
    %c0_i32 = arith.constant 0 : i32
    %c0_i32_1 = arith.constant 0 : i32
    %c0_i32_2 = arith.constant 0 : i32
    return %c0_i32, %add3A_0, %c0_i32_1 : i32, i32, i32
  }
}

</mosaic_0001>

<sc_bundles>
// kernel: kernel.10.cloned.1.call-start
scs
__scs_entry_jumppad:
0x0: {  	(pc) =	sbr.rel $0x88, $3  }
0x1: {  	(tag) =	ssettag $0x0;
	lr =	simm.s32 $0x1  }
0x2: {  	[smem:$0x3F9F] =	sst lr;
	_ =	strace $0xD0000000  }
0x3: {  	_ = 	snop  }
0x4: {  	_ = 	snop  }
0x5: {  	_ = 	snop  }
0x6: {  	_ = 	snop  }
0x7: {  	_ = 	snop  }
__scs_overlays_trampoline_lowered:
0x8: {  	[smem:$0x3FAE] =	sst s0  }
0x9: {  	[smem:$0x3FAF] =	sst s1  }
0xa: {  	[smem:$0x3FB0] =	sst s2  }
0xb: {  	[smem:$0x3FB1] =	sst s3  }
0xc: {  	[smem:$0x3FB2] =	sst s4  }
0xd: {  	[smem:$0x3FB3] =	sst s5  }
0xe: {  	[smem:$0x3FB4] =	sst s6  }
0xf: {  	[smem:$0x3FB5] =	sst s7  }
0x10: {  	[smem:$0x3FB6] =	sst s8  }
0x11: {  	[smem:$0x3FB7] =	sst s9;
	s0 =	simm.s32 @!p0 $0x0  }
0x12: {  	s1 =	sld [smem:$0x3F9D];
	s0 =	simm.s32 @p0 $0x1  }
0x13: {  	[smem:$0x3FB8] =	sst s0;
	s0 =	simm.s32 @!p1 $0x0  }
0x14: {  	s2 =	sld [smem:$0x3F9C];
	s0 =	simm.s32 @p1 $0x1  }
0x15: {  	[smem:$0x3FB9] =	sst s0;
	s0 =	simm.s32 @!p2 $0x0  }
0x16: {  	s3 =	sld [smem:$0x3FDB];
	s0 =	simm.s32 @p2 $0x1  }
0x17: {  	s4 =	simm.s32 $0x1BF5;
	[smem:$0x3FBB] =	sst s0  }
0x18: {  	s0 =	sld [smem:$0x3F9E];
	_ =	swait.ge [sflag:s4], $0x0  }
0x19: {  	s7 =	sld [smem:$0x3F9F]  }
0x1a: {  	s8 =	sadd.s32 $0xFFFFE003, lr  }
0x1b: {  	s9 =	sadd.s32 $0xFFFFFEF7, lr;
	s5 =	simm.s32 $0xFFFFFFFF;
	p2 =	slt.u32 s8, $0xFFFFF086  }
0x1c: {  	p1 =	slt.u32 s9, $0xF7A;
	s5 =	simm.s32 @!p2 $0x0  }
0x1d: {  	s5 =	simm.s32 @p1 $0x1;
	p0 =	seq.s32 s7, s2  }
0x1e: {  	s7 =	smul.u32 @!p0 $0xF7A, s2;
	p2 =	seq.s32 @!p0 s5, $0x0  }
0x1f: {  	s9 =	smul.u32 $0xF7A, s1;
	s8 =	simm.s32 @!p0 $0x1BF5;
	p2 =	por !p2, p0  }
0x20: {  	[sflag:s8] =	ssyncset.s32 @!p0 $0xFFFFF086;
	s6 =	sadd.s32 @!p0 s3, s7;
	s7 =	simm.s32 @!p0 $0x108  }
0x21: {  	s3 =	sadd.s32 s3, s9;
	s6 =	sadd.s32 @!p0 $0x88, s6;
	s7 =	simm.s32 @p2 $0x1082  }
0x22: {  	[simem:s7], [sflag:s8] =	dma.local @!p0 [hbm:s6], $0xF7A  }
0x23: {  	s9 =	sor.u32 $0xD0000000, s2;
	s6 =	simm.s32 $0x108;
	_ =	swait.ge @!p0 [sflag:s8], $0x0  }
0x24: {  	s3 =	sadd.s32 $0x88, s3;
	s6 =	simm.s32 @!p1 $0x1082;
	[sflag:s4] =	ssyncset.s32 $0xFFFFF086  }
0x25: {  	[simem:s6], [sflag:s4] =	dma.local [hbm:s3], $0xF7A  }
0x26: {  	[smem:$0x3F9F] =	sst s1;
	(tag) =	ssettag s2;
	_ =	strace s9  }
0x27: {  	s1 =	sld [smem:$0x3FAF]  }
0x28: {  	s2 =	sld [smem:$0x3FB0]  }
0x29: {  	s4 =	sld [smem:$0x3FB2]  }
0x2a: {  	p0 =	seq.s32 s5, $0x0;
	s5 =	sld [smem:$0x3FB3]  }
0x2b: {  	s6 =	sld [smem:$0x3FB4]  }
0x2c: {  	s7 =	sld [smem:$0x3FB5]  }
0x2d: {  	s3 =	simm.s32 $0x108;
	s8 =	sld [smem:$0x3FB6]  }
0x2e: {  	s3 =	simm.s32 @!p0 $0x1082;
	s9 =	sld [smem:$0x3FB7]  }
0x2f: {  	lr =	sadd.s32 s0, s3;
	s0 =	sld [smem:$0x3FAE]  }
0x30: {  	s3 =	sld [smem:$0x3FB1]  }
0x31: {  	[smem:$0x3FBA] =	sst s10  }
0x32: {  	s10 =	sld [smem:$0x3FB8];
	_ =	sdelay $0x3  }
0x33: {  	p0 =	seq.s32 s10, $0x1;
	s10 =	sld [smem:$0x3FBA];
	_ =	sdelay $0x3  }
0x34: {  	[smem:$0x3FBA] =	sst s10  }
0x35: {  	s10 =	sld [smem:$0x3FB9];
	_ =	sdelay $0x3  }
0x36: {  	p1 =	seq.s32 s10, $0x1;
	s10 =	sld [smem:$0x3FBA];
	_ =	sdelay $0x3  }
0x37: {  	[smem:$0x3FBA] =	sst s10  }
0x38: {  	s10 =	sld [smem:$0x3FBB]  }
0x39: {  	_ = 	snop;
	(pc) =	sbr.ind lr, $3  }
0x3a: {  	_ = 	snop  }
0x3b: {  	_ = 	snop  }
0x3c: {  	p2 =	seq.s32 s10, $0x1;
	s10 =	sld [smem:$0x3FBA]  }
0x3d: {  	_ =	shalt  }
0x3e: {  	_ =	shalt  }
0x3f: {  	_ =	shalt  }
0x40: {  	_ =	shalt  }
0x41: {  	_ =	shalt  }
0x42: {  	_ =	shalt  }
0x43: {  	_ =	shalt  }
0x44: {  	_ =	shalt  }
0x45: {  	_ =	shalt  }
0x46: {  	_ =	shalt  }
0x47: {  	_ =	shalt  }
0x48: {  	_ =	shalt  }
0x49: {  	_ =	shalt  }
0x4a: {  	_ =	shalt  }
0x4b: {  	_ =	shalt  }
0x4c: {  	_ =	shalt  }
0x4d: {  	_ =	shalt  }
0x4e: {  	_ =	shalt  }
0x4f: {  	_ =	shalt  }
0x50: {  	_ =	shalt  }
0x51: {  	_ =	shalt  }
0x52: {  	_ =	shalt  }
0x53: {  	_ =	shalt  }
0x54: {  	_ =	shalt  }
0x55: {  	_ =	shalt  }
0x56: {  	_ =	shalt  }
0x57: {  	_ =	shalt  }
0x58: {  	_ =	shalt  }
0x59: {  	_ =	shalt  }
0x5a: {  	_ =	shalt  }
0x5b: {  	_ =	shalt  }
0x5c: {  	_ =	shalt  }
0x5d: {  	_ =	shalt  }
0x5e: {  	_ =	shalt  }
0x5f: {  	_ =	shalt  }
0x60: {  	_ =	shalt  }
0x61: {  	_ =	shalt  }
0x62: {  	_ =	shalt  }
0x63: {  	_ =	shalt  }
0x64: {  	_ =	shalt  }
0x65: {  	_ =	shalt  }
0x66: {  	_ =	shalt  }
0x67: {  	_ =	shalt  }
0x68: {  	_ =	shalt  }
0x69: {  	_ =	shalt  }
0x6a: {  	_ =	shalt  }
0x6b: {  	_ =	shalt  }
0x6c: {  	_ =	shalt  }
0x6d: {  	_ =	shalt  }
0x6e: {  	_ =	shalt  }
0x6f: {  	_ =	shalt  }
0x70: {  	_ =	shalt  }
0x71: {  	_ =	shalt  }
0x72: {  	_ =	shalt  }
0x73: {  	_ =	shalt  }
0x74: {  	_ =	shalt  }
0x75: {  	_ =	shalt  }
0x76: {  	_ =	shalt  }
0x77: {  	_ =	shalt  }
0x78: {  	_ =	shalt  }
0x79: {  	_ =	shalt  }
0x7a: {  	_ =	shalt  }
0x7b: {  	_ =	shalt  }
0x7c: {  	_ =	shalt  }
0x7d: {  	_ =	shalt  }
0x7e: {  	_ =	shalt  }
0x7f: {  	_ =	shalt  }
0x80: {  	_ =	shalt  }
0x81: {  	_ =	shalt  }
0x82: {  	_ =	shalt  }
0x83: {  	_ =	shalt  }
0x84: {  	_ =	shalt  }
0x85: {  	_ =	shalt  }
0x86: {  	_ =	shalt  }
0x87: {  	_ =	shalt  }
.Lfunc_end0:
.L_simem_size_0:
called_computation_lowered:
.L_overlay_start_0:
0x88: {  	s2 =	sld [smem:$0x3FD9]  }
0x89: {  	s3 =	sld [smem:$0x3FFE];
	_ =	sdelay $0x1  }
0x8a: {  	s1 =	srdreg.scid  }
0x8b: {  	s0 =	sand.u32 $0x1, s1  }
0x8c: {  	s16 =	sshll.u32 s0, $0xA;
	s2 =	sadd.s32 s3, s2  }
0x8d: {  	s2 =	sadd.s32 s2, s16  }
0x8e: {  	[smem:$0x3FC6] =	sst s2  }
0x8f: {  	_ = 	snop  }
0x90: {  	(tm) =	ssettm $0x1  }
0x91: {  	s17 =	sld [smem:$0x3FFB];
	_ =	sdelay $0x3  }
0x92: {  	_ =	strace s17  }
0x93: {  	s2 =	sld [smem:$0x3FFC];
	_ =	sdelay $0x3  }
0x94: {  	_ =	strace s2  }
0x95: {  	s2 =	sld [smem:$0x3FFD];
	_ =	sdelay $0x3  }
0x96: {  	_ =	strace s2  }
0x97: {  	_ =	strace $0x8FFFFFFF  }
0x98: {  	s18 =	sld [smem:$0x3FDB];
	_ =	sdelay $0x1  }
0x99: {  	s19 =	simm.s32 $_scs_section_size  }
0x9a: {  	s4 =	simm.s32 $_size__tile_overlayer_lowered;
	s5 =	simm.s32 $_tile_overlayer_lowered  }
0x9b: {  	s22 =	simm.s32 $0x1BFF;
	s21 =	sshll.u32 s5, $0x1;
	s2 =	sadd.s32 s19, s18  }
0x9c: {  	s6 =	simm.s32 $0x0;
	s20 =	sshll.u32 s4, $0x1;
	s4 =	sadd.s32 s21, s2  }
0x9d: {  	[timem:s6], [sflag:s22] =	dma.local [hbm:s4], s20  }
0x9e: {  	_ =	swait.ge [sflag:s22], s20  }
0x9f: {  	s3 =	ssub.s32 $0x0, s20;
	[sflag:s22] =	ssyncset.done $0x0  }
0xa0: {  	[sflag:s22] =	ssyncadd.s32 s3;
	_ =	sdelay $0x1  }
0xa1: {  	s23 =	simm.s32 $0x1B8B  }
0xa2: {  	_ =	swait.ge [sflag:s23], $0x1  }
0xa3: {  	[sflag:s23] =	ssyncset.done $0x0  }
0xa4: {  	s25 =	simm.s32 $0x1B8E;
	s24 =	sld [smem:$0x3FFE];
	[sflag:s23] =	ssyncadd.s32 $0xFFFFFFFF  }
0xa5: {  	s26 =	simm.s32 $execute0_lowered;
	[smem:$0x3FD2] =	sst s25  }
0xa6: {  	s4 =	sshll.u32 s26, $0x1;
	_ =	strace $0x80000046;
	[dreg:$0x1] =	wrdreg $0xFFFFFFFF  }
0xa7: {  	s28 =	simm.s32 $_size_execute0_lowered;
	s2 =	sadd.s32 s2, s4;
	[dreg:$0x0] =	wrdreg $0x0  }
0xa8: {  	s4 =	sshll.u32 s28, $0x1;
	[dreg:$0x2] =	wrdreg s2  }
0xa9: {  	[dreg:$0x3] =	wrdreg s4  }
0xaa: {  	[dreg:$0x4] =	wrdreg $0xC0  }
0xab: {  	_ =	task [dreg:s6], $0x5FFFF  }
0xac: {  	[dreg:$0x1] =	wrdreg $0xFFFFFFFF  }
0xad: {  	[dreg:$0x0] =	wrdreg $0x60  }
0xae: {  	[dreg:$0x2] =	wrdreg s24  }
0xaf: {  	[dreg:$0x3] =	wrdreg $0xEF000  }
0xb0: {  	[dreg:$0x4] =	wrdreg $0x9  }
0xb1: {  	_ =	task.clear_ibuf [dreg:s6], $0x5FFFF;
	_ =	strace $0x90000046  }
0xb2: {  	s29 =	simm.s32 $0x9;
	_ =	strace $0x80000048  }
0xb3: {  	_ =	swait.ge [sflag:s29], $0x1  }
0xb4: {  	[sflag:s29] =	ssyncadd.s32 $0xFFFFFFFF  }
0xb5: {  	_ =	strace $0x90000048  }
0xb6: {  	_ =	sfence  }
0xb7: {  	s30 =	sld [smem:$0x0];
	_ =	sdelay $0x2  }
0xb8: {  	s31 =	sshll.u32 s1, $0xD;
	s1 =	sshrl.u32 s1, $0x2  }
0xb9: {  	s3 =	sand.u32 $0x4000, s31;
	s1 =	sadd.s32 s1, s30  }
0xba: {  	s0 =	sor.u32 s3, s0;
	s1 =	sshll.u32 s1, $0x11  }
0xbb: {  	s0 =	sor.u32 s1, s0  }
0xbc: {  	s0 =	sadd.s32 $0x8F2B, s0  }
0xbd: {  	[sflag:s0] =	ssyncadd.remote.s32 $0x1  }
0xbe: {  	_ =	sfence.sel $0xFFFF  }
0xbf: {  	[dreg:$0x0] =	wrdreg $0xFFFFFFFF;
	(pc) =	sbr.abs _section_cstart, $3  }
0xc0: {  	[dreg:$0x1] =	wrdreg $0xFFFFFFFF  }
0xc1: {  	_ =	task.clear_ibuf [dreg:s6], $0x2FFFF;
	_ =	strace $0x9FFFFFFF  }
0xc2: {  	(tm) =	ssettm $0x7FFFFFFF  }
0xc3: {  	_ =	shalt  }
tec
execute0_lowered:
.L_overlay_start_1:
0x0: {  	(tag) =	ssettag $0x1  }
0x1: {  	s0 =	rddreg [dreg:$0x0]  }
0x2: {  	s2 =	rddreg [dreg:$0x1];
	s3 =	simm.s32 $0x0  }
0x3: {  	s9 =	stileid.u32;
	s5 =	srdreg.scid;
	s28 =	simm.s32 $0x6000  }
0x4: {  	s29 =	simm.s32 $0x80;
	s30 =	simm.s32 $0x8000;
	s10 =	simm.s32 $0x8  }
0x5: {  	[smem:$0x7FF] =	sst s3;
	s1 =	smul.u32 $0x3C00, s9;
	p0 =	seq.s32 s9, $0xF  }
0x6: {  	s4 =	smul.u32 $0xF0, s9;
	s5 =	sand.u32 $0x1, s5;
	s7 =	sadd.s32 $0x3C200, s0  }
0x7: {  	s21 =	sshll.u32 s9, $0xE;
	s22 =	sshll.u32 s9, $0x10;
	s9 =	simm.s32 $0x10  }
0x8: {  	_ =	strace $0x80000047;
	s6 =	ssub.s32 $0x2, s5;
	[dreg:$0x3] =	wrdreg s7  }
0x9: {  	s23 =	sshll.u32 s5, $0xF;
	s7 =	sadd.s32 s22, s2;
	s5 =	simm.s32 $0x4  }
0xa: {  	s22 =	simm.s32 $0xA000;
	s1 =	simm.s32 @p0 $0x36D80;
	s4 =	sadd.s32 s4, s0  }
0xb: {  	s8 =	sshrl.u32 s6, $0x1;
	[dreg:$0x5] =	wrdreg s23;
	s24 =	sadd.s32 $0x2000, s7  }
0xc: {  	s25 =	sadd.s32 $0x4000, s7;
	s26 =	sadd.s32 $0x6000, s7;
	s11 =	sadd.s32 $0x8000, s7  }
0xd: {  	s12 =	sadd.s32 $0xA000, s7;
	s13 =	sadd.s32 $0xC000, s7;
	s14 =	sadd.s32 $0xE000, s7  }
0xe: {  	s23 =	simm.s32 $0x6;
	s1 =	sadd.s32 s1, s0;
	[dreg:$0x6] =	wrdreg s24  }
0xf: {  	s0 =	sadd.s32 s21, s0;
	s6 =	ssub.s32 s6, s8;
	[dreg:$0x8] =	wrdreg s25  }
0x10: {  	s4 =	sadd.s32 $0x3B200, s4;
	[dreg:$0x9] =	wrdreg s26;
	s24 =	simm.s32 $0xC000  }
0x11: {  	s25 =	simm.s32 $0x1;
	s26 =	simm.s32 $0x2;
	s21 =	simm.s32 $0x5  }
0x12: {  	[dreg:$0x4] =	wrdreg s4;
	s15 =	sadd.s32 $0x800, s1;
	s16 =	sadd.s32 $0x1400, s1  }
0x13: {  	s17 =	sadd.s32 $0x2000, s1;
	s18 =	sadd.s32 $0x2C00, s1;
	s19 =	sadd.s32 $0x3800, s1  }
0x14: {  	s20 =	sadd.s32 $0x3C600, s0;
	s31 =	smax.u32 s6, $0x1;
	s0 =	simm.s32 $0x2000  }
0x15: {  	s4 =	simm.s32 $0x3;
	s6 =	simm.s32 $0x0;
	[dreg:$0x7] =	wrdreg s31  }
.LBB2_1:
0x16: {  	[dreg:$0xa] =	wrdreg s6  }
0x17: {  	s1 =	rddreg [dreg:$0x4];
	s8 =	simm.s32 $0xE000  }
0x18: {  	[tilespmem:s8], [sflag:$0x6] =	stream.linear.gather [hbm4b:s1+s3], $0x780, $0x38;
	[tilespmem:$0x1F100] =	vst v63  }
0x19: {  	_ =	swait.ge [sflag:s23], $0x780  }
0x1a: {  	[sflag:s23] =	ssyncset.done $0x0  }
0x1b: {  	s31 =	rddreg [dreg:$0x3];
	[sflag:s23] =	ssyncadd.s32 $0xFFFFF880  }
0x1c: {  	[tilespmem:s24], [sflag:$0x6] =	stream.linear.gather [hbm4b:s31+s3], $0x2000, $0x38;
	[tilespmem:$0x1F100] =	vst v63  }
0x1d: {  	_ =	swait.ge [sflag:s23], $0x2000  }
0x1e: {  	[sflag:s23] =	ssyncset.done $0x0  }
0x1f: {  	p1 =	por $0x1, $0x1;
	s6 =	simm.s32 $0x0;
	[sflag:s23] =	ssyncadd.s32 $0xFFFFE000  }
.LBB2_2:
0x20: {  	[spmem:s7] =	stream.linear.scatter [tilespmem:s24], [sflag:$0x1], $0x2000, $0x38;
	[tilespmem:$0x1F100] =	vst v63  }
0x21: {  	s1 =	rddreg [dreg:$0x6]  }
0x22: {  	[spmem:s1] =	stream.linear.scatter [tilespmem:s24], [sflag:$0x1], $0x2000, $0x38;
	[tilespmem:$0x1F100] =	vst v63  }
0x23: {  	s8 =	rddreg [dreg:$0x8]  }
0x24: {  	[spmem:s8] =	stream.linear.scatter [tilespmem:s24], [sflag:$0x1], $0x2000, $0x38;
	[tilespmem:$0x1F100] =	vst v63  }
0x25: {  	s8 =	rddreg [dreg:$0x9]  }
0x26: {  	[spmem:s8] =	stream.linear.scatter [tilespmem:s24], [sflag:$0x1], $0x2000, $0x38;
	[tilespmem:$0x1F100] =	vst v63  }
0x27: {  	_ = 	snop  }
0x28: {  	[spmem:s11] =	stream.linear.scatter [tilespmem:s24], [sflag:$0x1], $0x2000, $0x38;
	[tilespmem:$0x1F100] =	vst v63  }
0x29: {  	_ = 	snop  }
0x2a: {  	[spmem:s12] =	stream.linear.scatter [tilespmem:s24], [sflag:$0x1], $0x2000, $0x38;
	[tilespmem:$0x1F100] =	vst v63  }
0x2b: {  	_ = 	snop  }
0x2c: {  	[spmem:s13] =	stream.linear.scatter [tilespmem:s24], [sflag:$0x1], $0x2000, $0x38;
	[tilespmem:$0x1F100] =	vst v63  }
0x2d: {  	s1 =	simm.s32 $0x0  }
0x2e: {  	[spmem:s14] =	stream.linear.scatter [tilespmem:s24], [sflag:$0x1], $0x2000, $0x38;
	[tilespmem:$0x1F100] =	vst v63  }
0x2f: {  	v1 =	vld [tilespmem:s1+$0xE070]  }
0x30: {  	v2 =	vld [tilespmem:s1+$0xE000]  }
0x31: {  	v4 =	vld [tilespmem:s1+$0xE010]  }
0x32: {  	v5 =	vld [tilespmem:s1+$0xE020]  }
0x33: {  	s8 =	rddreg [dreg:$0x5];
	v7 =	vld [tilespmem:s1+$0xE040]  }
0x34: {  	s31 =	sor.u32 s8, s6;
	v10 =	vld [tilespmem:s1+$0xE050]  }
0x35: {  	v0 =	vmov s31;
	v6 =	vld [tilespmem:s1+$0xE030]  }
0x36: {  	v8 =	vsub.s32 v1, v0;
	v3 =	vand.u32 $0x7F, v1  }
0x37: {  	v1 =	vsub.s32 v2, v0;
	v11 =	vand.u32 $0x7F, v2;
	v13 =	vand.u32 $0x7F, v4  }
0x38: {  	v14 =	vld [tilespmem:s1+$0xE060];
	v2 =	vsub.s32 v5, v0;
	v16 =	vand.u32 $0x7F, v5;
	v5 =	vsub.s32 v7, v0  }
0x39: {  	v12 =	vand.u32 $0x7F, v10;
	vm0 =	vlt.u32 v8, $0x4000;
	v9 =	vor.u32 $0x4000, v3  }
0x3a: {  	v3 =	vsub.s32 v4, v0;
	v4 =	vsub.s32 v6, v0;
	v13 =	vor.u32 $0x4000, v13  }
0x3b: {  	vm2 =	vlt.u32 v2, $0x4000;
	v15 =	vsel vm0, v8, v9;
	vm0 =	vlt.u32 v1, $0x4000  }
0x3c: {  	v9 =	vand.u32 $0x7F, v6;
	v8 =	vor.u32 $0x4000, v11;
	v11 =	vand.u32 $0x7F, v7  }
0x3d: {  	vm1 =	vlt.u32 v3, $0x4000;
	v6 =	vsub.s32 v10, v0;
	v7 =	vsub.s32 v14, v0  }
0x3e: {  	p0 =	por p1, p1;
	s6 =	simm.s32 $0x80;
	s8 =	simm.s32 $0x400;
	v10 =	vand.u32 $0x7F, v14;
	v14 =	vor.u32 $0x4000, v16;
	vm3 =	vlt.u32 v4, $0x4000;
	[tilespmem:s1+$0xE7F0] =	vst v15  }
.LBB2_3:
0x3f: {  	p1 =	sne.s32 s8, $0x1C00;
	v15 =	vld [tilespmem:s6+$0xE070];
	v9 =	vor.u32 $0x4000, v9;
	vm4 =	vlt.u32 v5, $0x4000;
	v11 =	vor.u32 $0x4000, v11  }
0x40: {  	vm5 =	vlt.u32 v6, $0x4000;
	v12 =	vor.u32 $0x4000, v12;
	vm6 =	vlt.u32 v7, $0x4000;
	v16 =	vld [tilespmem:s6+$0xE000]  }
0x41: {  	v1 =	vsel vm0, v1, v8;
	v3 =	vsel vm1, v3, v13;
	v8 =	vor.u32 $0x4000, v10;
	v17 =	vld [tilespmem:s6+$0xE010]  }
0x42: {  	v10 =	vld [tilespmem:s6+$0xE020];
	[tilespmem:s1+$0xE780] =	vst v1;
	v1 =	vsel vm2, v2, v14;
	v2 =	vsel vm3, v4, v9;
	v4 =	vsel vm4, v5, v11  }
0x43: {  	v6 =	vsel vm5, v6, v12;
	v7 =	vsel vm6, v7, v8;
	v5 =	vld [tilespmem:s6+$0xE030];
	[tilespmem:s1+$0xE790] =	vst v3  }
0x44: {  	v11 =	vld [tilespmem:s6+$0xE040];
	v8 =	vsub.s32 v15, v0;
	v3 =	vand.u32 $0x7F, v15;
	[tilespmem:s1+$0xE7A0] =	vst v1  }
0x45: {  	v1 =	vsub.s32 v16, v0;
	v12 =	vld [tilespmem:s6+$0xE050];
	vm0 =	vlt.u32 v8, $0x4000;
	v9 =	vor.u32 $0x4000, v3;
	[tilespmem:s1+$0xE7B0] =	vst v2  }
0x46: {  	v13 =	vand.u32 $0x7F, v16;
	v3 =	vsub.s32 v17, v0;
	v14 =	vld [tilespmem:s6+$0xE060];
	v8 =	vsel vm0, v8, v9;
	[tilespmem:s1+$0xE7C0] =	vst v4  }
0x47: {  	v15 =	vand.u32 $0x7F, v17;
	v2 =	vsub.s32 v10, v0;
	v16 =	vand.u32 $0x7F, v10;
	[tilespmem:s6+$0xE7F0] =	vst v8  }
.Ltmp0:
0x48: {  	vm0 =	vlt.u32 v1, $0x4000;
	v4 =	vsub.s32 v5, v0;
	v9 =	vand.u32 $0x7F, v5;
	[tilespmem:s1+$0xE7D0] =	vst v6;
	(pc) =	sbr.rel @p1 .LBB2_3-.Ltmp0, $4  }
0x49: {  	v8 =	vor.u32 $0x4000, v13;
	v5 =	vsub.s32 v11, v0;
	v11 =	vand.u32 $0x7F, v11;
	[tilespmem:s1+$0xE7E0] =	vst v7;
	s1 =	smov.u32 s6  }
0x4a: {  	vm1 =	vlt.u32 v3, $0x4000;
	v6 =	vsub.s32 v12, v0;
	v12 =	vand.u32 $0x7F, v12  }
0x4b: {  	v13 =	vor.u32 $0x4000, v15;
	v7 =	vsub.s32 v14, v0;
	v10 =	vand.u32 $0x7F, v14  }
0x4c: {  	vm2 =	vlt.u32 v2, $0x4000;
	s6 =	sshra.s32 s8, $0x2;
	s8 =	sadd.s32 $0x200, s8;
	vm3 =	vlt.u32 v4, $0x4000;
	v14 =	vor.u32 $0x4000, v16  }
0x4d: {  	v15 =	vld [tilespmem:s6+$0xE070]  }
0x4e: {  	v16 =	vld [tilespmem:s6+$0xE000];
	v1 =	vsel vm0, v1, v8;
	v9 =	vor.u32 $0x4000, v9  }
0x4f: {  	v17 =	vld [tilespmem:s6+$0xE010];
	vm14 =	vlt.u32 v5, $0x4000;
	v39 =	vor.u32 $0x4000, v11;
	v3 =	vsel vm1, v3, v13  }
0x50: {  	v38 =	vld [tilespmem:s6+$0xE020];
	vm15 =	vlt.u32 v6, $0x4000;
	v12 =	vor.u32 $0x4000, v12;
	vm4 =	vlt.u32 v7, $0x4000  }
0x51: {  	v41 =	vor.u32 $0x4000, v10;
	v2 =	vsel vm2, v2, v14;
	[tilespmem:s1+$0xE780] =	vst v1;
	v4 =	vsel vm3, v4, v9  }
0x52: {  	v1 =	vsel vm14, v5, v39;
	v43 =	vsel vm15, v6, v12;
	v40 =	vld [tilespmem:s6+$0xE030];
	[tilespmem:s1+$0xE790] =	vst v3;
	v3 =	vsel vm4, v7, v41  }
0x53: {  	v44 =	vsub.s32 v15, v0;
	v45 =	vand.u32 $0x7F, v15;
	v46 =	vsub.s32 v16, v0  }
0x54: {  	v48 =	vand.u32 $0x7F, v16;
	v49 =	vsub.s32 v17, v0;
	v51 =	vand.u32 $0x7F, v17  }
0x55: {  	v42 =	vld [tilespmem:s6+$0xE040];
	[tilespmem:s1+$0xE7A0] =	vst v2;
	v52 =	vsub.s32 v38, v0;
	v8 =	vand.u32 $0x7F, v38;
	vm8 =	vlt.u32 v44, $0x4000  }
0x56: {  	v47 =	vld [tilespmem:s6+$0xE050];
	[tilespmem:s1+$0xE7B0] =	vst v4;
	v6 =	vor.u32 $0x4000, v45;
	vm9 =	vlt.u32 v46, $0x4000;
	v4 =	vor.u32 $0x4000, v48  }
0x57: {  	v50 =	vld [tilespmem:s6+$0xE060];
	[tilespmem:s1+$0xE7C0] =	vst v1;
	vm10 =	vlt.u32 v49, $0x4000;
	vm11 =	vlt.u32 v52, $0x4000;
	v2 =	vsel vm8, v44, v6  }
0x58: {  	v58 =	vor.u32 $0x4000, v8;
	v53 =	vsub.s32 v40, v0;
	v11 =	vand.u32 $0x7F, v40;
	[tilespmem:s6+$0xE7F0] =	vst v2  }
0x59: {  	v6 =	vor.u32 $0x4000, v51;
	v4 =	vsel vm9, v46, v4;
	v7 =	vsel vm11, v52, v58;
	[tilespmem:s1+$0xE7D0] =	vst v43  }
0x5a: {  	v54 =	vsub.s32 v42, v0;
	v9 =	vand.u32 $0x7F, v42;
	v6 =	vsel vm10, v49, v6;
	[tilespmem:s1+$0xE7E0] =	vst v3  }
0x5b: {  	vm12 =	vlt.u32 v53, $0x4000;
	v59 =	vor.u32 $0x4000, v11;
	v55 =	vsub.s32 v47, v0;
	[tilespmem:s6+$0xE780] =	vst v4  }
0x5c: {  	v10 =	vand.u32 $0x7F, v47;
	vm13 =	vlt.u32 v54, $0x4000;
	v60 =	vor.u32 $0x4000, v9;
	[tilespmem:s6+$0xE790] =	vst v6  }
0x5d: {  	v1 =	vsel vm12, v53, v59;
	v56 =	vsub.s32 v50, v0;
	v57 =	vand.u32 $0x7F, v50;
	[tilespmem:s6+$0xE7A0] =	vst v7  }
0x5e: {  	vm14 =	vlt.u32 v55, $0x4000;
	v61 =	vor.u32 $0x4000, v10;
	v2 =	vsel vm13, v54, v60;
	[tilespmem:s6+$0xE7B0] =	vst v1  }
0x5f: {  	vm15 =	vlt.u32 v56, $0x4000;
	v62 =	vor.u32 $0x4000, v57;
	v63 =	vsel vm14, v55, v61;
	[tilespmem:s6+$0xE7C0] =	vst v2  }
0x60: {  	v0 =	vsel vm15, v56, v62;
	[tilespmem:s6+$0xE7D0] =	vst v63  }
0x61: {  	[tilespmem:s6+$0xE7E0] =	vst v0  }
0x62: {  	_ =	swait.ge [sflag:s25], $0x2000  }
0x63: {  	[sflag:s25] =	ssyncset.done $0x0  }
0x64: {  	[sflag:s25] =	ssyncadd.s32 $0xFFFFE000  }
0x65: {  	_ =	swait.ge [sflag:s25], $0x2000  }
0x66: {  	[sflag:s25] =	ssyncset.done $0x0  }
0x67: {  	[sflag:s25] =	ssyncadd.s32 $0xFFFFE000  }
0x68: {  	_ =	swait.ge [sflag:s25], $0x2000  }
0x69: {  	[sflag:s25] =	ssyncset.done $0x0  }
0x6a: {  	[sflag:s25] =	ssyncadd.s32 $0xFFFFE000  }
0x6b: {  	_ =	swait.ge [sflag:s25], $0x2000  }
0x6c: {  	[sflag:s25] =	ssyncset.done $0x0  }
0x6d: {  	[sflag:s25] =	ssyncadd.s32 $0xFFFFE000  }
0x6e: {  	_ =	swait.ge [sflag:s25], $0x2000  }
0x6f: {  	[sflag:s25] =	ssyncset.done $0x0  }
0x70: {  	[sflag:s25] =	ssyncadd.s32 $0xFFFFE000  }
0x71: {  	_ =	swait.ge [sflag:s25], $0x2000  }
0x72: {  	[sflag:s25] =	ssyncset.done $0x0  }
0x73: {  	[sflag:s25] =	ssyncadd.s32 $0xFFFFE000  }
0x74: {  	_ =	swait.ge [sflag:s25], $0x2000  }
0x75: {  	[sflag:s25] =	ssyncset.done $0x0  }
0x76: {  	[sflag:s25] =	ssyncadd.s32 $0xFFFFE000  }
0x77: {  	_ =	swait.ge [sflag:s25], $0x2000  }
0x78: {  	[sflag:s25] =	ssyncset.done $0x0  }
0x79: {  	[sflag:s25] =	ssyncadd.s32 $0xFFFFE000  }
0x7a: {  	[bflag:$0x0] =	sbarrier.arrive $0xFFFF  }
0x7b: {  	[tilespmem:s3], [sflag:$0x2] =	stream.linear.gather [hbm4b:s15+s3], $0x6000, $0x38;
	[tilespmem:$0x1F100] =	vst v63  }
0x7c: {  	_ =	swait.ge [sflag:s26], $0x6000  }
0x7d: {  	[sflag:s26] =	ssyncset.done $0x0  }
0x7e: {  	[sflag:s26] =	ssyncadd.s32 $0xFFFFA000  }
0x7f: {  	[tilespmem:s28], [sflag:$0x3] =	stream.linear.gather [hbm4b:s16+s3], $0x6000, $0x38;
	[tilespmem:$0x1F100] =	vst v63  }
0x80: {  	s8 =	simm.s32 $0xE780  }
0x81: {  	[spmem:s2] =	stream.indirect.scatter.add.f32 [tilespmem:s3], [sflag:$0x4], $0x40, s8, s29, $0xb8;
	[tilespmem:$0x1F100] =	vst v63  }
0x82: {  	s6 =	simm.s32 $0xE800  }
0x83: {  	[spmem:s2] =	stream.indirect.scatter.add.f32 [tilespmem:s0], [sflag:$0x4], $0x40, s6, s29, $0xb8;
	[tilespmem:$0x1F100] =	vst v63  }
0x84: {  	s8 =	simm.s32 $0xE880;
	s6 =	simm.s32 $0x4000  }
0x85: {  	[spmem:s2] =	stream.indirect.scatter.add.f32 [tilespmem:s6], [sflag:$0x4], $0x40, s8, s29, $0xb8;
	[tilespmem:$0x1F100] =	vst v63  }
0x86: {  	_ =	swait.ge [sflag:s4], $0x6000  }
0x87: {  	[sflag:s4] =	ssyncset.done $0x0  }
0x88: {  	[sflag:s4] =	ssyncadd.s32 $0xFFFFA000  }
0x89: {  	_ =	swait.ge [sflag:s5], $0x2000  }
0x8a: {  	[sflag:s5] =	ssyncset.done $0x0  }
0x8b: {  	[sflag:s5] =	ssyncadd.s32 $0xFFFFE000  }
0x8c: {  	_ =	swait.ge [sflag:s5], $0x2000  }
0x8d: {  	[sflag:s5] =	ssyncset.done $0x0  }
0x8e: {  	[sflag:s5] =	ssyncadd.s32 $0xFFFFE000  }
0x8f: {  	_ =	swait.ge [sflag:s5], $0x2000  }
0x90: {  	[sflag:s5] =	ssyncset.done $0x0  }
0x91: {  	[sflag:s5] =	ssyncadd.s32 $0xFFFFE000  }
0x92: {  	[tilespmem:s3], [sflag:$0x2] =	stream.linear.gather [hbm4b:s17+s3], $0x6000, $0x38;
	[tilespmem:$0x1F100] =	vst v63  }
0x93: {  	s8 =	simm.s32 $0xE900  }
0x94: {  	[spmem:s2] =	stream.indirect.scatter.add.f32 [tilespmem:s28], [sflag:$0x5], $0x40, s8, s29, $0xb8;
	[tilespmem:$0x1F100] =	vst v63  }
0x95: {  	s8 =	simm.s32 $0xE980  }
0x96: {  	[spmem:s2] =	stream.indirect.scatter.add.f32 [tilespmem:s30], [sflag:$0x5], $0x40, s8, s29, $0xb8;
	[tilespmem:$0x1F100] =	vst v63  }
0x97: {  	s8 =	simm.s32 $0xEA00  }
0x98: {  	[spmem:s2] =	stream.indirect.scatter.add.f32 [tilespmem:s22], [sflag:$0x5], $0x40, s8, s29, $0xb8;
	[tilespmem:$0x1F100] =	vst v63  }
0x99: {  	_ =	swait.ge [sflag:s26], $0x6000  }
0x9a: {  	[sflag:s26] =	ssyncset.done $0x0  }
0x9b: {  	[sflag:s26] =	ssyncadd.s32 $0xFFFFA000  }
0x9c: {  	_ =	swait.ge [sflag:s21], $0x2000  }
0x9d: {  	[sflag:s21] =	ssyncset.done $0x0  }
0x9e: {  	[sflag:s21] =	ssyncadd.s32 $0xFFFFE000  }
0x9f: {  	_ =	swait.ge [sflag:s21], $0x2000  }
0xa0: {  	[sflag:s21] =	ssyncset.done $0x0  }
0xa1: {  	[sflag:s21] =	ssyncadd.s32 $0xFFFFE000  }
0xa2: {  	_ =	swait.ge [sflag:s21], $0x2000  }
0xa3: {  	[sflag:s21] =	ssyncset.done $0x0  }
0xa4: {  	[sflag:s21] =	ssyncadd.s32 $0xFFFFE000  }
0xa5: {  	[tilespmem:s28], [sflag:$0x3] =	stream.linear.gather [hbm4b:s18+s3], $0x6000, $0x38;
	[tilespmem:$0x1F100] =	vst v63  }
0xa6: {  	s8 =	simm.s32 $0xEA80  }
0xa7: {  	[spmem:s2] =	stream.indirect.scatter.add.f32 [tilespmem:s3], [sflag:$0x4], $0x40, s8, s29, $0xb8;
	[tilespmem:$0x1F100] =	vst v63  }
0xa8: {  	s8 =	simm.s32 $0xEB00  }
0xa9: {  	[spmem:s2] =	stream.indirect.scatter.add.f32 [tilespmem:s0], [sflag:$0x4], $0x40, s8, s29, $0xb8;
	[tilespmem:$0x1F100] =	vst v63  }
0xaa: {  	s8 =	simm.s32 $0xEB80  }
0xab: {  	[spmem:s2] =	stream.indirect.scatter.add.f32 [tilespmem:s6], [sflag:$0x4], $0x40, s8, s29, $0xb8;
	[tilespmem:$0x1F100] =	vst v63  }
0xac: {  	_ =	swait.ge [sflag:s4], $0x6000  }
0xad: {  	[sflag:s4] =	ssyncset.done $0x0  }
0xae: {  	[sflag:s4] =	ssyncadd.s32 $0xFFFFA000  }
0xaf: {  	_ =	swait.ge [sflag:s5], $0x2000  }
0xb0: {  	[sflag:s5] =	ssyncset.done $0x0  }
0xb1: {  	[sflag:s5] =	ssyncadd.s32 $0xFFFFE000  }
0xb2: {  	_ =	swait.ge [sflag:s5], $0x2000  }
0xb3: {  	[sflag:s5] =	ssyncset.done $0x0  }
0xb4: {  	[sflag:s5] =	ssyncadd.s32 $0xFFFFE000  }
0xb5: {  	_ =	swait.ge [sflag:s5], $0x2000  }
0xb6: {  	[sflag:s5] =	ssyncset.done $0x0  }
0xb7: {  	[sflag:s5] =	ssyncadd.s32 $0xFFFFE000  }
0xb8: {  	[tilespmem:s3], [sflag:$0x2] =	stream.linear.gather [hbm4b:s19+s3], $0x6000, $0x38;
	[tilespmem:$0x1F100] =	vst v63  }
0xb9: {  	s8 =	simm.s32 $0xEC00  }
0xba: {  	[spmem:s2] =	stream.indirect.scatter.add.f32 [tilespmem:s28], [sflag:$0x5], $0x40, s8, s29, $0xb8;
	[tilespmem:$0x1F100] =	vst v63  }
0xbb: {  	s8 =	simm.s32 $0xEC80  }
0xbc: {  	[spmem:s2] =	stream.indirect.scatter.add.f32 [tilespmem:s30], [sflag:$0x5], $0x40, s8, s29, $0xb8;
	[tilespmem:$0x1F100] =	vst v63  }
0xbd: {  	s8 =	simm.s32 $0xED00  }
0xbe: {  	[spmem:s2] =	stream.indirect.scatter.add.f32 [tilespmem:s22], [sflag:$0x5], $0x40, s8, s29, $0xb8;
	[tilespmem:$0x1F100] =	vst v63  }
0xbf: {  	_ =	swait.ge [sflag:s26], $0x6000  }
0xc0: {  	[sflag:s26] =	ssyncset.done $0x0  }
0xc1: {  	s8 =	simm.s32 $0xED80;
	[sflag:s26] =	ssyncadd.s32 $0xFFFFA000  }
0xc2: {  	[spmem:s2] =	stream.indirect.scatter.add.f32 [tilespmem:s3], [sflag:$0x4], $0x40, s8, s29, $0xb8;
	[tilespmem:$0x1F100] =	vst v63  }
0xc3: {  	s8 =	simm.s32 $0xEE00  }
0xc4: {  	[spmem:s2] =	stream.indirect.scatter.add.f32 [tilespmem:s0], [sflag:$0x4], $0x40, s8, s29, $0xb8;
	[tilespmem:$0x1F100] =	vst v63  }
0xc5: {  	s8 =	simm.s32 $0xEE80  }
0xc6: {  	[spmem:s2] =	stream.indirect.scatter.add.f32 [tilespmem:s6], [sflag:$0x4], $0x40, s8, s29, $0xb8;
	[tilespmem:$0x1F100] =	vst v63  }
0xc7: {  	_ =	swait.ge [sflag:s21], $0x2000  }
0xc8: {  	[sflag:s21] =	ssyncset.done $0x0  }
0xc9: {  	[sflag:s21] =	ssyncadd.s32 $0xFFFFE000  }
0xca: {  	_ =	swait.ge [sflag:s21], $0x2000  }
0xcb: {  	[sflag:s21] =	ssyncset.done $0x0  }
0xcc: {  	[sflag:s21] =	ssyncadd.s32 $0xFFFFE000  }
0xcd: {  	_ =	swait.ge [sflag:s21], $0x2000  }
0xce: {  	[sflag:s21] =	ssyncset.done $0x0  }
0xcf: {  	[sflag:s21] =	ssyncadd.s32 $0xFFFFE000  }
0xd0: {  	_ =	swait.ge [sflag:s5], $0x2000  }
0xd1: {  	[sflag:s5] =	ssyncset.done $0x0  }
0xd2: {  	[sflag:s5] =	ssyncadd.s32 $0xFFFFE000  }
0xd3: {  	_ =	swait.ge [sflag:s5], $0x2000  }
0xd4: {  	[sflag:s5] =	ssyncset.done $0x0  }
0xd5: {  	[sflag:s5] =	ssyncadd.s32 $0xFFFFE000  }
0xd6: {  	s31 =	sshll.u32 s31, $0x4;
	_ =	swait.ge [sflag:s5], $0x2000  }
0xd7: {  	s1 =	sadd.s32 s31, s20;
	s8 =	stileid.u32;
	[sflag:s5] =	ssyncset.done $0x0  }
0xd8: {  	s31 =	sshrl.u32 s7, $0x3;
	s8 =	sshll.u32 s8, $0x6;
	[sflag:s5] =	ssyncadd.s32 $0xFFFFE000  }
.Ltmp1:
0xd9: {  	s8 =	sor.u32 $0x1C06, s8;
	[bflag:$0x0] =	sbarrier.arrive $0xFFFF;
	(pc) =	sbr.rel @p0 .LBB2_2-.Ltmp1, $4  }
0xda: {  	[hbm:s1@s9], [sflag:s8] =	dma.strided [spmem:s31@s10], $0x2000, s25, $0x8   }
0xdb: {  	_ =	swait.ge [sflag:s23], $0x2000  }
0xdc: {  	[sflag:s23] =	ssyncset.done $0x0  }
0xdd: {  	p1 =	por $0x0, $0x0;
	[sflag:s23] =	ssyncadd.s32 $0xFFFFE000  }
0xde: {  	s6 =	rddreg [dreg:$0xa]  }
0xdf: {  	s1 =	rddreg [dreg:$0x7];
	s6 =	sadd.s32 $0x1, s6  }
0xe0: {  	p0 =	sne.s32 s6, s1  }
.Ltmp2:
0xe1: {  	_ = 	snop;
	(pc) =	sbr.rel @p0 .LBB2_1-.Ltmp2, $1  }
0xe2: {  	_ =	sdelay $0x3  }
0xe3: {  	_ =	sfence.sel $0x180000  }
0xe4: {  	[bflag:$0x0] =	sbarrier.arrive $0xFFFF  }
0xe5: {  	_ =	strace $0x90000047  }
0xe6: {  	s0 =	stileid.u32;
	[bflag:$0x2] =	sbarrier.arrive $0xFFFF  }
0xe7: {  	p0 =	sne.s32 s0, $0x0;
	s0 =	rddreg [dreg:$0x2]  }
0xe8: {  	s0 =	sadd.s32 @!p0 $0x100000, s0  }
0xe9: {  	[sflag:s0] =	ssyncadd.tile.s32 @!p0 $0x1;
	_ =	shalt  }
.Lfunc_end2:
_tile_overlayer_lowered:
.L_overlay_start_2:
0xea: {  	(tag) =	ssettag $0x2  }
0xeb: {  	s0 =	rddreg [dreg:$0x0];
	s2 =	stileid.u32  }
0xec: {  	s1 =	rddreg [dreg:$0x1];
	p0 =	sne.s32 s2, $0x0  }
0xed: {  	s3 =	rddreg [dreg:$0x2];
	[bflag:$0x3] =	sbarrier.arrive $0xFFFF;
	s2 =	simm.s32 @!p0 $0x1C06  }
0xee: {  	[timem:s3], [sflag:s2] =	dma.local @!p0 [hbm:s0], s1  }
0xef: {  	s0 =	simm.s32 @!p0 $0x6  }
0xf0: {  	_ =	swait.ge @!p0 [sflag:s0], s1  }
0xf1: {  	s1 =	ssub.s32 @!p0 $0x0, s1;
	[sflag:s0] =	ssyncset.done @!p0 $0x0  }
0xf2: {  	[sflag:s0] =	ssyncadd.s32 @!p0 s1  }
0xf3: {  	[bflag:$0x3] =	sbarrier.arrive $0xFFFF  }
0xf4: {  	_ =	shalt  }

// kernel: kernel.13.cloned.1.call-start
scs
__scs_entry_jumppad:
0x0: {  	(pc) =	sbr.rel $0x88, $3  }
0x1: {  	(tag) =	ssettag $0x0;
	lr =	simm.s32 $0x1  }
0x2: {  	[smem:$0x3F9F] =	sst lr;
	_ =	strace $0xD0000000  }
0x3: {  	_ = 	snop  }
0x4: {  	_ = 	snop  }
0x5: {  	_ = 	snop  }
0x6: {  	_ = 	snop  }
0x7: {  	_ = 	snop  }
__scs_overlays_trampoline_lowered:
0x8: {  	[smem:$0x3FAE] =	sst s0  }
0x9: {  	[smem:$0x3FAF] =	sst s1  }
0xa: {  	[smem:$0x3FB0] =	sst s2  }
0xb: {  	[smem:$0x3FB1] =	sst s3  }
0xc: {  	[smem:$0x3FB2] =	sst s4  }
0xd: {  	[smem:$0x3FB3] =	sst s5  }
0xe: {  	[smem:$0x3FB4] =	sst s6  }
0xf: {  	[smem:$0x3FB5] =	sst s7  }
0x10: {  	[smem:$0x3FB6] =	sst s8  }
0x11: {  	[smem:$0x3FB7] =	sst s9;
	s0 =	simm.s32 @!p0 $0x0  }
0x12: {  	s1 =	sld [smem:$0x3F9D];
	s0 =	simm.s32 @p0 $0x1  }
0x13: {  	[smem:$0x3FB8] =	sst s0;
	s0 =	simm.s32 @!p1 $0x0  }
0x14: {  	s2 =	sld [smem:$0x3F9C];
	s0 =	simm.s32 @p1 $0x1  }
0x15: {  	[smem:$0x3FB9] =	sst s0;
	s0 =	simm.s32 @!p2 $0x0  }
0x16: {  	s3 =	sld [smem:$0x3FDB];
	s0 =	simm.s32 @p2 $0x1  }
0x17: {  	s4 =	simm.s32 $0x1BF5;
	[smem:$0x3FBB] =	sst s0  }
0x18: {  	s0 =	sld [smem:$0x3F9E];
	_ =	swait.ge [sflag:s4], $0x0  }
0x19: {  	s7 =	sld [smem:$0x3F9F]  }
0x1a: {  	s8 =	sadd.s32 $0xFFFFE003, lr  }
0x1b: {  	s9 =	sadd.s32 $0xFFFFFEF7, lr;
	s5 =	simm.s32 $0xFFFFFFFF;
	p2 =	slt.u32 s8, $0xFFFFF086  }
0x1c: {  	p1 =	slt.u32 s9, $0xF7A;
	s5 =	simm.s32 @!p2 $0x0  }
0x1d: {  	s5 =	simm.s32 @p1 $0x1;
	p0 =	seq.s32 s7, s2  }
0x1e: {  	s7 =	smul.u32 @!p0 $0xF7A, s2;
	p2 =	seq.s32 @!p0 s5, $0x0  }
0x1f: {  	s9 =	smul.u32 $0xF7A, s1;
	s8 =	simm.s32 @!p0 $0x1BF5;
	p2 =	por !p2, p0  }
0x20: {  	[sflag:s8] =	ssyncset.s32 @!p0 $0xFFFFF086;
	s6 =	sadd.s32 @!p0 s3, s7;
	s7 =	simm.s32 @!p0 $0x108  }
0x21: {  	s3 =	sadd.s32 s3, s9;
	s6 =	sadd.s32 @!p0 $0x88, s6;
	s7 =	simm.s32 @p2 $0x1082  }
0x22: {  	[simem:s7], [sflag:s8] =	dma.local @!p0 [hbm:s6], $0xF7A  }
0x23: {  	s9 =	sor.u32 $0xD0000000, s2;
	s6 =	simm.s32 $0x108;
	_ =	swait.ge @!p0 [sflag:s8], $0x0  }
0x24: {  	s3 =	sadd.s32 $0x88, s3;
	s6 =	simm.s32 @!p1 $0x1082;
	[sflag:s4] =	ssyncset.s32 $0xFFFFF086  }
0x25: {  	[simem:s6], [sflag:s4] =	dma.local [hbm:s3], $0xF7A  }
0x26: {  	[smem:$0x3F9F] =	sst s1;
	(tag) =	ssettag s2;
	_ =	strace s9  }
0x27: {  	s1 =	sld [smem:$0x3FAF]  }
0x28: {  	s2 =	sld [smem:$0x3FB0]  }
0x29: {  	s4 =	sld [smem:$0x3FB2]  }
0x2a: {  	p0 =	seq.s32 s5, $0x0;
	s5 =	sld [smem:$0x3FB3]  }
0x2b: {  	s6 =	sld [smem:$0x3FB4]  }
0x2c: {  	s7 =	sld [smem:$0x3FB5]  }
0x2d: {  	s3 =	simm.s32 $0x108;
	s8 =	sld [smem:$0x3FB6]  }
0x2e: {  	s3 =	simm.s32 @!p0 $0x1082;
	s9 =	sld [smem:$0x3FB7]  }
0x2f: {  	lr =	sadd.s32 s0, s3;
	s0 =	sld [smem:$0x3FAE]  }
0x30: {  	s3 =	sld [smem:$0x3FB1]  }
0x31: {  	[smem:$0x3FBA] =	sst s10  }
0x32: {  	s10 =	sld [smem:$0x3FB8];
	_ =	sdelay $0x3  }
0x33: {  	p0 =	seq.s32 s10, $0x1;
	s10 =	sld [smem:$0x3FBA];
	_ =	sdelay $0x3  }
0x34: {  	[smem:$0x3FBA] =	sst s10  }
0x35: {  	s10 =	sld [smem:$0x3FB9];
	_ =	sdelay $0x3  }
0x36: {  	p1 =	seq.s32 s10, $0x1;
	s10 =	sld [smem:$0x3FBA];
	_ =	sdelay $0x3  }
0x37: {  	[smem:$0x3FBA] =	sst s10  }
0x38: {  	s10 =	sld [smem:$0x3FBB]  }
0x39: {  	_ = 	snop;
	(pc) =	sbr.ind lr, $3  }
0x3a: {  	_ = 	snop  }
0x3b: {  	_ = 	snop  }
0x3c: {  	p2 =	seq.s32 s10, $0x1;
	s10 =	sld [smem:$0x3FBA]  }
0x3d: {  	_ =	shalt  }
0x3e: {  	_ =	shalt  }
0x3f: {  	_ =	shalt  }
0x40: {  	_ =	shalt  }
0x41: {  	_ =	shalt  }
0x42: {  	_ =	shalt  }
0x43: {  	_ =	shalt  }
0x44: {  	_ =	shalt  }
0x45: {  	_ =	shalt  }
0x46: {  	_ =	shalt  }
0x47: {  	_ =	shalt  }
0x48: {  	_ =	shalt  }
0x49: {  	_ =	shalt  }
0x4a: {  	_ =	shalt  }
0x4b: {  	_ =	shalt  }
0x4c: {  	_ =	shalt  }
0x4d: {  	_ =	shalt  }
0x4e: {  	_ =	shalt  }
0x4f: {  	_ =	shalt  }
0x50: {  	_ =	shalt  }
0x51: {  	_ =	shalt  }
0x52: {  	_ =	shalt  }
0x53: {  	_ =	shalt  }
0x54: {  	_ =	shalt  }
0x55: {  	_ =	shalt  }
0x56: {  	_ =	shalt  }
0x57: {  	_ =	shalt  }
0x58: {  	_ =	shalt  }
0x59: {  	_ =	shalt  }
0x5a: {  	_ =	shalt  }
0x5b: {  	_ =	shalt  }
0x5c: {  	_ =	shalt  }
0x5d: {  	_ =	shalt  }
0x5e: {  	_ =	shalt  }
0x5f: {  	_ =	shalt  }
0x60: {  	_ =	shalt  }
0x61: {  	_ =	shalt  }
0x62: {  	_ =	shalt  }
0x63: {  	_ =	shalt  }
0x64: {  	_ =	shalt  }
0x65: {  	_ =	shalt  }
0x66: {  	_ =	shalt  }
0x67: {  	_ =	shalt  }
0x68: {  	_ =	shalt  }
0x69: {  	_ =	shalt  }
0x6a: {  	_ =	shalt  }
0x6b: {  	_ =	shalt  }
0x6c: {  	_ =	shalt  }
0x6d: {  	_ =	shalt  }
0x6e: {  	_ =	shalt  }
0x6f: {  	_ =	shalt  }
0x70: {  	_ =	shalt  }
0x71: {  	_ =	shalt  }
0x72: {  	_ =	shalt  }
0x73: {  	_ =	shalt  }
0x74: {  	_ =	shalt  }
0x75: {  	_ =	shalt  }
0x76: {  	_ =	shalt  }
0x77: {  	_ =	shalt  }
0x78: {  	_ =	shalt  }
0x79: {  	_ =	shalt  }
0x7a: {  	_ =	shalt  }
0x7b: {  	_ =	shalt  }
0x7c: {  	_ =	shalt  }
0x7d: {  	_ =	shalt  }
0x7e: {  	_ =	shalt  }
0x7f: {  	_ =	shalt  }
0x80: {  	_ =	shalt  }
0x81: {  	_ =	shalt  }
0x82: {  	_ =	shalt  }
0x83: {  	_ =	shalt  }
0x84: {  	_ =	shalt  }
0x85: {  	_ =	shalt  }
0x86: {  	_ =	shalt  }
0x87: {  	_ =	shalt  }
.Lfunc_end0:
.L_simem_size_0:
called_computation.1_lowered:
.L_overlay_start_0:
0x88: {  	s2 =	sld [smem:$0x3FD9]  }
0x89: {  	s3 =	sld [smem:$0x3FFE];
	_ =	sdelay $0x1  }
0x8a: {  	s1 =	srdreg.scid  }
0x8b: {  	s0 =	sand.u32 $0x1, s1  }
0x8c: {  	s17 =	sshll.u32 s0, $0xA;
	s2 =	sadd.s32 s3, s2  }
0x8d: {  	s2 =	sadd.s32 s2, s17  }
0x8e: {  	[smem:$0x3FC6] =	sst s2  }
0x8f: {  	_ = 	snop  }
0x90: {  	(tm) =	ssettm $0x1  }
0x91: {  	s18 =	sld [smem:$0x3FFB];
	_ =	sdelay $0x3  }
0x92: {  	_ =	strace s18  }
0x93: {  	s2 =	sld [smem:$0x3FFC];
	_ =	sdelay $0x3  }
0x94: {  	_ =	strace s2  }
0x95: {  	s2 =	sld [smem:$0x3FFD];
	_ =	sdelay $0x3  }
0x96: {  	_ =	strace s2  }
0x97: {  	_ =	strace $0x8FFFFFFF  }
0x98: {  	s19 =	sld [smem:$0x3FDB];
	_ =	sdelay $0x1  }
0x99: {  	s20 =	simm.s32 $_scs_section_size  }
0x9a: {  	s4 =	simm.s32 $_size__tile_overlayer_lowered;
	s5 =	simm.s32 $_tile_overlayer_lowered  }
0x9b: {  	s6 =	simm.s32 $0x1BFF;
	s21 =	sshll.u32 s5, $0x1;
	s3 =	sadd.s32 s20, s19  }
0x9c: {  	s22 =	simm.s32 $0x0;
	s4 =	sshll.u32 s4, $0x1;
	s5 =	sadd.s32 s21, s3  }
0x9d: {  	[timem:s22], [sflag:s6] =	dma.local [hbm:s5], s4  }
0x9e: {  	_ =	swait.ge [sflag:s6], s4  }
0x9f: {  	s4 =	ssub.s32 $0x0, s4;
	[sflag:s6] =	ssyncset.done $0x0  }
0xa0: {  	[sflag:s6] =	ssyncadd.s32 s4;
	_ =	sdelay $0x1  }
0xa1: {  	s23 =	simm.s32 $0x1B8B  }
0xa2: {  	_ =	swait.ge [sflag:s23], $0x1  }
0xa3: {  	[sflag:s23] =	ssyncset.done $0x0  }
0xa4: {  	[sflag:s23] =	ssyncadd.s32 $0xFFFFFFFF  }
0xa5: {  	s4 =	sld [smem:$0x0]  }
0xa6: {  	s5 =	sand.u32 $0xFFFFFFFE, s1  }
0xa7: {  	p0 =	sne.s32 s1, s5  }
0xa8: {  	s5 =	sshll.u32 @p0 s5, $0xE  }
0xa9: {  	s5 =	sadd.s32 @p0 $0x11B8D, s5;
	s6 =	sshll.u32 @p0 s4, $0x11  }
0xaa: {  	s5 =	sor.u32 @p0 s6, s5  }
0xab: {  	[sflag:s5] =	ssyncadd.remote.s32 @p0 $0x1;
	_ =	sdelay $0x1  }
0xac: {  	s5 =	simm.s32 @p0 $0x1B8D  }
0xad: {  	_ =	swait.eq @p0 [sflag:s5], $0x1  }
0xae: {  	[sflag:s5] =	ssyncadd.s32 @p0 $0xFFFFFFFF  }
0xaf: {  	s6 =	sshll.u32 @!p0 s1, $0xE  }
0xb0: {  	s6 =	sor.u32 @!p0 $0x4000, s6;
	s5 =	simm.s32 @!p0 $0x1B8D  }
0xb1: {  	s4 =	sshll.u32 @!p0 s4, $0x11;
	s6 =	sadd.s32 @!p0 $0x11B8D, s6;
	_ =	swait.eq @!p0 [sflag:s5], $0x1  }
0xb2: {  	s4 =	sor.u32 @!p0 s4, s6;
	[sflag:s5] =	ssyncadd.s32 @!p0 $0xFFFFFFFF  }
0xb3: {  	s25 =	simm.s32 $0x1B8E;
	s24 =	sld [smem:$0x3FFE];
	[sflag:s4] =	ssyncadd.remote.s32 @!p0 $0x1  }
0xb4: {  	s26 =	simm.s32 $execute0_lowered;
	[smem:$0x3FD2] =	sst s25  }
0xb5: {  	s5 =	sshll.u32 s26, $0x1;
	_ =	strace $0x80000049;
	[dreg:$0x1] =	wrdreg $0xFFFFFFFF  }
0xb6: {  	s28 =	simm.s32 $_size_execute0_lowered;
	s3 =	sadd.s32 s3, s5;
	[dreg:$0x0] =	wrdreg $0x0  }
0xb7: {  	s5 =	sshll.u32 s28, $0x1;
	[dreg:$0x2] =	wrdreg s3  }
0xb8: {  	[dreg:$0x3] =	wrdreg s5  }
0xb9: {  	[dreg:$0x4] =	wrdreg $0xC0  }
0xba: {  	_ =	task [dreg:s22], $0x5FFFF  }
0xbb: {  	[dreg:$0x1] =	wrdreg $0xFFFFFFFF  }
0xbc: {  	[dreg:$0x0] =	wrdreg $0x60  }
0xbd: {  	[dreg:$0x2] =	wrdreg s24  }
0xbe: {  	[dreg:$0x3] =	wrdreg $0xEF000  }
0xbf: {  	[dreg:$0x4] =	wrdreg $0xA  }
0xc0: {  	_ =	task.clear_ibuf [dreg:s22], $0x5FFFF;
	_ =	strace $0x90000049  }
0xc1: {  	s29 =	simm.s32 $0xA;
	_ =	strace $0x8000004B  }
0xc2: {  	_ =	swait.ge [sflag:s29], $0x1  }
0xc3: {  	[sflag:s29] =	ssyncadd.s32 $0xFFFFFFFF  }
0xc4: {  	_ =	strace $0x9000004B  }
0xc5: {  	_ =	sfence  }
0xc6: {  	s30 =	sld [smem:$0x0];
	_ =	sdelay $0x2  }
0xc7: {  	s31 =	sshll.u32 s1, $0xD;
	s1 =	sshrl.u32 s1, $0x2  }
0xc8: {  	s4 =	sand.u32 $0x4000, s31;
	s1 =	sadd.s32 s1, s30  }
0xc9: {  	s0 =	sor.u32 s4, s0;
	s1 =	sshll.u32 s1, $0x11  }
0xca: {  	s0 =	sor.u32 s1, s0  }
0xcb: {  	s0 =	sadd.s32 $0x8F2B, s0  }
0xcc: {  	[sflag:s0] =	ssyncadd.remote.s32 $0x1  }
0xcd: {  	_ =	sfence.sel $0xFFFF  }
0xce: {  	[dreg:$0x0] =	wrdreg $0xFFFFFFFF;
	(pc) =	sbr.abs _section_cstart, $3  }
0xcf: {  	[dreg:$0x1] =	wrdreg $0xFFFFFFFF  }
0xd0: {  	_ =	task.clear_ibuf [dreg:s22], $0x2FFFF;
	_ =	strace $0x9FFFFFFF  }
0xd1: {  	(tm) =	ssettm $0x7FFFFFFF  }
tec
execute0_lowered:
.L_overlay_start_1:
0x0: {  	(tag) =	ssettag $0x1  }
0x1: {  	s0 =	rddreg [dreg:$0x0]  }
0x2: {  	s2 =	rddreg [dreg:$0x1];
	s3 =	simm.s32 $0x0  }
0x3: {  	s9 =	stileid.u32;
	s5 =	srdreg.scid;
	s28 =	simm.s32 $0x6000  }
0x4: {  	s29 =	simm.s32 $0x80;
	s30 =	simm.s32 $0x8000;
	s10 =	simm.s32 $0x8  }
0x5: {  	[smem:$0x7FF] =	sst s3;
	s1 =	smul.u32 $0x3C00, s9;
	p0 =	seq.s32 s9, $0xF  }
0x6: {  	s4 =	smul.u32 $0xF0, s9;
	s5 =	sand.u32 $0x1, s5;
	s7 =	sadd.s32 $0x3C200, s0  }
0x7: {  	s21 =	sshll.u32 s9, $0xE;
	s22 =	sshll.u32 s9, $0x10;
	s9 =	simm.s32 $0x10  }
0x8: {  	_ =	strace $0x8000004A;
	s6 =	ssub.s32 $0x2, s5;
	[dreg:$0x3] =	wrdreg s7  }
0x9: {  	s23 =	sshll.u32 s5, $0xF;
	s7 =	sadd.s32 s22, s2;
	s5 =	simm.s32 $0x4  }
0xa: {  	s22 =	simm.s32 $0xA000;
	s1 =	simm.s32 @p0 $0x36D80;
	s4 =	sadd.s32 s4, s0  }
0xb: {  	s8 =	sshrl.u32 s6, $0x1;
	[dreg:$0x5] =	wrdreg s23;
	s24 =	sadd.s32 $0x2000, s7  }
0xc: {  	s25 =	sadd.s32 $0x4000, s7;
	s26 =	sadd.s32 $0x6000, s7;
	s11 =	sadd.s32 $0x8000, s7  }
0xd: {  	s12 =	sadd.s32 $0xA000, s7;
	s13 =	sadd.s32 $0xC000, s7;
	s14 =	sadd.s32 $0xE000, s7  }
0xe: {  	s23 =	simm.s32 $0x6;
	s1 =	sadd.s32 s1, s0;
	[dreg:$0x6] =	wrdreg s24  }
0xf: {  	s0 =	sadd.s32 s21, s0;
	s6 =	ssub.s32 s6, s8;
	[dreg:$0x8] =	wrdreg s25  }
0x10: {  	s4 =	sadd.s32 $0x3B200, s4;
	[dreg:$0x9] =	wrdreg s26;
	s24 =	simm.s32 $0xC000  }
0x11: {  	s25 =	simm.s32 $0x1;
	s26 =	simm.s32 $0x2;
	s21 =	simm.s32 $0x5  }
0x12: {  	[dreg:$0x4] =	wrdreg s4;
	s15 =	sadd.s32 $0x800, s1;
	s16 =	sadd.s32 $0x1400, s1  }
0x13: {  	s17 =	sadd.s32 $0x2000, s1;
	s18 =	sadd.s32 $0x2C00, s1;
	s19 =	sadd.s32 $0x3800, s1  }
0x14: {  	s20 =	sadd.s32 $0x13C600, s0;
	s31 =	smax.u32 s6, $0x1;
	s0 =	simm.s32 $0x2000  }
0x15: {  	s4 =	simm.s32 $0x3;
	s6 =	simm.s32 $0x0;
	[dreg:$0x7] =	wrdreg s31  }
.LBB2_1:
0x16: {  	[dreg:$0xa] =	wrdreg s6  }
0x17: {  	s1 =	rddreg [dreg:$0x4];
	s8 =	simm.s32 $0xE000  }
0x18: {  	[tilespmem:s8], [sflag:$0x6] =	stream.linear.gather [hbm4b:s1+s3], $0x780, $0x38;
	[tilespmem:$0x1F100] =	vst v63  }
0x19: {  	_ =	swait.ge [sflag:s23], $0x780  }
0x1a: {  	[sflag:s23] =	ssyncset.done $0x0  }
0x1b: {  	s31 =	rddreg [dreg:$0x3];
	[sflag:s23] =	ssyncadd.s32 $0xFFFFF880  }
0x1c: {  	[tilespmem:s24], [sflag:$0x6] =	stream.linear.gather [hbm4b:s31+s3], $0x2000, $0x38;
	[tilespmem:$0x1F100] =	vst v63  }
0x1d: {  	_ =	swait.ge [sflag:s23], $0x2000  }
0x1e: {  	[sflag:s23] =	ssyncset.done $0x0  }
0x1f: {  	p1 =	por $0x1, $0x1;
	s6 =	simm.s32 $0x0;
	[sflag:s23] =	ssyncadd.s32 $0xFFFFE000  }
.LBB2_2:
0x20: {  	[spmem:s7] =	stream.linear.scatter [tilespmem:s24], [sflag:$0x1], $0x2000, $0x38;
	[tilespmem:$0x1F100] =	vst v63  }
0x21: {  	s1 =	rddreg [dreg:$0x6]  }
0x22: {  	[spmem:s1] =	stream.linear.scatter [tilespmem:s24], [sflag:$0x1], $0x2000, $0x38;
	[tilespmem:$0x1F100] =	vst v63  }
0x23: {  	s8 =	rddreg [dreg:$0x8]  }
0x24: {  	[spmem:s8] =	stream.linear.scatter [tilespmem:s24], [sflag:$0x1], $0x2000, $0x38;
	[tilespmem:$0x1F100] =	vst v63  }
0x25: {  	s8 =	rddreg [dreg:$0x9]  }
0x26: {  	[spmem:s8] =	stream.linear.scatter [tilespmem:s24], [sflag:$0x1], $0x2000, $0x38;
	[tilespmem:$0x1F100] =	vst v63  }
0x27: {  	_ = 	snop  }
0x28: {  	[spmem:s11] =	stream.linear.scatter [tilespmem:s24], [sflag:$0x1], $0x2000, $0x38;
	[tilespmem:$0x1F100] =	vst v63  }
0x29: {  	_ = 	snop  }
0x2a: {  	[spmem:s12] =	stream.linear.scatter [tilespmem:s24], [sflag:$0x1], $0x2000, $0x38;
	[tilespmem:$0x1F100] =	vst v63  }
0x2b: {  	_ = 	snop  }
0x2c: {  	[spmem:s13] =	stream.linear.scatter [tilespmem:s24], [sflag:$0x1], $0x2000, $0x38;
	[tilespmem:$0x1F100] =	vst v63  }
0x2d: {  	s1 =	simm.s32 $0x0  }
0x2e: {  	[spmem:s14] =	stream.linear.scatter [tilespmem:s24], [sflag:$0x1], $0x2000, $0x38;
	[tilespmem:$0x1F100] =	vst v63  }
0x2f: {  	v1 =	vld [tilespmem:s1+$0xE070]  }
0x30: {  	v2 =	vld [tilespmem:s1+$0xE000]  }
0x31: {  	v4 =	vld [tilespmem:s1+$0xE010]  }
0x32: {  	s8 =	rddreg [dreg:$0x5];
	v5 =	vld [tilespmem:s1+$0xE020]  }
0x33: {  	s31 =	sor.u32 s8, s6;
	v7 =	vld [tilespmem:s1+$0xE040]  }
0x34: {  	s6 =	sor.u32 $0x10000, s31;
	v10 =	vld [tilespmem:s1+$0xE050]  }
0x35: {  	v0 =	vmov s6;
	v6 =	vld [tilespmem:s1+$0xE030]  }
0x36: {  	v8 =	vsub.s32 v1, v0;
	v3 =	vand.u32 $0x7F, v1  }
0x37: {  	v1 =	vsub.s32 v2, v0;
	v11 =	vand.u32 $0x7F, v2;
	v13 =	vand.u32 $0x7F, v4  }
0x38: {  	v14 =	vld [tilespmem:s1+$0xE060];
	v2 =	vsub.s32 v5, v0;
	v16 =	vand.u32 $0x7F, v5;
	v5 =	vsub.s32 v7, v0  }
0x39: {  	v12 =	vand.u32 $0x7F, v10;
	vm0 =	vlt.u32 v8, $0x4000;
	v9 =	vor.u32 $0x4000, v3  }
0x3a: {  	v3 =	vsub.s32 v4, v0;
	v4 =	vsub.s32 v6, v0;
	v13 =	vor.u32 $0x4000, v13  }
0x3b: {  	vm2 =	vlt.u32 v2, $0x4000;
	v15 =	vsel vm0, v8, v9;
	vm0 =	vlt.u32 v1, $0x4000  }
0x3c: {  	v9 =	vand.u32 $0x7F, v6;
	v8 =	vor.u32 $0x4000, v11;
	v11 =	vand.u32 $0x7F, v7  }
0x3d: {  	vm1 =	vlt.u32 v3, $0x4000;
	v6 =	vsub.s32 v10, v0;
	v7 =	vsub.s32 v14, v0  }
0x3e: {  	p0 =	por p1, p1;
	s8 =	simm.s32 $0x400;
	s6 =	simm.s32 $0x80;
	v10 =	vand.u32 $0x7F, v14;
	v14 =	vor.u32 $0x4000, v16;
	vm3 =	vlt.u32 v4, $0x4000;
	[tilespmem:s1+$0xE7F0] =	vst v15  }
.LBB2_3:
0x3f: {  	p1 =	sne.s32 s8, $0x1C00;
	v15 =	vld [tilespmem:s6+$0xE070];
	v9 =	vor.u32 $0x4000, v9;
	vm4 =	vlt.u32 v5, $0x4000;
	v11 =	vor.u32 $0x4000, v11  }
0x40: {  	vm5 =	vlt.u32 v6, $0x4000;
	v12 =	vor.u32 $0x4000, v12;
	vm6 =	vlt.u32 v7, $0x4000;
	v16 =	vld [tilespmem:s6+$0xE000]  }
0x41: {  	v1 =	vsel vm0, v1, v8;
	v3 =	vsel vm1, v3, v13;
	v8 =	vor.u32 $0x4000, v10;
	v17 =	vld [tilespmem:s6+$0xE010]  }
0x42: {  	v10 =	vld [tilespmem:s6+$0xE020];
	[tilespmem:s1+$0xE780] =	vst v1;
	v1 =	vsel vm2, v2, v14;
	v2 =	vsel vm3, v4, v9;
	v4 =	vsel vm4, v5, v11  }
0x43: {  	v6 =	vsel vm5, v6, v12;
	v7 =	vsel vm6, v7, v8;
	v5 =	vld [tilespmem:s6+$0xE030];
	[tilespmem:s1+$0xE790] =	vst v3  }
0x44: {  	v11 =	vld [tilespmem:s6+$0xE040];
	v8 =	vsub.s32 v15, v0;
	v3 =	vand.u32 $0x7F, v15;
	[tilespmem:s1+$0xE7A0] =	vst v1  }
0x45: {  	v1 =	vsub.s32 v16, v0;
	v12 =	vld [tilespmem:s6+$0xE050];
	vm0 =	vlt.u32 v8, $0x4000;
	v9 =	vor.u32 $0x4000, v3;
	[tilespmem:s1+$0xE7B0] =	vst v2  }
0x46: {  	v13 =	vand.u32 $0x7F, v16;
	v3 =	vsub.s32 v17, v0;
	v14 =	vld [tilespmem:s6+$0xE060];
	v8 =	vsel vm0, v8, v9;
	[tilespmem:s1+$0xE7C0] =	vst v4  }
0x47: {  	v15 =	vand.u32 $0x7F, v17;
	v2 =	vsub.s32 v10, v0;
	v16 =	vand.u32 $0x7F, v10;
	[tilespmem:s6+$0xE7F0] =	vst v8  }
.Ltmp0:
0x48: {  	vm0 =	vlt.u32 v1, $0x4000;
	v4 =	vsub.s32 v5, v0;
	v9 =	vand.u32 $0x7F, v5;
	[tilespmem:s1+$0xE7D0] =	vst v6;
	(pc) =	sbr.rel @p1 .LBB2_3-.Ltmp0, $4  }
0x49: {  	v8 =	vor.u32 $0x4000, v13;
	v5 =	vsub.s32 v11, v0;
	v11 =	vand.u32 $0x7F, v11;
	[tilespmem:s1+$0xE7E0] =	vst v7;
	s1 =	smov.u32 s6  }
0x4a: {  	vm1 =	vlt.u32 v3, $0x4000;
	v6 =	vsub.s32 v12, v0;
	v12 =	vand.u32 $0x7F, v12  }
0x4b: {  	v13 =	vor.u32 $0x4000, v15;
	v7 =	vsub.s32 v14, v0;
	v10 =	vand.u32 $0x7F, v14  }
0x4c: {  	vm2 =	vlt.u32 v2, $0x4000;
	s6 =	sshra.s32 s8, $0x2;
	s8 =	sadd.s32 $0x200, s8;
	vm3 =	vlt.u32 v4, $0x4000;
	v14 =	vor.u32 $0x4000, v16  }
0x4d: {  	v15 =	vld [tilespmem:s6+$0xE070]  }
0x4e: {  	v16 =	vld [tilespmem:s6+$0xE000];
	v1 =	vsel vm0, v1, v8;
	v9 =	vor.u32 $0x4000, v9  }
0x4f: {  	v17 =	vld [tilespmem:s6+$0xE010];
	vm14 =	vlt.u32 v5, $0x4000;
	v39 =	vor.u32 $0x4000, v11;
	v3 =	vsel vm1, v3, v13  }
0x50: {  	v38 =	vld [tilespmem:s6+$0xE020];
	vm15 =	vlt.u32 v6, $0x4000;
	v12 =	vor.u32 $0x4000, v12;
	vm4 =	vlt.u32 v7, $0x4000  }
0x51: {  	v41 =	vor.u32 $0x4000, v10;
	v2 =	vsel vm2, v2, v14;
	[tilespmem:s1+$0xE780] =	vst v1;
	v4 =	vsel vm3, v4, v9  }
0x52: {  	v1 =	vsel vm14, v5, v39;
	v43 =	vsel vm15, v6, v12;
	v40 =	vld [tilespmem:s6+$0xE030];
	[tilespmem:s1+$0xE790] =	vst v3;
	v3 =	vsel vm4, v7, v41  }
0x53: {  	v44 =	vsub.s32 v15, v0;
	v45 =	vand.u32 $0x7F, v15;
	v46 =	vsub.s32 v16, v0  }
0x54: {  	v48 =	vand.u32 $0x7F, v16;
	v49 =	vsub.s32 v17, v0;
	v51 =	vand.u32 $0x7F, v17  }
0x55: {  	v42 =	vld [tilespmem:s6+$0xE040];
	[tilespmem:s1+$0xE7A0] =	vst v2;
	v52 =	vsub.s32 v38, v0;
	v8 =	vand.u32 $0x7F, v38;
	vm8 =	vlt.u32 v44, $0x4000  }
0x56: {  	v47 =	vld [tilespmem:s6+$0xE050];
	[tilespmem:s1+$0xE7B0] =	vst v4;
	v6 =	vor.u32 $0x4000, v45;
	vm9 =	vlt.u32 v46, $0x4000;
	v4 =	vor.u32 $0x4000, v48  }
0x57: {  	v50 =	vld [tilespmem:s6+$0xE060];
	[tilespmem:s1+$0xE7C0] =	vst v1;
	vm10 =	vlt.u32 v49, $0x4000;
	vm11 =	vlt.u32 v52, $0x4000;
	v2 =	vsel vm8, v44, v6  }
0x58: {  	v58 =	vor.u32 $0x4000, v8;
	v53 =	vsub.s32 v40, v0;
	v11 =	vand.u32 $0x7F, v40;
	[tilespmem:s6+$0xE7F0] =	vst v2  }
0x59: {  	v6 =	vor.u32 $0x4000, v51;
	v4 =	vsel vm9, v46, v4;
	v7 =	vsel vm11, v52, v58;
	[tilespmem:s1+$0xE7D0] =	vst v43  }
0x5a: {  	v54 =	vsub.s32 v42, v0;
	v9 =	vand.u32 $0x7F, v42;
	v6 =	vsel vm10, v49, v6;
	[tilespmem:s1+$0xE7E0] =	vst v3  }
0x5b: {  	vm12 =	vlt.u32 v53, $0x4000;
	v59 =	vor.u32 $0x4000, v11;
	v55 =	vsub.s32 v47, v0;
	[tilespmem:s6+$0xE780] =	vst v4  }
0x5c: {  	v10 =	vand.u32 $0x7F, v47;
	vm13 =	vlt.u32 v54, $0x4000;
	v60 =	vor.u32 $0x4000, v9;
	[tilespmem:s6+$0xE790] =	vst v6  }
0x5d: {  	v1 =	vsel vm12, v53, v59;
	v56 =	vsub.s32 v50, v0;
	v57 =	vand.u32 $0x7F, v50;
	[tilespmem:s6+$0xE7A0] =	vst v7  }
0x5e: {  	vm14 =	vlt.u32 v55, $0x4000;
	v61 =	vor.u32 $0x4000, v10;
	v2 =	vsel vm13, v54, v60;
	[tilespmem:s6+$0xE7B0] =	vst v1  }
0x5f: {  	vm15 =	vlt.u32 v56, $0x4000;
	v62 =	vor.u32 $0x4000, v57;
	v63 =	vsel vm14, v55, v61;
	[tilespmem:s6+$0xE7C0] =	vst v2  }
0x60: {  	v0 =	vsel vm15, v56, v62;
	[tilespmem:s6+$0xE7D0] =	vst v63  }
0x61: {  	[tilespmem:s6+$0xE7E0] =	vst v0  }
0x62: {  	_ =	swait.ge [sflag:s25], $0x2000  }
0x63: {  	[sflag:s25] =	ssyncset.done $0x0  }
0x64: {  	[sflag:s25] =	ssyncadd.s32 $0xFFFFE000  }
0x65: {  	_ =	swait.ge [sflag:s25], $0x2000  }
0x66: {  	[sflag:s25] =	ssyncset.done $0x0  }
0x67: {  	[sflag:s25] =	ssyncadd.s32 $0xFFFFE000  }
0x68: {  	_ =	swait.ge [sflag:s25], $0x2000  }
0x69: {  	[sflag:s25] =	ssyncset.done $0x0  }
0x6a: {  	[sflag:s25] =	ssyncadd.s32 $0xFFFFE000  }
0x6b: {  	_ =	swait.ge [sflag:s25], $0x2000  }
0x6c: {  	[sflag:s25] =	ssyncset.done $0x0  }
0x6d: {  	[sflag:s25] =	ssyncadd.s32 $0xFFFFE000  }
0x6e: {  	_ =	swait.ge [sflag:s25], $0x2000  }
0x6f: {  	[sflag:s25] =	ssyncset.done $0x0  }
0x70: {  	[sflag:s25] =	ssyncadd.s32 $0xFFFFE000  }
0x71: {  	_ =	swait.ge [sflag:s25], $0x2000  }
0x72: {  	[sflag:s25] =	ssyncset.done $0x0  }
0x73: {  	[sflag:s25] =	ssyncadd.s32 $0xFFFFE000  }
0x74: {  	_ =	swait.ge [sflag:s25], $0x2000  }
0x75: {  	[sflag:s25] =	ssyncset.done $0x0  }
0x76: {  	[sflag:s25] =	ssyncadd.s32 $0xFFFFE000  }
0x77: {  	_ =	swait.ge [sflag:s25], $0x2000  }
0x78: {  	[sflag:s25] =	ssyncset.done $0x0  }
0x79: {  	[sflag:s25] =	ssyncadd.s32 $0xFFFFE000  }
0x7a: {  	[bflag:$0x0] =	sbarrier.arrive $0xFFFF  }
0x7b: {  	[tilespmem:s3], [sflag:$0x2] =	stream.linear.gather [hbm4b:s15+s3], $0x6000, $0x38;
	[tilespmem:$0x1F100] =	vst v63  }
0x7c: {  	_ =	swait.ge [sflag:s26], $0x6000  }
0x7d: {  	[sflag:s26] =	ssyncset.done $0x0  }
0x7e: {  	[sflag:s26] =	ssyncadd.s32 $0xFFFFA000  }
0x7f: {  	[tilespmem:s28], [sflag:$0x3] =	stream.linear.gather [hbm4b:s16+s3], $0x6000, $0x38;
	[tilespmem:$0x1F100] =	vst v63  }
0x80: {  	s8 =	simm.s32 $0xE780  }
0x81: {  	[spmem:s2] =	stream.indirect.scatter.add.f32 [tilespmem:s3], [sflag:$0x4], $0x40, s8, s29, $0xb8;
	[tilespmem:$0x1F100] =	vst v63  }
0x82: {  	s6 =	simm.s32 $0xE800  }
0x83: {  	[spmem:s2] =	stream.indirect.scatter.add.f32 [tilespmem:s0], [sflag:$0x4], $0x40, s6, s29, $0xb8;
	[tilespmem:$0x1F100] =	vst v63  }
0x84: {  	s8 =	simm.s32 $0xE880;
	s6 =	simm.s32 $0x4000  }
0x85: {  	[spmem:s2] =	stream.indirect.scatter.add.f32 [tilespmem:s6], [sflag:$0x4], $0x40, s8, s29, $0xb8;
	[tilespmem:$0x1F100] =	vst v63  }
0x86: {  	_ =	swait.ge [sflag:s4], $0x6000  }
0x87: {  	[sflag:s4] =	ssyncset.done $0x0  }
0x88: {  	[sflag:s4] =	ssyncadd.s32 $0xFFFFA000  }
0x89: {  	_ =	swait.ge [sflag:s5], $0x2000  }
0x8a: {  	[sflag:s5] =	ssyncset.done $0x0  }
0x8b: {  	[sflag:s5] =	ssyncadd.s32 $0xFFFFE000  }
0x8c: {  	_ =	swait.ge [sflag:s5], $0x2000  }
0x8d: {  	[sflag:s5] =	ssyncset.done $0x0  }
0x8e: {  	[sflag:s5] =	ssyncadd.s32 $0xFFFFE000  }
0x8f: {  	_ =	swait.ge [sflag:s5], $0x2000  }
0x90: {  	[sflag:s5] =	ssyncset.done $0x0  }
0x91: {  	[sflag:s5] =	ssyncadd.s32 $0xFFFFE000  }
0x92: {  	[tilespmem:s3], [sflag:$0x2] =	stream.linear.gather [hbm4b:s17+s3], $0x6000, $0x38;
	[tilespmem:$0x1F100] =	vst v63  }
0x93: {  	s8 =	simm.s32 $0xE900  }
0x94: {  	[spmem:s2] =	stream.indirect.scatter.add.f32 [tilespmem:s28], [sflag:$0x5], $0x40, s8, s29, $0xb8;
	[tilespmem:$0x1F100] =	vst v63  }
0x95: {  	s8 =	simm.s32 $0xE980  }
0x96: {  	[spmem:s2] =	stream.indirect.scatter.add.f32 [tilespmem:s30], [sflag:$0x5], $0x40, s8, s29, $0xb8;
	[tilespmem:$0x1F100] =	vst v63  }
0x97: {  	s8 =	simm.s32 $0xEA00  }
0x98: {  	[spmem:s2] =	stream.indirect.scatter.add.f32 [tilespmem:s22], [sflag:$0x5], $0x40, s8, s29, $0xb8;
	[tilespmem:$0x1F100] =	vst v63  }
0x99: {  	_ =	swait.ge [sflag:s26], $0x6000  }
0x9a: {  	[sflag:s26] =	ssyncset.done $0x0  }
0x9b: {  	[sflag:s26] =	ssyncadd.s32 $0xFFFFA000  }
0x9c: {  	_ =	swait.ge [sflag:s21], $0x2000  }
0x9d: {  	[sflag:s21] =	ssyncset.done $0x0  }
0x9e: {  	[sflag:s21] =	ssyncadd.s32 $0xFFFFE000  }
0x9f: {  	_ =	swait.ge [sflag:s21], $0x2000  }
0xa0: {  	[sflag:s21] =	ssyncset.done $0x0  }
0xa1: {  	[sflag:s21] =	ssyncadd.s32 $0xFFFFE000  }
0xa2: {  	_ =	swait.ge [sflag:s21], $0x2000  }
0xa3: {  	[sflag:s21] =	ssyncset.done $0x0  }
0xa4: {  	[sflag:s21] =	ssyncadd.s32 $0xFFFFE000  }
0xa5: {  	[tilespmem:s28], [sflag:$0x3] =	stream.linear.gather [hbm4b:s18+s3], $0x6000, $0x38;
	[tilespmem:$0x1F100] =	vst v63  }
0xa6: {  	s8 =	simm.s32 $0xEA80  }
0xa7: {  	[spmem:s2] =	stream.indirect.scatter.add.f32 [tilespmem:s3], [sflag:$0x4], $0x40, s8, s29, $0xb8;
	[tilespmem:$0x1F100] =	vst v63  }
0xa8: {  	s8 =	simm.s32 $0xEB00  }
0xa9: {  	[spmem:s2] =	stream.indirect.scatter.add.f32 [tilespmem:s0], [sflag:$0x4], $0x40, s8, s29, $0xb8;
	[tilespmem:$0x1F100] =	vst v63  }
0xaa: {  	s8 =	simm.s32 $0xEB80  }
0xab: {  	[spmem:s2] =	stream.indirect.scatter.add.f32 [tilespmem:s6], [sflag:$0x4], $0x40, s8, s29, $0xb8;
	[tilespmem:$0x1F100] =	vst v63  }
0xac: {  	_ =	swait.ge [sflag:s4], $0x6000  }
0xad: {  	[sflag:s4] =	ssyncset.done $0x0  }
0xae: {  	[sflag:s4] =	ssyncadd.s32 $0xFFFFA000  }
0xaf: {  	_ =	swait.ge [sflag:s5], $0x2000  }
0xb0: {  	[sflag:s5] =	ssyncset.done $0x0  }
0xb1: {  	[sflag:s5] =	ssyncadd.s32 $0xFFFFE000  }
0xb2: {  	_ =	swait.ge [sflag:s5], $0x2000  }
0xb3: {  	[sflag:s5] =	ssyncset.done $0x0  }
0xb4: {  	[sflag:s5] =	ssyncadd.s32 $0xFFFFE000  }
0xb5: {  	_ =	swait.ge [sflag:s5], $0x2000  }
0xb6: {  	[sflag:s5] =	ssyncset.done $0x0  }
0xb7: {  	[sflag:s5] =	ssyncadd.s32 $0xFFFFE000  }
0xb8: {  	[tilespmem:s3], [sflag:$0x2] =	stream.linear.gather [hbm4b:s19+s3], $0x6000, $0x38;
	[tilespmem:$0x1F100] =	vst v63  }
0xb9: {  	s8 =	simm.s32 $0xEC00  }
0xba: {  	[spmem:s2] =	stream.indirect.scatter.add.f32 [tilespmem:s28], [sflag:$0x5], $0x40, s8, s29, $0xb8;
	[tilespmem:$0x1F100] =	vst v63  }
0xbb: {  	s8 =	simm.s32 $0xEC80  }
0xbc: {  	[spmem:s2] =	stream.indirect.scatter.add.f32 [tilespmem:s30], [sflag:$0x5], $0x40, s8, s29, $0xb8;
	[tilespmem:$0x1F100] =	vst v63  }
0xbd: {  	s8 =	simm.s32 $0xED00  }
0xbe: {  	[spmem:s2] =	stream.indirect.scatter.add.f32 [tilespmem:s22], [sflag:$0x5], $0x40, s8, s29, $0xb8;
	[tilespmem:$0x1F100] =	vst v63  }
0xbf: {  	_ =	swait.ge [sflag:s26], $0x6000  }
0xc0: {  	[sflag:s26] =	ssyncset.done $0x0  }
0xc1: {  	s8 =	simm.s32 $0xED80;
	[sflag:s26] =	ssyncadd.s32 $0xFFFFA000  }
0xc2: {  	[spmem:s2] =	stream.indirect.scatter.add.f32 [tilespmem:s3], [sflag:$0x4], $0x40, s8, s29, $0xb8;
	[tilespmem:$0x1F100] =	vst v63  }
0xc3: {  	s8 =	simm.s32 $0xEE00  }
0xc4: {  	[spmem:s2] =	stream.indirect.scatter.add.f32 [tilespmem:s0], [sflag:$0x4], $0x40, s8, s29, $0xb8;
	[tilespmem:$0x1F100] =	vst v63  }
0xc5: {  	s8 =	simm.s32 $0xEE80  }
0xc6: {  	[spmem:s2] =	stream.indirect.scatter.add.f32 [tilespmem:s6], [sflag:$0x4], $0x40, s8, s29, $0xb8;
	[tilespmem:$0x1F100] =	vst v63  }
0xc7: {  	_ =	swait.ge [sflag:s21], $0x2000  }
0xc8: {  	[sflag:s21] =	ssyncset.done $0x0  }
0xc9: {  	[sflag:s21] =	ssyncadd.s32 $0xFFFFE000  }
0xca: {  	_ =	swait.ge [sflag:s21], $0x2000  }
0xcb: {  	[sflag:s21] =	ssyncset.done $0x0  }
0xcc: {  	[sflag:s21] =	ssyncadd.s32 $0xFFFFE000  }
0xcd: {  	_ =	swait.ge [sflag:s21], $0x2000  }
0xce: {  	[sflag:s21] =	ssyncset.done $0x0  }
0xcf: {  	[sflag:s21] =	ssyncadd.s32 $0xFFFFE000  }
0xd0: {  	_ =	swait.ge [sflag:s5], $0x2000  }
0xd1: {  	[sflag:s5] =	ssyncset.done $0x0  }
0xd2: {  	[sflag:s5] =	ssyncadd.s32 $0xFFFFE000  }
0xd3: {  	_ =	swait.ge [sflag:s5], $0x2000  }
0xd4: {  	[sflag:s5] =	ssyncset.done $0x0  }
0xd5: {  	[sflag:s5] =	ssyncadd.s32 $0xFFFFE000  }
0xd6: {  	s31 =	sshll.u32 s31, $0x4;
	_ =	swait.ge [sflag:s5], $0x2000  }
0xd7: {  	s1 =	sadd.s32 s31, s20;
	s8 =	stileid.u32;
	[sflag:s5] =	ssyncset.done $0x0  }
0xd8: {  	s31 =	sshrl.u32 s7, $0x3;
	s8 =	sshll.u32 s8, $0x6;
	[sflag:s5] =	ssyncadd.s32 $0xFFFFE000  }
.Ltmp1:
0xd9: {  	s8 =	sor.u32 $0x1C06, s8;
	[bflag:$0x0] =	sbarrier.arrive $0xFFFF;
	(pc) =	sbr.rel @p0 .LBB2_2-.Ltmp1, $4  }
0xda: {  	[hbm:s1@s9], [sflag:s8] =	dma.strided [spmem:s31@s10], $0x2000, s25, $0x8   }
0xdb: {  	_ =	swait.ge [sflag:s23], $0x2000  }
0xdc: {  	[sflag:s23] =	ssyncset.done $0x0  }
0xdd: {  	p1 =	por $0x0, $0x0;
	[sflag:s23] =	ssyncadd.s32 $0xFFFFE000  }
0xde: {  	s6 =	rddreg [dreg:$0xa]  }
0xdf: {  	s1 =	rddreg [dreg:$0x7];
	s6 =	sadd.s32 $0x1, s6  }
0xe0: {  	p0 =	sne.s32 s6, s1  }
.Ltmp2:
0xe1: {  	_ = 	snop;
	(pc) =	sbr.rel @p0 .LBB2_1-.Ltmp2, $1  }
0xe2: {  	_ =	sdelay $0x3  }
0xe3: {  	_ =	sfence.sel $0x180000  }
0xe4: {  	[bflag:$0x0] =	sbarrier.arrive $0xFFFF  }
0xe5: {  	_ =	strace $0x9000004A  }
0xe6: {  	s0 =	stileid.u32;
	[bflag:$0x2] =	sbarrier.arrive $0xFFFF  }
0xe7: {  	p0 =	sne.s32 s0, $0x0;
	s0 =	rddreg [dreg:$0x2]  }
0xe8: {  	s0 =	sadd.s32 @!p0 $0x100000, s0  }
0xe9: {  	[sflag:s0] =	ssyncadd.tile.s32 @!p0 $0x1;
	_ =	shalt  }
.Lfunc_end2:
_tile_overlayer_lowered:
.L_overlay_start_2:
0xea: {  	(tag) =	ssettag $0x2  }
0xeb: {  	s0 =	rddreg [dreg:$0x0];
	s2 =	stileid.u32  }
0xec: {  	s1 =	rddreg [dreg:$0x1];
	p0 =	sne.s32 s2, $0x0  }
0xed: {  	s3 =	rddreg [dreg:$0x2];
	[bflag:$0x3] =	sbarrier.arrive $0xFFFF;
	s2 =	simm.s32 @!p0 $0x1C06  }
0xee: {  	[timem:s3], [sflag:s2] =	dma.local @!p0 [hbm:s0], s1  }
0xef: {  	s0 =	simm.s32 @!p0 $0x6  }
0xf0: {  	_ =	swait.ge @!p0 [sflag:s0], s1  }
0xf1: {  	s1 =	ssub.s32 @!p0 $0x0, s1;
	[sflag:s0] =	ssyncset.done @!p0 $0x0  }
0xf2: {  	[sflag:s0] =	ssyncadd.s32 @!p0 s1  }
0xf3: {  	[bflag:$0x3] =	sbarrier.arrive $0xFFFF  }
0xf4: {  	_ =	shalt  }

// kernel: kernel.16.cloned.1.call-start
scs
__scs_entry_jumppad:
0x0: {  	(pc) =	sbr.rel $0x88, $3  }
0x1: {  	(tag) =	ssettag $0x0;
	lr =	simm.s32 $0x1  }
0x2: {  	[smem:$0x3F9F] =	sst lr;
	_ =	strace $0xD0000000  }
0x3: {  	_ = 	snop  }
0x4: {  	_ = 	snop  }
0x5: {  	_ = 	snop  }
0x6: {  	_ = 	snop  }
0x7: {  	_ = 	snop  }
__scs_overlays_trampoline_lowered:
0x8: {  	[smem:$0x3FAE] =	sst s0  }
0x9: {  	[smem:$0x3FAF] =	sst s1  }
0xa: {  	[smem:$0x3FB0] =	sst s2  }
0xb: {  	[smem:$0x3FB1] =	sst s3  }
0xc: {  	[smem:$0x3FB2] =	sst s4  }
0xd: {  	[smem:$0x3FB3] =	sst s5  }
0xe: {  	[smem:$0x3FB4] =	sst s6  }
0xf: {  	[smem:$0x3FB5] =	sst s7  }
0x10: {  	[smem:$0x3FB6] =	sst s8  }
0x11: {  	[smem:$0x3FB7] =	sst s9;
	s0 =	simm.s32 @!p0 $0x0  }
0x12: {  	s1 =	sld [smem:$0x3F9D];
	s0 =	simm.s32 @p0 $0x1  }
0x13: {  	[smem:$0x3FB8] =	sst s0;
	s0 =	simm.s32 @!p1 $0x0  }
0x14: {  	s2 =	sld [smem:$0x3F9C];
	s0 =	simm.s32 @p1 $0x1  }
0x15: {  	[smem:$0x3FB9] =	sst s0;
	s0 =	simm.s32 @!p2 $0x0  }
0x16: {  	s3 =	sld [smem:$0x3FDB];
	s0 =	simm.s32 @p2 $0x1  }
0x17: {  	s4 =	simm.s32 $0x1BF5;
	[smem:$0x3FBB] =	sst s0  }
0x18: {  	s0 =	sld [smem:$0x3F9E];
	_ =	swait.ge [sflag:s4], $0x0  }
0x19: {  	s7 =	sld [smem:$0x3F9F]  }
0x1a: {  	s8 =	sadd.s32 $0xFFFFE003, lr  }
0x1b: {  	s9 =	sadd.s32 $0xFFFFFEF7, lr;
	s5 =	simm.s32 $0xFFFFFFFF;
	p2 =	slt.u32 s8, $0xFFFFF086  }
0x1c: {  	p1 =	slt.u32 s9, $0xF7A;
	s5 =	simm.s32 @!p2 $0x0  }
0x1d: {  	s5 =	simm.s32 @p1 $0x1;
	p0 =	seq.s32 s7, s2  }
0x1e: {  	s7 =	smul.u32 @!p0 $0xF7A, s2;
	p2 =	seq.s32 @!p0 s5, $0x0  }
0x1f: {  	s9 =	smul.u32 $0xF7A, s1;
	s8 =	simm.s32 @!p0 $0x1BF5;
	p2 =	por !p2, p0  }
0x20: {  	[sflag:s8] =	ssyncset.s32 @!p0 $0xFFFFF086;
	s6 =	sadd.s32 @!p0 s3, s7;
	s7 =	simm.s32 @!p0 $0x108  }
0x21: {  	s3 =	sadd.s32 s3, s9;
	s6 =	sadd.s32 @!p0 $0x88, s6;
	s7 =	simm.s32 @p2 $0x1082  }
0x22: {  	[simem:s7], [sflag:s8] =	dma.local @!p0 [hbm:s6], $0xF7A  }
0x23: {  	s9 =	sor.u32 $0xD0000000, s2;
	s6 =	simm.s32 $0x108;
	_ =	swait.ge @!p0 [sflag:s8], $0x0  }
0x24: {  	s3 =	sadd.s32 $0x88, s3;
	s6 =	simm.s32 @!p1 $0x1082;
	[sflag:s4] =	ssyncset.s32 $0xFFFFF086  }
0x25: {  	[simem:s6], [sflag:s4] =	dma.local [hbm:s3], $0xF7A  }
0x26: {  	[smem:$0x3F9F] =	sst s1;
	(tag) =	ssettag s2;
	_ =	strace s9  }
0x27: {  	s1 =	sld [smem:$0x3FAF]  }
0x28: {  	s2 =	sld [smem:$0x3FB0]  }
0x29: {  	s4 =	sld [smem:$0x3FB2]  }
0x2a: {  	p0 =	seq.s32 s5, $0x0;
	s5 =	sld [smem:$0x3FB3]  }
0x2b: {  	s6 =	sld [smem:$0x3FB4]  }
0x2c: {  	s7 =	sld [smem:$0x3FB5]  }
0x2d: {  	s3 =	simm.s32 $0x108;
	s8 =	sld [smem:$0x3FB6]  }
0x2e: {  	s3 =	simm.s32 @!p0 $0x1082;
	s9 =	sld [smem:$0x3FB7]  }
0x2f: {  	lr =	sadd.s32 s0, s3;
	s0 =	sld [smem:$0x3FAE]  }
0x30: {  	s3 =	sld [smem:$0x3FB1]  }
0x31: {  	[smem:$0x3FBA] =	sst s10  }
0x32: {  	s10 =	sld [smem:$0x3FB8];
	_ =	sdelay $0x3  }
0x33: {  	p0 =	seq.s32 s10, $0x1;
	s10 =	sld [smem:$0x3FBA];
	_ =	sdelay $0x3  }
0x34: {  	[smem:$0x3FBA] =	sst s10  }
0x35: {  	s10 =	sld [smem:$0x3FB9];
	_ =	sdelay $0x3  }
0x36: {  	p1 =	seq.s32 s10, $0x1;
	s10 =	sld [smem:$0x3FBA];
	_ =	sdelay $0x3  }
0x37: {  	[smem:$0x3FBA] =	sst s10  }
0x38: {  	s10 =	sld [smem:$0x3FBB]  }
0x39: {  	_ = 	snop;
	(pc) =	sbr.ind lr, $3  }
0x3a: {  	_ = 	snop  }
0x3b: {  	_ = 	snop  }
0x3c: {  	p2 =	seq.s32 s10, $0x1;
	s10 =	sld [smem:$0x3FBA]  }
0x3d: {  	_ =	shalt  }
0x3e: {  	_ =	shalt  }
0x3f: {  	_ =	shalt  }
0x40: {  	_ =	shalt  }
0x41: {  	_ =	shalt  }
0x42: {  	_ =	shalt  }
0x43: {  	_ =	shalt  }
0x44: {  	_ =	shalt  }
0x45: {  	_ =	shalt  }
0x46: {  	_ =	shalt  }
0x47: {  	_ =	shalt  }
0x48: {  	_ =	shalt  }
0x49: {  	_ =	shalt  }
0x4a: {  	_ =	shalt  }
0x4b: {  	_ =	shalt  }
0x4c: {  	_ =	shalt  }
0x4d: {  	_ =	shalt  }
0x4e: {  	_ =	shalt  }
0x4f: {  	_ =	shalt  }
0x50: {  	_ =	shalt  }
0x51: {  	_ =	shalt  }
0x52: {  	_ =	shalt  }
0x53: {  	_ =	shalt  }
0x54: {  	_ =	shalt  }
0x55: {  	_ =	shalt  }
0x56: {  	_ =	shalt  }
0x57: {  	_ =	shalt  }
0x58: {  	_ =	shalt  }
0x59: {  	_ =	shalt  }
0x5a: {  	_ =	shalt  }
0x5b: {  	_ =	shalt  }
0x5c: {  	_ =	shalt  }
0x5d: {  	_ =	shalt  }
0x5e: {  	_ =	shalt  }
0x5f: {  	_ =	shalt  }
0x60: {  	_ =	shalt  }
0x61: {  	_ =	shalt  }
0x62: {  	_ =	shalt  }
0x63: {  	_ =	shalt  }
0x64: {  	_ =	shalt  }
0x65: {  	_ =	shalt  }
0x66: {  	_ =	shalt  }
0x67: {  	_ =	shalt  }
0x68: {  	_ =	shalt  }
0x69: {  	_ =	shalt  }
0x6a: {  	_ =	shalt  }
0x6b: {  	_ =	shalt  }
0x6c: {  	_ =	shalt  }
0x6d: {  	_ =	shalt  }
0x6e: {  	_ =	shalt  }
0x6f: {  	_ =	shalt  }
0x70: {  	_ =	shalt  }
0x71: {  	_ =	shalt  }
0x72: {  	_ =	shalt  }
0x73: {  	_ =	shalt  }
0x74: {  	_ =	shalt  }
0x75: {  	_ =	shalt  }
0x76: {  	_ =	shalt  }
0x77: {  	_ =	shalt  }
0x78: {  	_ =	shalt  }
0x79: {  	_ =	shalt  }
0x7a: {  	_ =	shalt  }
0x7b: {  	_ =	shalt  }
0x7c: {  	_ =	shalt  }
0x7d: {  	_ =	shalt  }
0x7e: {  	_ =	shalt  }
0x7f: {  	_ =	shalt  }
0x80: {  	_ =	shalt  }
0x81: {  	_ =	shalt  }
0x82: {  	_ =	shalt  }
0x83: {  	_ =	shalt  }
0x84: {  	_ =	shalt  }
0x85: {  	_ =	shalt  }
0x86: {  	_ =	shalt  }
0x87: {  	_ =	shalt  }
.Lfunc_end0:
.L_simem_size_0:
called_computation.2_lowered:
.L_overlay_start_0:
0x88: {  	s2 =	sld [smem:$0x3FD9]  }
0x89: {  	s3 =	sld [smem:$0x3FFE];
	_ =	sdelay $0x1  }
0x8a: {  	s1 =	srdreg.scid  }
0x8b: {  	s0 =	sand.u32 $0x1, s1  }
0x8c: {  	s17 =	sshll.u32 s0, $0xA;
	s2 =	sadd.s32 s3, s2  }
0x8d: {  	s2 =	sadd.s32 s2, s17  }
0x8e: {  	[smem:$0x3FC6] =	sst s2  }
0x8f: {  	_ = 	snop  }
0x90: {  	(tm) =	ssettm $0x1  }
0x91: {  	s18 =	sld [smem:$0x3FFB];
	_ =	sdelay $0x3  }
0x92: {  	_ =	strace s18  }
0x93: {  	s2 =	sld [smem:$0x3FFC];
	_ =	sdelay $0x3  }
0x94: {  	_ =	strace s2  }
0x95: {  	s2 =	sld [smem:$0x3FFD];
	_ =	sdelay $0x3  }
0x96: {  	_ =	strace s2  }
0x97: {  	_ =	strace $0x8FFFFFFF  }
0x98: {  	s19 =	sld [smem:$0x3FDB];
	_ =	sdelay $0x1  }
0x99: {  	s20 =	simm.s32 $_scs_section_size  }
0x9a: {  	s4 =	simm.s32 $_size__tile_overlayer_lowered;
	s5 =	simm.s32 $_tile_overlayer_lowered  }
0x9b: {  	s6 =	simm.s32 $0x1BFF;
	s21 =	sshll.u32 s5, $0x1;
	s3 =	sadd.s32 s20, s19  }
0x9c: {  	s22 =	simm.s32 $0x0;
	s4 =	sshll.u32 s4, $0x1;
	s5 =	sadd.s32 s21, s3  }
0x9d: {  	[timem:s22], [sflag:s6] =	dma.local [hbm:s5], s4  }
0x9e: {  	_ =	swait.ge [sflag:s6], s4  }
0x9f: {  	s4 =	ssub.s32 $0x0, s4;
	[sflag:s6] =	ssyncset.done $0x0  }
0xa0: {  	[sflag:s6] =	ssyncadd.s32 s4;
	_ =	sdelay $0x1  }
0xa1: {  	s23 =	simm.s32 $0x1B8B  }
0xa2: {  	_ =	swait.ge [sflag:s23], $0x1  }
0xa3: {  	[sflag:s23] =	ssyncset.done $0x0  }
0xa4: {  	[sflag:s23] =	ssyncadd.s32 $0xFFFFFFFF  }
0xa5: {  	s4 =	sld [smem:$0x0]  }
0xa6: {  	s5 =	sand.u32 $0xFFFFFFFE, s1  }
0xa7: {  	p0 =	sne.s32 s1, s5  }
0xa8: {  	s5 =	sshll.u32 @p0 s5, $0xE  }
0xa9: {  	s5 =	sadd.s32 @p0 $0x11B8D, s5;
	s6 =	sshll.u32 @p0 s4, $0x11  }
0xaa: {  	s5 =	sor.u32 @p0 s6, s5  }
0xab: {  	[sflag:s5] =	ssyncadd.remote.s32 @p0 $0x1;
	_ =	sdelay $0x1  }
0xac: {  	s5 =	simm.s32 @p0 $0x1B8D  }
0xad: {  	_ =	swait.eq @p0 [sflag:s5], $0x1  }
0xae: {  	[sflag:s5] =	ssyncadd.s32 @p0 $0xFFFFFFFF  }
0xaf: {  	s6 =	sshll.u32 @!p0 s1, $0xE  }
0xb0: {  	s6 =	sor.u32 @!p0 $0x4000, s6;
	s5 =	simm.s32 @!p0 $0x1B8D  }
0xb1: {  	s4 =	sshll.u32 @!p0 s4, $0x11;
	s6 =	sadd.s32 @!p0 $0x11B8D, s6;
	_ =	swait.eq @!p0 [sflag:s5], $0x1  }
0xb2: {  	s4 =	sor.u32 @!p0 s4, s6;
	[sflag:s5] =	ssyncadd.s32 @!p0 $0xFFFFFFFF  }
0xb3: {  	s25 =	simm.s32 $0x1B8E;
	s24 =	sld [smem:$0x3FFE];
	[sflag:s4] =	ssyncadd.remote.s32 @!p0 $0x1  }
0xb4: {  	s26 =	simm.s32 $execute0_lowered;
	[smem:$0x3FD2] =	sst s25  }
0xb5: {  	s5 =	sshll.u32 s26, $0x1;
	_ =	strace $0x8000004C;
	[dreg:$0x1] =	wrdreg $0xFFFFFFFF  }
0xb6: {  	s28 =	simm.s32 $_size_execute0_lowered;
	s3 =	sadd.s32 s3, s5;
	[dreg:$0x0] =	wrdreg $0x0  }
0xb7: {  	s5 =	sshll.u32 s28, $0x1;
	[dreg:$0x2] =	wrdreg s3  }
0xb8: {  	[dreg:$0x3] =	wrdreg s5  }
0xb9: {  	[dreg:$0x4] =	wrdreg $0xC0  }
0xba: {  	_ =	task [dreg:s22], $0x5FFFF  }
0xbb: {  	[dreg:$0x1] =	wrdreg $0xFFFFFFFF  }
0xbc: {  	[dreg:$0x0] =	wrdreg $0x60  }
0xbd: {  	[dreg:$0x2] =	wrdreg s24  }
0xbe: {  	[dreg:$0x3] =	wrdreg $0xEF000  }
0xbf: {  	[dreg:$0x4] =	wrdreg $0xB  }
0xc0: {  	_ =	task.clear_ibuf [dreg:s22], $0x5FFFF;
	_ =	strace $0x9000004C  }
0xc1: {  	s29 =	simm.s32 $0xB;
	_ =	strace $0x8000004E  }
0xc2: {  	_ =	swait.ge [sflag:s29], $0x1  }
0xc3: {  	[sflag:s29] =	ssyncadd.s32 $0xFFFFFFFF  }
0xc4: {  	_ =	strace $0x9000004E  }
0xc5: {  	_ =	sfence  }
0xc6: {  	s30 =	sld [smem:$0x0];
	_ =	sdelay $0x2  }
0xc7: {  	s31 =	sshll.u32 s1, $0xD;
	s1 =	sshrl.u32 s1, $0x2  }
0xc8: {  	s4 =	sand.u32 $0x4000, s31;
	s1 =	sadd.s32 s1, s30  }
0xc9: {  	s0 =	sor.u32 s4, s0;
	s1 =	sshll.u32 s1, $0x11  }
0xca: {  	s0 =	sor.u32 s1, s0  }
0xcb: {  	s0 =	sadd.s32 $0x8F2B, s0  }
0xcc: {  	[sflag:s0] =	ssyncadd.remote.s32 $0x1  }
0xcd: {  	_ =	sfence.sel $0xFFFF  }
0xce: {  	[dreg:$0x0] =	wrdreg $0xFFFFFFFF;
	(pc) =	sbr.abs _section_cstart, $3  }
0xcf: {  	[dreg:$0x1] =	wrdreg $0xFFFFFFFF  }
0xd0: {  	_ =	task.clear_ibuf [dreg:s22], $0x2FFFF;
	_ =	strace $0x9FFFFFFF  }
0xd1: {  	(tm) =	ssettm $0x7FFFFFFF  }
tec
execute0_lowered:
.L_overlay_start_1:
0x0: {  	(tag) =	ssettag $0x1  }
0x1: {  	s0 =	rddreg [dreg:$0x0]  }
0x2: {  	s2 =	rddreg [dreg:$0x1];
	s3 =	simm.s32 $0x0  }
0x3: {  	s9 =	stileid.u32;
	s5 =	srdreg.scid;
	s28 =	simm.s32 $0x6000  }
0x4: {  	s29 =	simm.s32 $0x80;
	s30 =	simm.s32 $0x8000;
	s10 =	simm.s32 $0x8  }
0x5: {  	[smem:$0x7FF] =	sst s3;
	s1 =	smul.u32 $0x3C00, s9;
	p0 =	seq.s32 s9, $0xF  }
0x6: {  	s4 =	smul.u32 $0xF0, s9;
	s5 =	sand.u32 $0x1, s5;
	s7 =	sadd.s32 $0x3C200, s0  }
0x7: {  	s21 =	sshll.u32 s9, $0xE;
	s22 =	sshll.u32 s9, $0x10;
	s9 =	simm.s32 $0x10  }
0x8: {  	_ =	strace $0x8000004D;
	s6 =	ssub.s32 $0x2, s5;
	[dreg:$0x3] =	wrdreg s7  }
0x9: {  	s23 =	sshll.u32 s5, $0xF;
	s7 =	sadd.s32 s22, s2;
	s5 =	simm.s32 $0x4  }
0xa: {  	s22 =	simm.s32 $0xA000;
	s1 =	simm.s32 @p0 $0x36D80;
	s4 =	sadd.s32 s4, s0  }
0xb: {  	s8 =	sshrl.u32 s6, $0x1;
	[dreg:$0x5] =	wrdreg s23;
	s24 =	sadd.s32 $0x2000, s7  }
0xc: {  	s25 =	sadd.s32 $0x4000, s7;
	s26 =	sadd.s32 $0x6000, s7;
	s11 =	sadd.s32 $0x8000, s7  }
0xd: {  	s12 =	sadd.s32 $0xA000, s7;
	s13 =	sadd.s32 $0xC000, s7;
	s14 =	sadd.s32 $0xE000, s7  }
0xe: {  	s23 =	simm.s32 $0x6;
	s1 =	sadd.s32 s1, s0;
	[dreg:$0x6] =	wrdreg s24  }
0xf: {  	s0 =	sadd.s32 s21, s0;
	s6 =	ssub.s32 s6, s8;
	[dreg:$0x8] =	wrdreg s25  }
0x10: {  	s4 =	sadd.s32 $0x3B200, s4;
	[dreg:$0x9] =	wrdreg s26;
	s24 =	simm.s32 $0xC000  }
0x11: {  	s25 =	simm.s32 $0x1;
	s26 =	simm.s32 $0x2;
	s21 =	simm.s32 $0x5  }
0x12: {  	[dreg:$0x4] =	wrdreg s4;
	s15 =	sadd.s32 $0x800, s1;
	s16 =	sadd.s32 $0x1400, s1  }
0x13: {  	s17 =	sadd.s32 $0x2000, s1;
	s18 =	sadd.s32 $0x2C00, s1;
	s19 =	sadd.s32 $0x3800, s1  }
0x14: {  	s20 =	sadd.s32 $0x23C600, s0;
	s31 =	smax.u32 s6, $0x1;
	s0 =	simm.s32 $0x2000  }
0x15: {  	s4 =	simm.s32 $0x3;
	s6 =	simm.s32 $0x0;
	[dreg:$0x7] =	wrdreg s31  }
.LBB2_1:
0x16: {  	[dreg:$0xa] =	wrdreg s6  }
0x17: {  	s1 =	rddreg [dreg:$0x4];
	s8 =	simm.s32 $0xE000  }
0x18: {  	[tilespmem:s8], [sflag:$0x6] =	stream.linear.gather [hbm4b:s1+s3], $0x780, $0x38;
	[tilespmem:$0x1F100] =	vst v63  }
0x19: {  	_ =	swait.ge [sflag:s23], $0x780  }
0x1a: {  	[sflag:s23] =	ssyncset.done $0x0  }
0x1b: {  	s31 =	rddreg [dreg:$0x3];
	[sflag:s23] =	ssyncadd.s32 $0xFFFFF880  }
0x1c: {  	[tilespmem:s24], [sflag:$0x6] =	stream.linear.gather [hbm4b:s31+s3], $0x2000, $0x38;
	[tilespmem:$0x1F100] =	vst v63  }
0x1d: {  	_ =	swait.ge [sflag:s23], $0x2000  }
0x1e: {  	[sflag:s23] =	ssyncset.done $0x0  }
0x1f: {  	p1 =	por $0x1, $0x1;
	s6 =	simm.s32 $0x0;
	[sflag:s23] =	ssyncadd.s32 $0xFFFFE000  }
.LBB2_2:
0x20: {  	[spmem:s7] =	stream.linear.scatter [tilespmem:s24], [sflag:$0x1], $0x2000, $0x38;
	[tilespmem:$0x1F100] =	vst v63  }
0x21: {  	s1 =	rddreg [dreg:$0x6]  }
0x22: {  	[spmem:s1] =	stream.linear.scatter [tilespmem:s24], [sflag:$0x1], $0x2000, $0x38;
	[tilespmem:$0x1F100] =	vst v63  }
0x23: {  	s8 =	rddreg [dreg:$0x8]  }
0x24: {  	[spmem:s8] =	stream.linear.scatter [tilespmem:s24], [sflag:$0x1], $0x2000, $0x38;
	[tilespmem:$0x1F100] =	vst v63  }
0x25: {  	s8 =	rddreg [dreg:$0x9]  }
0x26: {  	[spmem:s8] =	stream.linear.scatter [tilespmem:s24], [sflag:$0x1], $0x2000, $0x38;
	[tilespmem:$0x1F100] =	vst v63  }
0x27: {  	_ = 	snop  }
0x28: {  	[spmem:s11] =	stream.linear.scatter [tilespmem:s24], [sflag:$0x1], $0x2000, $0x38;
	[tilespmem:$0x1F100] =	vst v63  }
0x29: {  	_ = 	snop  }
0x2a: {  	[spmem:s12] =	stream.linear.scatter [tilespmem:s24], [sflag:$0x1], $0x2000, $0x38;
	[tilespmem:$0x1F100] =	vst v63  }
0x2b: {  	_ = 	snop  }
0x2c: {  	[spmem:s13] =	stream.linear.scatter [tilespmem:s24], [sflag:$0x1], $0x2000, $0x38;
	[tilespmem:$0x1F100] =	vst v63  }
0x2d: {  	s1 =	simm.s32 $0x0  }
0x2e: {  	[spmem:s14] =	stream.linear.scatter [tilespmem:s24], [sflag:$0x1], $0x2000, $0x38;
	[tilespmem:$0x1F100] =	vst v63  }
0x2f: {  	v1 =	vld [tilespmem:s1+$0xE070]  }
0x30: {  	v2 =	vld [tilespmem:s1+$0xE000]  }
0x31: {  	v4 =	vld [tilespmem:s1+$0xE010]  }
0x32: {  	s8 =	rddreg [dreg:$0x5];
	v5 =	vld [tilespmem:s1+$0xE020]  }
0x33: {  	s31 =	sor.u32 s8, s6;
	v7 =	vld [tilespmem:s1+$0xE040]  }
0x34: {  	s6 =	sor.u32 $0x20000, s31;
	v10 =	vld [tilespmem:s1+$0xE050]  }
0x35: {  	v0 =	vmov s6;
	v6 =	vld [tilespmem:s1+$0xE030]  }
0x36: {  	v8 =	vsub.s32 v1, v0;
	v3 =	vand.u32 $0x7F, v1  }
0x37: {  	v1 =	vsub.s32 v2, v0;
	v11 =	vand.u32 $0x7F, v2;
	v13 =	vand.u32 $0x7F, v4  }
0x38: {  	v14 =	vld [tilespmem:s1+$0xE060];
	v2 =	vsub.s32 v5, v0;
	v16 =	vand.u32 $0x7F, v5;
	v5 =	vsub.s32 v7, v0  }
0x39: {  	v12 =	vand.u32 $0x7F, v10;
	vm0 =	vlt.u32 v8, $0x4000;
	v9 =	vor.u32 $0x4000, v3  }
0x3a: {  	v3 =	vsub.s32 v4, v0;
	v4 =	vsub.s32 v6, v0;
	v13 =	vor.u32 $0x4000, v13  }
0x3b: {  	vm2 =	vlt.u32 v2, $0x4000;
	v15 =	vsel vm0, v8, v9;
	vm0 =	vlt.u32 v1, $0x4000  }
0x3c: {  	v9 =	vand.u32 $0x7F, v6;
	v8 =	vor.u32 $0x4000, v11;
	v11 =	vand.u32 $0x7F, v7  }
0x3d: {  	vm1 =	vlt.u32 v3, $0x4000;
	v6 =	vsub.s32 v10, v0;
	v7 =	vsub.s32 v14, v0  }
0x3e: {  	p0 =	por p1, p1;
	s8 =	simm.s32 $0x400;
	s6 =	simm.s32 $0x80;
	v10 =	vand.u32 $0x7F, v14;
	v14 =	vor.u32 $0x4000, v16;
	vm3 =	vlt.u32 v4, $0x4000;
	[tilespmem:s1+$0xE7F0] =	vst v15  }
.LBB2_3:
0x3f: {  	p1 =	sne.s32 s8, $0x1C00;
	v15 =	vld [tilespmem:s6+$0xE070];
	v9 =	vor.u32 $0x4000, v9;
	vm4 =	vlt.u32 v5, $0x4000;
	v11 =	vor.u32 $0x4000, v11  }
0x40: {  	vm5 =	vlt.u32 v6, $0x4000;
	v12 =	vor.u32 $0x4000, v12;
	vm6 =	vlt.u32 v7, $0x4000;
	v16 =	vld [tilespmem:s6+$0xE000]  }
0x41: {  	v1 =	vsel vm0, v1, v8;
	v3 =	vsel vm1, v3, v13;
	v8 =	vor.u32 $0x4000, v10;
	v17 =	vld [tilespmem:s6+$0xE010]  }
0x42: {  	v10 =	vld [tilespmem:s6+$0xE020];
	[tilespmem:s1+$0xE780] =	vst v1;
	v1 =	vsel vm2, v2, v14;
	v2 =	vsel vm3, v4, v9;
	v4 =	vsel vm4, v5, v11  }
0x43: {  	v6 =	vsel vm5, v6, v12;
	v7 =	vsel vm6, v7, v8;
	v5 =	vld [tilespmem:s6+$0xE030];
	[tilespmem:s1+$0xE790] =	vst v3  }
0x44: {  	v11 =	vld [tilespmem:s6+$0xE040];
	v8 =	vsub.s32 v15, v0;
	v3 =	vand.u32 $0x7F, v15;
	[tilespmem:s1+$0xE7A0] =	vst v1  }
0x45: {  	v1 =	vsub.s32 v16, v0;
	v12 =	vld [tilespmem:s6+$0xE050];
	vm0 =	vlt.u32 v8, $0x4000;
	v9 =	vor.u32 $0x4000, v3;
	[tilespmem:s1+$0xE7B0] =	vst v2  }
0x46: {  	v13 =	vand.u32 $0x7F, v16;
	v3 =	vsub.s32 v17, v0;
	v14 =	vld [tilespmem:s6+$0xE060];
	v8 =	vsel vm0, v8, v9;
	[tilespmem:s1+$0xE7C0] =	vst v4  }
0x47: {  	v15 =	vand.u32 $0x7F, v17;
	v2 =	vsub.s32 v10, v0;
	v16 =	vand.u32 $0x7F, v10;
	[tilespmem:s6+$0xE7F0] =	vst v8  }
.Ltmp0:
0x48: {  	vm0 =	vlt.u32 v1, $0x4000;
	v4 =	vsub.s32 v5, v0;
	v9 =	vand.u32 $0x7F, v5;
	[tilespmem:s1+$0xE7D0] =	vst v6;
	(pc) =	sbr.rel @p1 .LBB2_3-.Ltmp0, $4  }
0x49: {  	v8 =	vor.u32 $0x4000, v13;
	v5 =	vsub.s32 v11, v0;
	v11 =	vand.u32 $0x7F, v11;
	[tilespmem:s1+$0xE7E0] =	vst v7;
	s1 =	smov.u32 s6  }
0x4a: {  	vm1 =	vlt.u32 v3, $0x4000;
	v6 =	vsub.s32 v12, v0;
	v12 =	vand.u32 $0x7F, v12  }
0x4b: {  	v13 =	vor.u32 $0x4000, v15;
	v7 =	vsub.s32 v14, v0;
	v10 =	vand.u32 $0x7F, v14  }
0x4c: {  	vm2 =	vlt.u32 v2, $0x4000;
	s6 =	sshra.s32 s8, $0x2;
	s8 =	sadd.s32 $0x200, s8;
	vm3 =	vlt.u32 v4, $0x4000;
	v14 =	vor.u32 $0x4000, v16  }
0x4d: {  	v15 =	vld [tilespmem:s6+$0xE070]  }
0x4e: {  	v16 =	vld [tilespmem:s6+$0xE000];
	v1 =	vsel vm0, v1, v8;
	v9 =	vor.u32 $0x4000, v9  }
0x4f: {  	v17 =	vld [tilespmem:s6+$0xE010];
	vm14 =	vlt.u32 v5, $0x4000;
	v39 =	vor.u32 $0x4000, v11;
	v3 =	vsel vm1, v3, v13  }
0x50: {  	v38 =	vld [tilespmem:s6+$0xE020];
	vm15 =	vlt.u32 v6, $0x4000;
	v12 =	vor.u32 $0x4000, v12;
	vm4 =	vlt.u32 v7, $0x4000  }
0x51: {  	v41 =	vor.u32 $0x4000, v10;
	v2 =	vsel vm2, v2, v14;
	[tilespmem:s1+$0xE780] =	vst v1;
	v4 =	vsel vm3, v4, v9  }
0x52: {  	v1 =	vsel vm14, v5, v39;
	v43 =	vsel vm15, v6, v12;
	v40 =	vld [tilespmem:s6+$0xE030];
	[tilespmem:s1+$0xE790] =	vst v3;
	v3 =	vsel vm4, v7, v41  }
0x53: {  	v44 =	vsub.s32 v15, v0;
	v45 =	vand.u32 $0x7F, v15;
	v46 =	vsub.s32 v16, v0  }
0x54: {  	v48 =	vand.u32 $0x7F, v16;
	v49 =	vsub.s32 v17, v0;
	v51 =	vand.u32 $0x7F, v17  }
0x55: {  	v42 =	vld [tilespmem:s6+$0xE040];
	[tilespmem:s1+$0xE7A0] =	vst v2;
	v52 =	vsub.s32 v38, v0;
	v8 =	vand.u32 $0x7F, v38;
	vm8 =	vlt.u32 v44, $0x4000  }
0x56: {  	v47 =	vld [tilespmem:s6+$0xE050];
	[tilespmem:s1+$0xE7B0] =	vst v4;
	v6 =	vor.u32 $0x4000, v45;
	vm9 =	vlt.u32 v46, $0x4000;
	v4 =	vor.u32 $0x4000, v48  }
0x57: {  	v50 =	vld [tilespmem:s6+$0xE060];
	[tilespmem:s1+$0xE7C0] =	vst v1;
	vm10 =	vlt.u32 v49, $0x4000;
	vm11 =	vlt.u32 v52, $0x4000;
	v2 =	vsel vm8, v44, v6  }
0x58: {  	v58 =	vor.u32 $0x4000, v8;
	v53 =	vsub.s32 v40, v0;
	v11 =	vand.u32 $0x7F, v40;
	[tilespmem:s6+$0xE7F0] =	vst v2  }
0x59: {  	v6 =	vor.u32 $0x4000, v51;
	v4 =	vsel vm9, v46, v4;
	v7 =	vsel vm11, v52, v58;
	[tilespmem:s1+$0xE7D0] =	vst v43  }
0x5a: {  	v54 =	vsub.s32 v42, v0;
	v9 =	vand.u32 $0x7F, v42;
	v6 =	vsel vm10, v49, v6;
	[tilespmem:s1+$0xE7E0] =	vst v3  }
0x5b: {  	vm12 =	vlt.u32 v53, $0x4000;
	v59 =	vor.u32 $0x4000, v11;
	v55 =	vsub.s32 v47, v0;
	[tilespmem:s6+$0xE780] =	vst v4  }
0x5c: {  	v10 =	vand.u32 $0x7F, v47;
	vm13 =	vlt.u32 v54, $0x4000;
	v60 =	vor.u32 $0x4000, v9;
	[tilespmem:s6+$0xE790] =	vst v6  }
0x5d: {  	v1 =	vsel vm12, v53, v59;
	v56 =	vsub.s32 v50, v0;
	v57 =	vand.u32 $0x7F, v50;
	[tilespmem:s6+$0xE7A0] =	vst v7  }
0x5e: {  	vm14 =	vlt.u32 v55, $0x4000;
	v61 =	vor.u32 $0x4000, v10;
	v2 =	vsel vm13, v54, v60;
	[tilespmem:s6+$0xE7B0] =	vst v1  }
0x5f: {  	vm15 =	vlt.u32 v56, $0x4000;
	v62 =	vor.u32 $0x4000, v57;
	v63 =	vsel vm14, v55, v61;
	[tilespmem:s6+$0xE7C0] =	vst v2  }
0x60: {  	v0 =	vsel vm15, v56, v62;
	[tilespmem:s6+$0xE7D0] =	vst v63  }
0x61: {  	[tilespmem:s6+$0xE7E0] =	vst v0  }
0x62: {  	_ =	swait.ge [sflag:s25], $0x2000  }
0x63: {  	[sflag:s25] =	ssyncset.done $0x0  }
0x64: {  	[sflag:s25] =	ssyncadd.s32 $0xFFFFE000  }
0x65: {  	_ =	swait.ge [sflag:s25], $0x2000  }
0x66: {  	[sflag:s25] =	ssyncset.done $0x0  }
0x67: {  	[sflag:s25] =	ssyncadd.s32 $0xFFFFE000  }
0x68: {  	_ =	swait.ge [sflag:s25], $0x2000  }
0x69: {  	[sflag:s25] =	ssyncset.done $0x0  }
0x6a: {  	[sflag:s25] =	ssyncadd.s32 $0xFFFFE000  }
0x6b: {  	_ =	swait.ge [sflag:s25], $0x2000  }
0x6c: {  	[sflag:s25] =	ssyncset.done $0x0  }
0x6d: {  	[sflag:s25] =	ssyncadd.s32 $0xFFFFE000  }
0x6e: {  	_ =	swait.ge [sflag:s25], $0x2000  }
0x6f: {  	[sflag:s25] =	ssyncset.done $0x0  }
0x70: {  	[sflag:s25] =	ssyncadd.s32 $0xFFFFE000  }
0x71: {  	_ =	swait.ge [sflag:s25], $0x2000  }
0x72: {  	[sflag:s25] =	ssyncset.done $0x0  }
0x73: {  	[sflag:s25] =	ssyncadd.s32 $0xFFFFE000  }
0x74: {  	_ =	swait.ge [sflag:s25], $0x2000  }
0x75: {  	[sflag:s25] =	ssyncset.done $0x0  }
0x76: {  	[sflag:s25] =	ssyncadd.s32 $0xFFFFE000  }
0x77: {  	_ =	swait.ge [sflag:s25], $0x2000  }
0x78: {  	[sflag:s25] =	ssyncset.done $0x0  }
0x79: {  	[sflag:s25] =	ssyncadd.s32 $0xFFFFE000  }
0x7a: {  	[bflag:$0x0] =	sbarrier.arrive $0xFFFF  }
0x7b: {  	[tilespmem:s3], [sflag:$0x2] =	stream.linear.gather [hbm4b:s15+s3], $0x6000, $0x38;
	[tilespmem:$0x1F100] =	vst v63  }
0x7c: {  	_ =	swait.ge [sflag:s26], $0x6000  }
0x7d: {  	[sflag:s26] =	ssyncset.done $0x0  }
0x7e: {  	[sflag:s26] =	ssyncadd.s32 $0xFFFFA000  }
0x7f: {  	[tilespmem:s28], [sflag:$0x3] =	stream.linear.gather [hbm4b:s16+s3], $0x6000, $0x38;
	[tilespmem:$0x1F100] =	vst v63  }
0x80: {  	s8 =	simm.s32 $0xE780  }
0x81: {  	[spmem:s2] =	stream.indirect.scatter.add.f32 [tilespmem:s3], [sflag:$0x4], $0x40, s8, s29, $0xb8;
	[tilespmem:$0x1F100] =	vst v63  }
0x82: {  	s6 =	simm.s32 $0xE800  }
0x83: {  	[spmem:s2] =	stream.indirect.scatter.add.f32 [tilespmem:s0], [sflag:$0x4], $0x40, s6, s29, $0xb8;
	[tilespmem:$0x1F100] =	vst v63  }
0x84: {  	s8 =	simm.s32 $0xE880;
	s6 =	simm.s32 $0x4000  }
0x85: {  	[spmem:s2] =	stream.indirect.scatter.add.f32 [tilespmem:s6], [sflag:$0x4], $0x40, s8, s29, $0xb8;
	[tilespmem:$0x1F100] =	vst v63  }
0x86: {  	_ =	swait.ge [sflag:s4], $0x6000  }
0x87: {  	[sflag:s4] =	ssyncset.done $0x0  }
0x88: {  	[sflag:s4] =	ssyncadd.s32 $0xFFFFA000  }
0x89: {  	_ =	swait.ge [sflag:s5], $0x2000  }
0x8a: {  	[sflag:s5] =	ssyncset.done $0x0  }
0x8b: {  	[sflag:s5] =	ssyncadd.s32 $0xFFFFE000  }
0x8c: {  	_ =	swait.ge [sflag:s5], $0x2000  }
0x8d: {  	[sflag:s5] =	ssyncset.done $0x0  }
0x8e: {  	[sflag:s5] =	ssyncadd.s32 $0xFFFFE000  }
0x8f: {  	_ =	swait.ge [sflag:s5], $0x2000  }
0x90: {  	[sflag:s5] =	ssyncset.done $0x0  }
0x91: {  	[sflag:s5] =	ssyncadd.s32 $0xFFFFE000  }
0x92: {  	[tilespmem:s3], [sflag:$0x2] =	stream.linear.gather [hbm4b:s17+s3], $0x6000, $0x38;
	[tilespmem:$0x1F100] =	vst v63  }
0x93: {  	s8 =	simm.s32 $0xE900  }
0x94: {  	[spmem:s2] =	stream.indirect.scatter.add.f32 [tilespmem:s28], [sflag:$0x5], $0x40, s8, s29, $0xb8;
	[tilespmem:$0x1F100] =	vst v63  }
0x95: {  	s8 =	simm.s32 $0xE980  }
0x96: {  	[spmem:s2] =	stream.indirect.scatter.add.f32 [tilespmem:s30], [sflag:$0x5], $0x40, s8, s29, $0xb8;
	[tilespmem:$0x1F100] =	vst v63  }
0x97: {  	s8 =	simm.s32 $0xEA00  }
0x98: {  	[spmem:s2] =	stream.indirect.scatter.add.f32 [tilespmem:s22], [sflag:$0x5], $0x40, s8, s29, $0xb8;
	[tilespmem:$0x1F100] =	vst v63  }
0x99: {  	_ =	swait.ge [sflag:s26], $0x6000  }
0x9a: {  	[sflag:s26] =	ssyncset.done $0x0  }
0x9b: {  	[sflag:s26] =	ssyncadd.s32 $0xFFFFA000  }
0x9c: {  	_ =	swait.ge [sflag:s21], $0x2000  }
0x9d: {  	[sflag:s21] =	ssyncset.done $0x0  }
0x9e: {  	[sflag:s21] =	ssyncadd.s32 $0xFFFFE000  }
0x9f: {  	_ =	swait.ge [sflag:s21], $0x2000  }
0xa0: {  	[sflag:s21] =	ssyncset.done $0x0  }
0xa1: {  	[sflag:s21] =	ssyncadd.s32 $0xFFFFE000  }
0xa2: {  	_ =	swait.ge [sflag:s21], $0x2000  }
0xa3: {  	[sflag:s21] =	ssyncset.done $0x0  }
0xa4: {  	[sflag:s21] =	ssyncadd.s32 $0xFFFFE000  }
0xa5: {  	[tilespmem:s28], [sflag:$0x3] =	stream.linear.gather [hbm4b:s18+s3], $0x6000, $0x38;
	[tilespmem:$0x1F100] =	vst v63  }
0xa6: {  	s8 =	simm.s32 $0xEA80  }
0xa7: {  	[spmem:s2] =	stream.indirect.scatter.add.f32 [tilespmem:s3], [sflag:$0x4], $0x40, s8, s29, $0xb8;
	[tilespmem:$0x1F100] =	vst v63  }
0xa8: {  	s8 =	simm.s32 $0xEB00  }
0xa9: {  	[spmem:s2] =	stream.indirect.scatter.add.f32 [tilespmem:s0], [sflag:$0x4], $0x40, s8, s29, $0xb8;
	[tilespmem:$0x1F100] =	vst v63  }
0xaa: {  	s8 =	simm.s32 $0xEB80  }
0xab: {  	[spmem:s2] =	stream.indirect.scatter.add.f32 [tilespmem:s6], [sflag:$0x4], $0x40, s8, s29, $0xb8;
	[tilespmem:$0x1F100] =	vst v63  }
0xac: {  	_ =	swait.ge [sflag:s4], $0x6000  }
0xad: {  	[sflag:s4] =	ssyncset.done $0x0  }
0xae: {  	[sflag:s4] =	ssyncadd.s32 $0xFFFFA000  }
0xaf: {  	_ =	swait.ge [sflag:s5], $0x2000  }
0xb0: {  	[sflag:s5] =	ssyncset.done $0x0  }
0xb1: {  	[sflag:s5] =	ssyncadd.s32 $0xFFFFE000  }
0xb2: {  	_ =	swait.ge [sflag:s5], $0x2000  }
0xb3: {  	[sflag:s5] =	ssyncset.done $0x0  }
0xb4: {  	[sflag:s5] =	ssyncadd.s32 $0xFFFFE000  }
0xb5: {  	_ =	swait.ge [sflag:s5], $0x2000  }
0xb6: {  	[sflag:s5] =	ssyncset.done $0x0  }
0xb7: {  	[sflag:s5] =	ssyncadd.s32 $0xFFFFE000  }
0xb8: {  	[tilespmem:s3], [sflag:$0x2] =	stream.linear.gather [hbm4b:s19+s3], $0x6000, $0x38;
	[tilespmem:$0x1F100] =	vst v63  }
0xb9: {  	s8 =	simm.s32 $0xEC00  }
0xba: {  	[spmem:s2] =	stream.indirect.scatter.add.f32 [tilespmem:s28], [sflag:$0x5], $0x40, s8, s29, $0xb8;
	[tilespmem:$0x1F100] =	vst v63  }
0xbb: {  	s8 =	simm.s32 $0xEC80  }
0xbc: {  	[spmem:s2] =	stream.indirect.scatter.add.f32 [tilespmem:s30], [sflag:$0x5], $0x40, s8, s29, $0xb8;
	[tilespmem:$0x1F100] =	vst v63  }
0xbd: {  	s8 =	simm.s32 $0xED00  }
0xbe: {  	[spmem:s2] =	stream.indirect.scatter.add.f32 [tilespmem:s22], [sflag:$0x5], $0x40, s8, s29, $0xb8;
	[tilespmem:$0x1F100] =	vst v63  }
0xbf: {  	_ =	swait.ge [sflag:s26], $0x6000  }
0xc0: {  	[sflag:s26] =	ssyncset.done $0x0  }
0xc1: {  	s8 =	simm.s32 $0xED80;
	[sflag:s26] =	ssyncadd.s32 $0xFFFFA000  }
0xc2: {  	[spmem:s2] =	stream.indirect.scatter.add.f32 [tilespmem:s3], [sflag:$0x4], $0x40, s8, s29, $0xb8;
	[tilespmem:$0x1F100] =	vst v63  }
0xc3: {  	s8 =	simm.s32 $0xEE00  }
0xc4: {  	[spmem:s2] =	stream.indirect.scatter.add.f32 [tilespmem:s0], [sflag:$0x4], $0x40, s8, s29, $0xb8;
	[tilespmem:$0x1F100] =	vst v63  }
0xc5: {  	s8 =	simm.s32 $0xEE80  }
0xc6: {  	[spmem:s2] =	stream.indirect.scatter.add.f32 [tilespmem:s6], [sflag:$0x4], $0x40, s8, s29, $0xb8;
	[tilespmem:$0x1F100] =	vst v63  }
0xc7: {  	_ =	swait.ge [sflag:s21], $0x2000  }
0xc8: {  	[sflag:s21] =	ssyncset.done $0x0  }
0xc9: {  	[sflag:s21] =	ssyncadd.s32 $0xFFFFE000  }
0xca: {  	_ =	swait.ge [sflag:s21], $0x2000  }
0xcb: {  	[sflag:s21] =	ssyncset.done $0x0  }
0xcc: {  	[sflag:s21] =	ssyncadd.s32 $0xFFFFE000  }
0xcd: {  	_ =	swait.ge [sflag:s21], $0x2000  }
0xce: {  	[sflag:s21] =	ssyncset.done $0x0  }
0xcf: {  	[sflag:s21] =	ssyncadd.s32 $0xFFFFE000  }
0xd0: {  	_ =	swait.ge [sflag:s5], $0x2000  }
0xd1: {  	[sflag:s5] =	ssyncset.done $0x0  }
0xd2: {  	[sflag:s5] =	ssyncadd.s32 $0xFFFFE000  }
0xd3: {  	_ =	swait.ge [sflag:s5], $0x2000  }
0xd4: {  	[sflag:s5] =	ssyncset.done $0x0  }
0xd5: {  	[sflag:s5] =	ssyncadd.s32 $0xFFFFE000  }
0xd6: {  	s31 =	sshll.u32 s31, $0x4;
	_ =	swait.ge [sflag:s5], $0x2000  }
0xd7: {  	s1 =	sadd.s32 s31, s20;
	s8 =	stileid.u32;
	[sflag:s5] =	ssyncset.done $0x0  }
0xd8: {  	s31 =	sshrl.u32 s7, $0x3;
	s8 =	sshll.u32 s8, $0x6;
	[sflag:s5] =	ssyncadd.s32 $0xFFFFE000  }
.Ltmp1:
0xd9: {  	s8 =	sor.u32 $0x1C06, s8;
	[bflag:$0x0] =	sbarrier.arrive $0xFFFF;
	(pc) =	sbr.rel @p0 .LBB2_2-.Ltmp1, $4  }
0xda: {  	[hbm:s1@s9], [sflag:s8] =	dma.strided [spmem:s31@s10], $0x2000, s25, $0x8   }
0xdb: {  	_ =	swait.ge [sflag:s23], $0x2000  }
0xdc: {  	[sflag:s23] =	ssyncset.done $0x0  }
0xdd: {  	p1 =	por $0x0, $0x0;
	[sflag:s23] =	ssyncadd.s32 $0xFFFFE000  }
0xde: {  	s6 =	rddreg [dreg:$0xa]  }
0xdf: {  	s1 =	rddreg [dreg:$0x7];
	s6 =	sadd.s32 $0x1, s6  }
0xe0: {  	p0 =	sne.s32 s6, s1  }
.Ltmp2:
0xe1: {  	_ = 	snop;
	(pc) =	sbr.rel @p0 .LBB2_1-.Ltmp2, $1  }
0xe2: {  	_ =	sdelay $0x3  }
0xe3: {  	_ =	sfence.sel $0x180000  }
0xe4: {  	[bflag:$0x0] =	sbarrier.arrive $0xFFFF  }
0xe5: {  	_ =	strace $0x9000004D  }
0xe6: {  	s0 =	stileid.u32;
	[bflag:$0x2] =	sbarrier.arrive $0xFFFF  }
0xe7: {  	p0 =	sne.s32 s0, $0x0;
	s0 =	rddreg [dreg:$0x2]  }
0xe8: {  	s0 =	sadd.s32 @!p0 $0x100000, s0  }
0xe9: {  	[sflag:s0] =	ssyncadd.tile.s32 @!p0 $0x1;
	_ =	shalt  }
.Lfunc_end2:
_tile_overlayer_lowered:
.L_overlay_start_2:
0xea: {  	(tag) =	ssettag $0x2  }
0xeb: {  	s0 =	rddreg [dreg:$0x0];
	s2 =	stileid.u32  }
0xec: {  	s1 =	rddreg [dreg:$0x1];
	p0 =	sne.s32 s2, $0x0  }
0xed: {  	s3 =	rddreg [dreg:$0x2];
	[bflag:$0x3] =	sbarrier.arrive $0xFFFF;
	s2 =	simm.s32 @!p0 $0x1C06  }
0xee: {  	[timem:s3], [sflag:s2] =	dma.local @!p0 [hbm:s0], s1  }
0xef: {  	s0 =	simm.s32 @!p0 $0x6  }
0xf0: {  	_ =	swait.ge @!p0 [sflag:s0], s1  }
0xf1: {  	s1 =	ssub.s32 @!p0 $0x0, s1;
	[sflag:s0] =	ssyncset.done @!p0 $0x0  }
0xf2: {  	[sflag:s0] =	ssyncadd.s32 @!p0 s1  }
0xf3: {  	[bflag:$0x3] =	sbarrier.arrive $0xFFFF  }
0xf4: {  	_ =	shalt  }

// kernel: kernel.19.cloned.1.call-start
scs
__scs_entry_jumppad:
0x0: {  	(pc) =	sbr.rel $0x88, $3  }
0x1: {  	(tag) =	ssettag $0x0;
	lr =	simm.s32 $0x1  }
0x2: {  	[smem:$0x3F9F] =	sst lr;
	_ =	strace $0xD0000000  }
0x3: {  	_ = 	snop  }
0x4: {  	_ = 	snop  }
0x5: {  	_ = 	snop  }
0x6: {  	_ = 	snop  }
0x7: {  	_ = 	snop  }
__scs_overlays_trampoline_lowered:
0x8: {  	[smem:$0x3FAE] =	sst s0  }
0x9: {  	[smem:$0x3FAF] =	sst s1  }
0xa: {  	[smem:$0x3FB0] =	sst s2  }
0xb: {  	[smem:$0x3FB1] =	sst s3  }
0xc: {  	[smem:$0x3FB2] =	sst s4  }
0xd: {  	[smem:$0x3FB3] =	sst s5  }
0xe: {  	[smem:$0x3FB4] =	sst s6  }
0xf: {  	[smem:$0x3FB5] =	sst s7  }
0x10: {  	[smem:$0x3FB6] =	sst s8  }
0x11: {  	[smem:$0x3FB7] =	sst s9;
	s0 =	simm.s32 @!p0 $0x0  }
0x12: {  	s1 =	sld [smem:$0x3F9D];
	s0 =	simm.s32 @p0 $0x1  }
0x13: {  	[smem:$0x3FB8] =	sst s0;
	s0 =	simm.s32 @!p1 $0x0  }
0x14: {  	s2 =	sld [smem:$0x3F9C];
	s0 =	simm.s32 @p1 $0x1  }
0x15: {  	[smem:$0x3FB9] =	sst s0;
	s0 =	simm.s32 @!p2 $0x0  }
0x16: {  	s3 =	sld [smem:$0x3FDB];
	s0 =	simm.s32 @p2 $0x1  }
0x17: {  	s4 =	simm.s32 $0x1BF5;
	[smem:$0x3FBB] =	sst s0  }
0x18: {  	s0 =	sld [smem:$0x3F9E];
	_ =	swait.ge [sflag:s4], $0x0  }
0x19: {  	s7 =	sld [smem:$0x3F9F]  }
0x1a: {  	s8 =	sadd.s32 $0xFFFFE003, lr  }
0x1b: {  	s9 =	sadd.s32 $0xFFFFFEF7, lr;
	s5 =	simm.s32 $0xFFFFFFFF;
	p2 =	slt.u32 s8, $0xFFFFF086  }
0x1c: {  	p1 =	slt.u32 s9, $0xF7A;
	s5 =	simm.s32 @!p2 $0x0  }
0x1d: {  	s5 =	simm.s32 @p1 $0x1;
	p0 =	seq.s32 s7, s2  }
0x1e: {  	s7 =	smul.u32 @!p0 $0xF7A, s2;
	p2 =	seq.s32 @!p0 s5, $0x0  }
0x1f: {  	s9 =	smul.u32 $0xF7A, s1;
	s8 =	simm.s32 @!p0 $0x1BF5;
	p2 =	por !p2, p0  }
0x20: {  	[sflag:s8] =	ssyncset.s32 @!p0 $0xFFFFF086;
	s6 =	sadd.s32 @!p0 s3, s7;
	s7 =	simm.s32 @!p0 $0x108  }
0x21: {  	s3 =	sadd.s32 s3, s9;
	s6 =	sadd.s32 @!p0 $0x88, s6;
	s7 =	simm.s32 @p2 $0x1082  }
0x22: {  	[simem:s7], [sflag:s8] =	dma.local @!p0 [hbm:s6], $0xF7A  }
0x23: {  	s9 =	sor.u32 $0xD0000000, s2;
	s6 =	simm.s32 $0x108;
	_ =	swait.ge @!p0 [sflag:s8], $0x0  }
0x24: {  	s3 =	sadd.s32 $0x88, s3;
	s6 =	simm.s32 @!p1 $0x1082;
	[sflag:s4] =	ssyncset.s32 $0xFFFFF086  }
0x25: {  	[simem:s6], [sflag:s4] =	dma.local [hbm:s3], $0xF7A  }
0x26: {  	[smem:$0x3F9F] =	sst s1;
	(tag) =	ssettag s2;
	_ =	strace s9  }
0x27: {  	s1 =	sld [smem:$0x3FAF]  }
0x28: {  	s2 =	sld [smem:$0x3FB0]  }
0x29: {  	s4 =	sld [smem:$0x3FB2]  }
0x2a: {  	p0 =	seq.s32 s5, $0x0;
	s5 =	sld [smem:$0x3FB3]  }
0x2b: {  	s6 =	sld [smem:$0x3FB4]  }
0x2c: {  	s7 =	sld [smem:$0x3FB5]  }
0x2d: {  	s3 =	simm.s32 $0x108;
	s8 =	sld [smem:$0x3FB6]  }
0x2e: {  	s3 =	simm.s32 @!p0 $0x1082;
	s9 =	sld [smem:$0x3FB7]  }
0x2f: {  	lr =	sadd.s32 s0, s3;
	s0 =	sld [smem:$0x3FAE]  }
0x30: {  	s3 =	sld [smem:$0x3FB1]  }
0x31: {  	[smem:$0x3FBA] =	sst s10  }
0x32: {  	s10 =	sld [smem:$0x3FB8];
	_ =	sdelay $0x3  }
0x33: {  	p0 =	seq.s32 s10, $0x1;
	s10 =	sld [smem:$0x3FBA];
	_ =	sdelay $0x3  }
0x34: {  	[smem:$0x3FBA] =	sst s10  }
0x35: {  	s10 =	sld [smem:$0x3FB9];
	_ =	sdelay $0x3  }
0x36: {  	p1 =	seq.s32 s10, $0x1;
	s10 =	sld [smem:$0x3FBA];
	_ =	sdelay $0x3  }
0x37: {  	[smem:$0x3FBA] =	sst s10  }
0x38: {  	s10 =	sld [smem:$0x3FBB]  }
0x39: {  	_ = 	snop;
	(pc) =	sbr.ind lr, $3  }
0x3a: {  	_ = 	snop  }
0x3b: {  	_ = 	snop  }
0x3c: {  	p2 =	seq.s32 s10, $0x1;
	s10 =	sld [smem:$0x3FBA]  }
0x3d: {  	_ =	shalt  }
0x3e: {  	_ =	shalt  }
0x3f: {  	_ =	shalt  }
0x40: {  	_ =	shalt  }
0x41: {  	_ =	shalt  }
0x42: {  	_ =	shalt  }
0x43: {  	_ =	shalt  }
0x44: {  	_ =	shalt  }
0x45: {  	_ =	shalt  }
0x46: {  	_ =	shalt  }
0x47: {  	_ =	shalt  }
0x48: {  	_ =	shalt  }
0x49: {  	_ =	shalt  }
0x4a: {  	_ =	shalt  }
0x4b: {  	_ =	shalt  }
0x4c: {  	_ =	shalt  }
0x4d: {  	_ =	shalt  }
0x4e: {  	_ =	shalt  }
0x4f: {  	_ =	shalt  }
0x50: {  	_ =	shalt  }
0x51: {  	_ =	shalt  }
0x52: {  	_ =	shalt  }
0x53: {  	_ =	shalt  }
0x54: {  	_ =	shalt  }
0x55: {  	_ =	shalt  }
0x56: {  	_ =	shalt  }
0x57: {  	_ =	shalt  }
0x58: {  	_ =	shalt  }
0x59: {  	_ =	shalt  }
0x5a: {  	_ =	shalt  }
0x5b: {  	_ =	shalt  }
0x5c: {  	_ =	shalt  }
0x5d: {  	_ =	shalt  }
0x5e: {  	_ =	shalt  }
0x5f: {  	_ =	shalt  }
0x60: {  	_ =	shalt  }
0x61: {  	_ =	shalt  }
0x62: {  	_ =	shalt  }
0x63: {  	_ =	shalt  }
0x64: {  	_ =	shalt  }
0x65: {  	_ =	shalt  }
0x66: {  	_ =	shalt  }
0x67: {  	_ =	shalt  }
0x68: {  	_ =	shalt  }
0x69: {  	_ =	shalt  }
0x6a: {  	_ =	shalt  }
0x6b: {  	_ =	shalt  }
0x6c: {  	_ =	shalt  }
0x6d: {  	_ =	shalt  }
0x6e: {  	_ =	shalt  }
0x6f: {  	_ =	shalt  }
0x70: {  	_ =	shalt  }
0x71: {  	_ =	shalt  }
0x72: {  	_ =	shalt  }
0x73: {  	_ =	shalt  }
0x74: {  	_ =	shalt  }
0x75: {  	_ =	shalt  }
0x76: {  	_ =	shalt  }
0x77: {  	_ =	shalt  }
0x78: {  	_ =	shalt  }
0x79: {  	_ =	shalt  }
0x7a: {  	_ =	shalt  }
0x7b: {  	_ =	shalt  }
0x7c: {  	_ =	shalt  }
0x7d: {  	_ =	shalt  }
0x7e: {  	_ =	shalt  }
0x7f: {  	_ =	shalt  }
0x80: {  	_ =	shalt  }
0x81: {  	_ =	shalt  }
0x82: {  	_ =	shalt  }
0x83: {  	_ =	shalt  }
0x84: {  	_ =	shalt  }
0x85: {  	_ =	shalt  }
0x86: {  	_ =	shalt  }
0x87: {  	_ =	shalt  }
.Lfunc_end0:
.L_simem_size_0:
called_computation.3_lowered:
.L_overlay_start_0:
0x88: {  	s2 =	sld [smem:$0x3FD9]  }
0x89: {  	s3 =	sld [smem:$0x3FFE];
	_ =	sdelay $0x1  }
0x8a: {  	s1 =	srdreg.scid  }
0x8b: {  	s0 =	sand.u32 $0x1, s1  }
0x8c: {  	s17 =	sshll.u32 s0, $0xA;
	s2 =	sadd.s32 s3, s2  }
0x8d: {  	s2 =	sadd.s32 s2, s17  }
0x8e: {  	[smem:$0x3FC6] =	sst s2  }
0x8f: {  	_ = 	snop  }
0x90: {  	(tm) =	ssettm $0x1  }
0x91: {  	s18 =	sld [smem:$0x3FFB];
	_ =	sdelay $0x3  }
0x92: {  	_ =	strace s18  }
0x93: {  	s2 =	sld [smem:$0x3FFC];
	_ =	sdelay $0x3  }
0x94: {  	_ =	strace s2  }
0x95: {  	s2 =	sld [smem:$0x3FFD];
	_ =	sdelay $0x3  }
0x96: {  	_ =	strace s2  }
0x97: {  	_ =	strace $0x8FFFFFFF  }
0x98: {  	s19 =	sld [smem:$0x3FDB];
	_ =	sdelay $0x1  }
0x99: {  	s20 =	simm.s32 $_scs_section_size  }
0x9a: {  	s4 =	simm.s32 $_size__tile_overlayer_lowered;
	s5 =	simm.s32 $_tile_overlayer_lowered  }
0x9b: {  	s6 =	simm.s32 $0x1BFF;
	s21 =	sshll.u32 s5, $0x1;
	s3 =	sadd.s32 s20, s19  }
0x9c: {  	s22 =	simm.s32 $0x0;
	s4 =	sshll.u32 s4, $0x1;
	s5 =	sadd.s32 s21, s3  }
0x9d: {  	[timem:s22], [sflag:s6] =	dma.local [hbm:s5], s4  }
0x9e: {  	_ =	swait.ge [sflag:s6], s4  }
0x9f: {  	s4 =	ssub.s32 $0x0, s4;
	[sflag:s6] =	ssyncset.done $0x0  }
0xa0: {  	[sflag:s6] =	ssyncadd.s32 s4;
	_ =	sdelay $0x1  }
0xa1: {  	s23 =	simm.s32 $0x1B8B  }
0xa2: {  	_ =	swait.ge [sflag:s23], $0x1  }
0xa3: {  	[sflag:s23] =	ssyncset.done $0x0  }
0xa4: {  	[sflag:s23] =	ssyncadd.s32 $0xFFFFFFFF  }
0xa5: {  	s4 =	sld [smem:$0x0]  }
0xa6: {  	s5 =	sand.u32 $0xFFFFFFFE, s1  }
0xa7: {  	p0 =	sne.s32 s1, s5  }
0xa8: {  	s5 =	sshll.u32 @p0 s5, $0xE  }
0xa9: {  	s5 =	sadd.s32 @p0 $0x11B8D, s5;
	s6 =	sshll.u32 @p0 s4, $0x11  }
0xaa: {  	s5 =	sor.u32 @p0 s6, s5  }
0xab: {  	[sflag:s5] =	ssyncadd.remote.s32 @p0 $0x1;
	_ =	sdelay $0x1  }
0xac: {  	s5 =	simm.s32 @p0 $0x1B8D  }
0xad: {  	_ =	swait.eq @p0 [sflag:s5], $0x1  }
0xae: {  	[sflag:s5] =	ssyncadd.s32 @p0 $0xFFFFFFFF  }
0xaf: {  	s6 =	sshll.u32 @!p0 s1, $0xE  }
0xb0: {  	s6 =	sor.u32 @!p0 $0x4000, s6;
	s5 =	simm.s32 @!p0 $0x1B8D  }
0xb1: {  	s4 =	sshll.u32 @!p0 s4, $0x11;
	s6 =	sadd.s32 @!p0 $0x11B8D, s6;
	_ =	swait.eq @!p0 [sflag:s5], $0x1  }
0xb2: {  	s4 =	sor.u32 @!p0 s4, s6;
	[sflag:s5] =	ssyncadd.s32 @!p0 $0xFFFFFFFF  }
0xb3: {  	s25 =	simm.s32 $0x1B8E;
	s24 =	sld [smem:$0x3FFE];
	[sflag:s4] =	ssyncadd.remote.s32 @!p0 $0x1  }
0xb4: {  	s26 =	simm.s32 $execute0_lowered;
	[smem:$0x3FD2] =	sst s25  }
0xb5: {  	s5 =	sshll.u32 s26, $0x1;
	_ =	strace $0x8000004F;
	[dreg:$0x1] =	wrdreg $0xFFFFFFFF  }
0xb6: {  	s28 =	simm.s32 $_size_execute0_lowered;
	s3 =	sadd.s32 s3, s5;
	[dreg:$0x0] =	wrdreg $0x0  }
0xb7: {  	s5 =	sshll.u32 s28, $0x1;
	[dreg:$0x2] =	wrdreg s3  }
0xb8: {  	[dreg:$0x3] =	wrdreg s5  }
0xb9: {  	[dreg:$0x4] =	wrdreg $0xC0  }
0xba: {  	_ =	task [dreg:s22], $0x5FFFF  }
0xbb: {  	[dreg:$0x1] =	wrdreg $0xFFFFFFFF  }
0xbc: {  	[dreg:$0x0] =	wrdreg $0x60  }
0xbd: {  	[dreg:$0x2] =	wrdreg s24  }
0xbe: {  	[dreg:$0x3] =	wrdreg $0xEF000  }
0xbf: {  	[dreg:$0x4] =	wrdreg $0xC  }
0xc0: {  	_ =	task.clear_ibuf [dreg:s22], $0x5FFFF;
	_ =	strace $0x9000004F  }
0xc1: {  	s29 =	simm.s32 $0xC;
	_ =	strace $0x80000051  }
0xc2: {  	_ =	swait.ge [sflag:s29], $0x1  }
0xc3: {  	[sflag:s29] =	ssyncadd.s32 $0xFFFFFFFF  }
0xc4: {  	_ =	strace $0x90000051  }
0xc5: {  	_ =	sfence  }
0xc6: {  	s30 =	sld [smem:$0x0];
	_ =	sdelay $0x2  }
0xc7: {  	s31 =	sshll.u32 s1, $0xD;
	s1 =	sshrl.u32 s1, $0x2  }
0xc8: {  	s4 =	sand.u32 $0x4000, s31;
	s1 =	sadd.s32 s1, s30  }
0xc9: {  	s0 =	sor.u32 s4, s0;
	s1 =	sshll.u32 s1, $0x11  }
0xca: {  	s0 =	sor.u32 s1, s0  }
0xcb: {  	s0 =	sadd.s32 $0x8F2B, s0  }
0xcc: {  	[sflag:s0] =	ssyncadd.remote.s32 $0x1  }
0xcd: {  	_ =	sfence.sel $0xFFFF  }
0xce: {  	[dreg:$0x0] =	wrdreg $0xFFFFFFFF;
	(pc) =	sbr.abs _section_cstart, $3  }
0xcf: {  	[dreg:$0x1] =	wrdreg $0xFFFFFFFF  }
0xd0: {  	_ =	task.clear_ibuf [dreg:s22], $0x2FFFF;
	_ =	strace $0x9FFFFFFF  }
0xd1: {  	(tm) =	ssettm $0x7FFFFFFF  }
tec
execute0_lowered:
.L_overlay_start_1:
0x0: {  	(tag) =	ssettag $0x1  }
0x1: {  	s0 =	rddreg [dreg:$0x0]  }
0x2: {  	s2 =	rddreg [dreg:$0x1];
	s3 =	simm.s32 $0x0  }
0x3: {  	s9 =	stileid.u32;
	s5 =	srdreg.scid;
	s28 =	simm.s32 $0x6000  }
0x4: {  	s29 =	simm.s32 $0x80;
	s30 =	simm.s32 $0x8000;
	s10 =	simm.s32 $0x8  }
0x5: {  	[smem:$0x7FF] =	sst s3;
	s1 =	smul.u32 $0x3C00, s9;
	p0 =	seq.s32 s9, $0xF  }
0x6: {  	s4 =	smul.u32 $0xF0, s9;
	s5 =	sand.u32 $0x1, s5;
	s7 =	sadd.s32 $0x3C200, s0  }
0x7: {  	s21 =	sshll.u32 s9, $0xE;
	s22 =	sshll.u32 s9, $0x10;
	s9 =	simm.s32 $0x10  }
0x8: {  	_ =	strace $0x80000050;
	s6 =	ssub.s32 $0x2, s5;
	[dreg:$0x3] =	wrdreg s7  }
0x9: {  	s23 =	sshll.u32 s5, $0xF;
	s7 =	sadd.s32 s22, s2;
	s5 =	simm.s32 $0x4  }
0xa: {  	s22 =	simm.s32 $0xA000;
	s1 =	simm.s32 @p0 $0x36D80;
	s4 =	sadd.s32 s4, s0  }
0xb: {  	s8 =	sshrl.u32 s6, $0x1;
	[dreg:$0x5] =	wrdreg s23;
	s24 =	sadd.s32 $0x2000, s7  }
0xc: {  	s25 =	sadd.s32 $0x4000, s7;
	s26 =	sadd.s32 $0x6000, s7;
	s11 =	sadd.s32 $0x8000, s7  }
0xd: {  	s12 =	sadd.s32 $0xA000, s7;
	s13 =	sadd.s32 $0xC000, s7;
	s14 =	sadd.s32 $0xE000, s7  }
0xe: {  	s23 =	simm.s32 $0x6;
	s1 =	sadd.s32 s1, s0;
	[dreg:$0x6] =	wrdreg s24  }
0xf: {  	s0 =	sadd.s32 s21, s0;
	s6 =	ssub.s32 s6, s8;
	[dreg:$0x8] =	wrdreg s25  }
0x10: {  	s4 =	sadd.s32 $0x3B200, s4;
	[dreg:$0x9] =	wrdreg s26;
	s24 =	simm.s32 $0xC000  }
0x11: {  	s25 =	simm.s32 $0x1;
	s26 =	simm.s32 $0x2;
	s21 =	simm.s32 $0x5  }
0x12: {  	[dreg:$0x4] =	wrdreg s4;
	s15 =	sadd.s32 $0x800, s1;
	s16 =	sadd.s32 $0x1400, s1  }
0x13: {  	s17 =	sadd.s32 $0x2000, s1;
	s18 =	sadd.s32 $0x2C00, s1;
	s19 =	sadd.s32 $0x3800, s1  }
0x14: {  	s20 =	sadd.s32 $0x33C600, s0;
	s31 =	smax.u32 s6, $0x1;
	s0 =	simm.s32 $0x2000  }
0x15: {  	s4 =	simm.s32 $0x3;
	s6 =	simm.s32 $0x0;
	[dreg:$0x7] =	wrdreg s31  }
.LBB2_1:
0x16: {  	[dreg:$0xa] =	wrdreg s6  }
0x17: {  	s1 =	rddreg [dreg:$0x4];
	s8 =	simm.s32 $0xE000  }
0x18: {  	[tilespmem:s8], [sflag:$0x6] =	stream.linear.gather [hbm4b:s1+s3], $0x780, $0x38;
	[tilespmem:$0x1F100] =	vst v63  }
0x19: {  	_ =	swait.ge [sflag:s23], $0x780  }
0x1a: {  	[sflag:s23] =	ssyncset.done $0x0  }
0x1b: {  	s31 =	rddreg [dreg:$0x3];
	[sflag:s23] =	ssyncadd.s32 $0xFFFFF880  }
0x1c: {  	[tilespmem:s24], [sflag:$0x6] =	stream.linear.gather [hbm4b:s31+s3], $0x2000, $0x38;
	[tilespmem:$0x1F100] =	vst v63  }
0x1d: {  	_ =	swait.ge [sflag:s23], $0x2000  }
0x1e: {  	[sflag:s23] =	ssyncset.done $0x0  }
0x1f: {  	p1 =	por $0x1, $0x1;
	s6 =	simm.s32 $0x0;
	[sflag:s23] =	ssyncadd.s32 $0xFFFFE000  }
.LBB2_2:
0x20: {  	[spmem:s7] =	stream.linear.scatter [tilespmem:s24], [sflag:$0x1], $0x2000, $0x38;
	[tilespmem:$0x1F100] =	vst v63  }
0x21: {  	s1 =	rddreg [dreg:$0x6]  }
0x22: {  	[spmem:s1] =	stream.linear.scatter [tilespmem:s24], [sflag:$0x1], $0x2000, $0x38;
	[tilespmem:$0x1F100] =	vst v63  }
0x23: {  	s8 =	rddreg [dreg:$0x8]  }
0x24: {  	[spmem:s8] =	stream.linear.scatter [tilespmem:s24], [sflag:$0x1], $0x2000, $0x38;
	[tilespmem:$0x1F100] =	vst v63  }
0x25: {  	s8 =	rddreg [dreg:$0x9]  }
0x26: {  	[spmem:s8] =	stream.linear.scatter [tilespmem:s24], [sflag:$0x1], $0x2000, $0x38;
	[tilespmem:$0x1F100] =	vst v63  }
0x27: {  	_ = 	snop  }
0x28: {  	[spmem:s11] =	stream.linear.scatter [tilespmem:s24], [sflag:$0x1], $0x2000, $0x38;
	[tilespmem:$0x1F100] =	vst v63  }
0x29: {  	_ = 	snop  }
0x2a: {  	[spmem:s12] =	stream.linear.scatter [tilespmem:s24], [sflag:$0x1], $0x2000, $0x38;
	[tilespmem:$0x1F100] =	vst v63  }
0x2b: {  	_ = 	snop  }
0x2c: {  	[spmem:s13] =	stream.linear.scatter [tilespmem:s24], [sflag:$0x1], $0x2000, $0x38;
	[tilespmem:$0x1F100] =	vst v63  }
0x2d: {  	s1 =	simm.s32 $0x0  }
0x2e: {  	[spmem:s14] =	stream.linear.scatter [tilespmem:s24], [sflag:$0x1], $0x2000, $0x38;
	[tilespmem:$0x1F100] =	vst v63  }
0x2f: {  	v1 =	vld [tilespmem:s1+$0xE070]  }
0x30: {  	v2 =	vld [tilespmem:s1+$0xE000]  }
0x31: {  	v4 =	vld [tilespmem:s1+$0xE010]  }
0x32: {  	s8 =	rddreg [dreg:$0x5];
	v5 =	vld [tilespmem:s1+$0xE020]  }
0x33: {  	s31 =	sor.u32 s8, s6;
	v7 =	vld [tilespmem:s1+$0xE040]  }
0x34: {  	s6 =	sor.u32 $0x30000, s31;
	v10 =	vld [tilespmem:s1+$0xE050]  }
0x35: {  	v0 =	vmov s6;
	v6 =	vld [tilespmem:s1+$0xE030]  }
0x36: {  	v8 =	vsub.s32 v1, v0;
	v3 =	vand.u32 $0x7F, v1  }
0x37: {  	v1 =	vsub.s32 v2, v0;
	v11 =	vand.u32 $0x7F, v2;
	v13 =	vand.u32 $0x7F, v4  }
0x38: {  	v14 =	vld [tilespmem:s1+$0xE060];
	v2 =	vsub.s32 v5, v0;
	v16 =	vand.u32 $0x7F, v5;
	v5 =	vsub.s32 v7, v0  }
0x39: {  	v12 =	vand.u32 $0x7F, v10;
	vm0 =	vlt.u32 v8, $0x4000;
	v9 =	vor.u32 $0x4000, v3  }
0x3a: {  	v3 =	vsub.s32 v4, v0;
	v4 =	vsub.s32 v6, v0;
	v13 =	vor.u32 $0x4000, v13  }
0x3b: {  	vm2 =	vlt.u32 v2, $0x4000;
	v15 =	vsel vm0, v8, v9;
	vm0 =	vlt.u32 v1, $0x4000  }
0x3c: {  	v9 =	vand.u32 $0x7F, v6;
	v8 =	vor.u32 $0x4000, v11;
	v11 =	vand.u32 $0x7F, v7  }
0x3d: {  	vm1 =	vlt.u32 v3, $0x4000;
	v6 =	vsub.s32 v10, v0;
	v7 =	vsub.s32 v14, v0  }
0x3e: {  	p0 =	por p1, p1;
	s8 =	simm.s32 $0x400;
	s6 =	simm.s32 $0x80;
	v10 =	vand.u32 $0x7F, v14;
	v14 =	vor.u32 $0x4000, v16;
	vm3 =	vlt.u32 v4, $0x4000;
	[tilespmem:s1+$0xE7F0] =	vst v15  }
.LBB2_3:
0x3f: {  	p1 =	sne.s32 s8, $0x1C00;
	v15 =	vld [tilespmem:s6+$0xE070];
	v9 =	vor.u32 $0x4000, v9;
	vm4 =	vlt.u32 v5, $0x4000;
	v11 =	vor.u32 $0x4000, v11  }
0x40: {  	vm5 =	vlt.u32 v6, $0x4000;
	v12 =	vor.u32 $0x4000, v12;
	vm6 =	vlt.u32 v7, $0x4000;
	v16 =	vld [tilespmem:s6+$0xE000]  }
0x41: {  	v1 =	vsel vm0, v1, v8;
	v3 =	vsel vm1, v3, v13;
	v8 =	vor.u32 $0x4000, v10;
	v17 =	vld [tilespmem:s6+$0xE010]  }
0x42: {  	v10 =	vld [tilespmem:s6+$0xE020];
	[tilespmem:s1+$0xE780] =	vst v1;
	v1 =	vsel vm2, v2, v14;
	v2 =	vsel vm3, v4, v9;
	v4 =	vsel vm4, v5, v11  }
0x43: {  	v6 =	vsel vm5, v6, v12;
	v7 =	vsel vm6, v7, v8;
	v5 =	vld [tilespmem:s6+$0xE030];
	[tilespmem:s1+$0xE790] =	vst v3  }
0x44: {  	v11 =	vld [tilespmem:s6+$0xE040];
	v8 =	vsub.s32 v15, v0;
	v3 =	vand.u32 $0x7F, v15;
	[tilespmem:s1+$0xE7A0] =	vst v1  }
0x45: {  	v1 =	vsub.s32 v16, v0;
	v12 =	vld [tilespmem:s6+$0xE050];
	vm0 =	vlt.u32 v8, $0x4000;
	v9 =	vor.u32 $0x4000, v3;
	[tilespmem:s1+$0xE7B0] =	vst v2  }
0x46: {  	v13 =	vand.u32 $0x7F, v16;
	v3 =	vsub.s32 v17, v0;
	v14 =	vld [tilespmem:s6+$0xE060];
	v8 =	vsel vm0, v8, v9;
	[tilespmem:s1+$0xE7C0] =	vst v4  }
0x47: {  	v15 =	vand.u32 $0x7F, v17;
	v2 =	vsub.s32 v10, v0;
	v16 =	vand.u32 $0x7F, v10;
	[tilespmem:s6+$0xE7F0] =	vst v8  }
.Ltmp0:
0x48: {  	vm0 =	vlt.u32 v1, $0x4000;
	v4 =	vsub.s32 v5, v0;
	v9 =	vand.u32 $0x7F, v5;
	[tilespmem:s1+$0xE7D0] =	vst v6;
	(pc) =	sbr.rel @p1 .LBB2_3-.Ltmp0, $4  }
0x49: {  	v8 =	vor.u32 $0x4000, v13;
	v5 =	vsub.s32 v11, v0;
	v11 =	vand.u32 $0x7F, v11;
	[tilespmem:s1+$0xE7E0] =	vst v7;
	s1 =	smov.u32 s6  }
0x4a: {  	vm1 =	vlt.u32 v3, $0x4000;
	v6 =	vsub.s32 v12, v0;
	v12 =	vand.u32 $0x7F, v12  }
0x4b: {  	v13 =	vor.u32 $0x4000, v15;
	v7 =	vsub.s32 v14, v0;
	v10 =	vand.u32 $0x7F, v14  }
0x4c: {  	vm2 =	vlt.u32 v2, $0x4000;
	s6 =	sshra.s32 s8, $0x2;
	s8 =	sadd.s32 $0x200, s8;
	vm3 =	vlt.u32 v4, $0x4000;
	v14 =	vor.u32 $0x4000, v16  }
0x4d: {  	v15 =	vld [tilespmem:s6+$0xE070]  }
0x4e: {  	v16 =	vld [tilespmem:s6+$0xE000];
	v1 =	vsel vm0, v1, v8;
	v9 =	vor.u32 $0x4000, v9  }
0x4f: {  	v17 =	vld [tilespmem:s6+$0xE010];
	vm14 =	vlt.u32 v5, $0x4000;
	v39 =	vor.u32 $0x4000, v11;
	v3 =	vsel vm1, v3, v13  }
0x50: {  	v38 =	vld [tilespmem:s6+$0xE020];
	vm15 =	vlt.u32 v6, $0x4000;
	v12 =	vor.u32 $0x4000, v12;
	vm4 =	vlt.u32 v7, $0x4000  }
0x51: {  	v41 =	vor.u32 $0x4000, v10;
	v2 =	vsel vm2, v2, v14;
	[tilespmem:s1+$0xE780] =	vst v1;
	v4 =	vsel vm3, v4, v9  }
0x52: {  	v1 =	vsel vm14, v5, v39;
	v43 =	vsel vm15, v6, v12;
	v40 =	vld [tilespmem:s6+$0xE030];
	[tilespmem:s1+$0xE790] =	vst v3;
	v3 =	vsel vm4, v7, v41  }
0x53: {  	v44 =	vsub.s32 v15, v0;
	v45 =	vand.u32 $0x7F, v15;
	v46 =	vsub.s32 v16, v0  }
0x54: {  	v48 =	vand.u32 $0x7F, v16;
	v49 =	vsub.s32 v17, v0;
	v51 =	vand.u32 $0x7F, v17  }
0x55: {  	v42 =	vld [tilespmem:s6+$0xE040];
	[tilespmem:s1+$0xE7A0] =	vst v2;
	v52 =	vsub.s32 v38, v0;
	v8 =	vand.u32 $0x7F, v38;
	vm8 =	vlt.u32 v44, $0x4000  }
0x56: {  	v47 =	vld [tilespmem:s6+$0xE050];
	[tilespmem:s1+$0xE7B0] =	vst v4;
	v6 =	vor.u32 $0x4000, v45;
	vm9 =	vlt.u32 v46, $0x4000;
	v4 =	vor.u32 $0x4000, v48  }
0x57: {  	v50 =	vld [tilespmem:s6+$0xE060];
	[tilespmem:s1+$0xE7C0] =	vst v1;
	vm10 =	vlt.u32 v49, $0x4000;
	vm11 =	vlt.u32 v52, $0x4000;
	v2 =	vsel vm8, v44, v6  }
0x58: {  	v58 =	vor.u32 $0x4000, v8;
	v53 =	vsub.s32 v40, v0;
	v11 =	vand.u32 $0x7F, v40;
	[tilespmem:s6+$0xE7F0] =	vst v2  }
0x59: {  	v6 =	vor.u32 $0x4000, v51;
	v4 =	vsel vm9, v46, v4;
	v7 =	vsel vm11, v52, v58;
	[tilespmem:s1+$0xE7D0] =	vst v43  }
0x5a: {  	v54 =	vsub.s32 v42, v0;
	v9 =	vand.u32 $0x7F, v42;
	v6 =	vsel vm10, v49, v6;
	[tilespmem:s1+$0xE7E0] =	vst v3  }
0x5b: {  	vm12 =	vlt.u32 v53, $0x4000;
	v59 =	vor.u32 $0x4000, v11;
	v55 =	vsub.s32 v47, v0;
	[tilespmem:s6+$0xE780] =	vst v4  }
0x5c: {  	v10 =	vand.u32 $0x7F, v47;
	vm13 =	vlt.u32 v54, $0x4000;
	v60 =	vor.u32 $0x4000, v9;
	[tilespmem:s6+$0xE790] =	vst v6  }
0x5d: {  	v1 =	vsel vm12, v53, v59;
	v56 =	vsub.s32 v50, v0;
	v57 =	vand.u32 $0x7F, v50;
	[tilespmem:s6+$0xE7A0] =	vst v7  }
0x5e: {  	vm14 =	vlt.u32 v55, $0x4000;
	v61 =	vor.u32 $0x4000, v10;
	v2 =	vsel vm13, v54, v60;
	[tilespmem:s6+$0xE7B0] =	vst v1  }
0x5f: {  	vm15 =	vlt.u32 v56, $0x4000;
	v62 =	vor.u32 $0x4000, v57;
	v63 =	vsel vm14, v55, v61;
	[tilespmem:s6+$0xE7C0] =	vst v2  }
0x60: {  	v0 =	vsel vm15, v56, v62;
	[tilespmem:s6+$0xE7D0] =	vst v63  }
0x61: {  	[tilespmem:s6+$0xE7E0] =	vst v0  }
0x62: {  	_ =	swait.ge [sflag:s25], $0x2000  }
0x63: {  	[sflag:s25] =	ssyncset.done $0x0  }
0x64: {  	[sflag:s25] =	ssyncadd.s32 $0xFFFFE000  }
0x65: {  	_ =	swait.ge [sflag:s25], $0x2000  }
0x66: {  	[sflag:s25] =	ssyncset.done $0x0  }
0x67: {  	[sflag:s25] =	ssyncadd.s32 $0xFFFFE000  }
0x68: {  	_ =	swait.ge [sflag:s25], $0x2000  }
0x69: {  	[sflag:s25] =	ssyncset.done $0x0  }
0x6a: {  	[sflag:s25] =	ssyncadd.s32 $0xFFFFE000  }
0x6b: {  	_ =	swait.ge [sflag:s25], $0x2000  }
0x6c: {  	[sflag:s25] =	ssyncset.done $0x0  }
0x6d: {  	[sflag:s25] =	ssyncadd.s32 $0xFFFFE000  }
0x6e: {  	_ =	swait.ge [sflag:s25], $0x2000  }
0x6f: {  	[sflag:s25] =	ssyncset.done $0x0  }
0x70: {  	[sflag:s25] =	ssyncadd.s32 $0xFFFFE000  }
0x71: {  	_ =	swait.ge [sflag:s25], $0x2000  }
0x72: {  	[sflag:s25] =	ssyncset.done $0x0  }
0x73: {  	[sflag:s25] =	ssyncadd.s32 $0xFFFFE000  }
0x74: {  	_ =	swait.ge [sflag:s25], $0x2000  }
0x75: {  	[sflag:s25] =	ssyncset.done $0x0  }
0x76: {  	[sflag:s25] =	ssyncadd.s32 $0xFFFFE000  }
0x77: {  	_ =	swait.ge [sflag:s25], $0x2000  }
0x78: {  	[sflag:s25] =	ssyncset.done $0x0  }
0x79: {  	[sflag:s25] =	ssyncadd.s32 $0xFFFFE000  }
0x7a: {  	[bflag:$0x0] =	sbarrier.arrive $0xFFFF  }
0x7b: {  	[tilespmem:s3], [sflag:$0x2] =	stream.linear.gather [hbm4b:s15+s3], $0x6000, $0x38;
	[tilespmem:$0x1F100] =	vst v63  }
0x7c: {  	_ =	swait.ge [sflag:s26], $0x6000  }
0x7d: {  	[sflag:s26] =	ssyncset.done $0x0  }
0x7e: {  	[sflag:s26] =	ssyncadd.s32 $0xFFFFA000  }
0x7f: {  	[tilespmem:s28], [sflag:$0x3] =	stream.linear.gather [hbm4b:s16+s3], $0x6000, $0x38;
	[tilespmem:$0x1F100] =	vst v63  }
0x80: {  	s8 =	simm.s32 $0xE780  }
0x81: {  	[spmem:s2] =	stream.indirect.scatter.add.f32 [tilespmem:s3], [sflag:$0x4], $0x40, s8, s29, $0xb8;
	[tilespmem:$0x1F100] =	vst v63  }
0x82: {  	s6 =	simm.s32 $0xE800  }
0x83: {  	[spmem:s2] =	stream.indirect.scatter.add.f32 [tilespmem:s0], [sflag:$0x4], $0x40, s6, s29, $0xb8;
	[tilespmem:$0x1F100] =	vst v63  }
0x84: {  	s8 =	simm.s32 $0xE880;
	s6 =	simm.s32 $0x4000  }
0x85: {  	[spmem:s2] =	stream.indirect.scatter.add.f32 [tilespmem:s6], [sflag:$0x4], $0x40, s8, s29, $0xb8;
	[tilespmem:$0x1F100] =	vst v63  }
0x86: {  	_ =	swait.ge [sflag:s4], $0x6000  }
0x87: {  	[sflag:s4] =	ssyncset.done $0x0  }
0x88: {  	[sflag:s4] =	ssyncadd.s32 $0xFFFFA000  }
0x89: {  	_ =	swait.ge [sflag:s5], $0x2000  }
0x8a: {  	[sflag:s5] =	ssyncset.done $0x0  }
0x8b: {  	[sflag:s5] =	ssyncadd.s32 $0xFFFFE000  }
0x8c: {  	_ =	swait.ge [sflag:s5], $0x2000  }
0x8d: {  	[sflag:s5] =	ssyncset.done $0x0  }
0x8e: {  	[sflag:s5] =	ssyncadd.s32 $0xFFFFE000  }
0x8f: {  	_ =	swait.ge [sflag:s5], $0x2000  }
0x90: {  	[sflag:s5] =	ssyncset.done $0x0  }
0x91: {  	[sflag:s5] =	ssyncadd.s32 $0xFFFFE000  }
0x92: {  	[tilespmem:s3], [sflag:$0x2] =	stream.linear.gather [hbm4b:s17+s3], $0x6000, $0x38;
	[tilespmem:$0x1F100] =	vst v63  }
0x93: {  	s8 =	simm.s32 $0xE900  }
0x94: {  	[spmem:s2] =	stream.indirect.scatter.add.f32 [tilespmem:s28], [sflag:$0x5], $0x40, s8, s29, $0xb8;
	[tilespmem:$0x1F100] =	vst v63  }
0x95: {  	s8 =	simm.s32 $0xE980  }
0x96: {  	[spmem:s2] =	stream.indirect.scatter.add.f32 [tilespmem:s30], [sflag:$0x5], $0x40, s8, s29, $0xb8;
	[tilespmem:$0x1F100] =	vst v63  }
0x97: {  	s8 =	simm.s32 $0xEA00  }
0x98: {  	[spmem:s2] =	stream.indirect.scatter.add.f32 [tilespmem:s22], [sflag:$0x5], $0x40, s8, s29, $0xb8;
	[tilespmem:$0x1F100] =	vst v63  }
0x99: {  	_ =	swait.ge [sflag:s26], $0x6000  }
0x9a: {  	[sflag:s26] =	ssyncset.done $0x0  }
0x9b: {  	[sflag:s26] =	ssyncadd.s32 $0xFFFFA000  }
0x9c: {  	_ =	swait.ge [sflag:s21], $0x2000  }
0x9d: {  	[sflag:s21] =	ssyncset.done $0x0  }
0x9e: {  	[sflag:s21] =	ssyncadd.s32 $0xFFFFE000  }
0x9f: {  	_ =	swait.ge [sflag:s21], $0x2000  }
0xa0: {  	[sflag:s21] =	ssyncset.done $0x0  }
0xa1: {  	[sflag:s21] =	ssyncadd.s32 $0xFFFFE000  }
0xa2: {  	_ =	swait.ge [sflag:s21], $0x2000  }
0xa3: {  	[sflag:s21] =	ssyncset.done $0x0  }
0xa4: {  	[sflag:s21] =	ssyncadd.s32 $0xFFFFE000  }
0xa5: {  	[tilespmem:s28], [sflag:$0x3] =	stream.linear.gather [hbm4b:s18+s3], $0x6000, $0x38;
	[tilespmem:$0x1F100] =	vst v63  }
0xa6: {  	s8 =	simm.s32 $0xEA80  }
0xa7: {  	[spmem:s2] =	stream.indirect.scatter.add.f32 [tilespmem:s3], [sflag:$0x4], $0x40, s8, s29, $0xb8;
	[tilespmem:$0x1F100] =	vst v63  }
0xa8: {  	s8 =	simm.s32 $0xEB00  }
0xa9: {  	[spmem:s2] =	stream.indirect.scatter.add.f32 [tilespmem:s0], [sflag:$0x4], $0x40, s8, s29, $0xb8;
	[tilespmem:$0x1F100] =	vst v63  }
0xaa: {  	s8 =	simm.s32 $0xEB80  }
0xab: {  	[spmem:s2] =	stream.indirect.scatter.add.f32 [tilespmem:s6], [sflag:$0x4], $0x40, s8, s29, $0xb8;
	[tilespmem:$0x1F100] =	vst v63  }
0xac: {  	_ =	swait.ge [sflag:s4], $0x6000  }
0xad: {  	[sflag:s4] =	ssyncset.done $0x0  }
0xae: {  	[sflag:s4] =	ssyncadd.s32 $0xFFFFA000  }
0xaf: {  	_ =	swait.ge [sflag:s5], $0x2000  }
0xb0: {  	[sflag:s5] =	ssyncset.done $0x0  }
0xb1: {  	[sflag:s5] =	ssyncadd.s32 $0xFFFFE000  }
0xb2: {  	_ =	swait.ge [sflag:s5], $0x2000  }
0xb3: {  	[sflag:s5] =	ssyncset.done $0x0  }
0xb4: {  	[sflag:s5] =	ssyncadd.s32 $0xFFFFE000  }
0xb5: {  	_ =	swait.ge [sflag:s5], $0x2000  }
0xb6: {  	[sflag:s5] =	ssyncset.done $0x0  }
0xb7: {  	[sflag:s5] =	ssyncadd.s32 $0xFFFFE000  }
0xb8: {  	[tilespmem:s3], [sflag:$0x2] =	stream.linear.gather [hbm4b:s19+s3], $0x6000, $0x38;
	[tilespmem:$0x1F100] =	vst v63  }
0xb9: {  	s8 =	simm.s32 $0xEC00  }
0xba: {  	[spmem:s2] =	stream.indirect.scatter.add.f32 [tilespmem:s28], [sflag:$0x5], $0x40, s8, s29, $0xb8;
	[tilespmem:$0x1F100] =	vst v63  }
0xbb: {  	s8 =	simm.s32 $0xEC80  }
0xbc: {  	[spmem:s2] =	stream.indirect.scatter.add.f32 [tilespmem:s30], [sflag:$0x5], $0x40, s8, s29, $0xb8;
	[tilespmem:$0x1F100] =	vst v63  }
0xbd: {  	s8 =	simm.s32 $0xED00  }
0xbe: {  	[spmem:s2] =	stream.indirect.scatter.add.f32 [tilespmem:s22], [sflag:$0x5], $0x40, s8, s29, $0xb8;
	[tilespmem:$0x1F100] =	vst v63  }
0xbf: {  	_ =	swait.ge [sflag:s26], $0x6000  }
0xc0: {  	[sflag:s26] =	ssyncset.done $0x0  }
0xc1: {  	s8 =	simm.s32 $0xED80;
	[sflag:s26] =	ssyncadd.s32 $0xFFFFA000  }
0xc2: {  	[spmem:s2] =	stream.indirect.scatter.add.f32 [tilespmem:s3], [sflag:$0x4], $0x40, s8, s29, $0xb8;
	[tilespmem:$0x1F100] =	vst v63  }
0xc3: {  	s8 =	simm.s32 $0xEE00  }
0xc4: {  	[spmem:s2] =	stream.indirect.scatter.add.f32 [tilespmem:s0], [sflag:$0x4], $0x40, s8, s29, $0xb8;
	[tilespmem:$0x1F100] =	vst v63  }
0xc5: {  	s8 =	simm.s32 $0xEE80  }
0xc6: {  	[spmem:s2] =	stream.indirect.scatter.add.f32 [tilespmem:s6], [sflag:$0x4], $0x40, s8, s29, $0xb8;
	[tilespmem:$0x1F100] =	vst v63  }
0xc7: {  	_ =	swait.ge [sflag:s21], $0x2000  }
0xc8: {  	[sflag:s21] =	ssyncset.done $0x0  }
0xc9: {  	[sflag:s21] =	ssyncadd.s32 $0xFFFFE000  }
0xca: {  	_ =	swait.ge [sflag:s21], $0x2000  }
0xcb: {  	[sflag:s21] =	ssyncset.done $0x0  }
0xcc: {  	[sflag:s21] =	ssyncadd.s32 $0xFFFFE000  }
0xcd: {  	_ =	swait.ge [sflag:s21], $0x2000  }
0xce: {  	[sflag:s21] =	ssyncset.done $0x0  }
0xcf: {  	[sflag:s21] =	ssyncadd.s32 $0xFFFFE000  }
0xd0: {  	_ =	swait.ge [sflag:s5], $0x2000  }
0xd1: {  	[sflag:s5] =	ssyncset.done $0x0  }
0xd2: {  	[sflag:s5] =	ssyncadd.s32 $0xFFFFE000  }
0xd3: {  	_ =	swait.ge [sflag:s5], $0x2000  }
0xd4: {  	[sflag:s5] =	ssyncset.done $0x0  }
0xd5: {  	[sflag:s5] =	ssyncadd.s32 $0xFFFFE000  }
0xd6: {  	s31 =	sshll.u32 s31, $0x4;
	_ =	swait.ge [sflag:s5], $0x2000  }
0xd7: {  	s1 =	sadd.s32 s31, s20;
	s8 =	stileid.u32;
	[sflag:s5] =	ssyncset.done $0x0  }
0xd8: {  	s31 =	sshrl.u32 s7, $0x3;
	s8 =	sshll.u32 s8, $0x6;
	[sflag:s5] =	ssyncadd.s32 $0xFFFFE000  }
.Ltmp1:
0xd9: {  	s8 =	sor.u32 $0x1C06, s8;
	[bflag:$0x0] =	sbarrier.arrive $0xFFFF;
	(pc) =	sbr.rel @p0 .LBB2_2-.Ltmp1, $4  }
0xda: {  	[hbm:s1@s9], [sflag:s8] =	dma.strided [spmem:s31@s10], $0x2000, s25, $0x8   }
0xdb: {  	_ =	swait.ge [sflag:s23], $0x2000  }
0xdc: {  	[sflag:s23] =	ssyncset.done $0x0  }
0xdd: {  	p1 =	por $0x0, $0x0;
	[sflag:s23] =	ssyncadd.s32 $0xFFFFE000  }
0xde: {  	s6 =	rddreg [dreg:$0xa]  }
0xdf: {  	s1 =	rddreg [dreg:$0x7];
	s6 =	sadd.s32 $0x1, s6  }
0xe0: {  	p0 =	sne.s32 s6, s1  }
.Ltmp2:
0xe1: {  	_ = 	snop;
	(pc) =	sbr.rel @p0 .LBB2_1-.Ltmp2, $1  }
0xe2: {  	_ =	sdelay $0x3  }
0xe3: {  	_ =	sfence.sel $0x180000  }
0xe4: {  	[bflag:$0x0] =	sbarrier.arrive $0xFFFF  }
0xe5: {  	_ =	strace $0x90000050  }
0xe6: {  	s0 =	stileid.u32;
	[bflag:$0x2] =	sbarrier.arrive $0xFFFF  }
0xe7: {  	p0 =	sne.s32 s0, $0x0;
	s0 =	rddreg [dreg:$0x2]  }
0xe8: {  	s0 =	sadd.s32 @!p0 $0x100000, s0  }
0xe9: {  	[sflag:s0] =	ssyncadd.tile.s32 @!p0 $0x1;
	_ =	shalt  }
.Lfunc_end2:
_tile_overlayer_lowered:
.L_overlay_start_2:
0xea: {  	(tag) =	ssettag $0x2  }
0xeb: {  	s0 =	rddreg [dreg:$0x0];
	s2 =	stileid.u32  }
0xec: {  	s1 =	rddreg [dreg:$0x1];
	p0 =	sne.s32 s2, $0x0  }
0xed: {  	s3 =	rddreg [dreg:$0x2];
	[bflag:$0x3] =	sbarrier.arrive $0xFFFF;
	s2 =	simm.s32 @!p0 $0x1C06  }
0xee: {  	[timem:s3], [sflag:s2] =	dma.local @!p0 [hbm:s0], s1  }
0xef: {  	s0 =	simm.s32 @!p0 $0x6  }
0xf0: {  	_ =	swait.ge @!p0 [sflag:s0], s1  }
0xf1: {  	s1 =	ssub.s32 @!p0 $0x0, s1;
	[sflag:s0] =	ssyncset.done @!p0 $0x0  }
0xf2: {  	[sflag:s0] =	ssyncadd.s32 @!p0 s1  }
0xf3: {  	[bflag:$0x3] =	sbarrier.arrive $0xFFFF  }
0xf4: {  	_ =	shalt  }

</sc_bundles>
